<compile_context>
chip_gen: v7x
topology: tpu7x:2x2x1
jax: 0.10.2.dev20260603
libtpu: 0.0.44.dev20260713+nightly
codegen_flags: <defaults>
</compile_context>

<pallas_src>
import jax
import jax.numpy as jnp
from jax import lax
from jax.experimental import pallas as pl
from jax.experimental.pallas import tpu as pltpu
from jax.experimental.pallas import tpu_sc as plsc

N_FIELDS = 26
VOCAB = 100000
EMBED_DIM = 32
BATCH = 16384

NC, NS = 2, 16
NW = NC * NS
LANES = 16
ICHUNK = 2048
NI = BATCH // ICHUNK
NIDX = N_FIELDS * BATCH
RFIELDS = 9
ROUNDS = ((0, 9), (9, 9), (18, 8))


def _emb_body(tab_hbm, xt_hbm, out_hbm, plane_v, idx_v, acc_v, stage_sp,
              sem_i):
    sid = lax.axis_index("s")
    dw = sid * NC + lax.axis_index("c")

    def do_field(base_f, fr, first):
        pltpu.sync_copy(tab_hbm.at[(base_f * EMBED_DIM + fr * EMBED_DIM) + dw],
                        plane_v)
        descs = [pltpu.async_copy(stage_sp.at[pl.ds(fr * BATCH, ICHUNK)],
                                  idx_v.at[0], sem_i)]
        for c in range(NI):
            if c + 1 < NI:
                descs.append(pltpu.async_copy(
                    stage_sp.at[pl.ds(fr * BATCH + (c + 1) * ICHUNK, ICHUNK)],
                    idx_v.at[(c + 1) % 2], sem_i))
            descs[c].wait()

            @plsc.parallel_loop(0, ICHUNK // LANES, unroll=8)
            def gather_body(i):
                s = c * ICHUNK + i * LANES
                g = plsc.load_gather(
                    plane_v, [idx_v[c % 2, pl.ds(i * LANES, LANES)]])
                if first:
                    acc_v[pl.ds(s, LANES)] = g
                else:
                    plsc.addupdate(acc_v.at[pl.ds(s, LANES)], g)

    for base_f, nf in ROUNDS:
        if base_f > 0:
            plsc.subcore_barrier()
        share = nf * BATCH // NS
        pltpu.sync_copy(
            xt_hbm.at[pl.ds(base_f * BATCH + sid * share, share)],
            stage_sp.at[pl.ds(sid * share, share)])
        plsc.subcore_barrier()

        if base_f == 0:
            do_field(0, 0, True)

            def field_body(fr, carry):
                do_field(0, fr, False)
                return carry

            lax.fori_loop(1, nf, field_body, 0)
        else:
            def field_body(fr, carry):
                do_field(base_f, fr, False)
                return carry

            lax.fori_loop(0, nf, field_body, 0)

    pltpu.sync_copy(acc_v, out_hbm.at[dw])


def kernel(x_categorical, tables):
    tab = jnp.transpose(tables, (0, 2, 1)).reshape(N_FIELDS * EMBED_DIM, VOCAB)
    xt = jnp.transpose(x_categorical).reshape(NIDX)

    run = pl.kernel(
        _emb_body,
        out_type=jax.ShapeDtypeStruct((EMBED_DIM, BATCH), jnp.float32),
        mesh=plsc.VectorSubcoreMesh(
            core_axis_name="c", subcore_axis_name="s",
            num_cores=NC, num_subcores=NS),
        scratch_types=[
            pltpu.VMEM((VOCAB,), jnp.float32),
            pltpu.VMEM((2, ICHUNK), jnp.int32),
            pltpu.VMEM((BATCH,), jnp.float32),
            pltpu.VMEM_SHARED((RFIELDS * BATCH,), jnp.int32),
            pltpu.SemaphoreType.DMA,
        ],
        compiler_params=pltpu.CompilerParams(needs_layout_passes=False),
    )
    return jnp.transpose(run(tab, xt))

# --- scband reference (transcript-rebuilt; emitter-appended) ---
"""Pipeline reference for scband-categorical-embedding-44547400794668 (READ-ONLY COPY).

The authoritative reference and input builder live on the scoring server;
editing this copy changes nothing except your own understanding.
"""

import jax, jax.numpy as jnp
import numpy as np

N_FIELDS = 26
VOCAB = 100000
EMBED_DIM = 32
BATCH = 16384


def setup_inputs(seed: int = 0) -> dict:
    key = jax.random.key(seed)
    k_idx, k_tab = jax.random.split(key)
    x_categorical = jax.random.randint(k_idx, (BATCH, N_FIELDS), 0, VOCAB, dtype=jnp.int32)
    # 26 embedding tables, each [VOCAB, EMBED_DIM], stacked into one array
    tables = jax.random.normal(k_tab, (N_FIELDS, VOCAB, EMBED_DIM), dtype=jnp.float32) * 0.01
    return {"x_categorical": x_categorical, "tables": tables}


def reference(x_categorical, tables):
    # For each field i: embedded_i = tables[i][x_categorical[:, i]]  -> [B, D]
    # stack along dim=1 -> [B, F, D], then sum over fields -> [B, D]
    embedded = jax.vmap(lambda t, idx: jnp.take(t, idx, axis=0), in_axes=(0, 1), out_axes=1)(tables, x_categorical)
    return embedded.sum(axis=1)

if __name__ == "__main__":
    import jax
    _d = setup_inputs()
    print(jax.jit(kernel)(*tuple(_d.values())))

</pallas_src>

<mosaic_0001>
#map = affine_map<(d0, d1) -> (0, 0)>
#map1 = affine_map<(d0, d1) -> (0)>
module attributes {stable_mosaic.version = 14 : i64} {
  func.func @_emb_body(%arg0: i32, %arg1: i32, %arg2: memref<832x100000xf32, #tpu.memory_space<hbm>>, %arg3: memref<425984xi32, #tpu.memory_space<hbm>>, %arg4: memref<32x16384xf32, #tpu.memory_space<hbm>>, %arg5: memref<100000xf32, #tpu.memory_space<vmem>>, %arg6: memref<2x2048xi32, #tpu.memory_space<vmem>>, %arg7: memref<16384xf32, #tpu.memory_space<vmem>>, %arg8: memref<147456xi32, #tpu.memory_space<vmem_shared>>, %arg9: memref<!tpu.dma_semaphore, #tpu.memory_space<semaphore_mem>>) attributes {dimension_semantics = [#tpu.dimension_semantics<core_parallel>, #tpu.dimension_semantics<subcore_parallel>], iteration_bounds = array<i64: 2, 16>, scalar_prefetch = 0 : i64, scratch_operands = 5 : i64, tpu.core_type = #tpu.core_type<sc_vector_subcore>, window_params = [{transform_indices = #map}, {transform_indices = #map1}, {transform_indices = #map}]} {
    %mul3A = arith.constant 2 : i32
    %mul3A_0 = arith.muli %arg1, %mul3A : i32
    %add3A = arith.addi %mul3A_0, %arg0 : i32
    %mul3A_1 = arith.constant 9216 : i32
    %mul3A_2 = arith.muli %arg1, %mul3A_1 : i32
    %add3A_3 = arith.constant 0 : i32
    %add3A_4 = arith.addi %add3A_3, %mul3A_2 : i32
    %mul3A_5 = arith.constant 9216 : i32
    %mul3A_6 = arith.muli %arg1, %mul3A_5 : i32
    "tpu.region"() ({
      %run_scoped3A = tpu.sem_alloc : memref<!tpu.dma_semaphore, #tpu.memory_space<semaphore_mem>>
      %dma_start3A_239 = tpu.memref_slice %arg8[%mul3A_6] : memref<147456xi32, #tpu.memory_space<vmem_shared>> -> memref<9216xi32, #tpu.memory_space<vmem_shared>>
      %dma_start3A_240 = tpu.memref_slice %arg3[%add3A_4] : memref<425984xi32, #tpu.memory_space<hbm>> -> memref<9216xi32, #tpu.memory_space<hbm>>
      tpu.enqueue_dma source(%dma_start3A_240 : memref<9216xi32, #tpu.memory_space<hbm>>) target(%dma_start3A_239 : memref<9216xi32, #tpu.memory_space<vmem_shared>>) target_semaphore(%run_scoped3A : memref<!tpu.dma_semaphore, #tpu.memory_space<semaphore_mem>>)
      %dma_wait3A_241 = tpu.memref_slice %arg8[%mul3A_6] : memref<147456xi32, #tpu.memory_space<vmem_shared>> -> memref<9216xi32, #tpu.memory_space<vmem_shared>>
      %dma_wait3A_242 = tpu.memref_slice %arg3[%add3A_4] : memref<425984xi32, #tpu.memory_space<hbm>> -> memref<9216xi32, #tpu.memory_space<hbm>>
      tpu.wait_dma2 semaphore(%run_scoped3A : memref<!tpu.dma_semaphore, #tpu.memory_space<semaphore_mem>>) src(%dma_wait3A_242 : memref<9216xi32, #tpu.memory_space<hbm>>) dst(%dma_wait3A_241 : memref<9216xi32, #tpu.memory_space<vmem_shared>>)
      tpu.yield
    }) : () -> ()
    %barrier3A = arith.constant 0 : index
    tpu.barrier barrier_id(%barrier3A)
    %add3A_7 = arith.constant 0 : i32
    %add3A_8 = arith.addi %add3A_7, %add3A : i32
    "tpu.region"() ({
      %run_scoped3A = tpu.sem_alloc : memref<!tpu.dma_semaphore, #tpu.memory_space<semaphore_mem>>
      %dma_start3A_239 = arith.constant 0 : i32
      %dma_start3A_240 = tpu.memref_slice %arg2[%add3A_8, %dma_start3A_239] : memref<832x100000xf32, #tpu.memory_space<hbm>> -> memref<1x100000xf32, #tpu.memory_space<hbm>>
      %dma_start3A_241 = tpu.memref_squeeze %dma_start3A_240 : memref<1x100000xf32, #tpu.memory_space<hbm>> -> memref<100000xf32, #tpu.memory_space<hbm>>
      %dma_start3A_242 = arith.constant 0 : i32
      %dma_start3A_243 = tpu.memref_slice %arg2[%add3A_8, %dma_start3A_242] : memref<832x100000xf32, #tpu.memory_space<hbm>> -> memref<1x100000xf32, #tpu.memory_space<hbm>>
      %dma_start3A_244 = tpu.memref_squeeze %dma_start3A_243 : memref<1x100000xf32, #tpu.memory_space<hbm>> -> memref<100000xf32, #tpu.memory_space<hbm>>
      tpu.enqueue_dma source(%dma_start3A_244 : memref<100000xf32, #tpu.memory_space<hbm>>) target(%arg5 : memref<100000xf32, #tpu.memory_space<vmem>>) target_semaphore(%run_scoped3A : memref<!tpu.dma_semaphore, #tpu.memory_space<semaphore_mem>>)
      %dma_wait3A_245 = arith.constant 0 : i32
      %dma_wait3A_246 = tpu.memref_slice %arg2[%add3A_8, %dma_wait3A_245] : memref<832x100000xf32, #tpu.memory_space<hbm>> -> memref<1x100000xf32, #tpu.memory_space<hbm>>
      %dma_wait3A_247 = tpu.memref_squeeze %dma_wait3A_246 : memref<1x100000xf32, #tpu.memory_space<hbm>> -> memref<100000xf32, #tpu.memory_space<hbm>>
      %dma_wait3A_248 = arith.constant 0 : i32
      %dma_wait3A_249 = tpu.memref_slice %arg2[%add3A_8, %dma_wait3A_248] : memref<832x100000xf32, #tpu.memory_space<hbm>> -> memref<1x100000xf32, #tpu.memory_space<hbm>>
      %dma_wait3A_250 = tpu.memref_squeeze %dma_wait3A_249 : memref<1x100000xf32, #tpu.memory_space<hbm>> -> memref<100000xf32, #tpu.memory_space<hbm>>
      tpu.wait_dma2 semaphore(%run_scoped3A : memref<!tpu.dma_semaphore, #tpu.memory_space<semaphore_mem>>) src(%dma_wait3A_250 : memref<100000xf32, #tpu.memory_space<hbm>>) dst(%arg5 : memref<100000xf32, #tpu.memory_space<vmem>>)
      tpu.yield
    }) : () -> ()
    %dma_start3A = arith.constant 0 : i32
    %dma_start3A_9 = arith.constant 0 : i32
    %dma_start3A_10 = tpu.memref_slice %arg6[%dma_start3A, %dma_start3A_9] : memref<2x2048xi32, #tpu.memory_space<vmem>> -> memref<1x2048xi32, #tpu.memory_space<vmem>>
    %dma_start3A_11 = tpu.memref_squeeze %dma_start3A_10 : memref<1x2048xi32, #tpu.memory_space<vmem>> -> memref<2048xi32, #tpu.memory_space<vmem>>
    %dma_start3A_12 = arith.constant 0 : i32
    %dma_start3A_13 = tpu.memref_slice %arg8[%dma_start3A_12] : memref<147456xi32, #tpu.memory_space<vmem_shared>> -> memref<2048xi32, #tpu.memory_space<vmem_shared>>
    %dma_start3A_14 = arith.constant 0 : i32
    %dma_start3A_15 = tpu.memref_slice %arg6[%dma_start3A, %dma_start3A_14] : memref<2x2048xi32, #tpu.memory_space<vmem>> -> memref<1x2048xi32, #tpu.memory_space<vmem>>
    %dma_start3A_16 = tpu.memref_squeeze %dma_start3A_15 : memref<1x2048xi32, #tpu.memory_space<vmem>> -> memref<2048xi32, #tpu.memory_space<vmem>>
    %dma_start3A_17 = arith.constant 0 : i32
    %dma_start3A_18 = tpu.memref_slice %arg8[%dma_start3A_17] : memref<147456xi32, #tpu.memory_space<vmem_shared>> -> memref<2048xi32, #tpu.memory_space<vmem_shared>>
    tpu.enqueue_dma source(%dma_start3A_18 : memref<2048xi32, #tpu.memory_space<vmem_shared>>) target(%dma_start3A_16 : memref<2048xi32, #tpu.memory_space<vmem>>) target_semaphore(%arg9 : memref<!tpu.dma_semaphore, #tpu.memory_space<semaphore_mem>>)
    %dma_start3A_19 = arith.constant 1 : i32
    %dma_start3A_20 = arith.constant 0 : i32
    %dma_start3A_21 = tpu.memref_slice %arg6[%dma_start3A_19, %dma_start3A_20] : memref<2x2048xi32, #tpu.memory_space<vmem>> -> memref<1x2048xi32, #tpu.memory_space<vmem>>
    %dma_start3A_22 = tpu.memref_squeeze %dma_start3A_21 : memref<1x2048xi32, #tpu.memory_space<vmem>> -> memref<2048xi32, #tpu.memory_space<vmem>>
    %dma_start3A_23 = arith.constant 2048 : i32
    %dma_start3A_24 = tpu.memref_slice %arg8[%dma_start3A_23] : memref<147456xi32, #tpu.memory_space<vmem_shared>> -> memref<2048xi32, #tpu.memory_space<vmem_shared>>
    %dma_start3A_25 = arith.constant 0 : i32
    %dma_start3A_26 = tpu.memref_slice %arg6[%dma_start3A_19, %dma_start3A_25] : memref<2x2048xi32, #tpu.memory_space<vmem>> -> memref<1x2048xi32, #tpu.memory_space<vmem>>
    %dma_start3A_27 = tpu.memref_squeeze %dma_start3A_26 : memref<1x2048xi32, #tpu.memory_space<vmem>> -> memref<2048xi32, #tpu.memory_space<vmem>>
    %dma_start3A_28 = arith.constant 2048 : i32
    %dma_start3A_29 = tpu.memref_slice %arg8[%dma_start3A_28] : memref<147456xi32, #tpu.memory_space<vmem_shared>> -> memref<2048xi32, #tpu.memory_space<vmem_shared>>
    tpu.enqueue_dma source(%dma_start3A_29 : memref<2048xi32, #tpu.memory_space<vmem_shared>>) target(%dma_start3A_27 : memref<2048xi32, #tpu.memory_space<vmem>>) target_semaphore(%arg9 : memref<!tpu.dma_semaphore, #tpu.memory_space<semaphore_mem>>)
    %dma_wait3A = arith.constant 0 : i32
    %dma_wait3A_30 = arith.constant 0 : i32
    %dma_wait3A_31 = tpu.memref_slice %arg6[%dma_wait3A, %dma_wait3A_30] : memref<2x2048xi32, #tpu.memory_space<vmem>> -> memref<1x2048xi32, #tpu.memory_space<vmem>>
    %dma_wait3A_32 = tpu.memref_squeeze %dma_wait3A_31 : memref<1x2048xi32, #tpu.memory_space<vmem>> -> memref<2048xi32, #tpu.memory_space<vmem>>
    %dma_wait3A_33 = arith.constant 0 : i32
    %dma_wait3A_34 = tpu.memref_slice %arg8[%dma_wait3A_33] : memref<147456xi32, #tpu.memory_space<vmem_shared>> -> memref<2048xi32, #tpu.memory_space<vmem_shared>>
    %dma_wait3A_35 = arith.constant 0 : i32
    %dma_wait3A_36 = tpu.memref_slice %arg6[%dma_wait3A, %dma_wait3A_35] : memref<2x2048xi32, #tpu.memory_space<vmem>> -> memref<1x2048xi32, #tpu.memory_space<vmem>>
    %dma_wait3A_37 = tpu.memref_squeeze %dma_wait3A_36 : memref<1x2048xi32, #tpu.memory_space<vmem>> -> memref<2048xi32, #tpu.memory_space<vmem>>
    %dma_wait3A_38 = arith.constant 0 : i32
    %dma_wait3A_39 = tpu.memref_slice %arg8[%dma_wait3A_38] : memref<147456xi32, #tpu.memory_space<vmem_shared>> -> memref<2048xi32, #tpu.memory_space<vmem_shared>>
    tpu.wait_dma2 semaphore(%arg9 : memref<!tpu.dma_semaphore, #tpu.memory_space<semaphore_mem>>) src(%dma_wait3A_39 : memref<2048xi32, #tpu.memory_space<vmem_shared>>) dst(%dma_wait3A_37 : memref<2048xi32, #tpu.memory_space<vmem>>)
    %parallel_loop3A = arith.constant 0 : i32
    %parallel_loop3A_40 = arith.constant 128 : i32
    %parallel_loop3A_41 = arith.constant 1 : i32
    scf.for %parallel_loop3A_239 = %parallel_loop3A to %parallel_loop3A_40 step %parallel_loop3A_41  : i32 {
      %parallel_loop3A_240 = arith.constant 16 : i32
      %parallel_loop3A_241 = arith.muli %parallel_loop3A_239, %parallel_loop3A_240 : i32
      %parallel_loop3A_242 = arith.constant 0 : i32
      %parallel_loop3A_243 = arith.addi %parallel_loop3A_242, %parallel_loop3A_241 : i32
      %parallel_loop3A_244 = arith.constant 16 : i32
      %parallel_loop3A_245 = arith.muli %parallel_loop3A_239, %parallel_loop3A_244 : i32
      %parallel_loop3A_246 = arith.constant 0 : i32
      %parallel_loop3A_247 = arith.index_cast %parallel_loop3A_246 : i32 to index
      %parallel_loop3A_248 = arith.index_cast %parallel_loop3A_245 : i32 to index
      %parallel_loop3A_249 = tpu.vector_load %arg6[%parallel_loop3A_247, %parallel_loop3A_248] {strides = array<i32>} : memref<2x2048xi32, #tpu.memory_space<vmem>>, vector<16xi32>,
      %parallel_loop3A_250 = tpu.vector_load_idx %arg5[%parallel_loop3A_249] : memref<100000xf32, #tpu.memory_space<vmem>>[vector<16xi32>], vector<16xf32>,
      %parallel_loop3A_251 = arith.index_cast %parallel_loop3A_243 : i32 to index
      %parallel_loop3A_252 = tpu.vector_load %arg7[%parallel_loop3A_251] {strides = array<i32>} : memref<16384xf32, #tpu.memory_space<vmem>>, vector<16xf32>,
      tpu.vector_store %arg7[%parallel_loop3A_251], %parallel_loop3A_250 {strides = array<i32>} : memref<16384xf32, #tpu.memory_space<vmem>>, vector<16xf32>,
    } {sc.loop_unroll_factor = 8 : i64, sc.parallel_access}
    %dma_start3A_42 = arith.constant 0 : i32
    %dma_start3A_43 = arith.constant 0 : i32
    %dma_start3A_44 = tpu.memref_slice %arg6[%dma_start3A_42, %dma_start3A_43] : memref<2x2048xi32, #tpu.memory_space<vmem>> -> memref<1x2048xi32, #tpu.memory_space<vmem>>
    %dma_start3A_45 = tpu.memref_squeeze %dma_start3A_44 : memref<1x2048xi32, #tpu.memory_space<vmem>> -> memref<2048xi32, #tpu.memory_space<vmem>>
    %dma_start3A_46 = arith.constant 4096 : i32
    %dma_start3A_47 = tpu.memref_slice %arg8[%dma_start3A_46] : memref<147456xi32, #tpu.memory_space<vmem_shared>> -> memref<2048xi32, #tpu.memory_space<vmem_shared>>
    %dma_start3A_48 = arith.constant 0 : i32
    %dma_start3A_49 = tpu.memref_slice %arg6[%dma_start3A_42, %dma_start3A_48] : memref<2x2048xi32, #tpu.memory_space<vmem>> -> memref<1x2048xi32, #tpu.memory_space<vmem>>
    %dma_start3A_50 = tpu.memref_squeeze %dma_start3A_49 : memref<1x2048xi32, #tpu.memory_space<vmem>> -> memref<2048xi32, #tpu.memory_space<vmem>>
    %dma_start3A_51 = arith.constant 4096 : i32
    %dma_start3A_52 = tpu.memref_slice %arg8[%dma_start3A_51] : memref<147456xi32, #tpu.memory_space<vmem_shared>> -> memref<2048xi32, #tpu.memory_space<vmem_shared>>
    tpu.enqueue_dma source(%dma_start3A_52 : memref<2048xi32, #tpu.memory_space<vmem_shared>>) target(%dma_start3A_50 : memref<2048xi32, #tpu.memory_space<vmem>>) target_semaphore(%arg9 : memref<!tpu.dma_semaphore, #tpu.memory_space<semaphore_mem>>)
    %dma_wait3A_53 = arith.constant 1 : i32
    %dma_wait3A_54 = arith.constant 0 : i32
    %dma_wait3A_55 = tpu.memref_slice %arg6[%dma_wait3A_53, %dma_wait3A_54] : memref<2x2048xi32, #tpu.memory_space<vmem>> -> memref<1x2048xi32, #tpu.memory_space<vmem>>
    %dma_wait3A_56 = tpu.memref_squeeze %dma_wait3A_55 : memref<1x2048xi32, #tpu.memory_space<vmem>> -> memref<2048xi32, #tpu.memory_space<vmem>>
    %dma_wait3A_57 = arith.constant 2048 : i32
    %dma_wait3A_58 = tpu.memref_slice %arg8[%dma_wait3A_57] : memref<147456xi32, #tpu.memory_space<vmem_shared>> -> memref<2048xi32, #tpu.memory_space<vmem_shared>>
    %dma_wait3A_59 = arith.constant 0 : i32
    %dma_wait3A_60 = tpu.memref_slice %arg6[%dma_wait3A_53, %dma_wait3A_59] : memref<2x2048xi32, #tpu.memory_space<vmem>> -> memref<1x2048xi32, #tpu.memory_space<vmem>>
    %dma_wait3A_61 = tpu.memref_squeeze %dma_wait3A_60 : memref<1x2048xi32, #tpu.memory_space<vmem>> -> memref<2048xi32, #tpu.memory_space<vmem>>
    %dma_wait3A_62 = arith.constant 2048 : i32
    %dma_wait3A_63 = tpu.memref_slice %arg8[%dma_wait3A_62] : memref<147456xi32, #tpu.memory_space<vmem_shared>> -> memref<2048xi32, #tpu.memory_space<vmem_shared>>
    tpu.wait_dma2 semaphore(%arg9 : memref<!tpu.dma_semaphore, #tpu.memory_space<semaphore_mem>>) src(%dma_wait3A_63 : memref<2048xi32, #tpu.memory_space<vmem_shared>>) dst(%dma_wait3A_61 : memref<2048xi32, #tpu.memory_space<vmem>>)
    %parallel_loop3A_64 = arith.constant 0 : i32
    %parallel_loop3A_65 = arith.constant 128 : i32
    %parallel_loop3A_66 = arith.constant 1 : i32
    scf.for %parallel_loop3A_239 = %parallel_loop3A_64 to %parallel_loop3A_65 step %parallel_loop3A_66  : i32 {
      %parallel_loop3A_240 = arith.constant 16 : i32
      %parallel_loop3A_241 = arith.muli %parallel_loop3A_239, %parallel_loop3A_240 : i32
      %parallel_loop3A_242 = arith.constant 2048 : i32
      %parallel_loop3A_243 = arith.addi %parallel_loop3A_242, %parallel_loop3A_241 : i32
      %parallel_loop3A_244 = arith.constant 16 : i32
      %parallel_loop3A_245 = arith.muli %parallel_loop3A_239, %parallel_loop3A_244 : i32
      %parallel_loop3A_246 = arith.constant 1 : i32
      %parallel_loop3A_247 = arith.index_cast %parallel_loop3A_246 : i32 to index
      %parallel_loop3A_248 = arith.index_cast %parallel_loop3A_245 : i32 to index
      %parallel_loop3A_249 = tpu.vector_load %arg6[%parallel_loop3A_247, %parallel_loop3A_248] {strides = array<i32>} : memref<2x2048xi32, #tpu.memory_space<vmem>>, vector<16xi32>,
      %parallel_loop3A_250 = tpu.vector_load_idx %arg5[%parallel_loop3A_249] : memref<100000xf32, #tpu.memory_space<vmem>>[vector<16xi32>], vector<16xf32>,
      %parallel_loop3A_251 = arith.index_cast %parallel_loop3A_243 : i32 to index
      %parallel_loop3A_252 = tpu.vector_load %arg7[%parallel_loop3A_251] {strides = array<i32>} : memref<16384xf32, #tpu.memory_space<vmem>>, vector<16xf32>,
      tpu.vector_store %arg7[%parallel_loop3A_251], %parallel_loop3A_250 {strides = array<i32>} : memref<16384xf32, #tpu.memory_space<vmem>>, vector<16xf32>,
    } {sc.loop_unroll_factor = 8 : i64, sc.parallel_access}
    %dma_start3A_67 = arith.constant 1 : i32
    %dma_start3A_68 = arith.constant 0 : i32
    %dma_start3A_69 = tpu.memref_slice %arg6[%dma_start3A_67, %dma_start3A_68] : memref<2x2048xi32, #tpu.memory_space<vmem>> -> memref<1x2048xi32, #tpu.memory_space<vmem>>
    %dma_start3A_70 = tpu.memref_squeeze %dma_start3A_69 : memref<1x2048xi32, #tpu.memory_space<vmem>> -> memref<2048xi32, #tpu.memory_space<vmem>>
    %dma_start3A_71 = arith.constant 6144 : i32
    %dma_start3A_72 = tpu.memref_slice %arg8[%dma_start3A_71] : memref<147456xi32, #tpu.memory_space<vmem_shared>> -> memref<2048xi32, #tpu.memory_space<vmem_shared>>
    %dma_start3A_73 = arith.constant 0 : i32
    %dma_start3A_74 = tpu.memref_slice %arg6[%dma_start3A_67, %dma_start3A_73] : memref<2x2048xi32, #tpu.memory_space<vmem>> -> memref<1x2048xi32, #tpu.memory_space<vmem>>
    %dma_start3A_75 = tpu.memref_squeeze %dma_start3A_74 : memref<1x2048xi32, #tpu.memory_space<vmem>> -> memref<2048xi32, #tpu.memory_space<vmem>>
    %dma_start3A_76 = arith.constant 6144 : i32
    %dma_start3A_77 = tpu.memref_slice %arg8[%dma_start3A_76] : memref<147456xi32, #tpu.memory_space<vmem_shared>> -> memref<2048xi32, #tpu.memory_space<vmem_shared>>
    tpu.enqueue_dma source(%dma_start3A_77 : memref<2048xi32, #tpu.memory_space<vmem_shared>>) target(%dma_start3A_75 : memref<2048xi32, #tpu.memory_space<vmem>>) target_semaphore(%arg9 : memref<!tpu.dma_semaphore, #tpu.memory_space<semaphore_mem>>)
    %dma_wait3A_78 = arith.constant 0 : i32
    %dma_wait3A_79 = arith.constant 0 : i32
    %dma_wait3A_80 = tpu.memref_slice %arg6[%dma_wait3A_78, %dma_wait3A_79] : memref<2x2048xi32, #tpu.memory_space<vmem>> -> memref<1x2048xi32, #tpu.memory_space<vmem>>
    %dma_wait3A_81 = tpu.memref_squeeze %dma_wait3A_80 : memref<1x2048xi32, #tpu.memory_space<vmem>> -> memref<2048xi32, #tpu.memory_space<vmem>>
    %dma_wait3A_82 = arith.constant 4096 : i32
    %dma_wait3A_83 = tpu.memref_slice %arg8[%dma_wait3A_82] : memref<147456xi32, #tpu.memory_space<vmem_shared>> -> memref<2048xi32, #tpu.memory_space<vmem_shared>>
    %dma_wait3A_84 = arith.constant 0 : i32
    %dma_wait3A_85 = tpu.memref_slice %arg6[%dma_wait3A_78, %dma_wait3A_84] : memref<2x2048xi32, #tpu.memory_space<vmem>> -> memref<1x2048xi32, #tpu.memory_space<vmem>>
    %dma_wait3A_86 = tpu.memref_squeeze %dma_wait3A_85 : memref<1x2048xi32, #tpu.memory_space<vmem>> -> memref<2048xi32, #tpu.memory_space<vmem>>
    %dma_wait3A_87 = arith.constant 4096 : i32
    %dma_wait3A_88 = tpu.memref_slice %arg8[%dma_wait3A_87] : memref<147456xi32, #tpu.memory_space<vmem_shared>> -> memref<2048xi32, #tpu.memory_space<vmem_shared>>
    tpu.wait_dma2 semaphore(%arg9 : memref<!tpu.dma_semaphore, #tpu.memory_space<semaphore_mem>>) src(%dma_wait3A_88 : memref<2048xi32, #tpu.memory_space<vmem_shared>>) dst(%dma_wait3A_86 : memref<2048xi32, #tpu.memory_space<vmem>>)
    %parallel_loop3A_89 = arith.constant 0 : i32
    %parallel_loop3A_90 = arith.constant 128 : i32
    %parallel_loop3A_91 = arith.constant 1 : i32
    scf.for %parallel_loop3A_239 = %parallel_loop3A_89 to %parallel_loop3A_90 step %parallel_loop3A_91  : i32 {
      %parallel_loop3A_240 = arith.constant 16 : i32
      %parallel_loop3A_241 = arith.muli %parallel_loop3A_239, %parallel_loop3A_240 : i32
      %parallel_loop3A_242 = arith.constant 4096 : i32
      %parallel_loop3A_243 = arith.addi %parallel_loop3A_242, %parallel_loop3A_241 : i32
      %parallel_loop3A_244 = arith.constant 16 : i32
      %parallel_loop3A_245 = arith.muli %parallel_loop3A_239, %parallel_loop3A_244 : i32
      %parallel_loop3A_246 = arith.constant 0 : i32
      %parallel_loop3A_247 = arith.index_cast %parallel_loop3A_246 : i32 to index
      %parallel_loop3A_248 = arith.index_cast %parallel_loop3A_245 : i32 to index
      %parallel_loop3A_249 = tpu.vector_load %arg6[%parallel_loop3A_247, %parallel_loop3A_248] {strides = array<i32>} : memref<2x2048xi32, #tpu.memory_space<vmem>>, vector<16xi32>,
      %parallel_loop3A_250 = tpu.vector_load_idx %arg5[%parallel_loop3A_249] : memref<100000xf32, #tpu.memory_space<vmem>>[vector<16xi32>], vector<16xf32>,
      %parallel_loop3A_251 = arith.index_cast %parallel_loop3A_243 : i32 to index
      %parallel_loop3A_252 = tpu.vector_load %arg7[%parallel_loop3A_251] {strides = array<i32>} : memref<16384xf32, #tpu.memory_space<vmem>>, vector<16xf32>,
      tpu.vector_store %arg7[%parallel_loop3A_251], %parallel_loop3A_250 {strides = array<i32>} : memref<16384xf32, #tpu.memory_space<vmem>>, vector<16xf32>,
    } {sc.loop_unroll_factor = 8 : i64, sc.parallel_access}
    %dma_start3A_92 = arith.constant 0 : i32
    %dma_start3A_93 = arith.constant 0 : i32
    %dma_start3A_94 = tpu.memref_slice %arg6[%dma_start3A_92, %dma_start3A_93] : memref<2x2048xi32, #tpu.memory_space<vmem>> -> memref<1x2048xi32, #tpu.memory_space<vmem>>
    %dma_start3A_95 = tpu.memref_squeeze %dma_start3A_94 : memref<1x2048xi32, #tpu.memory_space<vmem>> -> memref<2048xi32, #tpu.memory_space<vmem>>
    %dma_start3A_96 = arith.constant 8192 : i32
    %dma_start3A_97 = tpu.memref_slice %arg8[%dma_start3A_96] : memref<147456xi32, #tpu.memory_space<vmem_shared>> -> memref<2048xi32, #tpu.memory_space<vmem_shared>>
    %dma_start3A_98 = arith.constant 0 : i32
    %dma_start3A_99 = tpu.memref_slice %arg6[%dma_start3A_92, %dma_start3A_98] : memref<2x2048xi32, #tpu.memory_space<vmem>> -> memref<1x2048xi32, #tpu.memory_space<vmem>>
    %dma_start3A_100 = tpu.memref_squeeze %dma_start3A_99 : memref<1x2048xi32, #tpu.memory_space<vmem>> -> memref<2048xi32, #tpu.memory_space<vmem>>
    %dma_start3A_101 = arith.constant 8192 : i32
    %dma_start3A_102 = tpu.memref_slice %arg8[%dma_start3A_101] : memref<147456xi32, #tpu.memory_space<vmem_shared>> -> memref<2048xi32, #tpu.memory_space<vmem_shared>>
    tpu.enqueue_dma source(%dma_start3A_102 : memref<2048xi32, #tpu.memory_space<vmem_shared>>) target(%dma_start3A_100 : memref<2048xi32, #tpu.memory_space<vmem>>) target_semaphore(%arg9 : memref<!tpu.dma_semaphore, #tpu.memory_space<semaphore_mem>>)
    %dma_wait3A_103 = arith.constant 1 : i32
    %dma_wait3A_104 = arith.constant 0 : i32
    %dma_wait3A_105 = tpu.memref_slice %arg6[%dma_wait3A_103, %dma_wait3A_104] : memref<2x2048xi32, #tpu.memory_space<vmem>> -> memref<1x2048xi32, #tpu.memory_space<vmem>>
    %dma_wait3A_106 = tpu.memref_squeeze %dma_wait3A_105 : memref<1x2048xi32, #tpu.memory_space<vmem>> -> memref<2048xi32, #tpu.memory_space<vmem>>
    %dma_wait3A_107 = arith.constant 6144 : i32
    %dma_wait3A_108 = tpu.memref_slice %arg8[%dma_wait3A_107] : memref<147456xi32, #tpu.memory_space<vmem_shared>> -> memref<2048xi32, #tpu.memory_space<vmem_shared>>
    %dma_wait3A_109 = arith.constant 0 : i32
    %dma_wait3A_110 = tpu.memref_slice %arg6[%dma_wait3A_103, %dma_wait3A_109] : memref<2x2048xi32, #tpu.memory_space<vmem>> -> memref<1x2048xi32, #tpu.memory_space<vmem>>
    %dma_wait3A_111 = tpu.memref_squeeze %dma_wait3A_110 : memref<1x2048xi32, #tpu.memory_space<vmem>> -> memref<2048xi32, #tpu.memory_space<vmem>>
    %dma_wait3A_112 = arith.constant 6144 : i32
    %dma_wait3A_113 = tpu.memref_slice %arg8[%dma_wait3A_112] : memref<147456xi32, #tpu.memory_space<vmem_shared>> -> memref<2048xi32, #tpu.memory_space<vmem_shared>>
    tpu.wait_dma2 semaphore(%arg9 : memref<!tpu.dma_semaphore, #tpu.memory_space<semaphore_mem>>) src(%dma_wait3A_113 : memref<2048xi32, #tpu.memory_space<vmem_shared>>) dst(%dma_wait3A_111 : memref<2048xi32, #tpu.memory_space<vmem>>)
    %parallel_loop3A_114 = arith.constant 0 : i32
    %parallel_loop3A_115 = arith.constant 128 : i32
    %parallel_loop3A_116 = arith.constant 1 : i32
    scf.for %parallel_loop3A_239 = %parallel_loop3A_114 to %parallel_loop3A_115 step %parallel_loop3A_116  : i32 {
      %parallel_loop3A_240 = arith.constant 16 : i32
      %parallel_loop3A_241 = arith.muli %parallel_loop3A_239, %parallel_loop3A_240 : i32
      %parallel_loop3A_242 = arith.constant 6144 : i32
      %parallel_loop3A_243 = arith.addi %parallel_loop3A_242, %parallel_loop3A_241 : i32
      %parallel_loop3A_244 = arith.constant 16 : i32
      %parallel_loop3A_245 = arith.muli %parallel_loop3A_239, %parallel_loop3A_244 : i32
      %parallel_loop3A_246 = arith.constant 1 : i32
      %parallel_loop3A_247 = arith.index_cast %parallel_loop3A_246 : i32 to index
      %parallel_loop3A_248 = arith.index_cast %parallel_loop3A_245 : i32 to index
      %parallel_loop3A_249 = tpu.vector_load %arg6[%parallel_loop3A_247, %parallel_loop3A_248] {strides = array<i32>} : memref<2x2048xi32, #tpu.memory_space<vmem>>, vector<16xi32>,
      %parallel_loop3A_250 = tpu.vector_load_idx %arg5[%parallel_loop3A_249] : memref<100000xf32, #tpu.memory_space<vmem>>[vector<16xi32>], vector<16xf32>,
      %parallel_loop3A_251 = arith.index_cast %parallel_loop3A_243 : i32 to index
      %parallel_loop3A_252 = tpu.vector_load %arg7[%parallel_loop3A_251] {strides = array<i32>} : memref<16384xf32, #tpu.memory_space<vmem>>, vector<16xf32>,
      tpu.vector_store %arg7[%parallel_loop3A_251], %parallel_loop3A_250 {strides = array<i32>} : memref<16384xf32, #tpu.memory_space<vmem>>, vector<16xf32>,
    } {sc.loop_unroll_factor = 8 : i64, sc.parallel_access}
    %dma_start3A_117 = arith.constant 1 : i32
    %dma_start3A_118 = arith.constant 0 : i32
    %dma_start3A_119 = tpu.memref_slice %arg6[%dma_start3A_117, %dma_start3A_118] : memref<2x2048xi32, #tpu.memory_space<vmem>> -> memref<1x2048xi32, #tpu.memory_space<vmem>>
    %dma_start3A_120 = tpu.memref_squeeze %dma_start3A_119 : memref<1x2048xi32, #tpu.memory_space<vmem>> -> memref<2048xi32, #tpu.memory_space<vmem>>
    %dma_start3A_121 = arith.constant 10240 : i32
    %dma_start3A_122 = tpu.memref_slice %arg8[%dma_start3A_121] : memref<147456xi32, #tpu.memory_space<vmem_shared>> -> memref<2048xi32, #tpu.memory_space<vmem_shared>>
    %dma_start3A_123 = arith.constant 0 : i32
    %dma_start3A_124 = tpu.memref_slice %arg6[%dma_start3A_117, %dma_start3A_123] : memref<2x2048xi32, #tpu.memory_space<vmem>> -> memref<1x2048xi32, #tpu.memory_space<vmem>>
    %dma_start3A_125 = tpu.memref_squeeze %dma_start3A_124 : memref<1x2048xi32, #tpu.memory_space<vmem>> -> memref<2048xi32, #tpu.memory_space<vmem>>
    %dma_start3A_126 = arith.constant 10240 : i32
    %dma_start3A_127 = tpu.memref_slice %arg8[%dma_start3A_126] : memref<147456xi32, #tpu.memory_space<vmem_shared>> -> memref<2048xi32, #tpu.memory_space<vmem_shared>>
    tpu.enqueue_dma source(%dma_start3A_127 : memref<2048xi32, #tpu.memory_space<vmem_shared>>) target(%dma_start3A_125 : memref<2048xi32, #tpu.memory_space<vmem>>) target_semaphore(%arg9 : memref<!tpu.dma_semaphore, #tpu.memory_space<semaphore_mem>>)
    %dma_wait3A_128 = arith.constant 0 : i32
    %dma_wait3A_129 = arith.constant 0 : i32
    %dma_wait3A_130 = tpu.memref_slice %arg6[%dma_wait3A_128, %dma_wait3A_129] : memref<2x2048xi32, #tpu.memory_space<vmem>> -> memref<1x2048xi32, #tpu.memory_space<vmem>>
    %dma_wait3A_131 = tpu.memref_squeeze %dma_wait3A_130 : memref<1x2048xi32, #tpu.memory_space<vmem>> -> memref<2048xi32, #tpu.memory_space<vmem>>
    %dma_wait3A_132 = arith.constant 8192 : i32
    %dma_wait3A_133 = tpu.memref_slice %arg8[%dma_wait3A_132] : memref<147456xi32, #tpu.memory_space<vmem_shared>> -> memref<2048xi32, #tpu.memory_space<vmem_shared>>
    %dma_wait3A_134 = arith.constant 0 : i32
    %dma_wait3A_135 = tpu.memref_slice %arg6[%dma_wait3A_128, %dma_wait3A_134] : memref<2x2048xi32, #tpu.memory_space<vmem>> -> memref<1x2048xi32, #tpu.memory_space<vmem>>
    %dma_wait3A_136 = tpu.memref_squeeze %dma_wait3A_135 : memref<1x2048xi32, #tpu.memory_space<vmem>> -> memref<2048xi32, #tpu.memory_space<vmem>>
    %dma_wait3A_137 = arith.constant 8192 : i32
    %dma_wait3A_138 = tpu.memref_slice %arg8[%dma_wait3A_137] : memref<147456xi32, #tpu.memory_space<vmem_shared>> -> memref<2048xi32, #tpu.memory_space<vmem_shared>>
    tpu.wait_dma2 semaphore(%arg9 : memref<!tpu.dma_semaphore, #tpu.memory_space<semaphore_mem>>) src(%dma_wait3A_138 : memref<2048xi32, #tpu.memory_space<vmem_shared>>) dst(%dma_wait3A_136 : memref<2048xi32, #tpu.memory_space<vmem>>)
    %parallel_loop3A_139 = arith.constant 0 : i32
    %parallel_loop3A_140 = arith.constant 128 : i32
    %parallel_loop3A_141 = arith.constant 1 : i32
    scf.for %parallel_loop3A_239 = %parallel_loop3A_139 to %parallel_loop3A_140 step %parallel_loop3A_141  : i32 {
      %parallel_loop3A_240 = arith.constant 16 : i32
      %parallel_loop3A_241 = arith.muli %parallel_loop3A_239, %parallel_loop3A_240 : i32
      %parallel_loop3A_242 = arith.constant 8192 : i32
      %parallel_loop3A_243 = arith.addi %parallel_loop3A_242, %parallel_loop3A_241 : i32
      %parallel_loop3A_244 = arith.constant 16 : i32
      %parallel_loop3A_245 = arith.muli %parallel_loop3A_239, %parallel_loop3A_244 : i32
      %parallel_loop3A_246 = arith.constant 0 : i32
      %parallel_loop3A_247 = arith.index_cast %parallel_loop3A_246 : i32 to index
      %parallel_loop3A_248 = arith.index_cast %parallel_loop3A_245 : i32 to index
      %parallel_loop3A_249 = tpu.vector_load %arg6[%parallel_loop3A_247, %parallel_loop3A_248] {strides = array<i32>} : memref<2x2048xi32, #tpu.memory_space<vmem>>, vector<16xi32>,
      %parallel_loop3A_250 = tpu.vector_load_idx %arg5[%parallel_loop3A_249] : memref<100000xf32, #tpu.memory_space<vmem>>[vector<16xi32>], vector<16xf32>,
      %parallel_loop3A_251 = arith.index_cast %parallel_loop3A_243 : i32 to index
      %parallel_loop3A_252 = tpu.vector_load %arg7[%parallel_loop3A_251] {strides = array<i32>} : memref<16384xf32, #tpu.memory_space<vmem>>, vector<16xf32>,
      tpu.vector_store %arg7[%parallel_loop3A_251], %parallel_loop3A_250 {strides = array<i32>} : memref<16384xf32, #tpu.memory_space<vmem>>, vector<16xf32>,
    } {sc.loop_unroll_factor = 8 : i64, sc.parallel_access}
    %dma_start3A_142 = arith.constant 0 : i32
    %dma_start3A_143 = arith.constant 0 : i32
    %dma_start3A_144 = tpu.memref_slice %arg6[%dma_start3A_142, %dma_start3A_143] : memref<2x2048xi32, #tpu.memory_space<vmem>> -> memref<1x2048xi32, #tpu.memory_space<vmem>>
    %dma_start3A_145 = tpu.memref_squeeze %dma_start3A_144 : memref<1x2048xi32, #tpu.memory_space<vmem>> -> memref<2048xi32, #tpu.memory_space<vmem>>
    %dma_start3A_146 = arith.constant 12288 : i32
    %dma_start3A_147 = tpu.memref_slice %arg8[%dma_start3A_146] : memref<147456xi32, #tpu.memory_space<vmem_shared>> -> memref<2048xi32, #tpu.memory_space<vmem_shared>>
    %dma_start3A_148 = arith.constant 0 : i32
    %dma_start3A_149 = tpu.memref_slice %arg6[%dma_start3A_142, %dma_start3A_148] : memref<2x2048xi32, #tpu.memory_space<vmem>> -> memref<1x2048xi32, #tpu.memory_space<vmem>>
    %dma_start3A_150 = tpu.memref_squeeze %dma_start3A_149 : memref<1x2048xi32, #tpu.memory_space<vmem>> -> memref<2048xi32, #tpu.memory_space<vmem>>
    %dma_start3A_151 = arith.constant 12288 : i32
    %dma_start3A_152 = tpu.memref_slice %arg8[%dma_start3A_151] : memref<147456xi32, #tpu.memory_space<vmem_shared>> -> memref<2048xi32, #tpu.memory_space<vmem_shared>>
    tpu.enqueue_dma source(%dma_start3A_152 : memref<2048xi32, #tpu.memory_space<vmem_shared>>) target(%dma_start3A_150 : memref<2048xi32, #tpu.memory_space<vmem>>) target_semaphore(%arg9 : memref<!tpu.dma_semaphore, #tpu.memory_space<semaphore_mem>>)
    %dma_wait3A_153 = arith.constant 1 : i32
    %dma_wait3A_154 = arith.constant 0 : i32
    %dma_wait3A_155 = tpu.memref_slice %arg6[%dma_wait3A_153, %dma_wait3A_154] : memref<2x2048xi32, #tpu.memory_space<vmem>> -> memref<1x2048xi32, #tpu.memory_space<vmem>>
    %dma_wait3A_156 = tpu.memref_squeeze %dma_wait3A_155 : memref<1x2048xi32, #tpu.memory_space<vmem>> -> memref<2048xi32, #tpu.memory_space<vmem>>
    %dma_wait3A_157 = arith.constant 10240 : i32
    %dma_wait3A_158 = tpu.memref_slice %arg8[%dma_wait3A_157] : memref<147456xi32, #tpu.memory_space<vmem_shared>> -> memref<2048xi32, #tpu.memory_space<vmem_shared>>
    %dma_wait3A_159 = arith.constant 0 : i32
    %dma_wait3A_160 = tpu.memref_slice %arg6[%dma_wait3A_153, %dma_wait3A_159] : memref<2x2048xi32, #tpu.memory_space<vmem>> -> memref<1x2048xi32, #tpu.memory_space<vmem>>
    %dma_wait3A_161 = tpu.memref_squeeze %dma_wait3A_160 : memref<1x2048xi32, #tpu.memory_space<vmem>> -> memref<2048xi32, #tpu.memory_space<vmem>>
    %dma_wait3A_162 = arith.constant 10240 : i32
    %dma_wait3A_163 = tpu.memref_slice %arg8[%dma_wait3A_162] : memref<147456xi32, #tpu.memory_space<vmem_shared>> -> memref<2048xi32, #tpu.memory_space<vmem_shared>>
    tpu.wait_dma2 semaphore(%arg9 : memref<!tpu.dma_semaphore, #tpu.memory_space<semaphore_mem>>) src(%dma_wait3A_163 : memref<2048xi32, #tpu.memory_space<vmem_shared>>) dst(%dma_wait3A_161 : memref<2048xi32, #tpu.memory_space<vmem>>)
    %parallel_loop3A_164 = arith.constant 0 : i32
    %parallel_loop3A_165 = arith.constant 128 : i32
    %parallel_loop3A_166 = arith.constant 1 : i32
    scf.for %parallel_loop3A_239 = %parallel_loop3A_164 to %parallel_loop3A_165 step %parallel_loop3A_166  : i32 {
      %parallel_loop3A_240 = arith.constant 16 : i32
      %parallel_loop3A_241 = arith.muli %parallel_loop3A_239, %parallel_loop3A_240 : i32
      %parallel_loop3A_242 = arith.constant 10240 : i32
      %parallel_loop3A_243 = arith.addi %parallel_loop3A_242, %parallel_loop3A_241 : i32
      %parallel_loop3A_244 = arith.constant 16 : i32
      %parallel_loop3A_245 = arith.muli %parallel_loop3A_239, %parallel_loop3A_244 : i32
      %parallel_loop3A_246 = arith.constant 1 : i32
      %parallel_loop3A_247 = arith.index_cast %parallel_loop3A_246 : i32 to index
      %parallel_loop3A_248 = arith.index_cast %parallel_loop3A_245 : i32 to index
      %parallel_loop3A_249 = tpu.vector_load %arg6[%parallel_loop3A_247, %parallel_loop3A_248] {strides = array<i32>} : memref<2x2048xi32, #tpu.memory_space<vmem>>, vector<16xi32>,
      %parallel_loop3A_250 = tpu.vector_load_idx %arg5[%parallel_loop3A_249] : memref<100000xf32, #tpu.memory_space<vmem>>[vector<16xi32>], vector<16xf32>,
      %parallel_loop3A_251 = arith.index_cast %parallel_loop3A_243 : i32 to index
      %parallel_loop3A_252 = tpu.vector_load %arg7[%parallel_loop3A_251] {strides = array<i32>} : memref<16384xf32, #tpu.memory_space<vmem>>, vector<16xf32>,
      tpu.vector_store %arg7[%parallel_loop3A_251], %parallel_loop3A_250 {strides = array<i32>} : memref<16384xf32, #tpu.memory_space<vmem>>, vector<16xf32>,
    } {sc.loop_unroll_factor = 8 : i64, sc.parallel_access}
    %dma_start3A_167 = arith.constant 1 : i32
    %dma_start3A_168 = arith.constant 0 : i32
    %dma_start3A_169 = tpu.memref_slice %arg6[%dma_start3A_167, %dma_start3A_168] : memref<2x2048xi32, #tpu.memory_space<vmem>> -> memref<1x2048xi32, #tpu.memory_space<vmem>>
    %dma_start3A_170 = tpu.memref_squeeze %dma_start3A_169 : memref<1x2048xi32, #tpu.memory_space<vmem>> -> memref<2048xi32, #tpu.memory_space<vmem>>
    %dma_start3A_171 = arith.constant 14336 : i32
    %dma_start3A_172 = tpu.memref_slice %arg8[%dma_start3A_171] : memref<147456xi32, #tpu.memory_space<vmem_shared>> -> memref<2048xi32, #tpu.memory_space<vmem_shared>>
    %dma_start3A_173 = arith.constant 0 : i32
    %dma_start3A_174 = tpu.memref_slice %arg6[%dma_start3A_167, %dma_start3A_173] : memref<2x2048xi32, #tpu.memory_space<vmem>> -> memref<1x2048xi32, #tpu.memory_space<vmem>>
    %dma_start3A_175 = tpu.memref_squeeze %dma_start3A_174 : memref<1x2048xi32, #tpu.memory_space<vmem>> -> memref<2048xi32, #tpu.memory_space<vmem>>
    %dma_start3A_176 = arith.constant 14336 : i32
    %dma_start3A_177 = tpu.memref_slice %arg8[%dma_start3A_176] : memref<147456xi32, #tpu.memory_space<vmem_shared>> -> memref<2048xi32, #tpu.memory_space<vmem_shared>>
    tpu.enqueue_dma source(%dma_start3A_177 : memref<2048xi32, #tpu.memory_space<vmem_shared>>) target(%dma_start3A_175 : memref<2048xi32, #tpu.memory_space<vmem>>) target_semaphore(%arg9 : memref<!tpu.dma_semaphore, #tpu.memory_space<semaphore_mem>>)
    %dma_wait3A_178 = arith.constant 0 : i32
    %dma_wait3A_179 = arith.constant 0 : i32
    %dma_wait3A_180 = tpu.memref_slice %arg6[%dma_wait3A_178, %dma_wait3A_179] : memref<2x2048xi32, #tpu.memory_space<vmem>> -> memref<1x2048xi32, #tpu.memory_space<vmem>>
    %dma_wait3A_181 = tpu.memref_squeeze %dma_wait3A_180 : memref<1x2048xi32, #tpu.memory_space<vmem>> -> memref<2048xi32, #tpu.memory_space<vmem>>
    %dma_wait3A_182 = arith.constant 12288 : i32
    %dma_wait3A_183 = tpu.memref_slice %arg8[%dma_wait3A_182] : memref<147456xi32, #tpu.memory_space<vmem_shared>> -> memref<2048xi32, #tpu.memory_space<vmem_shared>>
    %dma_wait3A_184 = arith.constant 0 : i32
    %dma_wait3A_185 = tpu.memref_slice %arg6[%dma_wait3A_178, %dma_wait3A_184] : memref<2x2048xi32, #tpu.memory_space<vmem>> -> memref<1x2048xi32, #tpu.memory_space<vmem>>
    %dma_wait3A_186 = tpu.memref_squeeze %dma_wait3A_185 : memref<1x2048xi32, #tpu.memory_space<vmem>> -> memref<2048xi32, #tpu.memory_space<vmem>>
    %dma_wait3A_187 = arith.constant 12288 : i32
    %dma_wait3A_188 = tpu.memref_slice %arg8[%dma_wait3A_187] : memref<147456xi32, #tpu.memory_space<vmem_shared>> -> memref<2048xi32, #tpu.memory_space<vmem_shared>>
    tpu.wait_dma2 semaphore(%arg9 : memref<!tpu.dma_semaphore, #tpu.memory_space<semaphore_mem>>) src(%dma_wait3A_188 : memref<2048xi32, #tpu.memory_space<vmem_shared>>) dst(%dma_wait3A_186 : memref<2048xi32, #tpu.memory_space<vmem>>)
    %parallel_loop3A_189 = arith.constant 0 : i32
    %parallel_loop3A_190 = arith.constant 128 : i32
    %parallel_loop3A_191 = arith.constant 1 : i32
    scf.for %parallel_loop3A_239 = %parallel_loop3A_189 to %parallel_loop3A_190 step %parallel_loop3A_191  : i32 {
      %parallel_loop3A_240 = arith.constant 16 : i32
      %parallel_loop3A_241 = arith.muli %parallel_loop3A_239, %parallel_loop3A_240 : i32
      %parallel_loop3A_242 = arith.constant 12288 : i32
      %parallel_loop3A_243 = arith.addi %parallel_loop3A_242, %parallel_loop3A_241 : i32
      %parallel_loop3A_244 = arith.constant 16 : i32
      %parallel_loop3A_245 = arith.muli %parallel_loop3A_239, %parallel_loop3A_244 : i32
      %parallel_loop3A_246 = arith.constant 0 : i32
      %parallel_loop3A_247 = arith.index_cast %parallel_loop3A_246 : i32 to index
      %parallel_loop3A_248 = arith.index_cast %parallel_loop3A_245 : i32 to index
      %parallel_loop3A_249 = tpu.vector_load %arg6[%parallel_loop3A_247, %parallel_loop3A_248] {strides = array<i32>} : memref<2x2048xi32, #tpu.memory_space<vmem>>, vector<16xi32>,
      %parallel_loop3A_250 = tpu.vector_load_idx %arg5[%parallel_loop3A_249] : memref<100000xf32, #tpu.memory_space<vmem>>[vector<16xi32>], vector<16xf32>,
      %parallel_loop3A_251 = arith.index_cast %parallel_loop3A_243 : i32 to index
      %parallel_loop3A_252 = tpu.vector_load %arg7[%parallel_loop3A_251] {strides = array<i32>} : memref<16384xf32, #tpu.memory_space<vmem>>, vector<16xf32>,
      tpu.vector_store %arg7[%parallel_loop3A_251], %parallel_loop3A_250 {strides = array<i32>} : memref<16384xf32, #tpu.memory_space<vmem>>, vector<16xf32>,
    } {sc.loop_unroll_factor = 8 : i64, sc.parallel_access}
    %dma_wait3A_192 = arith.constant 1 : i32
    %dma_wait3A_193 = arith.constant 0 : i32
    %dma_wait3A_194 = tpu.memref_slice %arg6[%dma_wait3A_192, %dma_wait3A_193] : memref<2x2048xi32, #tpu.memory_space<vmem>> -> memref<1x2048xi32, #tpu.memory_space<vmem>>
    %dma_wait3A_195 = tpu.memref_squeeze %dma_wait3A_194 : memref<1x2048xi32, #tpu.memory_space<vmem>> -> memref<2048xi32, #tpu.memory_space<vmem>>
    %dma_wait3A_196 = arith.constant 14336 : i32
    %dma_wait3A_197 = tpu.memref_slice %arg8[%dma_wait3A_196] : memref<147456xi32, #tpu.memory_space<vmem_shared>> -> memref<2048xi32, #tpu.memory_space<vmem_shared>>
    %dma_wait3A_198 = arith.constant 0 : i32
    %dma_wait3A_199 = tpu.memref_slice %arg6[%dma_wait3A_192, %dma_wait3A_198] : memref<2x2048xi32, #tpu.memory_space<vmem>> -> memref<1x2048xi32, #tpu.memory_space<vmem>>
    %dma_wait3A_200 = tpu.memref_squeeze %dma_wait3A_199 : memref<1x2048xi32, #tpu.memory_space<vmem>> -> memref<2048xi32, #tpu.memory_space<vmem>>
    %dma_wait3A_201 = arith.constant 14336 : i32
    %dma_wait3A_202 = tpu.memref_slice %arg8[%dma_wait3A_201] : memref<147456xi32, #tpu.memory_space<vmem_shared>> -> memref<2048xi32, #tpu.memory_space<vmem_shared>>
    tpu.wait_dma2 semaphore(%arg9 : memref<!tpu.dma_semaphore, #tpu.memory_space<semaphore_mem>>) src(%dma_wait3A_202 : memref<2048xi32, #tpu.memory_space<vmem_shared>>) dst(%dma_wait3A_200 : memref<2048xi32, #tpu.memory_space<vmem>>)
    %parallel_loop3A_203 = arith.constant 0 : i32
    %parallel_loop3A_204 = arith.constant 128 : i32
    %parallel_loop3A_205 = arith.constant 1 : i32
    scf.for %parallel_loop3A_239 = %parallel_loop3A_203 to %parallel_loop3A_204 step %parallel_loop3A_205  : i32 {
      %parallel_loop3A_240 = arith.constant 16 : i32
      %parallel_loop3A_241 = arith.muli %parallel_loop3A_239, %parallel_loop3A_240 : i32
      %parallel_loop3A_242 = arith.constant 14336 : i32
      %parallel_loop3A_243 = arith.addi %parallel_loop3A_242, %parallel_loop3A_241 : i32
      %parallel_loop3A_244 = arith.constant 16 : i32
      %parallel_loop3A_245 = arith.muli %parallel_loop3A_239, %parallel_loop3A_244 : i32
      %parallel_loop3A_246 = arith.constant 1 : i32
      %parallel_loop3A_247 = arith.index_cast %parallel_loop3A_246 : i32 to index
      %parallel_loop3A_248 = arith.index_cast %parallel_loop3A_245 : i32 to index
      %parallel_loop3A_249 = tpu.vector_load %arg6[%parallel_loop3A_247, %parallel_loop3A_248] {strides = array<i32>} : memref<2x2048xi32, #tpu.memory_space<vmem>>, vector<16xi32>,
      %parallel_loop3A_250 = tpu.vector_load_idx %arg5[%parallel_loop3A_249] : memref<100000xf32, #tpu.memory_space<vmem>>[vector<16xi32>], vector<16xf32>,
      %parallel_loop3A_251 = arith.index_cast %parallel_loop3A_243 : i32 to index
      %parallel_loop3A_252 = tpu.vector_load %arg7[%parallel_loop3A_251] {strides = array<i32>} : memref<16384xf32, #tpu.memory_space<vmem>>, vector<16xf32>,
      tpu.vector_store %arg7[%parallel_loop3A_251], %parallel_loop3A_250 {strides = array<i32>} : memref<16384xf32, #tpu.memory_space<vmem>>, vector<16xf32>,
    } {sc.loop_unroll_factor = 8 : i64, sc.parallel_access}
    %scan3A = arith.constant 0 : i32
    %scan3A_206 = arith.constant 1 : i32
    %scan3A_207 = arith.constant 8 : i32
    %scan3A_208 = arith.addi %scan3A_206, %scan3A_207 : i32
    %scan3A_209 = arith.constant 1 : i32
    scf.for %scan3A_239 = %scan3A_206 to %scan3A_208 step %scan3A_209  : i32 {
      %mul3A_240 = arith.constant 32 : i32
      %mul3A_241 = arith.muli %scan3A_239, %mul3A_240 : i32
      %add3A_242 = arith.constant 0 : i32
      %add3A_243 = arith.addi %add3A_242, %mul3A_241 : i32
      %add3A_244 = arith.addi %add3A_243, %add3A : i32
      "tpu.region"() ({
        %run_scoped3A = tpu.sem_alloc : memref<!tpu.dma_semaphore, #tpu.memory_space<semaphore_mem>>
        %dma_start3A_443 = arith.constant 0 : i32
        %dma_start3A_444 = tpu.memref_slice %arg2[%add3A_244, %dma_start3A_443] : memref<832x100000xf32, #tpu.memory_space<hbm>> -> memref<1x100000xf32, #tpu.memory_space<hbm>>
        %dma_start3A_445 = tpu.memref_squeeze %dma_start3A_444 : memref<1x100000xf32, #tpu.memory_space<hbm>> -> memref<100000xf32, #tpu.memory_space<hbm>>
        %dma_start3A_446 = arith.constant 0 : i32
        %dma_start3A_447 = tpu.memref_slice %arg2[%add3A_244, %dma_start3A_446] : memref<832x100000xf32, #tpu.memory_space<hbm>> -> memref<1x100000xf32, #tpu.memory_space<hbm>>
        %dma_start3A_448 = tpu.memref_squeeze %dma_start3A_447 : memref<1x100000xf32, #tpu.memory_space<hbm>> -> memref<100000xf32, #tpu.memory_space<hbm>>
        tpu.enqueue_dma source(%dma_start3A_448 : memref<100000xf32, #tpu.memory_space<hbm>>) target(%arg5 : memref<100000xf32, #tpu.memory_space<vmem>>) target_semaphore(%run_scoped3A : memref<!tpu.dma_semaphore, #tpu.memory_space<semaphore_mem>>)
        %dma_wait3A_449 = arith.constant 0 : i32
        %dma_wait3A_450 = tpu.memref_slice %arg2[%add3A_244, %dma_wait3A_449] : memref<832x100000xf32, #tpu.memory_space<hbm>> -> memref<1x100000xf32, #tpu.memory_space<hbm>>
        %dma_wait3A_451 = tpu.memref_squeeze %dma_wait3A_450 : memref<1x100000xf32, #tpu.memory_space<hbm>> -> memref<100000xf32, #tpu.memory_space<hbm>>
        %dma_wait3A_452 = arith.constant 0 : i32
        %dma_wait3A_453 = tpu.memref_slice %arg2[%add3A_244, %dma_wait3A_452] : memref<832x100000xf32, #tpu.memory_space<hbm>> -> memref<1x100000xf32, #tpu.memory_space<hbm>>
        %dma_wait3A_454 = tpu.memref_squeeze %dma_wait3A_453 : memref<1x100000xf32, #tpu.memory_space<hbm>> -> memref<100000xf32, #tpu.memory_space<hbm>>
        tpu.wait_dma2 semaphore(%run_scoped3A : memref<!tpu.dma_semaphore, #tpu.memory_space<semaphore_mem>>) src(%dma_wait3A_454 : memref<100000xf32, #tpu.memory_space<hbm>>) dst(%arg5 : memref<100000xf32, #tpu.memory_space<vmem>>)
        tpu.yield
      }) : () -> ()
      %mul3A_245 = arith.constant 16384 : i32
      %mul3A_246 = arith.muli %scan3A_239, %mul3A_245 : i32
      %dma_start3A_247 = arith.constant 0 : i32
      %dma_start3A_248 = arith.constant 0 : i32
      %dma_start3A_249 = tpu.memref_slice %arg6[%dma_start3A_247, %dma_start3A_248] : memref<2x2048xi32, #tpu.memory_space<vmem>> -> memref<1x2048xi32, #tpu.memory_space<vmem>>
      %dma_start3A_250 = tpu.memref_squeeze %dma_start3A_249 : memref<1x2048xi32, #tpu.memory_space<vmem>> -> memref<2048xi32, #tpu.memory_space<vmem>>
      %dma_start3A_251 = tpu.memref_slice %arg8[%mul3A_246] : memref<147456xi32, #tpu.memory_space<vmem_shared>> -> memref<2048xi32, #tpu.memory_space<vmem_shared>>
      %dma_start3A_252 = arith.constant 0 : i32
      %dma_start3A_253 = tpu.memref_slice %arg6[%dma_start3A_247, %dma_start3A_252] : memref<2x2048xi32, #tpu.memory_space<vmem>> -> memref<1x2048xi32, #tpu.memory_space<vmem>>
      %dma_start3A_254 = tpu.memref_squeeze %dma_start3A_253 : memref<1x2048xi32, #tpu.memory_space<vmem>> -> memref<2048xi32, #tpu.memory_space<vmem>>
      %dma_start3A_255 = tpu.memref_slice %arg8[%mul3A_246] : memref<147456xi32, #tpu.memory_space<vmem_shared>> -> memref<2048xi32, #tpu.memory_space<vmem_shared>>
      tpu.enqueue_dma source(%dma_start3A_255 : memref<2048xi32, #tpu.memory_space<vmem_shared>>) target(%dma_start3A_254 : memref<2048xi32, #tpu.memory_space<vmem>>) target_semaphore(%arg9 : memref<!tpu.dma_semaphore, #tpu.memory_space<semaphore_mem>>)
      %mul3A_256 = arith.constant 16384 : i32
      %mul3A_257 = arith.muli %scan3A_239, %mul3A_256 : i32
      %add3A_258 = arith.constant 2048 : i32
      %add3A_259 = arith.addi %mul3A_257, %add3A_258 : i32
      %dma_start3A_260 = arith.constant 1 : i32
      %dma_start3A_261 = arith.constant 0 : i32
      %dma_start3A_262 = tpu.memref_slice %arg6[%dma_start3A_260, %dma_start3A_261] : memref<2x2048xi32, #tpu.memory_space<vmem>> -> memref<1x2048xi32, #tpu.memory_space<vmem>>
      %dma_start3A_263 = tpu.memref_squeeze %dma_start3A_262 : memref<1x2048xi32, #tpu.memory_space<vmem>> -> memref<2048xi32, #tpu.memory_space<vmem>>
      %dma_start3A_264 = tpu.memref_slice %arg8[%add3A_259] : memref<147456xi32, #tpu.memory_space<vmem_shared>> -> memref<2048xi32, #tpu.memory_space<vmem_shared>>
      %dma_start3A_265 = arith.constant 0 : i32
      %dma_start3A_266 = tpu.memref_slice %arg6[%dma_start3A_260, %dma_start3A_265] : memref<2x2048xi32, #tpu.memory_space<vmem>> -> memref<1x2048xi32, #tpu.memory_space<vmem>>
      %dma_start3A_267 = tpu.memref_squeeze %dma_start3A_266 : memref<1x2048xi32, #tpu.memory_space<vmem>> -> memref<2048xi32, #tpu.memory_space<vmem>>
      %dma_start3A_268 = tpu.memref_slice %arg8[%add3A_259] : memref<147456xi32, #tpu.memory_space<vmem_shared>> -> memref<2048xi32, #tpu.memory_space<vmem_shared>>
      tpu.enqueue_dma source(%dma_start3A_268 : memref<2048xi32, #tpu.memory_space<vmem_shared>>) target(%dma_start3A_267 : memref<2048xi32, #tpu.memory_space<vmem>>) target_semaphore(%arg9 : memref<!tpu.dma_semaphore, #tpu.memory_space<semaphore_mem>>)
      %dma_wait3A_269 = arith.constant 0 : i32
      %dma_wait3A_270 = arith.constant 0 : i32
      %dma_wait3A_271 = tpu.memref_slice %arg6[%dma_wait3A_269, %dma_wait3A_270] : memref<2x2048xi32, #tpu.memory_space<vmem>> -> memref<1x2048xi32, #tpu.memory_space<vmem>>
      %dma_wait3A_272 = tpu.memref_squeeze %dma_wait3A_271 : memref<1x2048xi32, #tpu.memory_space<vmem>> -> memref<2048xi32, #tpu.memory_space<vmem>>
      %dma_wait3A_273 = tpu.memref_slice %arg8[%mul3A_246] : memref<147456xi32, #tpu.memory_space<vmem_shared>> -> memref<2048xi32, #tpu.memory_space<vmem_shared>>
      %dma_wait3A_274 = arith.constant 0 : i32
      %dma_wait3A_275 = tpu.memref_slice %arg6[%dma_wait3A_269, %dma_wait3A_274] : memref<2x2048xi32, #tpu.memory_space<vmem>> -> memref<1x2048xi32, #tpu.memory_space<vmem>>
      %dma_wait3A_276 = tpu.memref_squeeze %dma_wait3A_275 : memref<1x2048xi32, #tpu.memory_space<vmem>> -> memref<2048xi32, #tpu.memory_space<vmem>>
      %dma_wait3A_277 = tpu.memref_slice %arg8[%mul3A_246] : memref<147456xi32, #tpu.memory_space<vmem_shared>> -> memref<2048xi32, #tpu.memory_space<vmem_shared>>
      tpu.wait_dma2 semaphore(%arg9 : memref<!tpu.dma_semaphore, #tpu.memory_space<semaphore_mem>>) src(%dma_wait3A_277 : memref<2048xi32, #tpu.memory_space<vmem_shared>>) dst(%dma_wait3A_276 : memref<2048xi32, #tpu.memory_space<vmem>>)
      %parallel_loop3A_278 = arith.constant 0 : i32
      %parallel_loop3A_279 = arith.constant 128 : i32
      %parallel_loop3A_280 = arith.constant 1 : i32
      scf.for %parallel_loop3A_443 = %parallel_loop3A_278 to %parallel_loop3A_279 step %parallel_loop3A_280  : i32 {
        %parallel_loop3A_444 = arith.constant 16 : i32
        %parallel_loop3A_445 = arith.muli %parallel_loop3A_443, %parallel_loop3A_444 : i32
        %parallel_loop3A_446 = arith.constant 0 : i32
        %parallel_loop3A_447 = arith.addi %parallel_loop3A_446, %parallel_loop3A_445 : i32
        %parallel_loop3A_448 = arith.constant 16 : i32
        %parallel_loop3A_449 = arith.muli %parallel_loop3A_443, %parallel_loop3A_448 : i32
        %parallel_loop3A_450 = arith.constant 0 : i32
        %parallel_loop3A_451 = arith.index_cast %parallel_loop3A_450 : i32 to index
        %parallel_loop3A_452 = arith.index_cast %parallel_loop3A_449 : i32 to index
        %parallel_loop3A_453 = tpu.vector_load %arg6[%parallel_loop3A_451, %parallel_loop3A_452] {strides = array<i32>} : memref<2x2048xi32, #tpu.memory_space<vmem>>, vector<16xi32>,
        %parallel_loop3A_454 = tpu.vector_load_idx %arg5[%parallel_loop3A_453] : memref<100000xf32, #tpu.memory_space<vmem>>[vector<16xi32>], vector<16xf32>,
        %parallel_loop3A_455 = arith.index_cast %parallel_loop3A_447 : i32 to index
        %parallel_loop3A_456 = tpu.vector_load %arg7[%parallel_loop3A_455] {strides = array<i32>} : memref<16384xf32, #tpu.memory_space<vmem>>, vector<16xf32>,
        tpu.vector_store %arg7[%parallel_loop3A_455], %parallel_loop3A_454 {add = true, strides = array<i32>} : memref<16384xf32, #tpu.memory_space<vmem>>, vector<16xf32>,
      } {sc.loop_unroll_factor = 8 : i64, sc.parallel_access}
      %mul3A_281 = arith.constant 16384 : i32
      %mul3A_282 = arith.muli %scan3A_239, %mul3A_281 : i32
      %add3A_283 = arith.constant 4096 : i32
      %add3A_284 = arith.addi %mul3A_282, %add3A_283 : i32
      %dma_start3A_285 = arith.constant 0 : i32
      %dma_start3A_286 = arith.constant 0 : i32
      %dma_start3A_287 = tpu.memref_slice %arg6[%dma_start3A_285, %dma_start3A_286] : memref<2x2048xi32, #tpu.memory_space<vmem>> -> memref<1x2048xi32, #tpu.memory_space<vmem>>
      %dma_start3A_288 = tpu.memref_squeeze %dma_start3A_287 : memref<1x2048xi32, #tpu.memory_space<vmem>> -> memref<2048xi32, #tpu.memory_space<vmem>>
      %dma_start3A_289 = tpu.memref_slice %arg8[%add3A_284] : memref<147456xi32, #tpu.memory_space<vmem_shared>> -> memref<2048xi32, #tpu.memory_space<vmem_shared>>
      %dma_start3A_290 = arith.constant 0 : i32
      %dma_start3A_291 = tpu.memref_slice %arg6[%dma_start3A_285, %dma_start3A_290] : memref<2x2048xi32, #tpu.memory_space<vmem>> -> memref<1x2048xi32, #tpu.memory_space<vmem>>
      %dma_start3A_292 = tpu.memref_squeeze %dma_start3A_291 : memref<1x2048xi32, #tpu.memory_space<vmem>> -> memref<2048xi32, #tpu.memory_space<vmem>>
      %dma_start3A_293 = tpu.memref_slice %arg8[%add3A_284] : memref<147456xi32, #tpu.memory_space<vmem_shared>> -> memref<2048xi32, #tpu.memory_space<vmem_shared>>
      tpu.enqueue_dma source(%dma_start3A_293 : memref<2048xi32, #tpu.memory_space<vmem_shared>>) target(%dma_start3A_292 : memref<2048xi32, #tpu.memory_space<vmem>>) target_semaphore(%arg9 : memref<!tpu.dma_semaphore, #tpu.memory_space<semaphore_mem>>)
      %dma_wait3A_294 = arith.constant 1 : i32
      %dma_wait3A_295 = arith.constant 0 : i32
      %dma_wait3A_296 = tpu.memref_slice %arg6[%dma_wait3A_294, %dma_wait3A_295] : memref<2x2048xi32, #tpu.memory_space<vmem>> -> memref<1x2048xi32, #tpu.memory_space<vmem>>
      %dma_wait3A_297 = tpu.memref_squeeze %dma_wait3A_296 : memref<1x2048xi32, #tpu.memory_space<vmem>> -> memref<2048xi32, #tpu.memory_space<vmem>>
      %dma_wait3A_298 = tpu.memref_slice %arg8[%add3A_259] : memref<147456xi32, #tpu.memory_space<vmem_shared>> -> memref<2048xi32, #tpu.memory_space<vmem_shared>>
      %dma_wait3A_299 = arith.constant 0 : i32
      %dma_wait3A_300 = tpu.memref_slice %arg6[%dma_wait3A_294, %dma_wait3A_299] : memref<2x2048xi32, #tpu.memory_space<vmem>> -> memref<1x2048xi32, #tpu.memory_space<vmem>>
      %dma_wait3A_301 = tpu.memref_squeeze %dma_wait3A_300 : memref<1x2048xi32, #tpu.memory_space<vmem>> -> memref<2048xi32, #tpu.memory_space<vmem>>
      %dma_wait3A_302 = tpu.memref_slice %arg8[%add3A_259] : memref<147456xi32, #tpu.memory_space<vmem_shared>> -> memref<2048xi32, #tpu.memory_space<vmem_shared>>
      tpu.wait_dma2 semaphore(%arg9 : memref<!tpu.dma_semaphore, #tpu.memory_space<semaphore_mem>>) src(%dma_wait3A_302 : memref<2048xi32, #tpu.memory_space<vmem_shared>>) dst(%dma_wait3A_301 : memref<2048xi32, #tpu.memory_space<vmem>>)
      %parallel_loop3A_303 = arith.constant 0 : i32
      %parallel_loop3A_304 = arith.constant 128 : i32
      %parallel_loop3A_305 = arith.constant 1 : i32
      scf.for %parallel_loop3A_443 = %parallel_loop3A_303 to %parallel_loop3A_304 step %parallel_loop3A_305  : i32 {
        %parallel_loop3A_444 = arith.constant 16 : i32
        %parallel_loop3A_445 = arith.muli %parallel_loop3A_443, %parallel_loop3A_444 : i32
        %parallel_loop3A_446 = arith.constant 2048 : i32
        %parallel_loop3A_447 = arith.addi %parallel_loop3A_446, %parallel_loop3A_445 : i32
        %parallel_loop3A_448 = arith.constant 16 : i32
        %parallel_loop3A_449 = arith.muli %parallel_loop3A_443, %parallel_loop3A_448 : i32
        %parallel_loop3A_450 = arith.constant 1 : i32
        %parallel_loop3A_451 = arith.index_cast %parallel_loop3A_450 : i32 to index
        %parallel_loop3A_452 = arith.index_cast %parallel_loop3A_449 : i32 to index
        %parallel_loop3A_453 = tpu.vector_load %arg6[%parallel_loop3A_451, %parallel_loop3A_452] {strides = array<i32>} : memref<2x2048xi32, #tpu.memory_space<vmem>>, vector<16xi32>,
        %parallel_loop3A_454 = tpu.vector_load_idx %arg5[%parallel_loop3A_453] : memref<100000xf32, #tpu.memory_space<vmem>>[vector<16xi32>], vector<16xf32>,
        %parallel_loop3A_455 = arith.index_cast %parallel_loop3A_447 : i32 to index
        %parallel_loop3A_456 = tpu.vector_load %arg7[%parallel_loop3A_455] {strides = array<i32>} : memref<16384xf32, #tpu.memory_space<vmem>>, vector<16xf32>,
        tpu.vector_store %arg7[%parallel_loop3A_455], %parallel_loop3A_454 {add = true, strides = array<i32>} : memref<16384xf32, #tpu.memory_space<vmem>>, vector<16xf32>,
      } {sc.loop_unroll_factor = 8 : i64, sc.parallel_access}
      %mul3A_306 = arith.constant 16384 : i32
      %mul3A_307 = arith.muli %scan3A_239, %mul3A_306 : i32
      %add3A_308 = arith.constant 6144 : i32
      %add3A_309 = arith.addi %mul3A_307, %add3A_308 : i32
      %dma_start3A_310 = arith.constant 1 : i32
      %dma_start3A_311 = arith.constant 0 : i32
      %dma_start3A_312 = tpu.memref_slice %arg6[%dma_start3A_310, %dma_start3A_311] : memref<2x2048xi32, #tpu.memory_space<vmem>> -> memref<1x2048xi32, #tpu.memory_space<vmem>>
      %dma_start3A_313 = tpu.memref_squeeze %dma_start3A_312 : memref<1x2048xi32, #tpu.memory_space<vmem>> -> memref<2048xi32, #tpu.memory_space<vmem>>
      %dma_start3A_314 = tpu.memref_slice %arg8[%add3A_309] : memref<147456xi32, #tpu.memory_space<vmem_shared>> -> memref<2048xi32, #tpu.memory_space<vmem_shared>>
      %dma_start3A_315 = arith.constant 0 : i32
      %dma_start3A_316 = tpu.memref_slice %arg6[%dma_start3A_310, %dma_start3A_315] : memref<2x2048xi32, #tpu.memory_space<vmem>> -> memref<1x2048xi32, #tpu.memory_space<vmem>>
      %dma_start3A_317 = tpu.memref_squeeze %dma_start3A_316 : memref<1x2048xi32, #tpu.memory_space<vmem>> -> memref<2048xi32, #tpu.memory_space<vmem>>
      %dma_start3A_318 = tpu.memref_slice %arg8[%add3A_309] : memref<147456xi32, #tpu.memory_space<vmem_shared>> -> memref<2048xi32, #tpu.memory_space<vmem_shared>>
      tpu.enqueue_dma source(%dma_start3A_318 : memref<2048xi32, #tpu.memory_space<vmem_shared>>) target(%dma_start3A_317 : memref<2048xi32, #tpu.memory_space<vmem>>) target_semaphore(%arg9 : memref<!tpu.dma_semaphore, #tpu.memory_space<semaphore_mem>>)
      %dma_wait3A_319 = arith.constant 0 : i32
      %dma_wait3A_320 = arith.constant 0 : i32
      %dma_wait3A_321 = tpu.memref_slice %arg6[%dma_wait3A_319, %dma_wait3A_320] : memref<2x2048xi32, #tpu.memory_space<vmem>> -> memref<1x2048xi32, #tpu.memory_space<vmem>>
      %dma_wait3A_322 = tpu.memref_squeeze %dma_wait3A_321 : memref<1x2048xi32, #tpu.memory_space<vmem>> -> memref<2048xi32, #tpu.memory_space<vmem>>
      %dma_wait3A_323 = tpu.memref_slice %arg8[%add3A_284] : memref<147456xi32, #tpu.memory_space<vmem_shared>> -> memref<2048xi32, #tpu.memory_space<vmem_shared>>
      %dma_wait3A_324 = arith.constant 0 : i32
      %dma_wait3A_325 = tpu.memref_slice %arg6[%dma_wait3A_319, %dma_wait3A_324] : memref<2x2048xi32, #tpu.memory_space<vmem>> -> memref<1x2048xi32, #tpu.memory_space<vmem>>
      %dma_wait3A_326 = tpu.memref_squeeze %dma_wait3A_325 : memref<1x2048xi32, #tpu.memory_space<vmem>> -> memref<2048xi32, #tpu.memory_space<vmem>>
      %dma_wait3A_327 = tpu.memref_slice %arg8[%add3A_284] : memref<147456xi32, #tpu.memory_space<vmem_shared>> -> memref<2048xi32, #tpu.memory_space<vmem_shared>>
      tpu.wait_dma2 semaphore(%arg9 : memref<!tpu.dma_semaphore, #tpu.memory_space<semaphore_mem>>) src(%dma_wait3A_327 : memref<2048xi32, #tpu.memory_space<vmem_shared>>) dst(%dma_wait3A_326 : memref<2048xi32, #tpu.memory_space<vmem>>)
      %parallel_loop3A_328 = arith.constant 0 : i32
      %parallel_loop3A_329 = arith.constant 128 : i32
      %parallel_loop3A_330 = arith.constant 1 : i32
      scf.for %parallel_loop3A_443 = %parallel_loop3A_328 to %parallel_loop3A_329 step %parallel_loop3A_330  : i32 {
        %parallel_loop3A_444 = arith.constant 16 : i32
        %parallel_loop3A_445 = arith.muli %parallel_loop3A_443, %parallel_loop3A_444 : i32
        %parallel_loop3A_446 = arith.constant 4096 : i32
        %parallel_loop3A_447 = arith.addi %parallel_loop3A_446, %parallel_loop3A_445 : i32
        %parallel_loop3A_448 = arith.constant 16 : i32
        %parallel_loop3A_449 = arith.muli %parallel_loop3A_443, %parallel_loop3A_448 : i32
        %parallel_loop3A_450 = arith.constant 0 : i32
        %parallel_loop3A_451 = arith.index_cast %parallel_loop3A_450 : i32 to index
        %parallel_loop3A_452 = arith.index_cast %parallel_loop3A_449 : i32 to index
        %parallel_loop3A_453 = tpu.vector_load %arg6[%parallel_loop3A_451, %parallel_loop3A_452] {strides = array<i32>} : memref<2x2048xi32, #tpu.memory_space<vmem>>, vector<16xi32>,
        %parallel_loop3A_454 = tpu.vector_load_idx %arg5[%parallel_loop3A_453] : memref<100000xf32, #tpu.memory_space<vmem>>[vector<16xi32>], vector<16xf32>,
        %parallel_loop3A_455 = arith.index_cast %parallel_loop3A_447 : i32 to index
        %parallel_loop3A_456 = tpu.vector_load %arg7[%parallel_loop3A_455] {strides = array<i32>} : memref<16384xf32, #tpu.memory_space<vmem>>, vector<16xf32>,
        tpu.vector_store %arg7[%parallel_loop3A_455], %parallel_loop3A_454 {add = true, strides = array<i32>} : memref<16384xf32, #tpu.memory_space<vmem>>, vector<16xf32>,
      } {sc.loop_unroll_factor = 8 : i64, sc.parallel_access}
      %mul3A_331 = arith.constant 16384 : i32
      %mul3A_332 = arith.muli %scan3A_239, %mul3A_331 : i32
      %add3A_333 = arith.constant 8192 : i32
      %add3A_334 = arith.addi %mul3A_332, %add3A_333 : i32
      %dma_start3A_335 = arith.constant 0 : i32
      %dma_start3A_336 = arith.constant 0 : i32
      %dma_start3A_337 = tpu.memref_slice %arg6[%dma_start3A_335, %dma_start3A_336] : memref<2x2048xi32, #tpu.memory_space<vmem>> -> memref<1x2048xi32, #tpu.memory_space<vmem>>
      %dma_start3A_338 = tpu.memref_squeeze %dma_start3A_337 : memref<1x2048xi32, #tpu.memory_space<vmem>> -> memref<2048xi32, #tpu.memory_space<vmem>>
      %dma_start3A_339 = tpu.memref_slice %arg8[%add3A_334] : memref<147456xi32, #tpu.memory_space<vmem_shared>> -> memref<2048xi32, #tpu.memory_space<vmem_shared>>
      %dma_start3A_340 = arith.constant 0 : i32
      %dma_start3A_341 = tpu.memref_slice %arg6[%dma_start3A_335, %dma_start3A_340] : memref<2x2048xi32, #tpu.memory_space<vmem>> -> memref<1x2048xi32, #tpu.memory_space<vmem>>
      %dma_start3A_342 = tpu.memref_squeeze %dma_start3A_341 : memref<1x2048xi32, #tpu.memory_space<vmem>> -> memref<2048xi32, #tpu.memory_space<vmem>>
      %dma_start3A_343 = tpu.memref_slice %arg8[%add3A_334] : memref<147456xi32, #tpu.memory_space<vmem_shared>> -> memref<2048xi32, #tpu.memory_space<vmem_shared>>
      tpu.enqueue_dma source(%dma_start3A_343 : memref<2048xi32, #tpu.memory_space<vmem_shared>>) target(%dma_start3A_342 : memref<2048xi32, #tpu.memory_space<vmem>>) target_semaphore(%arg9 : memref<!tpu.dma_semaphore, #tpu.memory_space<semaphore_mem>>)
      %dma_wait3A_344 = arith.constant 1 : i32
      %dma_wait3A_345 = arith.constant 0 : i32
      %dma_wait3A_346 = tpu.memref_slice %arg6[%dma_wait3A_344, %dma_wait3A_345] : memref<2x2048xi32, #tpu.memory_space<vmem>> -> memref<1x2048xi32, #tpu.memory_space<vmem>>
      %dma_wait3A_347 = tpu.memref_squeeze %dma_wait3A_346 : memref<1x2048xi32, #tpu.memory_space<vmem>> -> memref<2048xi32, #tpu.memory_space<vmem>>
      %dma_wait3A_348 = tpu.memref_slice %arg8[%add3A_309] : memref<147456xi32, #tpu.memory_space<vmem_shared>> -> memref<2048xi32, #tpu.memory_space<vmem_shared>>
      %dma_wait3A_349 = arith.constant 0 : i32
      %dma_wait3A_350 = tpu.memref_slice %arg6[%dma_wait3A_344, %dma_wait3A_349] : memref<2x2048xi32, #tpu.memory_space<vmem>> -> memref<1x2048xi32, #tpu.memory_space<vmem>>
      %dma_wait3A_351 = tpu.memref_squeeze %dma_wait3A_350 : memref<1x2048xi32, #tpu.memory_space<vmem>> -> memref<2048xi32, #tpu.memory_space<vmem>>
      %dma_wait3A_352 = tpu.memref_slice %arg8[%add3A_309] : memref<147456xi32, #tpu.memory_space<vmem_shared>> -> memref<2048xi32, #tpu.memory_space<vmem_shared>>
      tpu.wait_dma2 semaphore(%arg9 : memref<!tpu.dma_semaphore, #tpu.memory_space<semaphore_mem>>) src(%dma_wait3A_352 : memref<2048xi32, #tpu.memory_space<vmem_shared>>) dst(%dma_wait3A_351 : memref<2048xi32, #tpu.memory_space<vmem>>)
      %parallel_loop3A_353 = arith.constant 0 : i32
      %parallel_loop3A_354 = arith.constant 128 : i32
      %parallel_loop3A_355 = arith.constant 1 : i32
      scf.for %parallel_loop3A_443 = %parallel_loop3A_353 to %parallel_loop3A_354 step %parallel_loop3A_355  : i32 {
        %parallel_loop3A_444 = arith.constant 16 : i32
        %parallel_loop3A_445 = arith.muli %parallel_loop3A_443, %parallel_loop3A_444 : i32
        %parallel_loop3A_446 = arith.constant 6144 : i32
        %parallel_loop3A_447 = arith.addi %parallel_loop3A_446, %parallel_loop3A_445 : i32
        %parallel_loop3A_448 = arith.constant 16 : i32
        %parallel_loop3A_449 = arith.muli %parallel_loop3A_443, %parallel_loop3A_448 : i32
        %parallel_loop3A_450 = arith.constant 1 : i32
        %parallel_loop3A_451 = arith.index_cast %parallel_loop3A_450 : i32 to index
        %parallel_loop3A_452 = arith.index_cast %parallel_loop3A_449 : i32 to index
        %parallel_loop3A_453 = tpu.vector_load %arg6[%parallel_loop3A_451, %parallel_loop3A_452] {strides = array<i32>} : memref<2x2048xi32, #tpu.memory_space<vmem>>, vector<16xi32>,
        %parallel_loop3A_454 = tpu.vector_load_idx %arg5[%parallel_loop3A_453] : memref<100000xf32, #tpu.memory_space<vmem>>[vector<16xi32>], vector<16xf32>,
        %parallel_loop3A_455 = arith.index_cast %parallel_loop3A_447 : i32 to index
        %parallel_loop3A_456 = tpu.vector_load %arg7[%parallel_loop3A_455] {strides = array<i32>} : memref<16384xf32, #tpu.memory_space<vmem>>, vector<16xf32>,
        tpu.vector_store %arg7[%parallel_loop3A_455], %parallel_loop3A_454 {add = true, strides = array<i32>} : memref<16384xf32, #tpu.memory_space<vmem>>, vector<16xf32>,
      } {sc.loop_unroll_factor = 8 : i64, sc.parallel_access}
      %mul3A_356 = arith.constant 16384 : i32
      %mul3A_357 = arith.muli %scan3A_239, %mul3A_356 : i32
      %add3A_358 = arith.constant 10240 : i32
      %add3A_359 = arith.addi %mul3A_357, %add3A_358 : i32
      %dma_start3A_360 = arith.constant 1 : i32
      %dma_start3A_361 = arith.constant 0 : i32
      %dma_start3A_362 = tpu.memref_slice %arg6[%dma_start3A_360, %dma_start3A_361] : memref<2x2048xi32, #tpu.memory_space<vmem>> -> memref<1x2048xi32, #tpu.memory_space<vmem>>
      %dma_start3A_363 = tpu.memref_squeeze %dma_start3A_362 : memref<1x2048xi32, #tpu.memory_space<vmem>> -> memref<2048xi32, #tpu.memory_space<vmem>>
      %dma_start3A_364 = tpu.memref_slice %arg8[%add3A_359] : memref<147456xi32, #tpu.memory_space<vmem_shared>> -> memref<2048xi32, #tpu.memory_space<vmem_shared>>
      %dma_start3A_365 = arith.constant 0 : i32
      %dma_start3A_366 = tpu.memref_slice %arg6[%dma_start3A_360, %dma_start3A_365] : memref<2x2048xi32, #tpu.memory_space<vmem>> -> memref<1x2048xi32, #tpu.memory_space<vmem>>
      %dma_start3A_367 = tpu.memref_squeeze %dma_start3A_366 : memref<1x2048xi32, #tpu.memory_space<vmem>> -> memref<2048xi32, #tpu.memory_space<vmem>>
      %dma_start3A_368 = tpu.memref_slice %arg8[%add3A_359] : memref<147456xi32, #tpu.memory_space<vmem_shared>> -> memref<2048xi32, #tpu.memory_space<vmem_shared>>
      tpu.enqueue_dma source(%dma_start3A_368 : memref<2048xi32, #tpu.memory_space<vmem_shared>>) target(%dma_start3A_367 : memref<2048xi32, #tpu.memory_space<vmem>>) target_semaphore(%arg9 : memref<!tpu.dma_semaphore, #tpu.memory_space<semaphore_mem>>)
      %dma_wait3A_369 = arith.constant 0 : i32
      %dma_wait3A_370 = arith.constant 0 : i32
      %dma_wait3A_371 = tpu.memref_slice %arg6[%dma_wait3A_369, %dma_wait3A_370] : memref<2x2048xi32, #tpu.memory_space<vmem>> -> memref<1x2048xi32, #tpu.memory_space<vmem>>
      %dma_wait3A_372 = tpu.memref_squeeze %dma_wait3A_371 : memref<1x2048xi32, #tpu.memory_space<vmem>> -> memref<2048xi32, #tpu.memory_space<vmem>>
      %dma_wait3A_373 = tpu.memref_slice %arg8[%add3A_334] : memref<147456xi32, #tpu.memory_space<vmem_shared>> -> memref<2048xi32, #tpu.memory_space<vmem_shared>>
      %dma_wait3A_374 = arith.constant 0 : i32
      %dma_wait3A_375 = tpu.memref_slice %arg6[%dma_wait3A_369, %dma_wait3A_374] : memref<2x2048xi32, #tpu.memory_space<vmem>> -> memref<1x2048xi32, #tpu.memory_space<vmem>>
      %dma_wait3A_376 = tpu.memref_squeeze %dma_wait3A_375 : memref<1x2048xi32, #tpu.memory_space<vmem>> -> memref<2048xi32, #tpu.memory_space<vmem>>
      %dma_wait3A_377 = tpu.memref_slice %arg8[%add3A_334] : memref<147456xi32, #tpu.memory_space<vmem_shared>> -> memref<2048xi32, #tpu.memory_space<vmem_shared>>
      tpu.wait_dma2 semaphore(%arg9 : memref<!tpu.dma_semaphore, #tpu.memory_space<semaphore_mem>>) src(%dma_wait3A_377 : memref<2048xi32, #tpu.memory_space<vmem_shared>>) dst(%dma_wait3A_376 : memref<2048xi32, #tpu.memory_space<vmem>>)
      %parallel_loop3A_378 = arith.constant 0 : i32
      %parallel_loop3A_379 = arith.constant 128 : i32
      %parallel_loop3A_380 = arith.constant 1 : i32
      scf.for %parallel_loop3A_443 = %parallel_loop3A_378 to %parallel_loop3A_379 step %parallel_loop3A_380  : i32 {
        %parallel_loop3A_444 = arith.constant 16 : i32
        %parallel_loop3A_445 = arith.muli %parallel_loop3A_443, %parallel_loop3A_444 : i32
        %parallel_loop3A_446 = arith.constant 8192 : i32
        %parallel_loop3A_447 = arith.addi %parallel_loop3A_446, %parallel_loop3A_445 : i32
        %parallel_loop3A_448 = arith.constant 16 : i32
        %parallel_loop3A_449 = arith.muli %parallel_loop3A_443, %parallel_loop3A_448 : i32
        %parallel_loop3A_450 = arith.constant 0 : i32
        %parallel_loop3A_451 = arith.index_cast %parallel_loop3A_450 : i32 to index
        %parallel_loop3A_452 = arith.index_cast %parallel_loop3A_449 : i32 to index
        %parallel_loop3A_453 = tpu.vector_load %arg6[%parallel_loop3A_451, %parallel_loop3A_452] {strides = array<i32>} : memref<2x2048xi32, #tpu.memory_space<vmem>>, vector<16xi32>,
        %parallel_loop3A_454 = tpu.vector_load_idx %arg5[%parallel_loop3A_453] : memref<100000xf32, #tpu.memory_space<vmem>>[vector<16xi32>], vector<16xf32>,
        %parallel_loop3A_455 = arith.index_cast %parallel_loop3A_447 : i32 to index
        %parallel_loop3A_456 = tpu.vector_load %arg7[%parallel_loop3A_455] {strides = array<i32>} : memref<16384xf32, #tpu.memory_space<vmem>>, vector<16xf32>,
        tpu.vector_store %arg7[%parallel_loop3A_455], %parallel_loop3A_454 {add = true, strides = array<i32>} : memref<16384xf32, #tpu.memory_space<vmem>>, vector<16xf32>,
      } {sc.loop_unroll_factor = 8 : i64, sc.parallel_access}
      %mul3A_381 = arith.constant 16384 : i32
      %mul3A_382 = arith.muli %scan3A_239, %mul3A_381 : i32
      %add3A_383 = arith.constant 12288 : i32
      %add3A_384 = arith.addi %mul3A_382, %add3A_383 : i32
      %dma_start3A_385 = arith.constant 0 : i32
      %dma_start3A_386 = arith.constant 0 : i32
      %dma_start3A_387 = tpu.memref_slice %arg6[%dma_start3A_385, %dma_start3A_386] : memref<2x2048xi32, #tpu.memory_space<vmem>> -> memref<1x2048xi32, #tpu.memory_space<vmem>>
      %dma_start3A_388 = tpu.memref_squeeze %dma_start3A_387 : memref<1x2048xi32, #tpu.memory_space<vmem>> -> memref<2048xi32, #tpu.memory_space<vmem>>
      %dma_start3A_389 = tpu.memref_slice %arg8[%add3A_384] : memref<147456xi32, #tpu.memory_space<vmem_shared>> -> memref<2048xi32, #tpu.memory_space<vmem_shared>>
      %dma_start3A_390 = arith.constant 0 : i32
      %dma_start3A_391 = tpu.memref_slice %arg6[%dma_start3A_385, %dma_start3A_390] : memref<2x2048xi32, #tpu.memory_space<vmem>> -> memref<1x2048xi32, #tpu.memory_space<vmem>>
      %dma_start3A_392 = tpu.memref_squeeze %dma_start3A_391 : memref<1x2048xi32, #tpu.memory_space<vmem>> -> memref<2048xi32, #tpu.memory_space<vmem>>
      %dma_start3A_393 = tpu.memref_slice %arg8[%add3A_384] : memref<147456xi32, #tpu.memory_space<vmem_shared>> -> memref<2048xi32, #tpu.memory_space<vmem_shared>>
      tpu.enqueue_dma source(%dma_start3A_393 : memref<2048xi32, #tpu.memory_space<vmem_shared>>) target(%dma_start3A_392 : memref<2048xi32, #tpu.memory_space<vmem>>) target_semaphore(%arg9 : memref<!tpu.dma_semaphore, #tpu.memory_space<semaphore_mem>>)
      %dma_wait3A_394 = arith.constant 1 : i32
      %dma_wait3A_395 = arith.constant 0 : i32
      %dma_wait3A_396 = tpu.memref_slice %arg6[%dma_wait3A_394, %dma_wait3A_395] : memref<2x2048xi32, #tpu.memory_space<vmem>> -> memref<1x2048xi32, #tpu.memory_space<vmem>>
      %dma_wait3A_397 = tpu.memref_squeeze %dma_wait3A_396 : memref<1x2048xi32, #tpu.memory_space<vmem>> -> memref<2048xi32, #tpu.memory_space<vmem>>
      %dma_wait3A_398 = tpu.memref_slice %arg8[%add3A_359] : memref<147456xi32, #tpu.memory_space<vmem_shared>> -> memref<2048xi32, #tpu.memory_space<vmem_shared>>
      %dma_wait3A_399 = arith.constant 0 : i32
      %dma_wait3A_400 = tpu.memref_slice %arg6[%dma_wait3A_394, %dma_wait3A_399] : memref<2x2048xi32, #tpu.memory_space<vmem>> -> memref<1x2048xi32, #tpu.memory_space<vmem>>
      %dma_wait3A_401 = tpu.memref_squeeze %dma_wait3A_400 : memref<1x2048xi32, #tpu.memory_space<vmem>> -> memref<2048xi32, #tpu.memory_space<vmem>>
      %dma_wait3A_402 = tpu.memref_slice %arg8[%add3A_359] : memref<147456xi32, #tpu.memory_space<vmem_shared>> -> memref<2048xi32, #tpu.memory_space<vmem_shared>>
      tpu.wait_dma2 semaphore(%arg9 : memref<!tpu.dma_semaphore, #tpu.memory_space<semaphore_mem>>) src(%dma_wait3A_402 : memref<2048xi32, #tpu.memory_space<vmem_shared>>) dst(%dma_wait3A_401 : memref<2048xi32, #tpu.memory_space<vmem>>)
      %parallel_loop3A_403 = arith.constant 0 : i32
      %parallel_loop3A_404 = arith.constant 128 : i32
      %parallel_loop3A_405 = arith.constant 1 : i32
      scf.for %parallel_loop3A_443 = %parallel_loop3A_403 to %parallel_loop3A_404 step %parallel_loop3A_405  : i32 {
        %parallel_loop3A_444 = arith.constant 16 : i32
        %parallel_loop3A_445 = arith.muli %parallel_loop3A_443, %parallel_loop3A_444 : i32
        %parallel_loop3A_446 = arith.constant 10240 : i32
        %parallel_loop3A_447 = arith.addi %parallel_loop3A_446, %parallel_loop3A_445 : i32
        %parallel_loop3A_448 = arith.constant 16 : i32
        %parallel_loop3A_449 = arith.muli %parallel_loop3A_443, %parallel_loop3A_448 : i32
        %parallel_loop3A_450 = arith.constant 1 : i32
        %parallel_loop3A_451 = arith.index_cast %parallel_loop3A_450 : i32 to index
        %parallel_loop3A_452 = arith.index_cast %parallel_loop3A_449 : i32 to index
        %parallel_loop3A_453 = tpu.vector_load %arg6[%parallel_loop3A_451, %parallel_loop3A_452] {strides = array<i32>} : memref<2x2048xi32, #tpu.memory_space<vmem>>, vector<16xi32>,
        %parallel_loop3A_454 = tpu.vector_load_idx %arg5[%parallel_loop3A_453] : memref<100000xf32, #tpu.memory_space<vmem>>[vector<16xi32>], vector<16xf32>,
        %parallel_loop3A_455 = arith.index_cast %parallel_loop3A_447 : i32 to index
        %parallel_loop3A_456 = tpu.vector_load %arg7[%parallel_loop3A_455] {strides = array<i32>} : memref<16384xf32, #tpu.memory_space<vmem>>, vector<16xf32>,
        tpu.vector_store %arg7[%parallel_loop3A_455], %parallel_loop3A_454 {add = true, strides = array<i32>} : memref<16384xf32, #tpu.memory_space<vmem>>, vector<16xf32>,
      } {sc.loop_unroll_factor = 8 : i64, sc.parallel_access}
      %mul3A_406 = arith.constant 16384 : i32
      %mul3A_407 = arith.muli %scan3A_239, %mul3A_406 : i32
      %add3A_408 = arith.constant 14336 : i32
      %add3A_409 = arith.addi %mul3A_407, %add3A_408 : i32
      %dma_start3A_410 = arith.constant 1 : i32
      %dma_start3A_411 = arith.constant 0 : i32
      %dma_start3A_412 = tpu.memref_slice %arg6[%dma_start3A_410, %dma_start3A_411] : memref<2x2048xi32, #tpu.memory_space<vmem>> -> memref<1x2048xi32, #tpu.memory_space<vmem>>
      %dma_start3A_413 = tpu.memref_squeeze %dma_start3A_412 : memref<1x2048xi32, #tpu.memory_space<vmem>> -> memref<2048xi32, #tpu.memory_space<vmem>>
      %dma_start3A_414 = tpu.memref_slice %arg8[%add3A_409] : memref<147456xi32, #tpu.memory_space<vmem_shared>> -> memref<2048xi32, #tpu.memory_space<vmem_shared>>
      %dma_start3A_415 = arith.constant 0 : i32
      %dma_start3A_416 = tpu.memref_slice %arg6[%dma_start3A_410, %dma_start3A_415] : memref<2x2048xi32, #tpu.memory_space<vmem>> -> memref<1x2048xi32, #tpu.memory_space<vmem>>
      %dma_start3A_417 = tpu.memref_squeeze %dma_start3A_416 : memref<1x2048xi32, #tpu.memory_space<vmem>> -> memref<2048xi32, #tpu.memory_space<vmem>>
      %dma_start3A_418 = tpu.memref_slice %arg8[%add3A_409] : memref<147456xi32, #tpu.memory_space<vmem_shared>> -> memref<2048xi32, #tpu.memory_space<vmem_shared>>
      tpu.enqueue_dma source(%dma_start3A_418 : memref<2048xi32, #tpu.memory_space<vmem_shared>>) target(%dma_start3A_417 : memref<2048xi32, #tpu.memory_space<vmem>>) target_semaphore(%arg9 : memref<!tpu.dma_semaphore, #tpu.memory_space<semaphore_mem>>)
      %dma_wait3A_419 = arith.constant 0 : i32
      %dma_wait3A_420 = arith.constant 0 : i32
      %dma_wait3A_421 = tpu.memref_slice %arg6[%dma_wait3A_419, %dma_wait3A_420] : memref<2x2048xi32, #tpu.memory_space<vmem>> -> memref<1x2048xi32, #tpu.memory_space<vmem>>
      %dma_wait3A_422 = tpu.memref_squeeze %dma_wait3A_421 : memref<1x2048xi32, #tpu.memory_space<vmem>> -> memref<2048xi32, #tpu.memory_space<vmem>>
      %dma_wait3A_423 = tpu.memref_slice %arg8[%add3A_384] : memref<147456xi32, #tpu.memory_space<vmem_shared>> -> memref<2048xi32, #tpu.memory_space<vmem_shared>>
      %dma_wait3A_424 = arith.constant 0 : i32
      %dma_wait3A_425 = tpu.memref_slice %arg6[%dma_wait3A_419, %dma_wait3A_424] : memref<2x2048xi32, #tpu.memory_space<vmem>> -> memref<1x2048xi32, #tpu.memory_space<vmem>>
      %dma_wait3A_426 = tpu.memref_squeeze %dma_wait3A_425 : memref<1x2048xi32, #tpu.memory_space<vmem>> -> memref<2048xi32, #tpu.memory_space<vmem>>
      %dma_wait3A_427 = tpu.memref_slice %arg8[%add3A_384] : memref<147456xi32, #tpu.memory_space<vmem_shared>> -> memref<2048xi32, #tpu.memory_space<vmem_shared>>
      tpu.wait_dma2 semaphore(%arg9 : memref<!tpu.dma_semaphore, #tpu.memory_space<semaphore_mem>>) src(%dma_wait3A_427 : memref<2048xi32, #tpu.memory_space<vmem_shared>>) dst(%dma_wait3A_426 : memref<2048xi32, #tpu.memory_space<vmem>>)
      %parallel_loop3A_428 = arith.constant 0 : i32
      %parallel_loop3A_429 = arith.constant 128 : i32
      %parallel_loop3A_430 = arith.constant 1 : i32
      scf.for %parallel_loop3A_443 = %parallel_loop3A_428 to %parallel_loop3A_429 step %parallel_loop3A_430  : i32 {
        %parallel_loop3A_444 = arith.constant 16 : i32
        %parallel_loop3A_445 = arith.muli %parallel_loop3A_443, %parallel_loop3A_444 : i32
        %parallel_loop3A_446 = arith.constant 12288 : i32
        %parallel_loop3A_447 = arith.addi %parallel_loop3A_446, %parallel_loop3A_445 : i32
        %parallel_loop3A_448 = arith.constant 16 : i32
        %parallel_loop3A_449 = arith.muli %parallel_loop3A_443, %parallel_loop3A_448 : i32
        %parallel_loop3A_450 = arith.constant 0 : i32
        %parallel_loop3A_451 = arith.index_cast %parallel_loop3A_450 : i32 to index
        %parallel_loop3A_452 = arith.index_cast %parallel_loop3A_449 : i32 to index
        %parallel_loop3A_453 = tpu.vector_load %arg6[%parallel_loop3A_451, %parallel_loop3A_452] {strides = array<i32>} : memref<2x2048xi32, #tpu.memory_space<vmem>>, vector<16xi32>,
        %parallel_loop3A_454 = tpu.vector_load_idx %arg5[%parallel_loop3A_453] : memref<100000xf32, #tpu.memory_space<vmem>>[vector<16xi32>], vector<16xf32>,
        %parallel_loop3A_455 = arith.index_cast %parallel_loop3A_447 : i32 to index
        %parallel_loop3A_456 = tpu.vector_load %arg7[%parallel_loop3A_455] {strides = array<i32>} : memref<16384xf32, #tpu.memory_space<vmem>>, vector<16xf32>,
        tpu.vector_store %arg7[%parallel_loop3A_455], %parallel_loop3A_454 {add = true, strides = array<i32>} : memref<16384xf32, #tpu.memory_space<vmem>>, vector<16xf32>,
      } {sc.loop_unroll_factor = 8 : i64, sc.parallel_access}
      %dma_wait3A_431 = arith.constant 1 : i32
      %dma_wait3A_432 = arith.constant 0 : i32
      %dma_wait3A_433 = tpu.memref_slice %arg6[%dma_wait3A_431, %dma_wait3A_432] : memref<2x2048xi32, #tpu.memory_space<vmem>> -> memref<1x2048xi32, #tpu.memory_space<vmem>>
      %dma_wait3A_434 = tpu.memref_squeeze %dma_wait3A_433 : memref<1x2048xi32, #tpu.memory_space<vmem>> -> memref<2048xi32, #tpu.memory_space<vmem>>
      %dma_wait3A_435 = tpu.memref_slice %arg8[%add3A_409] : memref<147456xi32, #tpu.memory_space<vmem_shared>> -> memref<2048xi32, #tpu.memory_space<vmem_shared>>
      %dma_wait3A_436 = arith.constant 0 : i32
      %dma_wait3A_437 = tpu.memref_slice %arg6[%dma_wait3A_431, %dma_wait3A_436] : memref<2x2048xi32, #tpu.memory_space<vmem>> -> memref<1x2048xi32, #tpu.memory_space<vmem>>
      %dma_wait3A_438 = tpu.memref_squeeze %dma_wait3A_437 : memref<1x2048xi32, #tpu.memory_space<vmem>> -> memref<2048xi32, #tpu.memory_space<vmem>>
      %dma_wait3A_439 = tpu.memref_slice %arg8[%add3A_409] : memref<147456xi32, #tpu.memory_space<vmem_shared>> -> memref<2048xi32, #tpu.memory_space<vmem_shared>>
      tpu.wait_dma2 semaphore(%arg9 : memref<!tpu.dma_semaphore, #tpu.memory_space<semaphore_mem>>) src(%dma_wait3A_439 : memref<2048xi32, #tpu.memory_space<vmem_shared>>) dst(%dma_wait3A_438 : memref<2048xi32, #tpu.memory_space<vmem>>)
      %parallel_loop3A_440 = arith.constant 0 : i32
      %parallel_loop3A_441 = arith.constant 128 : i32
      %parallel_loop3A_442 = arith.constant 1 : i32
      scf.for %parallel_loop3A_443 = %parallel_loop3A_440 to %parallel_loop3A_441 step %parallel_loop3A_442  : i32 {
        %parallel_loop3A_444 = arith.constant 16 : i32
        %parallel_loop3A_445 = arith.muli %parallel_loop3A_443, %parallel_loop3A_444 : i32
        %parallel_loop3A_446 = arith.constant 14336 : i32
        %parallel_loop3A_447 = arith.addi %parallel_loop3A_446, %parallel_loop3A_445 : i32
        %parallel_loop3A_448 = arith.constant 16 : i32
        %parallel_loop3A_449 = arith.muli %parallel_loop3A_443, %parallel_loop3A_448 : i32
        %parallel_loop3A_450 = arith.constant 1 : i32
        %parallel_loop3A_451 = arith.index_cast %parallel_loop3A_450 : i32 to index
        %parallel_loop3A_452 = arith.index_cast %parallel_loop3A_449 : i32 to index
        %parallel_loop3A_453 = tpu.vector_load %arg6[%parallel_loop3A_451, %parallel_loop3A_452] {strides = array<i32>} : memref<2x2048xi32, #tpu.memory_space<vmem>>, vector<16xi32>,
        %parallel_loop3A_454 = tpu.vector_load_idx %arg5[%parallel_loop3A_453] : memref<100000xf32, #tpu.memory_space<vmem>>[vector<16xi32>], vector<16xf32>,
        %parallel_loop3A_455 = arith.index_cast %parallel_loop3A_447 : i32 to index
        %parallel_loop3A_456 = tpu.vector_load %arg7[%parallel_loop3A_455] {strides = array<i32>} : memref<16384xf32, #tpu.memory_space<vmem>>, vector<16xf32>,
        tpu.vector_store %arg7[%parallel_loop3A_455], %parallel_loop3A_454 {add = true, strides = array<i32>} : memref<16384xf32, #tpu.memory_space<vmem>>, vector<16xf32>,
      } {sc.loop_unroll_factor = 8 : i64, sc.parallel_access}
    }
    %scan3A_210 = arith.constant 8 : i32
    %barrier3A_211 = arith.constant 0 : index
    tpu.barrier barrier_id(%barrier3A_211)
    %mul3A_212 = arith.constant 9216 : i32
    %mul3A_213 = arith.muli %arg1, %mul3A_212 : i32
    %add3A_214 = arith.constant 147456 : i32
    %add3A_215 = arith.addi %add3A_214, %mul3A_213 : i32
    %mul3A_216 = arith.constant 9216 : i32
    %mul3A_217 = arith.muli %arg1, %mul3A_216 : i32
    "tpu.region"() ({
      %run_scoped3A = tpu.sem_alloc : memref<!tpu.dma_semaphore, #tpu.memory_space<semaphore_mem>>
      %dma_start3A_239 = tpu.memref_slice %arg8[%mul3A_217] : memref<147456xi32, #tpu.memory_space<vmem_shared>> -> memref<9216xi32, #tpu.memory_space<vmem_shared>>
      %dma_start3A_240 = tpu.memref_slice %arg3[%add3A_215] : memref<425984xi32, #tpu.memory_space<hbm>> -> memref<9216xi32, #tpu.memory_space<hbm>>
      tpu.enqueue_dma source(%dma_start3A_240 : memref<9216xi32, #tpu.memory_space<hbm>>) target(%dma_start3A_239 : memref<9216xi32, #tpu.memory_space<vmem_shared>>) target_semaphore(%run_scoped3A : memref<!tpu.dma_semaphore, #tpu.memory_space<semaphore_mem>>)
      %dma_wait3A_241 = tpu.memref_slice %arg8[%mul3A_217] : memref<147456xi32, #tpu.memory_space<vmem_shared>> -> memref<9216xi32, #tpu.memory_space<vmem_shared>>
      %dma_wait3A_242 = tpu.memref_slice %arg3[%add3A_215] : memref<425984xi32, #tpu.memory_space<hbm>> -> memref<9216xi32, #tpu.memory_space<hbm>>
      tpu.wait_dma2 semaphore(%run_scoped3A : memref<!tpu.dma_semaphore, #tpu.memory_space<semaphore_mem>>) src(%dma_wait3A_242 : memref<9216xi32, #tpu.memory_space<hbm>>) dst(%dma_wait3A_241 : memref<9216xi32, #tpu.memory_space<vmem_shared>>)
      tpu.yield
    }) : () -> ()
    %barrier3A_218 = arith.constant 0 : index
    tpu.barrier barrier_id(%barrier3A_218)
    %scan3A_219 = arith.constant 0 : i32
    %scan3A_220 = arith.constant 0 : i32
    %scan3A_221 = arith.constant 9 : i32
    %scan3A_222 = arith.addi %scan3A_220, %scan3A_221 : i32
    %scan3A_223 = arith.constant 1 : i32
    scf.for %scan3A_239 = %scan3A_220 to %scan3A_222 step %scan3A_223  : i32 {
      %mul3A_240 = arith.constant 32 : i32
      %mul3A_241 = arith.muli %scan3A_239, %mul3A_240 : i32
      %add3A_242 = arith.constant 288 : i32
      %add3A_243 = arith.addi %add3A_242, %mul3A_241 : i32
      %add3A_244 = arith.addi %add3A_243, %add3A : i32
      "tpu.region"() ({
        %run_scoped3A = tpu.sem_alloc : memref<!tpu.dma_semaphore, #tpu.memory_space<semaphore_mem>>
        %dma_start3A_443 = arith.constant 0 : i32
        %dma_start3A_444 = tpu.memref_slice %arg2[%add3A_244, %dma_start3A_443] : memref<832x100000xf32, #tpu.memory_space<hbm>> -> memref<1x100000xf32, #tpu.memory_space<hbm>>
        %dma_start3A_445 = tpu.memref_squeeze %dma_start3A_444 : memref<1x100000xf32, #tpu.memory_space<hbm>> -> memref<100000xf32, #tpu.memory_space<hbm>>
        %dma_start3A_446 = arith.constant 0 : i32
        %dma_start3A_447 = tpu.memref_slice %arg2[%add3A_244, %dma_start3A_446] : memref<832x100000xf32, #tpu.memory_space<hbm>> -> memref<1x100000xf32, #tpu.memory_space<hbm>>
        %dma_start3A_448 = tpu.memref_squeeze %dma_start3A_447 : memref<1x100000xf32, #tpu.memory_space<hbm>> -> memref<100000xf32, #tpu.memory_space<hbm>>
        tpu.enqueue_dma source(%dma_start3A_448 : memref<100000xf32, #tpu.memory_space<hbm>>) target(%arg5 : memref<100000xf32, #tpu.memory_space<vmem>>) target_semaphore(%run_scoped3A : memref<!tpu.dma_semaphore, #tpu.memory_space<semaphore_mem>>)
        %dma_wait3A_449 = arith.constant 0 : i32
        %dma_wait3A_450 = tpu.memref_slice %arg2[%add3A_244, %dma_wait3A_449] : memref<832x100000xf32, #tpu.memory_space<hbm>> -> memref<1x100000xf32, #tpu.memory_space<hbm>>
        %dma_wait3A_451 = tpu.memref_squeeze %dma_wait3A_450 : memref<1x100000xf32, #tpu.memory_space<hbm>> -> memref<100000xf32, #tpu.memory_space<hbm>>
        %dma_wait3A_452 = arith.constant 0 : i32
        %dma_wait3A_453 = tpu.memref_slice %arg2[%add3A_244, %dma_wait3A_452] : memref<832x100000xf32, #tpu.memory_space<hbm>> -> memref<1x100000xf32, #tpu.memory_space<hbm>>
        %dma_wait3A_454 = tpu.memref_squeeze %dma_wait3A_453 : memref<1x100000xf32, #tpu.memory_space<hbm>> -> memref<100000xf32, #tpu.memory_space<hbm>>
        tpu.wait_dma2 semaphore(%run_scoped3A : memref<!tpu.dma_semaphore, #tpu.memory_space<semaphore_mem>>) src(%dma_wait3A_454 : memref<100000xf32, #tpu.memory_space<hbm>>) dst(%arg5 : memref<100000xf32, #tpu.memory_space<vmem>>)
        tpu.yield
      }) : () -> ()
      %mul3A_245 = arith.constant 16384 : i32
      %mul3A_246 = arith.muli %scan3A_239, %mul3A_245 : i32
      %dma_start3A_247 = arith.constant 0 : i32
      %dma_start3A_248 = arith.constant 0 : i32
      %dma_start3A_249 = tpu.memref_slice %arg6[%dma_start3A_247, %dma_start3A_248] : memref<2x2048xi32, #tpu.memory_space<vmem>> -> memref<1x2048xi32, #tpu.memory_space<vmem>>
      %dma_start3A_250 = tpu.memref_squeeze %dma_start3A_249 : memref<1x2048xi32, #tpu.memory_space<vmem>> -> memref<2048xi32, #tpu.memory_space<vmem>>
      %dma_start3A_251 = tpu.memref_slice %arg8[%mul3A_246] : memref<147456xi32, #tpu.memory_space<vmem_shared>> -> memref<2048xi32, #tpu.memory_space<vmem_shared>>
      %dma_start3A_252 = arith.constant 0 : i32
      %dma_start3A_253 = tpu.memref_slice %arg6[%dma_start3A_247, %dma_start3A_252] : memref<2x2048xi32, #tpu.memory_space<vmem>> -> memref<1x2048xi32, #tpu.memory_space<vmem>>
      %dma_start3A_254 = tpu.memref_squeeze %dma_start3A_253 : memref<1x2048xi32, #tpu.memory_space<vmem>> -> memref<2048xi32, #tpu.memory_space<vmem>>
      %dma_start3A_255 = tpu.memref_slice %arg8[%mul3A_246] : memref<147456xi32, #tpu.memory_space<vmem_shared>> -> memref<2048xi32, #tpu.memory_space<vmem_shared>>
      tpu.enqueue_dma source(%dma_start3A_255 : memref<2048xi32, #tpu.memory_space<vmem_shared>>) target(%dma_start3A_254 : memref<2048xi32, #tpu.memory_space<vmem>>) target_semaphore(%arg9 : memref<!tpu.dma_semaphore, #tpu.memory_space<semaphore_mem>>)
      %mul3A_256 = arith.constant 16384 : i32
      %mul3A_257 = arith.muli %scan3A_239, %mul3A_256 : i32
      %add3A_258 = arith.constant 2048 : i32
      %add3A_259 = arith.addi %mul3A_257, %add3A_258 : i32
      %dma_start3A_260 = arith.constant 1 : i32
      %dma_start3A_261 = arith.constant 0 : i32
      %dma_start3A_262 = tpu.memref_slice %arg6[%dma_start3A_260, %dma_start3A_261] : memref<2x2048xi32, #tpu.memory_space<vmem>> -> memref<1x2048xi32, #tpu.memory_space<vmem>>
      %dma_start3A_263 = tpu.memref_squeeze %dma_start3A_262 : memref<1x2048xi32, #tpu.memory_space<vmem>> -> memref<2048xi32, #tpu.memory_space<vmem>>
      %dma_start3A_264 = tpu.memref_slice %arg8[%add3A_259] : memref<147456xi32, #tpu.memory_space<vmem_shared>> -> memref<2048xi32, #tpu.memory_space<vmem_shared>>
      %dma_start3A_265 = arith.constant 0 : i32
      %dma_start3A_266 = tpu.memref_slice %arg6[%dma_start3A_260, %dma_start3A_265] : memref<2x2048xi32, #tpu.memory_space<vmem>> -> memref<1x2048xi32, #tpu.memory_space<vmem>>
      %dma_start3A_267 = tpu.memref_squeeze %dma_start3A_266 : memref<1x2048xi32, #tpu.memory_space<vmem>> -> memref<2048xi32, #tpu.memory_space<vmem>>
      %dma_start3A_268 = tpu.memref_slice %arg8[%add3A_259] : memref<147456xi32, #tpu.memory_space<vmem_shared>> -> memref<2048xi32, #tpu.memory_space<vmem_shared>>
      tpu.enqueue_dma source(%dma_start3A_268 : memref<2048xi32, #tpu.memory_space<vmem_shared>>) target(%dma_start3A_267 : memref<2048xi32, #tpu.memory_space<vmem>>) target_semaphore(%arg9 : memref<!tpu.dma_semaphore, #tpu.memory_space<semaphore_mem>>)
      %dma_wait3A_269 = arith.constant 0 : i32
      %dma_wait3A_270 = arith.constant 0 : i32
      %dma_wait3A_271 = tpu.memref_slice %arg6[%dma_wait3A_269, %dma_wait3A_270] : memref<2x2048xi32, #tpu.memory_space<vmem>> -> memref<1x2048xi32, #tpu.memory_space<vmem>>
      %dma_wait3A_272 = tpu.memref_squeeze %dma_wait3A_271 : memref<1x2048xi32, #tpu.memory_space<vmem>> -> memref<2048xi32, #tpu.memory_space<vmem>>
      %dma_wait3A_273 = tpu.memref_slice %arg8[%mul3A_246] : memref<147456xi32, #tpu.memory_space<vmem_shared>> -> memref<2048xi32, #tpu.memory_space<vmem_shared>>
      %dma_wait3A_274 = arith.constant 0 : i32
      %dma_wait3A_275 = tpu.memref_slice %arg6[%dma_wait3A_269, %dma_wait3A_274] : memref<2x2048xi32, #tpu.memory_space<vmem>> -> memref<1x2048xi32, #tpu.memory_space<vmem>>
      %dma_wait3A_276 = tpu.memref_squeeze %dma_wait3A_275 : memref<1x2048xi32, #tpu.memory_space<vmem>> -> memref<2048xi32, #tpu.memory_space<vmem>>
      %dma_wait3A_277 = tpu.memref_slice %arg8[%mul3A_246] : memref<147456xi32, #tpu.memory_space<vmem_shared>> -> memref<2048xi32, #tpu.memory_space<vmem_shared>>
      tpu.wait_dma2 semaphore(%arg9 : memref<!tpu.dma_semaphore, #tpu.memory_space<semaphore_mem>>) src(%dma_wait3A_277 : memref<2048xi32, #tpu.memory_space<vmem_shared>>) dst(%dma_wait3A_276 : memref<2048xi32, #tpu.memory_space<vmem>>)
      %parallel_loop3A_278 = arith.constant 0 : i32
      %parallel_loop3A_279 = arith.constant 128 : i32
      %parallel_loop3A_280 = arith.constant 1 : i32
      scf.for %parallel_loop3A_443 = %parallel_loop3A_278 to %parallel_loop3A_279 step %parallel_loop3A_280  : i32 {
        %parallel_loop3A_444 = arith.constant 16 : i32
        %parallel_loop3A_445 = arith.muli %parallel_loop3A_443, %parallel_loop3A_444 : i32
        %parallel_loop3A_446 = arith.constant 0 : i32
        %parallel_loop3A_447 = arith.addi %parallel_loop3A_446, %parallel_loop3A_445 : i32
        %parallel_loop3A_448 = arith.constant 16 : i32
        %parallel_loop3A_449 = arith.muli %parallel_loop3A_443, %parallel_loop3A_448 : i32
        %parallel_loop3A_450 = arith.constant 0 : i32
        %parallel_loop3A_451 = arith.index_cast %parallel_loop3A_450 : i32 to index
        %parallel_loop3A_452 = arith.index_cast %parallel_loop3A_449 : i32 to index
        %parallel_loop3A_453 = tpu.vector_load %arg6[%parallel_loop3A_451, %parallel_loop3A_452] {strides = array<i32>} : memref<2x2048xi32, #tpu.memory_space<vmem>>, vector<16xi32>,
        %parallel_loop3A_454 = tpu.vector_load_idx %arg5[%parallel_loop3A_453] : memref<100000xf32, #tpu.memory_space<vmem>>[vector<16xi32>], vector<16xf32>,
        %parallel_loop3A_455 = arith.index_cast %parallel_loop3A_447 : i32 to index
        %parallel_loop3A_456 = tpu.vector_load %arg7[%parallel_loop3A_455] {strides = array<i32>} : memref<16384xf32, #tpu.memory_space<vmem>>, vector<16xf32>,
        tpu.vector_store %arg7[%parallel_loop3A_455], %parallel_loop3A_454 {add = true, strides = array<i32>} : memref<16384xf32, #tpu.memory_space<vmem>>, vector<16xf32>,
      } {sc.loop_unroll_factor = 8 : i64, sc.parallel_access}
      %mul3A_281 = arith.constant 16384 : i32
      %mul3A_282 = arith.muli %scan3A_239, %mul3A_281 : i32
      %add3A_283 = arith.constant 4096 : i32
      %add3A_284 = arith.addi %mul3A_282, %add3A_283 : i32
      %dma_start3A_285 = arith.constant 0 : i32
      %dma_start3A_286 = arith.constant 0 : i32
      %dma_start3A_287 = tpu.memref_slice %arg6[%dma_start3A_285, %dma_start3A_286] : memref<2x2048xi32, #tpu.memory_space<vmem>> -> memref<1x2048xi32, #tpu.memory_space<vmem>>
      %dma_start3A_288 = tpu.memref_squeeze %dma_start3A_287 : memref<1x2048xi32, #tpu.memory_space<vmem>> -> memref<2048xi32, #tpu.memory_space<vmem>>
      %dma_start3A_289 = tpu.memref_slice %arg8[%add3A_284] : memref<147456xi32, #tpu.memory_space<vmem_shared>> -> memref<2048xi32, #tpu.memory_space<vmem_shared>>
      %dma_start3A_290 = arith.constant 0 : i32
      %dma_start3A_291 = tpu.memref_slice %arg6[%dma_start3A_285, %dma_start3A_290] : memref<2x2048xi32, #tpu.memory_space<vmem>> -> memref<1x2048xi32, #tpu.memory_space<vmem>>
      %dma_start3A_292 = tpu.memref_squeeze %dma_start3A_291 : memref<1x2048xi32, #tpu.memory_space<vmem>> -> memref<2048xi32, #tpu.memory_space<vmem>>
      %dma_start3A_293 = tpu.memref_slice %arg8[%add3A_284] : memref<147456xi32, #tpu.memory_space<vmem_shared>> -> memref<2048xi32, #tpu.memory_space<vmem_shared>>
      tpu.enqueue_dma source(%dma_start3A_293 : memref<2048xi32, #tpu.memory_space<vmem_shared>>) target(%dma_start3A_292 : memref<2048xi32, #tpu.memory_space<vmem>>) target_semaphore(%arg9 : memref<!tpu.dma_semaphore, #tpu.memory_space<semaphore_mem>>)
      %dma_wait3A_294 = arith.constant 1 : i32
      %dma_wait3A_295 = arith.constant 0 : i32
      %dma_wait3A_296 = tpu.memref_slice %arg6[%dma_wait3A_294, %dma_wait3A_295] : memref<2x2048xi32, #tpu.memory_space<vmem>> -> memref<1x2048xi32, #tpu.memory_space<vmem>>
      %dma_wait3A_297 = tpu.memref_squeeze %dma_wait3A_296 : memref<1x2048xi32, #tpu.memory_space<vmem>> -> memref<2048xi32, #tpu.memory_space<vmem>>
      %dma_wait3A_298 = tpu.memref_slice %arg8[%add3A_259] : memref<147456xi32, #tpu.memory_space<vmem_shared>> -> memref<2048xi32, #tpu.memory_space<vmem_shared>>
      %dma_wait3A_299 = arith.constant 0 : i32
      %dma_wait3A_300 = tpu.memref_slice %arg6[%dma_wait3A_294, %dma_wait3A_299] : memref<2x2048xi32, #tpu.memory_space<vmem>> -> memref<1x2048xi32, #tpu.memory_space<vmem>>
      %dma_wait3A_301 = tpu.memref_squeeze %dma_wait3A_300 : memref<1x2048xi32, #tpu.memory_space<vmem>> -> memref<2048xi32, #tpu.memory_space<vmem>>
      %dma_wait3A_302 = tpu.memref_slice %arg8[%add3A_259] : memref<147456xi32, #tpu.memory_space<vmem_shared>> -> memref<2048xi32, #tpu.memory_space<vmem_shared>>
      tpu.wait_dma2 semaphore(%arg9 : memref<!tpu.dma_semaphore, #tpu.memory_space<semaphore_mem>>) src(%dma_wait3A_302 : memref<2048xi32, #tpu.memory_space<vmem_shared>>) dst(%dma_wait3A_301 : memref<2048xi32, #tpu.memory_space<vmem>>)
      %parallel_loop3A_303 = arith.constant 0 : i32
      %parallel_loop3A_304 = arith.constant 128 : i32
      %parallel_loop3A_305 = arith.constant 1 : i32
      scf.for %parallel_loop3A_443 = %parallel_loop3A_303 to %parallel_loop3A_304 step %parallel_loop3A_305  : i32 {
        %parallel_loop3A_444 = arith.constant 16 : i32
        %parallel_loop3A_445 = arith.muli %parallel_loop3A_443, %parallel_loop3A_444 : i32
        %parallel_loop3A_446 = arith.constant 2048 : i32
        %parallel_loop3A_447 = arith.addi %parallel_loop3A_446, %parallel_loop3A_445 : i32
        %parallel_loop3A_448 = arith.constant 16 : i32
        %parallel_loop3A_449 = arith.muli %parallel_loop3A_443, %parallel_loop3A_448 : i32
        %parallel_loop3A_450 = arith.constant 1 : i32
        %parallel_loop3A_451 = arith.index_cast %parallel_loop3A_450 : i32 to index
        %parallel_loop3A_452 = arith.index_cast %parallel_loop3A_449 : i32 to index
        %parallel_loop3A_453 = tpu.vector_load %arg6[%parallel_loop3A_451, %parallel_loop3A_452] {strides = array<i32>} : memref<2x2048xi32, #tpu.memory_space<vmem>>, vector<16xi32>,
        %parallel_loop3A_454 = tpu.vector_load_idx %arg5[%parallel_loop3A_453] : memref<100000xf32, #tpu.memory_space<vmem>>[vector<16xi32>], vector<16xf32>,
        %parallel_loop3A_455 = arith.index_cast %parallel_loop3A_447 : i32 to index
        %parallel_loop3A_456 = tpu.vector_load %arg7[%parallel_loop3A_455] {strides = array<i32>} : memref<16384xf32, #tpu.memory_space<vmem>>, vector<16xf32>,
        tpu.vector_store %arg7[%parallel_loop3A_455], %parallel_loop3A_454 {add = true, strides = array<i32>} : memref<16384xf32, #tpu.memory_space<vmem>>, vector<16xf32>,
      } {sc.loop_unroll_factor = 8 : i64, sc.parallel_access}
      %mul3A_306 = arith.constant 16384 : i32
      %mul3A_307 = arith.muli %scan3A_239, %mul3A_306 : i32
      %add3A_308 = arith.constant 6144 : i32
      %add3A_309 = arith.addi %mul3A_307, %add3A_308 : i32
      %dma_start3A_310 = arith.constant 1 : i32
      %dma_start3A_311 = arith.constant 0 : i32
      %dma_start3A_312 = tpu.memref_slice %arg6[%dma_start3A_310, %dma_start3A_311] : memref<2x2048xi32, #tpu.memory_space<vmem>> -> memref<1x2048xi32, #tpu.memory_space<vmem>>
      %dma_start3A_313 = tpu.memref_squeeze %dma_start3A_312 : memref<1x2048xi32, #tpu.memory_space<vmem>> -> memref<2048xi32, #tpu.memory_space<vmem>>
      %dma_start3A_314 = tpu.memref_slice %arg8[%add3A_309] : memref<147456xi32, #tpu.memory_space<vmem_shared>> -> memref<2048xi32, #tpu.memory_space<vmem_shared>>
      %dma_start3A_315 = arith.constant 0 : i32
      %dma_start3A_316 = tpu.memref_slice %arg6[%dma_start3A_310, %dma_start3A_315] : memref<2x2048xi32, #tpu.memory_space<vmem>> -> memref<1x2048xi32, #tpu.memory_space<vmem>>
      %dma_start3A_317 = tpu.memref_squeeze %dma_start3A_316 : memref<1x2048xi32, #tpu.memory_space<vmem>> -> memref<2048xi32, #tpu.memory_space<vmem>>
      %dma_start3A_318 = tpu.memref_slice %arg8[%add3A_309] : memref<147456xi32, #tpu.memory_space<vmem_shared>> -> memref<2048xi32, #tpu.memory_space<vmem_shared>>
      tpu.enqueue_dma source(%dma_start3A_318 : memref<2048xi32, #tpu.memory_space<vmem_shared>>) target(%dma_start3A_317 : memref<2048xi32, #tpu.memory_space<vmem>>) target_semaphore(%arg9 : memref<!tpu.dma_semaphore, #tpu.memory_space<semaphore_mem>>)
      %dma_wait3A_319 = arith.constant 0 : i32
      %dma_wait3A_320 = arith.constant 0 : i32
      %dma_wait3A_321 = tpu.memref_slice %arg6[%dma_wait3A_319, %dma_wait3A_320] : memref<2x2048xi32, #tpu.memory_space<vmem>> -> memref<1x2048xi32, #tpu.memory_space<vmem>>
      %dma_wait3A_322 = tpu.memref_squeeze %dma_wait3A_321 : memref<1x2048xi32, #tpu.memory_space<vmem>> -> memref<2048xi32, #tpu.memory_space<vmem>>
      %dma_wait3A_323 = tpu.memref_slice %arg8[%add3A_284] : memref<147456xi32, #tpu.memory_space<vmem_shared>> -> memref<2048xi32, #tpu.memory_space<vmem_shared>>
      %dma_wait3A_324 = arith.constant 0 : i32
      %dma_wait3A_325 = tpu.memref_slice %arg6[%dma_wait3A_319, %dma_wait3A_324] : memref<2x2048xi32, #tpu.memory_space<vmem>> -> memref<1x2048xi32, #tpu.memory_space<vmem>>
      %dma_wait3A_326 = tpu.memref_squeeze %dma_wait3A_325 : memref<1x2048xi32, #tpu.memory_space<vmem>> -> memref<2048xi32, #tpu.memory_space<vmem>>
      %dma_wait3A_327 = tpu.memref_slice %arg8[%add3A_284] : memref<147456xi32, #tpu.memory_space<vmem_shared>> -> memref<2048xi32, #tpu.memory_space<vmem_shared>>
      tpu.wait_dma2 semaphore(%arg9 : memref<!tpu.dma_semaphore, #tpu.memory_space<semaphore_mem>>) src(%dma_wait3A_327 : memref<2048xi32, #tpu.memory_space<vmem_shared>>) dst(%dma_wait3A_326 : memref<2048xi32, #tpu.memory_space<vmem>>)
      %parallel_loop3A_328 = arith.constant 0 : i32
      %parallel_loop3A_329 = arith.constant 128 : i32
      %parallel_loop3A_330 = arith.constant 1 : i32
      scf.for %parallel_loop3A_443 = %parallel_loop3A_328 to %parallel_loop3A_329 step %parallel_loop3A_330  : i32 {
        %parallel_loop3A_444 = arith.constant 16 : i32
        %parallel_loop3A_445 = arith.muli %parallel_loop3A_443, %parallel_loop3A_444 : i32
        %parallel_loop3A_446 = arith.constant 4096 : i32
        %parallel_loop3A_447 = arith.addi %parallel_loop3A_446, %parallel_loop3A_445 : i32
        %parallel_loop3A_448 = arith.constant 16 : i32
        %parallel_loop3A_449 = arith.muli %parallel_loop3A_443, %parallel_loop3A_448 : i32
        %parallel_loop3A_450 = arith.constant 0 : i32
        %parallel_loop3A_451 = arith.index_cast %parallel_loop3A_450 : i32 to index
        %parallel_loop3A_452 = arith.index_cast %parallel_loop3A_449 : i32 to index
        %parallel_loop3A_453 = tpu.vector_load %arg6[%parallel_loop3A_451, %parallel_loop3A_452] {strides = array<i32>} : memref<2x2048xi32, #tpu.memory_space<vmem>>, vector<16xi32>,
        %parallel_loop3A_454 = tpu.vector_load_idx %arg5[%parallel_loop3A_453] : memref<100000xf32, #tpu.memory_space<vmem>>[vector<16xi32>], vector<16xf32>,
        %parallel_loop3A_455 = arith.index_cast %parallel_loop3A_447 : i32 to index
        %parallel_loop3A_456 = tpu.vector_load %arg7[%parallel_loop3A_455] {strides = array<i32>} : memref<16384xf32, #tpu.memory_space<vmem>>, vector<16xf32>,
        tpu.vector_store %arg7[%parallel_loop3A_455], %parallel_loop3A_454 {add = true, strides = array<i32>} : memref<16384xf32, #tpu.memory_space<vmem>>, vector<16xf32>,
      } {sc.loop_unroll_factor = 8 : i64, sc.parallel_access}
      %mul3A_331 = arith.constant 16384 : i32
      %mul3A_332 = arith.muli %scan3A_239, %mul3A_331 : i32
      %add3A_333 = arith.constant 8192 : i32
      %add3A_334 = arith.addi %mul3A_332, %add3A_333 : i32
      %dma_start3A_335 = arith.constant 0 : i32
      %dma_start3A_336 = arith.constant 0 : i32
      %dma_start3A_337 = tpu.memref_slice %arg6[%dma_start3A_335, %dma_start3A_336] : memref<2x2048xi32, #tpu.memory_space<vmem>> -> memref<1x2048xi32, #tpu.memory_space<vmem>>
      %dma_start3A_338 = tpu.memref_squeeze %dma_start3A_337 : memref<1x2048xi32, #tpu.memory_space<vmem>> -> memref<2048xi32, #tpu.memory_space<vmem>>
      %dma_start3A_339 = tpu.memref_slice %arg8[%add3A_334] : memref<147456xi32, #tpu.memory_space<vmem_shared>> -> memref<2048xi32, #tpu.memory_space<vmem_shared>>
      %dma_start3A_340 = arith.constant 0 : i32
      %dma_start3A_341 = tpu.memref_slice %arg6[%dma_start3A_335, %dma_start3A_340] : memref<2x2048xi32, #tpu.memory_space<vmem>> -> memref<1x2048xi32, #tpu.memory_space<vmem>>
      %dma_start3A_342 = tpu.memref_squeeze %dma_start3A_341 : memref<1x2048xi32, #tpu.memory_space<vmem>> -> memref<2048xi32, #tpu.memory_space<vmem>>
      %dma_start3A_343 = tpu.memref_slice %arg8[%add3A_334] : memref<147456xi32, #tpu.memory_space<vmem_shared>> -> memref<2048xi32, #tpu.memory_space<vmem_shared>>
      tpu.enqueue_dma source(%dma_start3A_343 : memref<2048xi32, #tpu.memory_space<vmem_shared>>) target(%dma_start3A_342 : memref<2048xi32, #tpu.memory_space<vmem>>) target_semaphore(%arg9 : memref<!tpu.dma_semaphore, #tpu.memory_space<semaphore_mem>>)
      %dma_wait3A_344 = arith.constant 1 : i32
      %dma_wait3A_345 = arith.constant 0 : i32
      %dma_wait3A_346 = tpu.memref_slice %arg6[%dma_wait3A_344, %dma_wait3A_345] : memref<2x2048xi32, #tpu.memory_space<vmem>> -> memref<1x2048xi32, #tpu.memory_space<vmem>>
      %dma_wait3A_347 = tpu.memref_squeeze %dma_wait3A_346 : memref<1x2048xi32, #tpu.memory_space<vmem>> -> memref<2048xi32, #tpu.memory_space<vmem>>
      %dma_wait3A_348 = tpu.memref_slice %arg8[%add3A_309] : memref<147456xi32, #tpu.memory_space<vmem_shared>> -> memref<2048xi32, #tpu.memory_space<vmem_shared>>
      %dma_wait3A_349 = arith.constant 0 : i32
      %dma_wait3A_350 = tpu.memref_slice %arg6[%dma_wait3A_344, %dma_wait3A_349] : memref<2x2048xi32, #tpu.memory_space<vmem>> -> memref<1x2048xi32, #tpu.memory_space<vmem>>
      %dma_wait3A_351 = tpu.memref_squeeze %dma_wait3A_350 : memref<1x2048xi32, #tpu.memory_space<vmem>> -> memref<2048xi32, #tpu.memory_space<vmem>>
      %dma_wait3A_352 = tpu.memref_slice %arg8[%add3A_309] : memref<147456xi32, #tpu.memory_space<vmem_shared>> -> memref<2048xi32, #tpu.memory_space<vmem_shared>>
      tpu.wait_dma2 semaphore(%arg9 : memref<!tpu.dma_semaphore, #tpu.memory_space<semaphore_mem>>) src(%dma_wait3A_352 : memref<2048xi32, #tpu.memory_space<vmem_shared>>) dst(%dma_wait3A_351 : memref<2048xi32, #tpu.memory_space<vmem>>)
      %parallel_loop3A_353 = arith.constant 0 : i32
      %parallel_loop3A_354 = arith.constant 128 : i32
      %parallel_loop3A_355 = arith.constant 1 : i32
      scf.for %parallel_loop3A_443 = %parallel_loop3A_353 to %parallel_loop3A_354 step %parallel_loop3A_355  : i32 {
        %parallel_loop3A_444 = arith.constant 16 : i32
        %parallel_loop3A_445 = arith.muli %parallel_loop3A_443, %parallel_loop3A_444 : i32
        %parallel_loop3A_446 = arith.constant 6144 : i32
        %parallel_loop3A_447 = arith.addi %parallel_loop3A_446, %parallel_loop3A_445 : i32
        %parallel_loop3A_448 = arith.constant 16 : i32
        %parallel_loop3A_449 = arith.muli %parallel_loop3A_443, %parallel_loop3A_448 : i32
        %parallel_loop3A_450 = arith.constant 1 : i32
        %parallel_loop3A_451 = arith.index_cast %parallel_loop3A_450 : i32 to index
        %parallel_loop3A_452 = arith.index_cast %parallel_loop3A_449 : i32 to index
        %parallel_loop3A_453 = tpu.vector_load %arg6[%parallel_loop3A_451, %parallel_loop3A_452] {strides = array<i32>} : memref<2x2048xi32, #tpu.memory_space<vmem>>, vector<16xi32>,
        %parallel_loop3A_454 = tpu.vector_load_idx %arg5[%parallel_loop3A_453] : memref<100000xf32, #tpu.memory_space<vmem>>[vector<16xi32>], vector<16xf32>,
        %parallel_loop3A_455 = arith.index_cast %parallel_loop3A_447 : i32 to index
        %parallel_loop3A_456 = tpu.vector_load %arg7[%parallel_loop3A_455] {strides = array<i32>} : memref<16384xf32, #tpu.memory_space<vmem>>, vector<16xf32>,
        tpu.vector_store %arg7[%parallel_loop3A_455], %parallel_loop3A_454 {add = true, strides = array<i32>} : memref<16384xf32, #tpu.memory_space<vmem>>, vector<16xf32>,
      } {sc.loop_unroll_factor = 8 : i64, sc.parallel_access}
      %mul3A_356 = arith.constant 16384 : i32
      %mul3A_357 = arith.muli %scan3A_239, %mul3A_356 : i32
      %add3A_358 = arith.constant 10240 : i32
      %add3A_359 = arith.addi %mul3A_357, %add3A_358 : i32
      %dma_start3A_360 = arith.constant 1 : i32
      %dma_start3A_361 = arith.constant 0 : i32
      %dma_start3A_362 = tpu.memref_slice %arg6[%dma_start3A_360, %dma_start3A_361] : memref<2x2048xi32, #tpu.memory_space<vmem>> -> memref<1x2048xi32, #tpu.memory_space<vmem>>
      %dma_start3A_363 = tpu.memref_squeeze %dma_start3A_362 : memref<1x2048xi32, #tpu.memory_space<vmem>> -> memref<2048xi32, #tpu.memory_space<vmem>>
      %dma_start3A_364 = tpu.memref_slice %arg8[%add3A_359] : memref<147456xi32, #tpu.memory_space<vmem_shared>> -> memref<2048xi32, #tpu.memory_space<vmem_shared>>
      %dma_start3A_365 = arith.constant 0 : i32
      %dma_start3A_366 = tpu.memref_slice %arg6[%dma_start3A_360, %dma_start3A_365] : memref<2x2048xi32, #tpu.memory_space<vmem>> -> memref<1x2048xi32, #tpu.memory_space<vmem>>
      %dma_start3A_367 = tpu.memref_squeeze %dma_start3A_366 : memref<1x2048xi32, #tpu.memory_space<vmem>> -> memref<2048xi32, #tpu.memory_space<vmem>>
      %dma_start3A_368 = tpu.memref_slice %arg8[%add3A_359] : memref<147456xi32, #tpu.memory_space<vmem_shared>> -> memref<2048xi32, #tpu.memory_space<vmem_shared>>
      tpu.enqueue_dma source(%dma_start3A_368 : memref<2048xi32, #tpu.memory_space<vmem_shared>>) target(%dma_start3A_367 : memref<2048xi32, #tpu.memory_space<vmem>>) target_semaphore(%arg9 : memref<!tpu.dma_semaphore, #tpu.memory_space<semaphore_mem>>)
      %dma_wait3A_369 = arith.constant 0 : i32
      %dma_wait3A_370 = arith.constant 0 : i32
      %dma_wait3A_371 = tpu.memref_slice %arg6[%dma_wait3A_369, %dma_wait3A_370] : memref<2x2048xi32, #tpu.memory_space<vmem>> -> memref<1x2048xi32, #tpu.memory_space<vmem>>
      %dma_wait3A_372 = tpu.memref_squeeze %dma_wait3A_371 : memref<1x2048xi32, #tpu.memory_space<vmem>> -> memref<2048xi32, #tpu.memory_space<vmem>>
      %dma_wait3A_373 = tpu.memref_slice %arg8[%add3A_334] : memref<147456xi32, #tpu.memory_space<vmem_shared>> -> memref<2048xi32, #tpu.memory_space<vmem_shared>>
      %dma_wait3A_374 = arith.constant 0 : i32
      %dma_wait3A_375 = tpu.memref_slice %arg6[%dma_wait3A_369, %dma_wait3A_374] : memref<2x2048xi32, #tpu.memory_space<vmem>> -> memref<1x2048xi32, #tpu.memory_space<vmem>>
      %dma_wait3A_376 = tpu.memref_squeeze %dma_wait3A_375 : memref<1x2048xi32, #tpu.memory_space<vmem>> -> memref<2048xi32, #tpu.memory_space<vmem>>
      %dma_wait3A_377 = tpu.memref_slice %arg8[%add3A_334] : memref<147456xi32, #tpu.memory_space<vmem_shared>> -> memref<2048xi32, #tpu.memory_space<vmem_shared>>
      tpu.wait_dma2 semaphore(%arg9 : memref<!tpu.dma_semaphore, #tpu.memory_space<semaphore_mem>>) src(%dma_wait3A_377 : memref<2048xi32, #tpu.memory_space<vmem_shared>>) dst(%dma_wait3A_376 : memref<2048xi32, #tpu.memory_space<vmem>>)
      %parallel_loop3A_378 = arith.constant 0 : i32
      %parallel_loop3A_379 = arith.constant 128 : i32
      %parallel_loop3A_380 = arith.constant 1 : i32
      scf.for %parallel_loop3A_443 = %parallel_loop3A_378 to %parallel_loop3A_379 step %parallel_loop3A_380  : i32 {
        %parallel_loop3A_444 = arith.constant 16 : i32
        %parallel_loop3A_445 = arith.muli %parallel_loop3A_443, %parallel_loop3A_444 : i32
        %parallel_loop3A_446 = arith.constant 8192 : i32
        %parallel_loop3A_447 = arith.addi %parallel_loop3A_446, %parallel_loop3A_445 : i32
        %parallel_loop3A_448 = arith.constant 16 : i32
        %parallel_loop3A_449 = arith.muli %parallel_loop3A_443, %parallel_loop3A_448 : i32
        %parallel_loop3A_450 = arith.constant 0 : i32
        %parallel_loop3A_451 = arith.index_cast %parallel_loop3A_450 : i32 to index
        %parallel_loop3A_452 = arith.index_cast %parallel_loop3A_449 : i32 to index
        %parallel_loop3A_453 = tpu.vector_load %arg6[%parallel_loop3A_451, %parallel_loop3A_452] {strides = array<i32>} : memref<2x2048xi32, #tpu.memory_space<vmem>>, vector<16xi32>,
        %parallel_loop3A_454 = tpu.vector_load_idx %arg5[%parallel_loop3A_453] : memref<100000xf32, #tpu.memory_space<vmem>>[vector<16xi32>], vector<16xf32>,
        %parallel_loop3A_455 = arith.index_cast %parallel_loop3A_447 : i32 to index
        %parallel_loop3A_456 = tpu.vector_load %arg7[%parallel_loop3A_455] {strides = array<i32>} : memref<16384xf32, #tpu.memory_space<vmem>>, vector<16xf32>,
        tpu.vector_store %arg7[%parallel_loop3A_455], %parallel_loop3A_454 {add = true, strides = array<i32>} : memref<16384xf32, #tpu.memory_space<vmem>>, vector<16xf32>,
      } {sc.loop_unroll_factor = 8 : i64, sc.parallel_access}
      %mul3A_381 = arith.constant 16384 : i32
      %mul3A_382 = arith.muli %scan3A_239, %mul3A_381 : i32
      %add3A_383 = arith.constant 12288 : i32
      %add3A_384 = arith.addi %mul3A_382, %add3A_383 : i32
      %dma_start3A_385 = arith.constant 0 : i32
      %dma_start3A_386 = arith.constant 0 : i32
      %dma_start3A_387 = tpu.memref_slice %arg6[%dma_start3A_385, %dma_start3A_386] : memref<2x2048xi32, #tpu.memory_space<vmem>> -> memref<1x2048xi32, #tpu.memory_space<vmem>>
      %dma_start3A_388 = tpu.memref_squeeze %dma_start3A_387 : memref<1x2048xi32, #tpu.memory_space<vmem>> -> memref<2048xi32, #tpu.memory_space<vmem>>
      %dma_start3A_389 = tpu.memref_slice %arg8[%add3A_384] : memref<147456xi32, #tpu.memory_space<vmem_shared>> -> memref<2048xi32, #tpu.memory_space<vmem_shared>>
      %dma_start3A_390 = arith.constant 0 : i32
      %dma_start3A_391 = tpu.memref_slice %arg6[%dma_start3A_385, %dma_start3A_390] : memref<2x2048xi32, #tpu.memory_space<vmem>> -> memref<1x2048xi32, #tpu.memory_space<vmem>>
      %dma_start3A_392 = tpu.memref_squeeze %dma_start3A_391 : memref<1x2048xi32, #tpu.memory_space<vmem>> -> memref<2048xi32, #tpu.memory_space<vmem>>
      %dma_start3A_393 = tpu.memref_slice %arg8[%add3A_384] : memref<147456xi32, #tpu.memory_space<vmem_shared>> -> memref<2048xi32, #tpu.memory_space<vmem_shared>>
      tpu.enqueue_dma source(%dma_start3A_393 : memref<2048xi32, #tpu.memory_space<vmem_shared>>) target(%dma_start3A_392 : memref<2048xi32, #tpu.memory_space<vmem>>) target_semaphore(%arg9 : memref<!tpu.dma_semaphore, #tpu.memory_space<semaphore_mem>>)
      %dma_wait3A_394 = arith.constant 1 : i32
      %dma_wait3A_395 = arith.constant 0 : i32
      %dma_wait3A_396 = tpu.memref_slice %arg6[%dma_wait3A_394, %dma_wait3A_395] : memref<2x2048xi32, #tpu.memory_space<vmem>> -> memref<1x2048xi32, #tpu.memory_space<vmem>>
      %dma_wait3A_397 = tpu.memref_squeeze %dma_wait3A_396 : memref<1x2048xi32, #tpu.memory_space<vmem>> -> memref<2048xi32, #tpu.memory_space<vmem>>
      %dma_wait3A_398 = tpu.memref_slice %arg8[%add3A_359] : memref<147456xi32, #tpu.memory_space<vmem_shared>> -> memref<2048xi32, #tpu.memory_space<vmem_shared>>
      %dma_wait3A_399 = arith.constant 0 : i32
      %dma_wait3A_400 = tpu.memref_slice %arg6[%dma_wait3A_394, %dma_wait3A_399] : memref<2x2048xi32, #tpu.memory_space<vmem>> -> memref<1x2048xi32, #tpu.memory_space<vmem>>
      %dma_wait3A_401 = tpu.memref_squeeze %dma_wait3A_400 : memref<1x2048xi32, #tpu.memory_space<vmem>> -> memref<2048xi32, #tpu.memory_space<vmem>>
      %dma_wait3A_402 = tpu.memref_slice %arg8[%add3A_359] : memref<147456xi32, #tpu.memory_space<vmem_shared>> -> memref<2048xi32, #tpu.memory_space<vmem_shared>>
      tpu.wait_dma2 semaphore(%arg9 : memref<!tpu.dma_semaphore, #tpu.memory_space<semaphore_mem>>) src(%dma_wait3A_402 : memref<2048xi32, #tpu.memory_space<vmem_shared>>) dst(%dma_wait3A_401 : memref<2048xi32, #tpu.memory_space<vmem>>)
      %parallel_loop3A_403 = arith.constant 0 : i32
      %parallel_loop3A_404 = arith.constant 128 : i32
      %parallel_loop3A_405 = arith.constant 1 : i32
      scf.for %parallel_loop3A_443 = %parallel_loop3A_403 to %parallel_loop3A_404 step %parallel_loop3A_405  : i32 {
        %parallel_loop3A_444 = arith.constant 16 : i32
        %parallel_loop3A_445 = arith.muli %parallel_loop3A_443, %parallel_loop3A_444 : i32
        %parallel_loop3A_446 = arith.constant 10240 : i32
        %parallel_loop3A_447 = arith.addi %parallel_loop3A_446, %parallel_loop3A_445 : i32
        %parallel_loop3A_448 = arith.constant 16 : i32
        %parallel_loop3A_449 = arith.muli %parallel_loop3A_443, %parallel_loop3A_448 : i32
        %parallel_loop3A_450 = arith.constant 1 : i32
        %parallel_loop3A_451 = arith.index_cast %parallel_loop3A_450 : i32 to index
        %parallel_loop3A_452 = arith.index_cast %parallel_loop3A_449 : i32 to index
        %parallel_loop3A_453 = tpu.vector_load %arg6[%parallel_loop3A_451, %parallel_loop3A_452] {strides = array<i32>} : memref<2x2048xi32, #tpu.memory_space<vmem>>, vector<16xi32>,
        %parallel_loop3A_454 = tpu.vector_load_idx %arg5[%parallel_loop3A_453] : memref<100000xf32, #tpu.memory_space<vmem>>[vector<16xi32>], vector<16xf32>,
        %parallel_loop3A_455 = arith.index_cast %parallel_loop3A_447 : i32 to index
        %parallel_loop3A_456 = tpu.vector_load %arg7[%parallel_loop3A_455] {strides = array<i32>} : memref<16384xf32, #tpu.memory_space<vmem>>, vector<16xf32>,
        tpu.vector_store %arg7[%parallel_loop3A_455], %parallel_loop3A_454 {add = true, strides = array<i32>} : memref<16384xf32, #tpu.memory_space<vmem>>, vector<16xf32>,
      } {sc.loop_unroll_factor = 8 : i64, sc.parallel_access}
      %mul3A_406 = arith.constant 16384 : i32
      %mul3A_407 = arith.muli %scan3A_239, %mul3A_406 : i32
      %add3A_408 = arith.constant 14336 : i32
      %add3A_409 = arith.addi %mul3A_407, %add3A_408 : i32
      %dma_start3A_410 = arith.constant 1 : i32
      %dma_start3A_411 = arith.constant 0 : i32
      %dma_start3A_412 = tpu.memref_slice %arg6[%dma_start3A_410, %dma_start3A_411] : memref<2x2048xi32, #tpu.memory_space<vmem>> -> memref<1x2048xi32, #tpu.memory_space<vmem>>
      %dma_start3A_413 = tpu.memref_squeeze %dma_start3A_412 : memref<1x2048xi32, #tpu.memory_space<vmem>> -> memref<2048xi32, #tpu.memory_space<vmem>>
      %dma_start3A_414 = tpu.memref_slice %arg8[%add3A_409] : memref<147456xi32, #tpu.memory_space<vmem_shared>> -> memref<2048xi32, #tpu.memory_space<vmem_shared>>
      %dma_start3A_415 = arith.constant 0 : i32
      %dma_start3A_416 = tpu.memref_slice %arg6[%dma_start3A_410, %dma_start3A_415] : memref<2x2048xi32, #tpu.memory_space<vmem>> -> memref<1x2048xi32, #tpu.memory_space<vmem>>
      %dma_start3A_417 = tpu.memref_squeeze %dma_start3A_416 : memref<1x2048xi32, #tpu.memory_space<vmem>> -> memref<2048xi32, #tpu.memory_space<vmem>>
      %dma_start3A_418 = tpu.memref_slice %arg8[%add3A_409] : memref<147456xi32, #tpu.memory_space<vmem_shared>> -> memref<2048xi32, #tpu.memory_space<vmem_shared>>
      tpu.enqueue_dma source(%dma_start3A_418 : memref<2048xi32, #tpu.memory_space<vmem_shared>>) target(%dma_start3A_417 : memref<2048xi32, #tpu.memory_space<vmem>>) target_semaphore(%arg9 : memref<!tpu.dma_semaphore, #tpu.memory_space<semaphore_mem>>)
      %dma_wait3A_419 = arith.constant 0 : i32
      %dma_wait3A_420 = arith.constant 0 : i32
      %dma_wait3A_421 = tpu.memref_slice %arg6[%dma_wait3A_419, %dma_wait3A_420] : memref<2x2048xi32, #tpu.memory_space<vmem>> -> memref<1x2048xi32, #tpu.memory_space<vmem>>
      %dma_wait3A_422 = tpu.memref_squeeze %dma_wait3A_421 : memref<1x2048xi32, #tpu.memory_space<vmem>> -> memref<2048xi32, #tpu.memory_space<vmem>>
      %dma_wait3A_423 = tpu.memref_slice %arg8[%add3A_384] : memref<147456xi32, #tpu.memory_space<vmem_shared>> -> memref<2048xi32, #tpu.memory_space<vmem_shared>>
      %dma_wait3A_424 = arith.constant 0 : i32
      %dma_wait3A_425 = tpu.memref_slice %arg6[%dma_wait3A_419, %dma_wait3A_424] : memref<2x2048xi32, #tpu.memory_space<vmem>> -> memref<1x2048xi32, #tpu.memory_space<vmem>>
      %dma_wait3A_426 = tpu.memref_squeeze %dma_wait3A_425 : memref<1x2048xi32, #tpu.memory_space<vmem>> -> memref<2048xi32, #tpu.memory_space<vmem>>
      %dma_wait3A_427 = tpu.memref_slice %arg8[%add3A_384] : memref<147456xi32, #tpu.memory_space<vmem_shared>> -> memref<2048xi32, #tpu.memory_space<vmem_shared>>
      tpu.wait_dma2 semaphore(%arg9 : memref<!tpu.dma_semaphore, #tpu.memory_space<semaphore_mem>>) src(%dma_wait3A_427 : memref<2048xi32, #tpu.memory_space<vmem_shared>>) dst(%dma_wait3A_426 : memref<2048xi32, #tpu.memory_space<vmem>>)
      %parallel_loop3A_428 = arith.constant 0 : i32
      %parallel_loop3A_429 = arith.constant 128 : i32
      %parallel_loop3A_430 = arith.constant 1 : i32
      scf.for %parallel_loop3A_443 = %parallel_loop3A_428 to %parallel_loop3A_429 step %parallel_loop3A_430  : i32 {
        %parallel_loop3A_444 = arith.constant 16 : i32
        %parallel_loop3A_445 = arith.muli %parallel_loop3A_443, %parallel_loop3A_444 : i32
        %parallel_loop3A_446 = arith.constant 12288 : i32
        %parallel_loop3A_447 = arith.addi %parallel_loop3A_446, %parallel_loop3A_445 : i32
        %parallel_loop3A_448 = arith.constant 16 : i32
        %parallel_loop3A_449 = arith.muli %parallel_loop3A_443, %parallel_loop3A_448 : i32
        %parallel_loop3A_450 = arith.constant 0 : i32
        %parallel_loop3A_451 = arith.index_cast %parallel_loop3A_450 : i32 to index
        %parallel_loop3A_452 = arith.index_cast %parallel_loop3A_449 : i32 to index
        %parallel_loop3A_453 = tpu.vector_load %arg6[%parallel_loop3A_451, %parallel_loop3A_452] {strides = array<i32>} : memref<2x2048xi32, #tpu.memory_space<vmem>>, vector<16xi32>,
        %parallel_loop3A_454 = tpu.vector_load_idx %arg5[%parallel_loop3A_453] : memref<100000xf32, #tpu.memory_space<vmem>>[vector<16xi32>], vector<16xf32>,
        %parallel_loop3A_455 = arith.index_cast %parallel_loop3A_447 : i32 to index
        %parallel_loop3A_456 = tpu.vector_load %arg7[%parallel_loop3A_455] {strides = array<i32>} : memref<16384xf32, #tpu.memory_space<vmem>>, vector<16xf32>,
        tpu.vector_store %arg7[%parallel_loop3A_455], %parallel_loop3A_454 {add = true, strides = array<i32>} : memref<16384xf32, #tpu.memory_space<vmem>>, vector<16xf32>,
      } {sc.loop_unroll_factor = 8 : i64, sc.parallel_access}
      %dma_wait3A_431 = arith.constant 1 : i32
      %dma_wait3A_432 = arith.constant 0 : i32
      %dma_wait3A_433 = tpu.memref_slice %arg6[%dma_wait3A_431, %dma_wait3A_432] : memref<2x2048xi32, #tpu.memory_space<vmem>> -> memref<1x2048xi32, #tpu.memory_space<vmem>>
      %dma_wait3A_434 = tpu.memref_squeeze %dma_wait3A_433 : memref<1x2048xi32, #tpu.memory_space<vmem>> -> memref<2048xi32, #tpu.memory_space<vmem>>
      %dma_wait3A_435 = tpu.memref_slice %arg8[%add3A_409] : memref<147456xi32, #tpu.memory_space<vmem_shared>> -> memref<2048xi32, #tpu.memory_space<vmem_shared>>
      %dma_wait3A_436 = arith.constant 0 : i32
      %dma_wait3A_437 = tpu.memref_slice %arg6[%dma_wait3A_431, %dma_wait3A_436] : memref<2x2048xi32, #tpu.memory_space<vmem>> -> memref<1x2048xi32, #tpu.memory_space<vmem>>
      %dma_wait3A_438 = tpu.memref_squeeze %dma_wait3A_437 : memref<1x2048xi32, #tpu.memory_space<vmem>> -> memref<2048xi32, #tpu.memory_space<vmem>>
      %dma_wait3A_439 = tpu.memref_slice %arg8[%add3A_409] : memref<147456xi32, #tpu.memory_space<vmem_shared>> -> memref<2048xi32, #tpu.memory_space<vmem_shared>>
      tpu.wait_dma2 semaphore(%arg9 : memref<!tpu.dma_semaphore, #tpu.memory_space<semaphore_mem>>) src(%dma_wait3A_439 : memref<2048xi32, #tpu.memory_space<vmem_shared>>) dst(%dma_wait3A_438 : memref<2048xi32, #tpu.memory_space<vmem>>)
      %parallel_loop3A_440 = arith.constant 0 : i32
      %parallel_loop3A_441 = arith.constant 128 : i32
      %parallel_loop3A_442 = arith.constant 1 : i32
      scf.for %parallel_loop3A_443 = %parallel_loop3A_440 to %parallel_loop3A_441 step %parallel_loop3A_442  : i32 {
        %parallel_loop3A_444 = arith.constant 16 : i32
        %parallel_loop3A_445 = arith.muli %parallel_loop3A_443, %parallel_loop3A_444 : i32
        %parallel_loop3A_446 = arith.constant 14336 : i32
        %parallel_loop3A_447 = arith.addi %parallel_loop3A_446, %parallel_loop3A_445 : i32
        %parallel_loop3A_448 = arith.constant 16 : i32
        %parallel_loop3A_449 = arith.muli %parallel_loop3A_443, %parallel_loop3A_448 : i32
        %parallel_loop3A_450 = arith.constant 1 : i32
        %parallel_loop3A_451 = arith.index_cast %parallel_loop3A_450 : i32 to index
        %parallel_loop3A_452 = arith.index_cast %parallel_loop3A_449 : i32 to index
        %parallel_loop3A_453 = tpu.vector_load %arg6[%parallel_loop3A_451, %parallel_loop3A_452] {strides = array<i32>} : memref<2x2048xi32, #tpu.memory_space<vmem>>, vector<16xi32>,
        %parallel_loop3A_454 = tpu.vector_load_idx %arg5[%parallel_loop3A_453] : memref<100000xf32, #tpu.memory_space<vmem>>[vector<16xi32>], vector<16xf32>,
        %parallel_loop3A_455 = arith.index_cast %parallel_loop3A_447 : i32 to index
        %parallel_loop3A_456 = tpu.vector_load %arg7[%parallel_loop3A_455] {strides = array<i32>} : memref<16384xf32, #tpu.memory_space<vmem>>, vector<16xf32>,
        tpu.vector_store %arg7[%parallel_loop3A_455], %parallel_loop3A_454 {add = true, strides = array<i32>} : memref<16384xf32, #tpu.memory_space<vmem>>, vector<16xf32>,
      } {sc.loop_unroll_factor = 8 : i64, sc.parallel_access}
    }
    %scan3A_224 = arith.constant 9 : i32
    %barrier3A_225 = arith.constant 0 : index
    tpu.barrier barrier_id(%barrier3A_225)
    %mul3A_226 = arith.constant 8192 : i32
    %mul3A_227 = arith.muli %arg1, %mul3A_226 : i32
    %add3A_228 = arith.constant 294912 : i32
    %add3A_229 = arith.addi %add3A_228, %mul3A_227 : i32
    %mul3A_230 = arith.constant 8192 : i32
    %mul3A_231 = arith.muli %arg1, %mul3A_230 : i32
    "tpu.region"() ({
      %run_scoped3A = tpu.sem_alloc : memref<!tpu.dma_semaphore, #tpu.memory_space<semaphore_mem>>
      %dma_start3A_239 = tpu.memref_slice %arg8[%mul3A_231] : memref<147456xi32, #tpu.memory_space<vmem_shared>> -> memref<8192xi32, #tpu.memory_space<vmem_shared>>
      %dma_start3A_240 = tpu.memref_slice %arg3[%add3A_229] : memref<425984xi32, #tpu.memory_space<hbm>> -> memref<8192xi32, #tpu.memory_space<hbm>>
      tpu.enqueue_dma source(%dma_start3A_240 : memref<8192xi32, #tpu.memory_space<hbm>>) target(%dma_start3A_239 : memref<8192xi32, #tpu.memory_space<vmem_shared>>) target_semaphore(%run_scoped3A : memref<!tpu.dma_semaphore, #tpu.memory_space<semaphore_mem>>)
      %dma_wait3A_241 = tpu.memref_slice %arg8[%mul3A_231] : memref<147456xi32, #tpu.memory_space<vmem_shared>> -> memref<8192xi32, #tpu.memory_space<vmem_shared>>
      %dma_wait3A_242 = tpu.memref_slice %arg3[%add3A_229] : memref<425984xi32, #tpu.memory_space<hbm>> -> memref<8192xi32, #tpu.memory_space<hbm>>
      tpu.wait_dma2 semaphore(%run_scoped3A : memref<!tpu.dma_semaphore, #tpu.memory_space<semaphore_mem>>) src(%dma_wait3A_242 : memref<8192xi32, #tpu.memory_space<hbm>>) dst(%dma_wait3A_241 : memref<8192xi32, #tpu.memory_space<vmem_shared>>)
      tpu.yield
    }) : () -> ()
    %barrier3A_232 = arith.constant 0 : index
    tpu.barrier barrier_id(%barrier3A_232)
    %scan3A_233 = arith.constant 0 : i32
    %scan3A_234 = arith.constant 0 : i32
    %scan3A_235 = arith.constant 8 : i32
    %scan3A_236 = arith.addi %scan3A_234, %scan3A_235 : i32
    %scan3A_237 = arith.constant 1 : i32
    scf.for %scan3A_239 = %scan3A_234 to %scan3A_236 step %scan3A_237  : i32 {
      %mul3A_240 = arith.constant 32 : i32
      %mul3A_241 = arith.muli %scan3A_239, %mul3A_240 : i32
      %add3A_242 = arith.constant 576 : i32
      %add3A_243 = arith.addi %add3A_242, %mul3A_241 : i32
      %add3A_244 = arith.addi %add3A_243, %add3A : i32
      "tpu.region"() ({
        %run_scoped3A = tpu.sem_alloc : memref<!tpu.dma_semaphore, #tpu.memory_space<semaphore_mem>>
        %dma_start3A_443 = arith.constant 0 : i32
        %dma_start3A_444 = tpu.memref_slice %arg2[%add3A_244, %dma_start3A_443] : memref<832x100000xf32, #tpu.memory_space<hbm>> -> memref<1x100000xf32, #tpu.memory_space<hbm>>
        %dma_start3A_445 = tpu.memref_squeeze %dma_start3A_444 : memref<1x100000xf32, #tpu.memory_space<hbm>> -> memref<100000xf32, #tpu.memory_space<hbm>>
        %dma_start3A_446 = arith.constant 0 : i32
        %dma_start3A_447 = tpu.memref_slice %arg2[%add3A_244, %dma_start3A_446] : memref<832x100000xf32, #tpu.memory_space<hbm>> -> memref<1x100000xf32, #tpu.memory_space<hbm>>
        %dma_start3A_448 = tpu.memref_squeeze %dma_start3A_447 : memref<1x100000xf32, #tpu.memory_space<hbm>> -> memref<100000xf32, #tpu.memory_space<hbm>>
        tpu.enqueue_dma source(%dma_start3A_448 : memref<100000xf32, #tpu.memory_space<hbm>>) target(%arg5 : memref<100000xf32, #tpu.memory_space<vmem>>) target_semaphore(%run_scoped3A : memref<!tpu.dma_semaphore, #tpu.memory_space<semaphore_mem>>)
        %dma_wait3A_449 = arith.constant 0 : i32
        %dma_wait3A_450 = tpu.memref_slice %arg2[%add3A_244, %dma_wait3A_449] : memref<832x100000xf32, #tpu.memory_space<hbm>> -> memref<1x100000xf32, #tpu.memory_space<hbm>>
        %dma_wait3A_451 = tpu.memref_squeeze %dma_wait3A_450 : memref<1x100000xf32, #tpu.memory_space<hbm>> -> memref<100000xf32, #tpu.memory_space<hbm>>
        %dma_wait3A_452 = arith.constant 0 : i32
        %dma_wait3A_453 = tpu.memref_slice %arg2[%add3A_244, %dma_wait3A_452] : memref<832x100000xf32, #tpu.memory_space<hbm>> -> memref<1x100000xf32, #tpu.memory_space<hbm>>
        %dma_wait3A_454 = tpu.memref_squeeze %dma_wait3A_453 : memref<1x100000xf32, #tpu.memory_space<hbm>> -> memref<100000xf32, #tpu.memory_space<hbm>>
        tpu.wait_dma2 semaphore(%run_scoped3A : memref<!tpu.dma_semaphore, #tpu.memory_space<semaphore_mem>>) src(%dma_wait3A_454 : memref<100000xf32, #tpu.memory_space<hbm>>) dst(%arg5 : memref<100000xf32, #tpu.memory_space<vmem>>)
        tpu.yield
      }) : () -> ()
      %mul3A_245 = arith.constant 16384 : i32
      %mul3A_246 = arith.muli %scan3A_239, %mul3A_245 : i32
      %dma_start3A_247 = arith.constant 0 : i32
      %dma_start3A_248 = arith.constant 0 : i32
      %dma_start3A_249 = tpu.memref_slice %arg6[%dma_start3A_247, %dma_start3A_248] : memref<2x2048xi32, #tpu.memory_space<vmem>> -> memref<1x2048xi32, #tpu.memory_space<vmem>>
      %dma_start3A_250 = tpu.memref_squeeze %dma_start3A_249 : memref<1x2048xi32, #tpu.memory_space<vmem>> -> memref<2048xi32, #tpu.memory_space<vmem>>
      %dma_start3A_251 = tpu.memref_slice %arg8[%mul3A_246] : memref<147456xi32, #tpu.memory_space<vmem_shared>> -> memref<2048xi32, #tpu.memory_space<vmem_shared>>
      %dma_start3A_252 = arith.constant 0 : i32
      %dma_start3A_253 = tpu.memref_slice %arg6[%dma_start3A_247, %dma_start3A_252] : memref<2x2048xi32, #tpu.memory_space<vmem>> -> memref<1x2048xi32, #tpu.memory_space<vmem>>
      %dma_start3A_254 = tpu.memref_squeeze %dma_start3A_253 : memref<1x2048xi32, #tpu.memory_space<vmem>> -> memref<2048xi32, #tpu.memory_space<vmem>>
      %dma_start3A_255 = tpu.memref_slice %arg8[%mul3A_246] : memref<147456xi32, #tpu.memory_space<vmem_shared>> -> memref<2048xi32, #tpu.memory_space<vmem_shared>>
      tpu.enqueue_dma source(%dma_start3A_255 : memref<2048xi32, #tpu.memory_space<vmem_shared>>) target(%dma_start3A_254 : memref<2048xi32, #tpu.memory_space<vmem>>) target_semaphore(%arg9 : memref<!tpu.dma_semaphore, #tpu.memory_space<semaphore_mem>>)
      %mul3A_256 = arith.constant 16384 : i32
      %mul3A_257 = arith.muli %scan3A_239, %mul3A_256 : i32
      %add3A_258 = arith.constant 2048 : i32
      %add3A_259 = arith.addi %mul3A_257, %add3A_258 : i32
      %dma_start3A_260 = arith.constant 1 : i32
      %dma_start3A_261 = arith.constant 0 : i32
      %dma_start3A_262 = tpu.memref_slice %arg6[%dma_start3A_260, %dma_start3A_261] : memref<2x2048xi32, #tpu.memory_space<vmem>> -> memref<1x2048xi32, #tpu.memory_space<vmem>>
      %dma_start3A_263 = tpu.memref_squeeze %dma_start3A_262 : memref<1x2048xi32, #tpu.memory_space<vmem>> -> memref<2048xi32, #tpu.memory_space<vmem>>
      %dma_start3A_264 = tpu.memref_slice %arg8[%add3A_259] : memref<147456xi32, #tpu.memory_space<vmem_shared>> -> memref<2048xi32, #tpu.memory_space<vmem_shared>>
      %dma_start3A_265 = arith.constant 0 : i32
      %dma_start3A_266 = tpu.memref_slice %arg6[%dma_start3A_260, %dma_start3A_265] : memref<2x2048xi32, #tpu.memory_space<vmem>> -> memref<1x2048xi32, #tpu.memory_space<vmem>>
      %dma_start3A_267 = tpu.memref_squeeze %dma_start3A_266 : memref<1x2048xi32, #tpu.memory_space<vmem>> -> memref<2048xi32, #tpu.memory_space<vmem>>
      %dma_start3A_268 = tpu.memref_slice %arg8[%add3A_259] : memref<147456xi32, #tpu.memory_space<vmem_shared>> -> memref<2048xi32, #tpu.memory_space<vmem_shared>>
      tpu.enqueue_dma source(%dma_start3A_268 : memref<2048xi32, #tpu.memory_space<vmem_shared>>) target(%dma_start3A_267 : memref<2048xi32, #tpu.memory_space<vmem>>) target_semaphore(%arg9 : memref<!tpu.dma_semaphore, #tpu.memory_space<semaphore_mem>>)
      %dma_wait3A_269 = arith.constant 0 : i32
      %dma_wait3A_270 = arith.constant 0 : i32
      %dma_wait3A_271 = tpu.memref_slice %arg6[%dma_wait3A_269, %dma_wait3A_270] : memref<2x2048xi32, #tpu.memory_space<vmem>> -> memref<1x2048xi32, #tpu.memory_space<vmem>>
      %dma_wait3A_272 = tpu.memref_squeeze %dma_wait3A_271 : memref<1x2048xi32, #tpu.memory_space<vmem>> -> memref<2048xi32, #tpu.memory_space<vmem>>
      %dma_wait3A_273 = tpu.memref_slice %arg8[%mul3A_246] : memref<147456xi32, #tpu.memory_space<vmem_shared>> -> memref<2048xi32, #tpu.memory_space<vmem_shared>>
      %dma_wait3A_274 = arith.constant 0 : i32
      %dma_wait3A_275 = tpu.memref_slice %arg6[%dma_wait3A_269, %dma_wait3A_274] : memref<2x2048xi32, #tpu.memory_space<vmem>> -> memref<1x2048xi32, #tpu.memory_space<vmem>>
      %dma_wait3A_276 = tpu.memref_squeeze %dma_wait3A_275 : memref<1x2048xi32, #tpu.memory_space<vmem>> -> memref<2048xi32, #tpu.memory_space<vmem>>
      %dma_wait3A_277 = tpu.memref_slice %arg8[%mul3A_246] : memref<147456xi32, #tpu.memory_space<vmem_shared>> -> memref<2048xi32, #tpu.memory_space<vmem_shared>>
      tpu.wait_dma2 semaphore(%arg9 : memref<!tpu.dma_semaphore, #tpu.memory_space<semaphore_mem>>) src(%dma_wait3A_277 : memref<2048xi32, #tpu.memory_space<vmem_shared>>) dst(%dma_wait3A_276 : memref<2048xi32, #tpu.memory_space<vmem>>)
      %parallel_loop3A_278 = arith.constant 0 : i32
      %parallel_loop3A_279 = arith.constant 128 : i32
      %parallel_loop3A_280 = arith.constant 1 : i32
      scf.for %parallel_loop3A_443 = %parallel_loop3A_278 to %parallel_loop3A_279 step %parallel_loop3A_280  : i32 {
        %parallel_loop3A_444 = arith.constant 16 : i32
        %parallel_loop3A_445 = arith.muli %parallel_loop3A_443, %parallel_loop3A_444 : i32
        %parallel_loop3A_446 = arith.constant 0 : i32
        %parallel_loop3A_447 = arith.addi %parallel_loop3A_446, %parallel_loop3A_445 : i32
        %parallel_loop3A_448 = arith.constant 16 : i32
        %parallel_loop3A_449 = arith.muli %parallel_loop3A_443, %parallel_loop3A_448 : i32
        %parallel_loop3A_450 = arith.constant 0 : i32
        %parallel_loop3A_451 = arith.index_cast %parallel_loop3A_450 : i32 to index
        %parallel_loop3A_452 = arith.index_cast %parallel_loop3A_449 : i32 to index
        %parallel_loop3A_453 = tpu.vector_load %arg6[%parallel_loop3A_451, %parallel_loop3A_452] {strides = array<i32>} : memref<2x2048xi32, #tpu.memory_space<vmem>>, vector<16xi32>,
        %parallel_loop3A_454 = tpu.vector_load_idx %arg5[%parallel_loop3A_453] : memref<100000xf32, #tpu.memory_space<vmem>>[vector<16xi32>], vector<16xf32>,
        %parallel_loop3A_455 = arith.index_cast %parallel_loop3A_447 : i32 to index
        %parallel_loop3A_456 = tpu.vector_load %arg7[%parallel_loop3A_455] {strides = array<i32>} : memref<16384xf32, #tpu.memory_space<vmem>>, vector<16xf32>,
        tpu.vector_store %arg7[%parallel_loop3A_455], %parallel_loop3A_454 {add = true, strides = array<i32>} : memref<16384xf32, #tpu.memory_space<vmem>>, vector<16xf32>,
      } {sc.loop_unroll_factor = 8 : i64, sc.parallel_access}
      %mul3A_281 = arith.constant 16384 : i32
      %mul3A_282 = arith.muli %scan3A_239, %mul3A_281 : i32
      %add3A_283 = arith.constant 4096 : i32
      %add3A_284 = arith.addi %mul3A_282, %add3A_283 : i32
      %dma_start3A_285 = arith.constant 0 : i32
      %dma_start3A_286 = arith.constant 0 : i32
      %dma_start3A_287 = tpu.memref_slice %arg6[%dma_start3A_285, %dma_start3A_286] : memref<2x2048xi32, #tpu.memory_space<vmem>> -> memref<1x2048xi32, #tpu.memory_space<vmem>>
      %dma_start3A_288 = tpu.memref_squeeze %dma_start3A_287 : memref<1x2048xi32, #tpu.memory_space<vmem>> -> memref<2048xi32, #tpu.memory_space<vmem>>
      %dma_start3A_289 = tpu.memref_slice %arg8[%add3A_284] : memref<147456xi32, #tpu.memory_space<vmem_shared>> -> memref<2048xi32, #tpu.memory_space<vmem_shared>>
      %dma_start3A_290 = arith.constant 0 : i32
      %dma_start3A_291 = tpu.memref_slice %arg6[%dma_start3A_285, %dma_start3A_290] : memref<2x2048xi32, #tpu.memory_space<vmem>> -> memref<1x2048xi32, #tpu.memory_space<vmem>>
      %dma_start3A_292 = tpu.memref_squeeze %dma_start3A_291 : memref<1x2048xi32, #tpu.memory_space<vmem>> -> memref<2048xi32, #tpu.memory_space<vmem>>
      %dma_start3A_293 = tpu.memref_slice %arg8[%add3A_284] : memref<147456xi32, #tpu.memory_space<vmem_shared>> -> memref<2048xi32, #tpu.memory_space<vmem_shared>>
      tpu.enqueue_dma source(%dma_start3A_293 : memref<2048xi32, #tpu.memory_space<vmem_shared>>) target(%dma_start3A_292 : memref<2048xi32, #tpu.memory_space<vmem>>) target_semaphore(%arg9 : memref<!tpu.dma_semaphore, #tpu.memory_space<semaphore_mem>>)
      %dma_wait3A_294 = arith.constant 1 : i32
      %dma_wait3A_295 = arith.constant 0 : i32
      %dma_wait3A_296 = tpu.memref_slice %arg6[%dma_wait3A_294, %dma_wait3A_295] : memref<2x2048xi32, #tpu.memory_space<vmem>> -> memref<1x2048xi32, #tpu.memory_space<vmem>>
      %dma_wait3A_297 = tpu.memref_squeeze %dma_wait3A_296 : memref<1x2048xi32, #tpu.memory_space<vmem>> -> memref<2048xi32, #tpu.memory_space<vmem>>
      %dma_wait3A_298 = tpu.memref_slice %arg8[%add3A_259] : memref<147456xi32, #tpu.memory_space<vmem_shared>> -> memref<2048xi32, #tpu.memory_space<vmem_shared>>
      %dma_wait3A_299 = arith.constant 0 : i32
      %dma_wait3A_300 = tpu.memref_slice %arg6[%dma_wait3A_294, %dma_wait3A_299] : memref<2x2048xi32, #tpu.memory_space<vmem>> -> memref<1x2048xi32, #tpu.memory_space<vmem>>
      %dma_wait3A_301 = tpu.memref_squeeze %dma_wait3A_300 : memref<1x2048xi32, #tpu.memory_space<vmem>> -> memref<2048xi32, #tpu.memory_space<vmem>>
      %dma_wait3A_302 = tpu.memref_slice %arg8[%add3A_259] : memref<147456xi32, #tpu.memory_space<vmem_shared>> -> memref<2048xi32, #tpu.memory_space<vmem_shared>>
      tpu.wait_dma2 semaphore(%arg9 : memref<!tpu.dma_semaphore, #tpu.memory_space<semaphore_mem>>) src(%dma_wait3A_302 : memref<2048xi32, #tpu.memory_space<vmem_shared>>) dst(%dma_wait3A_301 : memref<2048xi32, #tpu.memory_space<vmem>>)
      %parallel_loop3A_303 = arith.constant 0 : i32
      %parallel_loop3A_304 = arith.constant 128 : i32
      %parallel_loop3A_305 = arith.constant 1 : i32
      scf.for %parallel_loop3A_443 = %parallel_loop3A_303 to %parallel_loop3A_304 step %parallel_loop3A_305  : i32 {
        %parallel_loop3A_444 = arith.constant 16 : i32
        %parallel_loop3A_445 = arith.muli %parallel_loop3A_443, %parallel_loop3A_444 : i32
        %parallel_loop3A_446 = arith.constant 2048 : i32
        %parallel_loop3A_447 = arith.addi %parallel_loop3A_446, %parallel_loop3A_445 : i32
        %parallel_loop3A_448 = arith.constant 16 : i32
        %parallel_loop3A_449 = arith.muli %parallel_loop3A_443, %parallel_loop3A_448 : i32
        %parallel_loop3A_450 = arith.constant 1 : i32
        %parallel_loop3A_451 = arith.index_cast %parallel_loop3A_450 : i32 to index
        %parallel_loop3A_452 = arith.index_cast %parallel_loop3A_449 : i32 to index
        %parallel_loop3A_453 = tpu.vector_load %arg6[%parallel_loop3A_451, %parallel_loop3A_452] {strides = array<i32>} : memref<2x2048xi32, #tpu.memory_space<vmem>>, vector<16xi32>,
        %parallel_loop3A_454 = tpu.vector_load_idx %arg5[%parallel_loop3A_453] : memref<100000xf32, #tpu.memory_space<vmem>>[vector<16xi32>], vector<16xf32>,
        %parallel_loop3A_455 = arith.index_cast %parallel_loop3A_447 : i32 to index
        %parallel_loop3A_456 = tpu.vector_load %arg7[%parallel_loop3A_455] {strides = array<i32>} : memref<16384xf32, #tpu.memory_space<vmem>>, vector<16xf32>,
        tpu.vector_store %arg7[%parallel_loop3A_455], %parallel_loop3A_454 {add = true, strides = array<i32>} : memref<16384xf32, #tpu.memory_space<vmem>>, vector<16xf32>,
      } {sc.loop_unroll_factor = 8 : i64, sc.parallel_access}
      %mul3A_306 = arith.constant 16384 : i32
      %mul3A_307 = arith.muli %scan3A_239, %mul3A_306 : i32
      %add3A_308 = arith.constant 6144 : i32
      %add3A_309 = arith.addi %mul3A_307, %add3A_308 : i32
      %dma_start3A_310 = arith.constant 1 : i32
      %dma_start3A_311 = arith.constant 0 : i32
      %dma_start3A_312 = tpu.memref_slice %arg6[%dma_start3A_310, %dma_start3A_311] : memref<2x2048xi32, #tpu.memory_space<vmem>> -> memref<1x2048xi32, #tpu.memory_space<vmem>>
      %dma_start3A_313 = tpu.memref_squeeze %dma_start3A_312 : memref<1x2048xi32, #tpu.memory_space<vmem>> -> memref<2048xi32, #tpu.memory_space<vmem>>
      %dma_start3A_314 = tpu.memref_slice %arg8[%add3A_309] : memref<147456xi32, #tpu.memory_space<vmem_shared>> -> memref<2048xi32, #tpu.memory_space<vmem_shared>>
      %dma_start3A_315 = arith.constant 0 : i32
      %dma_start3A_316 = tpu.memref_slice %arg6[%dma_start3A_310, %dma_start3A_315] : memref<2x2048xi32, #tpu.memory_space<vmem>> -> memref<1x2048xi32, #tpu.memory_space<vmem>>
      %dma_start3A_317 = tpu.memref_squeeze %dma_start3A_316 : memref<1x2048xi32, #tpu.memory_space<vmem>> -> memref<2048xi32, #tpu.memory_space<vmem>>
      %dma_start3A_318 = tpu.memref_slice %arg8[%add3A_309] : memref<147456xi32, #tpu.memory_space<vmem_shared>> -> memref<2048xi32, #tpu.memory_space<vmem_shared>>
      tpu.enqueue_dma source(%dma_start3A_318 : memref<2048xi32, #tpu.memory_space<vmem_shared>>) target(%dma_start3A_317 : memref<2048xi32, #tpu.memory_space<vmem>>) target_semaphore(%arg9 : memref<!tpu.dma_semaphore, #tpu.memory_space<semaphore_mem>>)
      %dma_wait3A_319 = arith.constant 0 : i32
      %dma_wait3A_320 = arith.constant 0 : i32
      %dma_wait3A_321 = tpu.memref_slice %arg6[%dma_wait3A_319, %dma_wait3A_320] : memref<2x2048xi32, #tpu.memory_space<vmem>> -> memref<1x2048xi32, #tpu.memory_space<vmem>>
      %dma_wait3A_322 = tpu.memref_squeeze %dma_wait3A_321 : memref<1x2048xi32, #tpu.memory_space<vmem>> -> memref<2048xi32, #tpu.memory_space<vmem>>
      %dma_wait3A_323 = tpu.memref_slice %arg8[%add3A_284] : memref<147456xi32, #tpu.memory_space<vmem_shared>> -> memref<2048xi32, #tpu.memory_space<vmem_shared>>
      %dma_wait3A_324 = arith.constant 0 : i32
      %dma_wait3A_325 = tpu.memref_slice %arg6[%dma_wait3A_319, %dma_wait3A_324] : memref<2x2048xi32, #tpu.memory_space<vmem>> -> memref<1x2048xi32, #tpu.memory_space<vmem>>
      %dma_wait3A_326 = tpu.memref_squeeze %dma_wait3A_325 : memref<1x2048xi32, #tpu.memory_space<vmem>> -> memref<2048xi32, #tpu.memory_space<vmem>>
      %dma_wait3A_327 = tpu.memref_slice %arg8[%add3A_284] : memref<147456xi32, #tpu.memory_space<vmem_shared>> -> memref<2048xi32, #tpu.memory_space<vmem_shared>>
      tpu.wait_dma2 semaphore(%arg9 : memref<!tpu.dma_semaphore, #tpu.memory_space<semaphore_mem>>) src(%dma_wait3A_327 : memref<2048xi32, #tpu.memory_space<vmem_shared>>) dst(%dma_wait3A_326 : memref<2048xi32, #tpu.memory_space<vmem>>)
      %parallel_loop3A_328 = arith.constant 0 : i32
      %parallel_loop3A_329 = arith.constant 128 : i32
      %parallel_loop3A_330 = arith.constant 1 : i32
      scf.for %parallel_loop3A_443 = %parallel_loop3A_328 to %parallel_loop3A_329 step %parallel_loop3A_330  : i32 {
        %parallel_loop3A_444 = arith.constant 16 : i32
        %parallel_loop3A_445 = arith.muli %parallel_loop3A_443, %parallel_loop3A_444 : i32
        %parallel_loop3A_446 = arith.constant 4096 : i32
        %parallel_loop3A_447 = arith.addi %parallel_loop3A_446, %parallel_loop3A_445 : i32
        %parallel_loop3A_448 = arith.constant 16 : i32
        %parallel_loop3A_449 = arith.muli %parallel_loop3A_443, %parallel_loop3A_448 : i32
        %parallel_loop3A_450 = arith.constant 0 : i32
        %parallel_loop3A_451 = arith.index_cast %parallel_loop3A_450 : i32 to index
        %parallel_loop3A_452 = arith.index_cast %parallel_loop3A_449 : i32 to index
        %parallel_loop3A_453 = tpu.vector_load %arg6[%parallel_loop3A_451, %parallel_loop3A_452] {strides = array<i32>} : memref<2x2048xi32, #tpu.memory_space<vmem>>, vector<16xi32>,
        %parallel_loop3A_454 = tpu.vector_load_idx %arg5[%parallel_loop3A_453] : memref<100000xf32, #tpu.memory_space<vmem>>[vector<16xi32>], vector<16xf32>,
        %parallel_loop3A_455 = arith.index_cast %parallel_loop3A_447 : i32 to index
        %parallel_loop3A_456 = tpu.vector_load %arg7[%parallel_loop3A_455] {strides = array<i32>} : memref<16384xf32, #tpu.memory_space<vmem>>, vector<16xf32>,
        tpu.vector_store %arg7[%parallel_loop3A_455], %parallel_loop3A_454 {add = true, strides = array<i32>} : memref<16384xf32, #tpu.memory_space<vmem>>, vector<16xf32>,
      } {sc.loop_unroll_factor = 8 : i64, sc.parallel_access}
      %mul3A_331 = arith.constant 16384 : i32
      %mul3A_332 = arith.muli %scan3A_239, %mul3A_331 : i32
      %add3A_333 = arith.constant 8192 : i32
      %add3A_334 = arith.addi %mul3A_332, %add3A_333 : i32
      %dma_start3A_335 = arith.constant 0 : i32
      %dma_start3A_336 = arith.constant 0 : i32
      %dma_start3A_337 = tpu.memref_slice %arg6[%dma_start3A_335, %dma_start3A_336] : memref<2x2048xi32, #tpu.memory_space<vmem>> -> memref<1x2048xi32, #tpu.memory_space<vmem>>
      %dma_start3A_338 = tpu.memref_squeeze %dma_start3A_337 : memref<1x2048xi32, #tpu.memory_space<vmem>> -> memref<2048xi32, #tpu.memory_space<vmem>>
      %dma_start3A_339 = tpu.memref_slice %arg8[%add3A_334] : memref<147456xi32, #tpu.memory_space<vmem_shared>> -> memref<2048xi32, #tpu.memory_space<vmem_shared>>
      %dma_start3A_340 = arith.constant 0 : i32
      %dma_start3A_341 = tpu.memref_slice %arg6[%dma_start3A_335, %dma_start3A_340] : memref<2x2048xi32, #tpu.memory_space<vmem>> -> memref<1x2048xi32, #tpu.memory_space<vmem>>
      %dma_start3A_342 = tpu.memref_squeeze %dma_start3A_341 : memref<1x2048xi32, #tpu.memory_space<vmem>> -> memref<2048xi32, #tpu.memory_space<vmem>>
      %dma_start3A_343 = tpu.memref_slice %arg8[%add3A_334] : memref<147456xi32, #tpu.memory_space<vmem_shared>> -> memref<2048xi32, #tpu.memory_space<vmem_shared>>
      tpu.enqueue_dma source(%dma_start3A_343 : memref<2048xi32, #tpu.memory_space<vmem_shared>>) target(%dma_start3A_342 : memref<2048xi32, #tpu.memory_space<vmem>>) target_semaphore(%arg9 : memref<!tpu.dma_semaphore, #tpu.memory_space<semaphore_mem>>)
      %dma_wait3A_344 = arith.constant 1 : i32
      %dma_wait3A_345 = arith.constant 0 : i32
      %dma_wait3A_346 = tpu.memref_slice %arg6[%dma_wait3A_344, %dma_wait3A_345] : memref<2x2048xi32, #tpu.memory_space<vmem>> -> memref<1x2048xi32, #tpu.memory_space<vmem>>
      %dma_wait3A_347 = tpu.memref_squeeze %dma_wait3A_346 : memref<1x2048xi32, #tpu.memory_space<vmem>> -> memref<2048xi32, #tpu.memory_space<vmem>>
      %dma_wait3A_348 = tpu.memref_slice %arg8[%add3A_309] : memref<147456xi32, #tpu.memory_space<vmem_shared>> -> memref<2048xi32, #tpu.memory_space<vmem_shared>>
      %dma_wait3A_349 = arith.constant 0 : i32
      %dma_wait3A_350 = tpu.memref_slice %arg6[%dma_wait3A_344, %dma_wait3A_349] : memref<2x2048xi32, #tpu.memory_space<vmem>> -> memref<1x2048xi32, #tpu.memory_space<vmem>>
      %dma_wait3A_351 = tpu.memref_squeeze %dma_wait3A_350 : memref<1x2048xi32, #tpu.memory_space<vmem>> -> memref<2048xi32, #tpu.memory_space<vmem>>
      %dma_wait3A_352 = tpu.memref_slice %arg8[%add3A_309] : memref<147456xi32, #tpu.memory_space<vmem_shared>> -> memref<2048xi32, #tpu.memory_space<vmem_shared>>
      tpu.wait_dma2 semaphore(%arg9 : memref<!tpu.dma_semaphore, #tpu.memory_space<semaphore_mem>>) src(%dma_wait3A_352 : memref<2048xi32, #tpu.memory_space<vmem_shared>>) dst(%dma_wait3A_351 : memref<2048xi32, #tpu.memory_space<vmem>>)
      %parallel_loop3A_353 = arith.constant 0 : i32
      %parallel_loop3A_354 = arith.constant 128 : i32
      %parallel_loop3A_355 = arith.constant 1 : i32
      scf.for %parallel_loop3A_443 = %parallel_loop3A_353 to %parallel_loop3A_354 step %parallel_loop3A_355  : i32 {
        %parallel_loop3A_444 = arith.constant 16 : i32
        %parallel_loop3A_445 = arith.muli %parallel_loop3A_443, %parallel_loop3A_444 : i32
        %parallel_loop3A_446 = arith.constant 6144 : i32
        %parallel_loop3A_447 = arith.addi %parallel_loop3A_446, %parallel_loop3A_445 : i32
        %parallel_loop3A_448 = arith.constant 16 : i32
        %parallel_loop3A_449 = arith.muli %parallel_loop3A_443, %parallel_loop3A_448 : i32
        %parallel_loop3A_450 = arith.constant 1 : i32
        %parallel_loop3A_451 = arith.index_cast %parallel_loop3A_450 : i32 to index
        %parallel_loop3A_452 = arith.index_cast %parallel_loop3A_449 : i32 to index
        %parallel_loop3A_453 = tpu.vector_load %arg6[%parallel_loop3A_451, %parallel_loop3A_452] {strides = array<i32>} : memref<2x2048xi32, #tpu.memory_space<vmem>>, vector<16xi32>,
        %parallel_loop3A_454 = tpu.vector_load_idx %arg5[%parallel_loop3A_453] : memref<100000xf32, #tpu.memory_space<vmem>>[vector<16xi32>], vector<16xf32>,
        %parallel_loop3A_455 = arith.index_cast %parallel_loop3A_447 : i32 to index
        %parallel_loop3A_456 = tpu.vector_load %arg7[%parallel_loop3A_455] {strides = array<i32>} : memref<16384xf32, #tpu.memory_space<vmem>>, vector<16xf32>,
        tpu.vector_store %arg7[%parallel_loop3A_455], %parallel_loop3A_454 {add = true, strides = array<i32>} : memref<16384xf32, #tpu.memory_space<vmem>>, vector<16xf32>,
      } {sc.loop_unroll_factor = 8 : i64, sc.parallel_access}
      %mul3A_356 = arith.constant 16384 : i32
      %mul3A_357 = arith.muli %scan3A_239, %mul3A_356 : i32
      %add3A_358 = arith.constant 10240 : i32
      %add3A_359 = arith.addi %mul3A_357, %add3A_358 : i32
      %dma_start3A_360 = arith.constant 1 : i32
      %dma_start3A_361 = arith.constant 0 : i32
      %dma_start3A_362 = tpu.memref_slice %arg6[%dma_start3A_360, %dma_start3A_361] : memref<2x2048xi32, #tpu.memory_space<vmem>> -> memref<1x2048xi32, #tpu.memory_space<vmem>>
      %dma_start3A_363 = tpu.memref_squeeze %dma_start3A_362 : memref<1x2048xi32, #tpu.memory_space<vmem>> -> memref<2048xi32, #tpu.memory_space<vmem>>
      %dma_start3A_364 = tpu.memref_slice %arg8[%add3A_359] : memref<147456xi32, #tpu.memory_space<vmem_shared>> -> memref<2048xi32, #tpu.memory_space<vmem_shared>>
      %dma_start3A_365 = arith.constant 0 : i32
      %dma_start3A_366 = tpu.memref_slice %arg6[%dma_start3A_360, %dma_start3A_365] : memref<2x2048xi32, #tpu.memory_space<vmem>> -> memref<1x2048xi32, #tpu.memory_space<vmem>>
      %dma_start3A_367 = tpu.memref_squeeze %dma_start3A_366 : memref<1x2048xi32, #tpu.memory_space<vmem>> -> memref<2048xi32, #tpu.memory_space<vmem>>
      %dma_start3A_368 = tpu.memref_slice %arg8[%add3A_359] : memref<147456xi32, #tpu.memory_space<vmem_shared>> -> memref<2048xi32, #tpu.memory_space<vmem_shared>>
      tpu.enqueue_dma source(%dma_start3A_368 : memref<2048xi32, #tpu.memory_space<vmem_shared>>) target(%dma_start3A_367 : memref<2048xi32, #tpu.memory_space<vmem>>) target_semaphore(%arg9 : memref<!tpu.dma_semaphore, #tpu.memory_space<semaphore_mem>>)
      %dma_wait3A_369 = arith.constant 0 : i32
      %dma_wait3A_370 = arith.constant 0 : i32
      %dma_wait3A_371 = tpu.memref_slice %arg6[%dma_wait3A_369, %dma_wait3A_370] : memref<2x2048xi32, #tpu.memory_space<vmem>> -> memref<1x2048xi32, #tpu.memory_space<vmem>>
      %dma_wait3A_372 = tpu.memref_squeeze %dma_wait3A_371 : memref<1x2048xi32, #tpu.memory_space<vmem>> -> memref<2048xi32, #tpu.memory_space<vmem>>
      %dma_wait3A_373 = tpu.memref_slice %arg8[%add3A_334] : memref<147456xi32, #tpu.memory_space<vmem_shared>> -> memref<2048xi32, #tpu.memory_space<vmem_shared>>
      %dma_wait3A_374 = arith.constant 0 : i32
      %dma_wait3A_375 = tpu.memref_slice %arg6[%dma_wait3A_369, %dma_wait3A_374] : memref<2x2048xi32, #tpu.memory_space<vmem>> -> memref<1x2048xi32, #tpu.memory_space<vmem>>
      %dma_wait3A_376 = tpu.memref_squeeze %dma_wait3A_375 : memref<1x2048xi32, #tpu.memory_space<vmem>> -> memref<2048xi32, #tpu.memory_space<vmem>>
      %dma_wait3A_377 = tpu.memref_slice %arg8[%add3A_334] : memref<147456xi32, #tpu.memory_space<vmem_shared>> -> memref<2048xi32, #tpu.memory_space<vmem_shared>>
      tpu.wait_dma2 semaphore(%arg9 : memref<!tpu.dma_semaphore, #tpu.memory_space<semaphore_mem>>) src(%dma_wait3A_377 : memref<2048xi32, #tpu.memory_space<vmem_shared>>) dst(%dma_wait3A_376 : memref<2048xi32, #tpu.memory_space<vmem>>)
      %parallel_loop3A_378 = arith.constant 0 : i32
      %parallel_loop3A_379 = arith.constant 128 : i32
      %parallel_loop3A_380 = arith.constant 1 : i32
      scf.for %parallel_loop3A_443 = %parallel_loop3A_378 to %parallel_loop3A_379 step %parallel_loop3A_380  : i32 {
        %parallel_loop3A_444 = arith.constant 16 : i32
        %parallel_loop3A_445 = arith.muli %parallel_loop3A_443, %parallel_loop3A_444 : i32
        %parallel_loop3A_446 = arith.constant 8192 : i32
        %parallel_loop3A_447 = arith.addi %parallel_loop3A_446, %parallel_loop3A_445 : i32
        %parallel_loop3A_448 = arith.constant 16 : i32
        %parallel_loop3A_449 = arith.muli %parallel_loop3A_443, %parallel_loop3A_448 : i32
        %parallel_loop3A_450 = arith.constant 0 : i32
        %parallel_loop3A_451 = arith.index_cast %parallel_loop3A_450 : i32 to index
        %parallel_loop3A_452 = arith.index_cast %parallel_loop3A_449 : i32 to index
        %parallel_loop3A_453 = tpu.vector_load %arg6[%parallel_loop3A_451, %parallel_loop3A_452] {strides = array<i32>} : memref<2x2048xi32, #tpu.memory_space<vmem>>, vector<16xi32>,
        %parallel_loop3A_454 = tpu.vector_load_idx %arg5[%parallel_loop3A_453] : memref<100000xf32, #tpu.memory_space<vmem>>[vector<16xi32>], vector<16xf32>,
        %parallel_loop3A_455 = arith.index_cast %parallel_loop3A_447 : i32 to index
        %parallel_loop3A_456 = tpu.vector_load %arg7[%parallel_loop3A_455] {strides = array<i32>} : memref<16384xf32, #tpu.memory_space<vmem>>, vector<16xf32>,
        tpu.vector_store %arg7[%parallel_loop3A_455], %parallel_loop3A_454 {add = true, strides = array<i32>} : memref<16384xf32, #tpu.memory_space<vmem>>, vector<16xf32>,
      } {sc.loop_unroll_factor = 8 : i64, sc.parallel_access}
      %mul3A_381 = arith.constant 16384 : i32
      %mul3A_382 = arith.muli %scan3A_239, %mul3A_381 : i32
      %add3A_383 = arith.constant 12288 : i32
      %add3A_384 = arith.addi %mul3A_382, %add3A_383 : i32
      %dma_start3A_385 = arith.constant 0 : i32
      %dma_start3A_386 = arith.constant 0 : i32
      %dma_start3A_387 = tpu.memref_slice %arg6[%dma_start3A_385, %dma_start3A_386] : memref<2x2048xi32, #tpu.memory_space<vmem>> -> memref<1x2048xi32, #tpu.memory_space<vmem>>
      %dma_start3A_388 = tpu.memref_squeeze %dma_start3A_387 : memref<1x2048xi32, #tpu.memory_space<vmem>> -> memref<2048xi32, #tpu.memory_space<vmem>>
      %dma_start3A_389 = tpu.memref_slice %arg8[%add3A_384] : memref<147456xi32, #tpu.memory_space<vmem_shared>> -> memref<2048xi32, #tpu.memory_space<vmem_shared>>
      %dma_start3A_390 = arith.constant 0 : i32
      %dma_start3A_391 = tpu.memref_slice %arg6[%dma_start3A_385, %dma_start3A_390] : memref<2x2048xi32, #tpu.memory_space<vmem>> -> memref<1x2048xi32, #tpu.memory_space<vmem>>
      %dma_start3A_392 = tpu.memref_squeeze %dma_start3A_391 : memref<1x2048xi32, #tpu.memory_space<vmem>> -> memref<2048xi32, #tpu.memory_space<vmem>>
      %dma_start3A_393 = tpu.memref_slice %arg8[%add3A_384] : memref<147456xi32, #tpu.memory_space<vmem_shared>> -> memref<2048xi32, #tpu.memory_space<vmem_shared>>
      tpu.enqueue_dma source(%dma_start3A_393 : memref<2048xi32, #tpu.memory_space<vmem_shared>>) target(%dma_start3A_392 : memref<2048xi32, #tpu.memory_space<vmem>>) target_semaphore(%arg9 : memref<!tpu.dma_semaphore, #tpu.memory_space<semaphore_mem>>)
      %dma_wait3A_394 = arith.constant 1 : i32
      %dma_wait3A_395 = arith.constant 0 : i32
      %dma_wait3A_396 = tpu.memref_slice %arg6[%dma_wait3A_394, %dma_wait3A_395] : memref<2x2048xi32, #tpu.memory_space<vmem>> -> memref<1x2048xi32, #tpu.memory_space<vmem>>
      %dma_wait3A_397 = tpu.memref_squeeze %dma_wait3A_396 : memref<1x2048xi32, #tpu.memory_space<vmem>> -> memref<2048xi32, #tpu.memory_space<vmem>>
      %dma_wait3A_398 = tpu.memref_slice %arg8[%add3A_359] : memref<147456xi32, #tpu.memory_space<vmem_shared>> -> memref<2048xi32, #tpu.memory_space<vmem_shared>>
      %dma_wait3A_399 = arith.constant 0 : i32
      %dma_wait3A_400 = tpu.memref_slice %arg6[%dma_wait3A_394, %dma_wait3A_399] : memref<2x2048xi32, #tpu.memory_space<vmem>> -> memref<1x2048xi32, #tpu.memory_space<vmem>>
      %dma_wait3A_401 = tpu.memref_squeeze %dma_wait3A_400 : memref<1x2048xi32, #tpu.memory_space<vmem>> -> memref<2048xi32, #tpu.memory_space<vmem>>
      %dma_wait3A_402 = tpu.memref_slice %arg8[%add3A_359] : memref<147456xi32, #tpu.memory_space<vmem_shared>> -> memref<2048xi32, #tpu.memory_space<vmem_shared>>
      tpu.wait_dma2 semaphore(%arg9 : memref<!tpu.dma_semaphore, #tpu.memory_space<semaphore_mem>>) src(%dma_wait3A_402 : memref<2048xi32, #tpu.memory_space<vmem_shared>>) dst(%dma_wait3A_401 : memref<2048xi32, #tpu.memory_space<vmem>>)
      %parallel_loop3A_403 = arith.constant 0 : i32
      %parallel_loop3A_404 = arith.constant 128 : i32
      %parallel_loop3A_405 = arith.constant 1 : i32
      scf.for %parallel_loop3A_443 = %parallel_loop3A_403 to %parallel_loop3A_404 step %parallel_loop3A_405  : i32 {
        %parallel_loop3A_444 = arith.constant 16 : i32
        %parallel_loop3A_445 = arith.muli %parallel_loop3A_443, %parallel_loop3A_444 : i32
        %parallel_loop3A_446 = arith.constant 10240 : i32
        %parallel_loop3A_447 = arith.addi %parallel_loop3A_446, %parallel_loop3A_445 : i32
        %parallel_loop3A_448 = arith.constant 16 : i32
        %parallel_loop3A_449 = arith.muli %parallel_loop3A_443, %parallel_loop3A_448 : i32
        %parallel_loop3A_450 = arith.constant 1 : i32
        %parallel_loop3A_451 = arith.index_cast %parallel_loop3A_450 : i32 to index
        %parallel_loop3A_452 = arith.index_cast %parallel_loop3A_449 : i32 to index
        %parallel_loop3A_453 = tpu.vector_load %arg6[%parallel_loop3A_451, %parallel_loop3A_452] {strides = array<i32>} : memref<2x2048xi32, #tpu.memory_space<vmem>>, vector<16xi32>,
        %parallel_loop3A_454 = tpu.vector_load_idx %arg5[%parallel_loop3A_453] : memref<100000xf32, #tpu.memory_space<vmem>>[vector<16xi32>], vector<16xf32>,
        %parallel_loop3A_455 = arith.index_cast %parallel_loop3A_447 : i32 to index
        %parallel_loop3A_456 = tpu.vector_load %arg7[%parallel_loop3A_455] {strides = array<i32>} : memref<16384xf32, #tpu.memory_space<vmem>>, vector<16xf32>,
        tpu.vector_store %arg7[%parallel_loop3A_455], %parallel_loop3A_454 {add = true, strides = array<i32>} : memref<16384xf32, #tpu.memory_space<vmem>>, vector<16xf32>,
      } {sc.loop_unroll_factor = 8 : i64, sc.parallel_access}
      %mul3A_406 = arith.constant 16384 : i32
      %mul3A_407 = arith.muli %scan3A_239, %mul3A_406 : i32
      %add3A_408 = arith.constant 14336 : i32
      %add3A_409 = arith.addi %mul3A_407, %add3A_408 : i32
      %dma_start3A_410 = arith.constant 1 : i32
      %dma_start3A_411 = arith.constant 0 : i32
      %dma_start3A_412 = tpu.memref_slice %arg6[%dma_start3A_410, %dma_start3A_411] : memref<2x2048xi32, #tpu.memory_space<vmem>> -> memref<1x2048xi32, #tpu.memory_space<vmem>>
      %dma_start3A_413 = tpu.memref_squeeze %dma_start3A_412 : memref<1x2048xi32, #tpu.memory_space<vmem>> -> memref<2048xi32, #tpu.memory_space<vmem>>
      %dma_start3A_414 = tpu.memref_slice %arg8[%add3A_409] : memref<147456xi32, #tpu.memory_space<vmem_shared>> -> memref<2048xi32, #tpu.memory_space<vmem_shared>>
      %dma_start3A_415 = arith.constant 0 : i32
      %dma_start3A_416 = tpu.memref_slice %arg6[%dma_start3A_410, %dma_start3A_415] : memref<2x2048xi32, #tpu.memory_space<vmem>> -> memref<1x2048xi32, #tpu.memory_space<vmem>>
      %dma_start3A_417 = tpu.memref_squeeze %dma_start3A_416 : memref<1x2048xi32, #tpu.memory_space<vmem>> -> memref<2048xi32, #tpu.memory_space<vmem>>
      %dma_start3A_418 = tpu.memref_slice %arg8[%add3A_409] : memref<147456xi32, #tpu.memory_space<vmem_shared>> -> memref<2048xi32, #tpu.memory_space<vmem_shared>>
      tpu.enqueue_dma source(%dma_start3A_418 : memref<2048xi32, #tpu.memory_space<vmem_shared>>) target(%dma_start3A_417 : memref<2048xi32, #tpu.memory_space<vmem>>) target_semaphore(%arg9 : memref<!tpu.dma_semaphore, #tpu.memory_space<semaphore_mem>>)
      %dma_wait3A_419 = arith.constant 0 : i32
      %dma_wait3A_420 = arith.constant 0 : i32
      %dma_wait3A_421 = tpu.memref_slice %arg6[%dma_wait3A_419, %dma_wait3A_420] : memref<2x2048xi32, #tpu.memory_space<vmem>> -> memref<1x2048xi32, #tpu.memory_space<vmem>>
      %dma_wait3A_422 = tpu.memref_squeeze %dma_wait3A_421 : memref<1x2048xi32, #tpu.memory_space<vmem>> -> memref<2048xi32, #tpu.memory_space<vmem>>
      %dma_wait3A_423 = tpu.memref_slice %arg8[%add3A_384] : memref<147456xi32, #tpu.memory_space<vmem_shared>> -> memref<2048xi32, #tpu.memory_space<vmem_shared>>
      %dma_wait3A_424 = arith.constant 0 : i32
      %dma_wait3A_425 = tpu.memref_slice %arg6[%dma_wait3A_419, %dma_wait3A_424] : memref<2x2048xi32, #tpu.memory_space<vmem>> -> memref<1x2048xi32, #tpu.memory_space<vmem>>
      %dma_wait3A_426 = tpu.memref_squeeze %dma_wait3A_425 : memref<1x2048xi32, #tpu.memory_space<vmem>> -> memref<2048xi32, #tpu.memory_space<vmem>>
      %dma_wait3A_427 = tpu.memref_slice %arg8[%add3A_384] : memref<147456xi32, #tpu.memory_space<vmem_shared>> -> memref<2048xi32, #tpu.memory_space<vmem_shared>>
      tpu.wait_dma2 semaphore(%arg9 : memref<!tpu.dma_semaphore, #tpu.memory_space<semaphore_mem>>) src(%dma_wait3A_427 : memref<2048xi32, #tpu.memory_space<vmem_shared>>) dst(%dma_wait3A_426 : memref<2048xi32, #tpu.memory_space<vmem>>)
      %parallel_loop3A_428 = arith.constant 0 : i32
      %parallel_loop3A_429 = arith.constant 128 : i32
      %parallel_loop3A_430 = arith.constant 1 : i32
      scf.for %parallel_loop3A_443 = %parallel_loop3A_428 to %parallel_loop3A_429 step %parallel_loop3A_430  : i32 {
        %parallel_loop3A_444 = arith.constant 16 : i32
        %parallel_loop3A_445 = arith.muli %parallel_loop3A_443, %parallel_loop3A_444 : i32
        %parallel_loop3A_446 = arith.constant 12288 : i32
        %parallel_loop3A_447 = arith.addi %parallel_loop3A_446, %parallel_loop3A_445 : i32
        %parallel_loop3A_448 = arith.constant 16 : i32
        %parallel_loop3A_449 = arith.muli %parallel_loop3A_443, %parallel_loop3A_448 : i32
        %parallel_loop3A_450 = arith.constant 0 : i32
        %parallel_loop3A_451 = arith.index_cast %parallel_loop3A_450 : i32 to index
        %parallel_loop3A_452 = arith.index_cast %parallel_loop3A_449 : i32 to index
        %parallel_loop3A_453 = tpu.vector_load %arg6[%parallel_loop3A_451, %parallel_loop3A_452] {strides = array<i32>} : memref<2x2048xi32, #tpu.memory_space<vmem>>, vector<16xi32>,
        %parallel_loop3A_454 = tpu.vector_load_idx %arg5[%parallel_loop3A_453] : memref<100000xf32, #tpu.memory_space<vmem>>[vector<16xi32>], vector<16xf32>,
        %parallel_loop3A_455 = arith.index_cast %parallel_loop3A_447 : i32 to index
        %parallel_loop3A_456 = tpu.vector_load %arg7[%parallel_loop3A_455] {strides = array<i32>} : memref<16384xf32, #tpu.memory_space<vmem>>, vector<16xf32>,
        tpu.vector_store %arg7[%parallel_loop3A_455], %parallel_loop3A_454 {add = true, strides = array<i32>} : memref<16384xf32, #tpu.memory_space<vmem>>, vector<16xf32>,
      } {sc.loop_unroll_factor = 8 : i64, sc.parallel_access}
      %dma_wait3A_431 = arith.constant 1 : i32
      %dma_wait3A_432 = arith.constant 0 : i32
      %dma_wait3A_433 = tpu.memref_slice %arg6[%dma_wait3A_431, %dma_wait3A_432] : memref<2x2048xi32, #tpu.memory_space<vmem>> -> memref<1x2048xi32, #tpu.memory_space<vmem>>
      %dma_wait3A_434 = tpu.memref_squeeze %dma_wait3A_433 : memref<1x2048xi32, #tpu.memory_space<vmem>> -> memref<2048xi32, #tpu.memory_space<vmem>>
      %dma_wait3A_435 = tpu.memref_slice %arg8[%add3A_409] : memref<147456xi32, #tpu.memory_space<vmem_shared>> -> memref<2048xi32, #tpu.memory_space<vmem_shared>>
      %dma_wait3A_436 = arith.constant 0 : i32
      %dma_wait3A_437 = tpu.memref_slice %arg6[%dma_wait3A_431, %dma_wait3A_436] : memref<2x2048xi32, #tpu.memory_space<vmem>> -> memref<1x2048xi32, #tpu.memory_space<vmem>>
      %dma_wait3A_438 = tpu.memref_squeeze %dma_wait3A_437 : memref<1x2048xi32, #tpu.memory_space<vmem>> -> memref<2048xi32, #tpu.memory_space<vmem>>
      %dma_wait3A_439 = tpu.memref_slice %arg8[%add3A_409] : memref<147456xi32, #tpu.memory_space<vmem_shared>> -> memref<2048xi32, #tpu.memory_space<vmem_shared>>
      tpu.wait_dma2 semaphore(%arg9 : memref<!tpu.dma_semaphore, #tpu.memory_space<semaphore_mem>>) src(%dma_wait3A_439 : memref<2048xi32, #tpu.memory_space<vmem_shared>>) dst(%dma_wait3A_438 : memref<2048xi32, #tpu.memory_space<vmem>>)
      %parallel_loop3A_440 = arith.constant 0 : i32
      %parallel_loop3A_441 = arith.constant 128 : i32
      %parallel_loop3A_442 = arith.constant 1 : i32
      scf.for %parallel_loop3A_443 = %parallel_loop3A_440 to %parallel_loop3A_441 step %parallel_loop3A_442  : i32 {
        %parallel_loop3A_444 = arith.constant 16 : i32
        %parallel_loop3A_445 = arith.muli %parallel_loop3A_443, %parallel_loop3A_444 : i32
        %parallel_loop3A_446 = arith.constant 14336 : i32
        %parallel_loop3A_447 = arith.addi %parallel_loop3A_446, %parallel_loop3A_445 : i32
        %parallel_loop3A_448 = arith.constant 16 : i32
        %parallel_loop3A_449 = arith.muli %parallel_loop3A_443, %parallel_loop3A_448 : i32
        %parallel_loop3A_450 = arith.constant 1 : i32
        %parallel_loop3A_451 = arith.index_cast %parallel_loop3A_450 : i32 to index
        %parallel_loop3A_452 = arith.index_cast %parallel_loop3A_449 : i32 to index
        %parallel_loop3A_453 = tpu.vector_load %arg6[%parallel_loop3A_451, %parallel_loop3A_452] {strides = array<i32>} : memref<2x2048xi32, #tpu.memory_space<vmem>>, vector<16xi32>,
        %parallel_loop3A_454 = tpu.vector_load_idx %arg5[%parallel_loop3A_453] : memref<100000xf32, #tpu.memory_space<vmem>>[vector<16xi32>], vector<16xf32>,
        %parallel_loop3A_455 = arith.index_cast %parallel_loop3A_447 : i32 to index
        %parallel_loop3A_456 = tpu.vector_load %arg7[%parallel_loop3A_455] {strides = array<i32>} : memref<16384xf32, #tpu.memory_space<vmem>>, vector<16xf32>,
        tpu.vector_store %arg7[%parallel_loop3A_455], %parallel_loop3A_454 {add = true, strides = array<i32>} : memref<16384xf32, #tpu.memory_space<vmem>>, vector<16xf32>,
      } {sc.loop_unroll_factor = 8 : i64, sc.parallel_access}
    }
    %scan3A_238 = arith.constant 8 : i32
    "tpu.region"() ({
      %run_scoped3A = tpu.sem_alloc : memref<!tpu.dma_semaphore, #tpu.memory_space<semaphore_mem>>
      %dma_start3A_239 = arith.constant 0 : i32
      %dma_start3A_240 = tpu.memref_slice %arg4[%add3A, %dma_start3A_239] : memref<32x16384xf32, #tpu.memory_space<hbm>> -> memref<1x16384xf32, #tpu.memory_space<hbm>>
      %dma_start3A_241 = tpu.memref_squeeze %dma_start3A_240 : memref<1x16384xf32, #tpu.memory_space<hbm>> -> memref<16384xf32, #tpu.memory_space<hbm>>
      %dma_start3A_242 = arith.constant 0 : i32
      %dma_start3A_243 = tpu.memref_slice %arg4[%add3A, %dma_start3A_242] : memref<32x16384xf32, #tpu.memory_space<hbm>> -> memref<1x16384xf32, #tpu.memory_space<hbm>>
      %dma_start3A_244 = tpu.memref_squeeze %dma_start3A_243 : memref<1x16384xf32, #tpu.memory_space<hbm>> -> memref<16384xf32, #tpu.memory_space<hbm>>
      tpu.enqueue_dma source(%arg7 : memref<16384xf32, #tpu.memory_space<vmem>>) target(%dma_start3A_244 : memref<16384xf32, #tpu.memory_space<hbm>>) target_semaphore(%run_scoped3A : memref<!tpu.dma_semaphore, #tpu.memory_space<semaphore_mem>>)
      %dma_wait3A_245 = arith.constant 0 : i32
      %dma_wait3A_246 = tpu.memref_slice %arg4[%add3A, %dma_wait3A_245] : memref<32x16384xf32, #tpu.memory_space<hbm>> -> memref<1x16384xf32, #tpu.memory_space<hbm>>
      %dma_wait3A_247 = tpu.memref_squeeze %dma_wait3A_246 : memref<1x16384xf32, #tpu.memory_space<hbm>> -> memref<16384xf32, #tpu.memory_space<hbm>>
      %dma_wait3A_248 = arith.constant 0 : i32
      %dma_wait3A_249 = tpu.memref_slice %arg4[%add3A, %dma_wait3A_248] : memref<32x16384xf32, #tpu.memory_space<hbm>> -> memref<1x16384xf32, #tpu.memory_space<hbm>>
      %dma_wait3A_250 = tpu.memref_squeeze %dma_wait3A_249 : memref<1x16384xf32, #tpu.memory_space<hbm>> -> memref<16384xf32, #tpu.memory_space<hbm>>
      tpu.wait_dma2 semaphore(%run_scoped3A : memref<!tpu.dma_semaphore, #tpu.memory_space<semaphore_mem>>) src(%arg7 : memref<16384xf32, #tpu.memory_space<vmem>>) dst(%dma_wait3A_250 : memref<16384xf32, #tpu.memory_space<hbm>>)
      tpu.yield
    }) : () -> ()
    return
  }
}

</mosaic_0001>

<sc_bundles>
// kernel: kernel.3.cloned.1.call-start
scs
__scs_entry_jumppad:
0x0: {  	(pc) =	sbr.rel $0x88, $3  }
0x1: {  	(tag) =	ssettag $0x0;
	lr =	simm.s32 $0x1  }
0x2: {  	[smem:$0x3F9F] =	sst lr;
	_ =	strace $0xD0000000  }
0x3: {  	_ = 	snop  }
0x4: {  	_ = 	snop  }
0x5: {  	_ = 	snop  }
0x6: {  	_ = 	snop  }
0x7: {  	_ = 	snop  }
__scs_overlays_trampoline_lowered:
0x8: {  	[smem:$0x3FAE] =	sst s0  }
0x9: {  	[smem:$0x3FAF] =	sst s1  }
0xa: {  	[smem:$0x3FB0] =	sst s2  }
0xb: {  	[smem:$0x3FB1] =	sst s3  }
0xc: {  	[smem:$0x3FB2] =	sst s4  }
0xd: {  	[smem:$0x3FB3] =	sst s5  }
0xe: {  	[smem:$0x3FB4] =	sst s6  }
0xf: {  	[smem:$0x3FB5] =	sst s7  }
0x10: {  	[smem:$0x3FB6] =	sst s8  }
0x11: {  	[smem:$0x3FB7] =	sst s9;
	s0 =	simm.s32 @!p0 $0x0  }
0x12: {  	s1 =	sld [smem:$0x3F9D];
	s0 =	simm.s32 @p0 $0x1  }
0x13: {  	[smem:$0x3FB8] =	sst s0;
	s0 =	simm.s32 @!p1 $0x0  }
0x14: {  	s2 =	sld [smem:$0x3F9C];
	s0 =	simm.s32 @p1 $0x1  }
0x15: {  	[smem:$0x3FB9] =	sst s0;
	s0 =	simm.s32 @!p2 $0x0  }
0x16: {  	s3 =	sld [smem:$0x3FDB];
	s0 =	simm.s32 @p2 $0x1  }
0x17: {  	s4 =	simm.s32 $0x1BF5;
	[smem:$0x3FBB] =	sst s0  }
0x18: {  	s0 =	sld [smem:$0x3F9E];
	_ =	swait.ge [sflag:s4], $0x0  }
0x19: {  	s7 =	sld [smem:$0x3F9F]  }
0x1a: {  	s8 =	sadd.s32 $0xFFFFE003, lr  }
0x1b: {  	s9 =	sadd.s32 $0xFFFFFEF7, lr;
	s5 =	simm.s32 $0xFFFFFFFF;
	p2 =	slt.u32 s8, $0xFFFFF086  }
0x1c: {  	p1 =	slt.u32 s9, $0xF7A;
	s5 =	simm.s32 @!p2 $0x0  }
0x1d: {  	s5 =	simm.s32 @p1 $0x1;
	p0 =	seq.s32 s7, s2  }
0x1e: {  	s7 =	smul.u32 @!p0 $0xF7A, s2;
	p2 =	seq.s32 @!p0 s5, $0x0  }
0x1f: {  	s9 =	smul.u32 $0xF7A, s1;
	s8 =	simm.s32 @!p0 $0x1BF5;
	p2 =	por !p2, p0  }
0x20: {  	[sflag:s8] =	ssyncset.s32 @!p0 $0xFFFFF086;
	s6 =	sadd.s32 @!p0 s3, s7;
	s7 =	simm.s32 @!p0 $0x108  }
0x21: {  	s3 =	sadd.s32 s3, s9;
	s6 =	sadd.s32 @!p0 $0x88, s6;
	s7 =	simm.s32 @p2 $0x1082  }
0x22: {  	[simem:s7], [sflag:s8] =	dma.local @!p0 [hbm:s6], $0xF7A  }
0x23: {  	s9 =	sor.u32 $0xD0000000, s2;
	s6 =	simm.s32 $0x108;
	_ =	swait.ge @!p0 [sflag:s8], $0x0  }
0x24: {  	s3 =	sadd.s32 $0x88, s3;
	s6 =	simm.s32 @!p1 $0x1082;
	[sflag:s4] =	ssyncset.s32 $0xFFFFF086  }
0x25: {  	[simem:s6], [sflag:s4] =	dma.local [hbm:s3], $0xF7A  }
0x26: {  	[smem:$0x3F9F] =	sst s1;
	(tag) =	ssettag s2;
	_ =	strace s9  }
0x27: {  	s1 =	sld [smem:$0x3FAF]  }
0x28: {  	s2 =	sld [smem:$0x3FB0]  }
0x29: {  	s4 =	sld [smem:$0x3FB2]  }
0x2a: {  	p0 =	seq.s32 s5, $0x0;
	s5 =	sld [smem:$0x3FB3]  }
0x2b: {  	s6 =	sld [smem:$0x3FB4]  }
0x2c: {  	s7 =	sld [smem:$0x3FB5]  }
0x2d: {  	s3 =	simm.s32 $0x108;
	s8 =	sld [smem:$0x3FB6]  }
0x2e: {  	s3 =	simm.s32 @!p0 $0x1082;
	s9 =	sld [smem:$0x3FB7]  }
0x2f: {  	lr =	sadd.s32 s0, s3;
	s0 =	sld [smem:$0x3FAE]  }
0x30: {  	s3 =	sld [smem:$0x3FB1]  }
0x31: {  	[smem:$0x3FBA] =	sst s10  }
0x32: {  	s10 =	sld [smem:$0x3FB8];
	_ =	sdelay $0x3  }
0x33: {  	p0 =	seq.s32 s10, $0x1;
	s10 =	sld [smem:$0x3FBA];
	_ =	sdelay $0x3  }
0x34: {  	[smem:$0x3FBA] =	sst s10  }
0x35: {  	s10 =	sld [smem:$0x3FB9];
	_ =	sdelay $0x3  }
0x36: {  	p1 =	seq.s32 s10, $0x1;
	s10 =	sld [smem:$0x3FBA];
	_ =	sdelay $0x3  }
0x37: {  	[smem:$0x3FBA] =	sst s10  }
0x38: {  	s10 =	sld [smem:$0x3FBB]  }
0x39: {  	_ = 	snop;
	(pc) =	sbr.ind lr, $3  }
0x3a: {  	_ = 	snop  }
0x3b: {  	_ = 	snop  }
0x3c: {  	p2 =	seq.s32 s10, $0x1;
	s10 =	sld [smem:$0x3FBA]  }
0x3d: {  	_ =	shalt  }
0x3e: {  	_ =	shalt  }
0x3f: {  	_ =	shalt  }
0x40: {  	_ =	shalt  }
0x41: {  	_ =	shalt  }
0x42: {  	_ =	shalt  }
0x43: {  	_ =	shalt  }
0x44: {  	_ =	shalt  }
0x45: {  	_ =	shalt  }
0x46: {  	_ =	shalt  }
0x47: {  	_ =	shalt  }
0x48: {  	_ =	shalt  }
0x49: {  	_ =	shalt  }
0x4a: {  	_ =	shalt  }
0x4b: {  	_ =	shalt  }
0x4c: {  	_ =	shalt  }
0x4d: {  	_ =	shalt  }
0x4e: {  	_ =	shalt  }
0x4f: {  	_ =	shalt  }
0x50: {  	_ =	shalt  }
0x51: {  	_ =	shalt  }
0x52: {  	_ =	shalt  }
0x53: {  	_ =	shalt  }
0x54: {  	_ =	shalt  }
0x55: {  	_ =	shalt  }
0x56: {  	_ =	shalt  }
0x57: {  	_ =	shalt  }
0x58: {  	_ =	shalt  }
0x59: {  	_ =	shalt  }
0x5a: {  	_ =	shalt  }
0x5b: {  	_ =	shalt  }
0x5c: {  	_ =	shalt  }
0x5d: {  	_ =	shalt  }
0x5e: {  	_ =	shalt  }
0x5f: {  	_ =	shalt  }
0x60: {  	_ =	shalt  }
0x61: {  	_ =	shalt  }
0x62: {  	_ =	shalt  }
0x63: {  	_ =	shalt  }
0x64: {  	_ =	shalt  }
0x65: {  	_ =	shalt  }
0x66: {  	_ =	shalt  }
0x67: {  	_ =	shalt  }
0x68: {  	_ =	shalt  }
0x69: {  	_ =	shalt  }
0x6a: {  	_ =	shalt  }
0x6b: {  	_ =	shalt  }
0x6c: {  	_ =	shalt  }
0x6d: {  	_ =	shalt  }
0x6e: {  	_ =	shalt  }
0x6f: {  	_ =	shalt  }
0x70: {  	_ =	shalt  }
0x71: {  	_ =	shalt  }
0x72: {  	_ =	shalt  }
0x73: {  	_ =	shalt  }
0x74: {  	_ =	shalt  }
0x75: {  	_ =	shalt  }
0x76: {  	_ =	shalt  }
0x77: {  	_ =	shalt  }
0x78: {  	_ =	shalt  }
0x79: {  	_ =	shalt  }
0x7a: {  	_ =	shalt  }
0x7b: {  	_ =	shalt  }
0x7c: {  	_ =	shalt  }
0x7d: {  	_ =	shalt  }
0x7e: {  	_ =	shalt  }
0x7f: {  	_ =	shalt  }
0x80: {  	_ =	shalt  }
0x81: {  	_ =	shalt  }
0x82: {  	_ =	shalt  }
0x83: {  	_ =	shalt  }
0x84: {  	_ =	shalt  }
0x85: {  	_ =	shalt  }
0x86: {  	_ =	shalt  }
0x87: {  	_ =	shalt  }
.Lfunc_end0:
.L_simem_size_0:
called_computation_lowered:
.L_overlay_start_0:
0x88: {  	s2 =	sld [smem:$0x3FD9]  }
0x89: {  	s3 =	sld [smem:$0x3FFE];
	_ =	sdelay $0x1  }
0x8a: {  	s1 =	srdreg.scid  }
0x8b: {  	s0 =	sand.u32 $0x1, s1  }
0x8c: {  	s17 =	sshll.u32 s0, $0xA;
	s2 =	sadd.s32 s3, s2  }
0x8d: {  	s2 =	sadd.s32 s2, s17  }
0x8e: {  	[smem:$0x3FC6] =	sst s2  }
0x8f: {  	_ = 	snop  }
0x90: {  	s2 =	sld [smem:$0x3FC8]  }
0x91: {  	s18 =	sld [smem:$0x3FD0];
	(tm) =	ssettm $0x1  }
0x92: {  	s4 =	sld [smem:$0x3FFB];
	_ =	sdelay $0x3  }
0x93: {  	_ =	strace s4  }
0x94: {  	s4 =	sld [smem:$0x3FFC];
	_ =	sdelay $0x3  }
0x95: {  	_ =	strace s4  }
0x96: {  	s4 =	sld [smem:$0x3FFD];
	_ =	sdelay $0x3  }
0x97: {  	_ =	strace s4  }
0x98: {  	_ =	strace $0x8FFFFFFF  }
0x99: {  	s19 =	sld [smem:$0x3FDB];
	_ =	sdelay $0x1  }
0x9a: {  	s5 =	simm.s32 $_scs_section_size  }
0x9b: {  	s6 =	simm.s32 $_size__tile_overlayer_lowered;
	s7 =	simm.s32 $_tile_overlayer_lowered  }
0x9c: {  	s22 =	simm.s32 $0x1BFF;
	s21 =	sshll.u32 s7, $0x1;
	s4 =	sadd.s32 s5, s19  }
0x9d: {  	s8 =	simm.s32 $0x0;
	s20 =	sshll.u32 s6, $0x1;
	s6 =	sadd.s32 s21, s4  }
0x9e: {  	[timem:s8], [sflag:s22] =	dma.local [hbm:s6], s20  }
0x9f: {  	_ =	swait.ge [sflag:s22], s20  }
0xa0: {  	s5 =	ssub.s32 $0x0, s20;
	[sflag:s22] =	ssyncset.done $0x0  }
0xa1: {  	[sflag:s22] =	ssyncadd.s32 s5;
	_ =	sdelay $0x1  }
0xa2: {  	s23 =	simm.s32 $0x1B8B  }
0xa3: {  	_ =	swait.ge [sflag:s23], $0x1  }
0xa4: {  	[sflag:s23] =	ssyncset.done $0x0  }
0xa5: {  	s25 =	simm.s32 $0x1B8E;
	s24 =	sld [smem:$0x3FFE];
	[sflag:s23] =	ssyncadd.s32 $0xFFFFFFFF  }
0xa6: {  	s26 =	simm.s32 $execute0_lowered;
	[smem:$0x3FD2] =	sst s25  }
0xa7: {  	s6 =	sshll.u32 s26, $0x1;
	_ =	strace $0x80000046;
	[dreg:$0x1] =	wrdreg $0xFFFFFFFF  }
0xa8: {  	s28 =	simm.s32 $_size_execute0_lowered;
	s4 =	sadd.s32 s4, s6;
	[dreg:$0x0] =	wrdreg $0x0  }
0xa9: {  	s6 =	sshll.u32 s28, $0x1;
	[dreg:$0x2] =	wrdreg s4  }
0xaa: {  	[dreg:$0x3] =	wrdreg s6  }
0xab: {  	[dreg:$0x4] =	wrdreg $0xC0  }
0xac: {  	_ =	task [dreg:s8], $0x5FFFF  }
0xad: {  	[dreg:$0x1] =	wrdreg $0xFFFFFFFF  }
0xae: {  	[dreg:$0x0] =	wrdreg $0x60  }
0xaf: {  	[dreg:$0x2] =	wrdreg s2  }
0xb0: {  	[dreg:$0x3] =	wrdreg s24  }
0xb1: {  	[dreg:$0x4] =	wrdreg s18  }
0xb2: {  	[dreg:$0x5] =	wrdreg $0x1D7000  }
0xb3: {  	[dreg:$0x6] =	wrdreg $0x9  }
0xb4: {  	_ =	task.clear_ibuf [dreg:s8], $0x7FFFF;
	_ =	strace $0x90000046  }
0xb5: {  	s29 =	simm.s32 $0x9;
	_ =	strace $0x80000048  }
0xb6: {  	_ =	swait.ge [sflag:s29], $0x1  }
0xb7: {  	[sflag:s29] =	ssyncadd.s32 $0xFFFFFFFF  }
0xb8: {  	_ =	strace $0x90000048  }
0xb9: {  	_ =	sfence  }
0xba: {  	s30 =	sld [smem:$0x0];
	_ =	sdelay $0x2  }
0xbb: {  	s31 =	sshll.u32 s1, $0xD;
	s1 =	sshrl.u32 s1, $0x2  }
0xbc: {  	s3 =	sand.u32 $0x4000, s31;
	s1 =	sadd.s32 s1, s30  }
0xbd: {  	s0 =	sor.u32 s3, s0;
	s1 =	sshll.u32 s1, $0x11  }
0xbe: {  	s0 =	sor.u32 s1, s0  }
0xbf: {  	s0 =	sadd.s32 $0x8F2B, s0  }
0xc0: {  	[sflag:s0] =	ssyncadd.remote.s32 $0x1  }
0xc1: {  	_ =	sfence.sel $0xFFFF  }
0xc2: {  	[dreg:$0x0] =	wrdreg $0xFFFFFFFF;
	(pc) =	sbr.abs _section_cstart, $3  }
0xc3: {  	[dreg:$0x1] =	wrdreg $0xFFFFFFFF  }
0xc4: {  	_ =	task.clear_ibuf [dreg:s8], $0x2FFFF;
	_ =	strace $0x9FFFFFFF  }
0xc5: {  	(tm) =	ssettm $0x7FFFFFFF  }
tec
execute0_lowered:
.L_overlay_start_1:
0x0: {  	(tag) =	ssettag $0x1  }
0x1: {  	s9 =	rddreg [dreg:$0x0]  }
0x2: {  	s0 =	rddreg [dreg:$0x1]  }
0x3: {  	s1 =	rddreg [dreg:$0x2]  }
0x4: {  	s10 =	rddreg [dreg:$0x3];
	s4 =	simm.s32 $0x0  }
0x5: {  	s11 =	stileid.u32;
	[smem:$0x7FF] =	sst s4;
	s14 =	sadd.s32 $0x2000, s10  }
0x6: {  	s15 =	sadd.s32 $0x2800, s10;
	_ =	strace $0x80000047;
	[dreg:$0xe] =	wrdreg s14  }
0x7: {  	s12 =	sshll.u32 s11, $0x1;
	s16 =	sadd.s32 $0x3000, s10;
	[dreg:$0xf] =	wrdreg s15  }
0x8: {  	s5 =	smul.u32 $0x2400, s11;
	s17 =	sadd.s32 $0x3800, s10;
	[dreg:$0x10] =	wrdreg s16  }
0x9: {  	s6 =	sshrl.u32 s11, $0x2;
	s22 =	sshll.u32 s11, $0x6;
	[dreg:$0x11] =	wrdreg s17  }
0xa: {  	s18 =	sshll.u32 s11, $0xD;
	s11 =	sadd.s32 $0x480, s10;
	[dreg:$0x5] =	wrdreg s12  }
0xb: {  	s25 =	sor.u32 $0x1C02, s22;
	[smem:$0x78E] =	sst s11  }
0xc: {  	s14 =	sadd.s32 $0x600, s10;
	[dreg:$0x9] =	wrdreg s25  }
0xd: {  	s15 =	sadd.s32 $0x680, s10;
	[smem:$0x791] =	sst s14  }
0xe: {  	s16 =	sadd.s32 $0x700, s10;
	[smem:$0x792] =	sst s15  }
0xf: {  	s17 =	sadd.s32 $0x780, s10;
	[smem:$0x793] =	sst s16  }
0x10: {  	s11 =	sadd.s32 $0x1180, s10;
	[smem:$0x794] =	sst s17  }
0x11: {  	s20 =	sadd.s32 s5, s10;
	[smem:$0x7A6] =	sst s11  }
0x12: {  	s21 =	sshrl.u32 s5, $0x3;
	s5 =	sadd.s32 $0x800, s10;
	[dreg:$0x6] =	wrdreg s20  }
0x13: {  	s2 =	srdreg.scid;
	s14 =	sadd.s32 $0x1300, s10;
	[dreg:$0xb] =	wrdreg s5  }
0x14: {  	s2 =	sand.u32 $0x1, s2;
	s15 =	sadd.s32 $0x1380, s10;
	[smem:$0x7A9] =	sst s14  }
0x15: {  	s0 =	sadd.s32 $0x400, s0;
	s16 =	sadd.s32 $0x1400, s10;
	[smem:$0x7AA] =	sst s15  }
0x16: {  	s3 =	ssub.s32 $0x2, s2;
	s17 =	sadd.s32 $0x1480, s10;
	[smem:$0x7AB] =	sst s16  }
0x17: {  	s7 =	sshrl.u32 s3, $0x1;
	s11 =	sadd.s32 $0x1E00, s10;
	[smem:$0x7AC] =	sst s17  }
0x18: {  	s3 =	ssub.s32 s3, s7;
	s7 =	sadd.s32 $0x1000, s10;
	[smem:$0x7BE] =	sst s11  }
0x19: {  	s2 =	sor.u32 s2, s12;
	s24 =	sadd.s32 s0, s21;
	[dreg:$0xc] =	wrdreg s7  }
0x1a: {  	s2 =	sshll.u32 s2, $0x7;
	s21 =	sor.u32 $0x120, s12;
	[dreg:$0x8] =	wrdreg s24  }
0x1b: {  	s13 =	sand.u32 $0x380, s2;
	[dreg:$0x13] =	wrdreg s21  }
0x1c: {  	s5 =	sadd.s32 $0x200, s10;
	[dreg:$0x7] =	wrdreg s13  }
0x1d: {  	s14 =	sadd.s32 $0x1F80, s10;
	[dreg:$0x1c] =	wrdreg s5  }
0x1e: {  	s15 =	sadd.s32 $0x2080, s10;
	[smem:$0x7C1] =	sst s14  }
0x1f: {  	s16 =	sadd.s32 $0x2100, s10;
	[smem:$0x7C2] =	sst s15  }
0x20: {  	s17 =	sadd.s32 $0x2180, s10;
	[smem:$0x7C3] =	sst s16  }
0x21: {  	s11 =	sadd.s32 $0x2B00, s10;
	[smem:$0x7C4] =	sst s17  }
0x22: {  	s19 =	sadd.s32 $0x4800, s24;
	[smem:$0x7D6] =	sst s11  }
0x23: {  	s24 =	sor.u32 $0x240, s12;
	[dreg:$0x12] =	wrdreg s19  }
0x24: {  	s8 =	smul.u32 $0xC3800, s6;
	s25 =	smax.u32 s3, $0x1;
	[dreg:$0x15] =	wrdreg s24  }
0x25: {  	s6 =	sshll.u32 s6, $0x11;
	s3 =	sadd.s32 $0x180, s10;
	[dreg:$0x17] =	wrdreg s25  }
0x26: {  	s22 =	sor.u32 s6, s13;
	s6 =	sadd.s32 $0x280, s10;
	[dreg:$0x1b] =	wrdreg s3  }
0x27: {  	s7 =	sadd.s32 $0x300, s10;
	[dreg:$0x1d] =	wrdreg s6  }
0x28: {  	s23 =	sor.u32 s8, s13;
	s8 =	sadd.s32 $0x380, s10;
	[dreg:$0x1e] =	wrdreg s7  }
0x29: {  	s12 =	sadd.s32 $0x500, s10;
	[dreg:$0x1f] =	wrdreg s8  }
0x2a: {  	s20 =	sshrl.u32 s18, $0x3;
	s13 =	sadd.s32 $0x580, s10;
	[smem:$0x78F] =	sst s12  }
0x2b: {  	s0 =	sadd.s32 s0, s20;
	s20 =	sadd.s32 $0x980, s10;
	[smem:$0x790] =	sst s13  }
0x2c: {  	s21 =	sadd.s32 $0xA00, s10;
	[smem:$0x797] =	sst s20  }
0x2d: {  	s5 =	sadd.s32 $0xE80, s10;
	[smem:$0x798] =	sst s21  }
0x2e: {  	s14 =	sadd.s32 $0x2C80, s10;
	[smem:$0x7A1] =	sst s5  }
0x2f: {  	s15 =	sadd.s32 $0x2D00, s10;
	[smem:$0x7D9] =	sst s14  }
0x30: {  	s16 =	sadd.s32 $0x2D80, s10;
	[smem:$0x7DA] =	sst s15  }
0x31: {  	s17 =	sadd.s32 $0x2E00, s10;
	[smem:$0x7DB] =	sst s16  }
0x32: {  	s11 =	sadd.s32 $0x3780, s10;
	[smem:$0x7DC] =	sst s17  }
0x33: {  	s0 =	sadd.s32 $0x9000, s0;
	[smem:$0x7EE] =	sst s11  }
0x34: {  	s26 =	sshrl.u32 s23, $0x3;
	s19 =	sadd.s32 $0x900, s10;
	[dreg:$0x14] =	wrdreg s0  }
0x35: {  	s23 =	sshrl.u32 s22, $0x3;
	s22 =	sadd.s32 $0xA80, s10;
	[smem:$0x796] =	sst s19  }
0x36: {  	s24 =	sadd.s32 $0xB80, s10;
	[smem:$0x799] =	sst s22  }
0x37: {  	s25 =	sadd.s32 $0xC00, s10;
	[smem:$0x79B] =	sst s24  }
0x38: {  	s3 =	sadd.s32 $0xE00, s10;
	[smem:$0x79C] =	sst s25  }
0x39: {  	s6 =	sadd.s32 $0xF00, s10;
	[smem:$0x7A0] =	sst s3  }
0x3a: {  	s7 =	sadd.s32 $0xF80, s10;
	[smem:$0x7A2] =	sst s6  }
0x3b: {  	s8 =	sadd.s32 $0x1080, s10;
	[smem:$0x7A3] =	sst s7  }
0x3c: {  	s12 =	sadd.s32 $0x1200, s10;
	[smem:$0x7A4] =	sst s8  }
0x3d: {  	s13 =	sadd.s32 $0x1280, s10;
	[smem:$0x7A7] =	sst s12  }
0x3e: {  	s20 =	sadd.s32 $0x1600, s10;
	[smem:$0x7A8] =	sst s13  }
0x3f: {  	s21 =	sadd.s32 $0x1680, s10;
	[smem:$0x7AF] =	sst s20  }
0x40: {  	s5 =	sadd.s32 $0x1B80, s10;
	[smem:$0x7B0] =	sst s21  }
0x41: {  	s14 =	sadd.s32 $0x3980, s10;
	[smem:$0x7B9] =	sst s5  }
0x42: {  	s15 =	sadd.s32 $0x3A00, s10;
	[smem:$0x7F1] =	sst s14  }
0x43: {  	s16 =	sadd.s32 $0x3A80, s10;
	[smem:$0x7F2] =	sst s15  }
0x44: {  	s17 =	sadd.s32 $0x3B00, s10;
	[smem:$0x7F3] =	sst s16  }
0x45: {  	s2 =	sadd.s32 s9, s26;
	[smem:$0x7F4] =	sst s17  }
0x46: {  	s9 =	sadd.s32 $0x1800, s10;
	[dreg:$0xa] =	wrdreg s2  }
0x47: {  	s0 =	sadd.s32 s1, s23;
	[dreg:$0xd] =	wrdreg s9  }
0x48: {  	s26 =	sadd.s32 $0x80, s10;
	[dreg:$0x16] =	wrdreg s0  }
0x49: {  	s23 =	sadd.s32 $0xB00, s10;
	[dreg:$0x18] =	wrdreg s26  }
0x4a: {  	s19 =	sadd.s32 $0x1580, s10;
	[smem:$0x79A] =	sst s23  }
0x4b: {  	s22 =	sadd.s32 $0x1700, s10;
	[smem:$0x7AE] =	sst s19  }
0x4c: {  	s24 =	sadd.s32 $0x1880, s10;
	[smem:$0x7B1] =	sst s22  }
0x4d: {  	s25 =	sadd.s32 $0x1900, s10;
	[smem:$0x7B3] =	sst s24  }
0x4e: {  	s3 =	sadd.s32 $0x1B00, s10;
	[smem:$0x7B4] =	sst s25  }
0x4f: {  	s6 =	sadd.s32 $0x1C00, s10;
	[smem:$0x7B8] =	sst s3  }
0x50: {  	s7 =	sadd.s32 $0x1C80, s10;
	[smem:$0x7BA] =	sst s6  }
0x51: {  	s8 =	sadd.s32 $0x1D00, s10;
	[smem:$0x7BB] =	sst s7  }
0x52: {  	s12 =	sadd.s32 $0x1E80, s10;
	[smem:$0x7BC] =	sst s8  }
0x53: {  	s13 =	sadd.s32 $0x1F00, s10;
	[smem:$0x7BF] =	sst s12  }
0x54: {  	s20 =	sadd.s32 $0x2300, s10;
	[smem:$0x7C0] =	sst s13  }
0x55: {  	s21 =	sadd.s32 $0x2380, s10;
	[smem:$0x7C7] =	sst s20  }
0x56: {  	s5 =	sadd.s32 $0x2880, s10;
	[smem:$0x7C8] =	sst s21  }
0x57: {  	s9 =	sadd.s32 $0x400, s10;
	[smem:$0x7D1] =	sst s5  }
0x58: {  	s2 =	sadd.s32 s18, s10;
	s18 =	sadd.s32 $0x880, s10;
	[smem:$0x78D] =	sst s9  }
0x59: {  	s26 =	sadd.s32 $0xC80, s10;
	[smem:$0x795] =	sst s18  }
0x5a: {  	s23 =	sadd.s32 $0x1780, s10;
	[smem:$0x79D] =	sst s26  }
0x5b: {  	s19 =	sadd.s32 $0x2280, s10;
	[smem:$0x7B2] =	sst s23  }
0x5c: {  	s22 =	sadd.s32 $0x2400, s10;
	[smem:$0x7C6] =	sst s19  }
0x5d: {  	s24 =	sadd.s32 $0x2500, s10;
	[smem:$0x7C9] =	sst s22  }
0x5e: {  	s25 =	sadd.s32 $0x2580, s10;
	[smem:$0x7CB] =	sst s24  }
0x5f: {  	s3 =	sadd.s32 $0x2780, s10;
	[smem:$0x7CC] =	sst s25  }
0x60: {  	s6 =	sadd.s32 $0x2900, s10;
	[smem:$0x7D0] =	sst s3  }
0x61: {  	s7 =	sadd.s32 $0x2980, s10;
	[smem:$0x7D2] =	sst s6  }
0x62: {  	s8 =	sadd.s32 $0x2A00, s10;
	[smem:$0x7D3] =	sst s7  }
0x63: {  	s12 =	sadd.s32 $0x2B80, s10;
	[smem:$0x7D4] =	sst s8  }
0x64: {  	s13 =	sadd.s32 $0x2C00, s10;
	[smem:$0x7D7] =	sst s12  }
0x65: {  	s20 =	sadd.s32 $0x2F80, s10;
	[smem:$0x7D8] =	sst s13  }
0x66: {  	s21 =	sadd.s32 $0x3080, s10;
	[smem:$0x7DF] =	sst s20  }
0x67: {  	s5 =	sadd.s32 $0x3500, s10;
	[smem:$0x7E0] =	sst s21  }
0x68: {  	s1 =	sshrl.u32 s2, $0x3;
	[smem:$0x7E9] =	sst s5  }
0x69: {  	s2 =	sadd.s32 $0x100, s10;
	[dreg:$0x19] =	wrdreg s1  }
0x6a: {  	s9 =	sadd.s32 $0x1100, s10;
	[dreg:$0x1a] =	wrdreg s2  }
0x6b: {  	s18 =	sadd.s32 $0x1500, s10;
	[smem:$0x7A5] =	sst s9  }
0x6c: {  	s26 =	sadd.s32 $0x1980, s10;
	[smem:$0x7AD] =	sst s18  }
0x6d: {  	s23 =	sadd.s32 $0x2480, s10;
	[smem:$0x7B5] =	sst s26  }
0x6e: {  	s19 =	sadd.s32 $0x2F00, s10;
	[smem:$0x7CA] =	sst s23  }
0x6f: {  	s22 =	sadd.s32 $0x3100, s10;
	[smem:$0x7DE] =	sst s19  }
0x70: {  	s24 =	sadd.s32 $0x3200, s10;
	[smem:$0x7E1] =	sst s22  }
0x71: {  	s25 =	sadd.s32 $0x3280, s10;
	[smem:$0x7E3] =	sst s24  }
0x72: {  	s3 =	sadd.s32 $0x3480, s10;
	[smem:$0x7E4] =	sst s25  }
0x73: {  	s6 =	sadd.s32 $0x3580, s10;
	[smem:$0x7E8] =	sst s3  }
0x74: {  	s7 =	sadd.s32 $0x3600, s10;
	[smem:$0x7EA] =	sst s6  }
0x75: {  	s8 =	sadd.s32 $0x3680, s10;
	[smem:$0x7EB] =	sst s7  }
0x76: {  	s12 =	sadd.s32 $0x3880, s10;
	[smem:$0x7EC] =	sst s8  }
0x77: {  	s28 =	simm.s32 $0x19300;
	s13 =	sadd.s32 $0x3900, s10;
	[smem:$0x7EF] =	sst s12  }
0x78: {  	s29 =	simm.s32 $0x19500;
	s20 =	sadd.s32 $0x3C80, s10;
	[smem:$0x7F0] =	sst s13  }
0x79: {  	s30 =	simm.s32 $0x19600;
	s21 =	sadd.s32 $0x3D00, s10;
	[smem:$0x7F7] =	sst s20  }
0x7a: {  	s31 =	simm.s32 $0x18780;
	s1 =	sadd.s32 $0xD00, s10;
	[smem:$0x7F8] =	sst s21  }
0x7b: {  	s11 =	simm.s32 $0x19180;
	s2 =	sadd.s32 $0xD80, s10;
	[smem:$0x79E] =	sst s1  }
0x7c: {  	s14 =	simm.s32 $0x19680;
	s9 =	sadd.s32 $0x1D80, s10;
	[smem:$0x79F] =	sst s2  }
0x7d: {  	s15 =	simm.s32 $0x1;
	s18 =	sadd.s32 $0x2200, s10;
	[smem:$0x7BD] =	sst s9  }
0x7e: {  	s17 =	simm.s32 $0x0;
	s26 =	sadd.s32 $0x2600, s10;
	[smem:$0x7C5] =	sst s18  }
0x7f: {  	s0 =	simm.s32 $0x18880;
	s23 =	sadd.s32 $0x3180, s10;
	[smem:$0x7CD] =	sst s26  }
0x80: {  	s5 =	simm.s32 $0x18C80;
	s19 =	sadd.s32 $0x3C00, s10;
	[smem:$0x7E2] =	sst s23  }
0x81: {  	s22 =	sadd.s32 $0x3D80, s10;
	s24 =	sadd.s32 $0x3E80, s10;
	[smem:$0x7F6] =	sst s19  }
0x82: {  	s25 =	sadd.s32 $0x3F00, s10;
	s20 =	simm.s32 $0x400;
	[smem:$0x7F9] =	sst s22  }
0x83: {  	s8 =	simm.s32 $0x19400;
	s3 =	simm.s32 $0x18980;
	[smem:$0x7FB] =	sst s24  }
0x84: {  	s6 =	simm.s32 $0x18A80;
	s1 =	sadd.s32 $0x1A00, s10;
	[smem:$0x7FC] =	sst s25  }
0x85: {  	s21 =	simm.s32 $0x18E80;
	s2 =	sadd.s32 $0x1A80, s10;
	[smem:$0x7B6] =	sst s1  }
0x86: {  	s12 =	simm.s32 $0x19280;
	s9 =	sadd.s32 $0x2A80, s10;
	[smem:$0x7B7] =	sst s2  }
0x87: {  	s7 =	simm.s32 $0x19380;
	s18 =	sadd.s32 $0x2E80, s10;
	[smem:$0x7D5] =	sst s9  }
0x88: {  	s13 =	simm.s32 $0x19580;
	s26 =	sadd.s32 $0x3300, s10;
	[smem:$0x7DD] =	sst s18  }
0x89: {  	s23 =	sadd.s32 $0x3E00, s10;
	s22 =	simm.s32 $0x2;
	[smem:$0x7E5] =	sst s26  }
0x8a: {  	s24 =	simm.s32 $0x19000;
	s1 =	sadd.s32 $0x2680, s10;
	[smem:$0x7FA] =	sst s23  }
0x8b: {  	s25 =	simm.s32 $0x19100;
	s2 =	sadd.s32 $0x2700, s10;
	[smem:$0x7CE] =	sst s1  }
0x8c: {  	s19 =	simm.s32 $0x18D80;
	s9 =	sadd.s32 $0x3700, s10;
	[smem:$0x7CF] =	sst s2  }
0x8d: {  	s18 =	sadd.s32 $0x3B80, s10;
	s26 =	sadd.s32 $0x3F80, s10;
	[smem:$0x7ED] =	sst s9  }
0x8e: {  	s1 =	sadd.s32 $0x3380, s10;
	s2 =	sadd.s32 $0x3400, s10;
	[smem:$0x7F5] =	sst s18  }
0x8f: {  	[smem:$0x7FD] =	sst s26;
	s18 =	simm.s32 $0x80;
	s26 =	simm.s32 $0x19200  }
0x90: {  	s9 =	simm.s32 $0x18B80;
	s10 =	simm.s32 $0x19480;
	[smem:$0x7E6] =	sst s1  }
0x91: {  	[smem:$0x7E7] =	sst s2;
	s1 =	simm.s32 $0x18F80;
	s2 =	simm.s32 $0x19080  }
.LBB2_1:
0x92: {  	[smem:$0x78B] =	sst s17  }
0x93: {  	s16 =	rddreg [dreg:$0x6]  }
0x94: {  	s17 =	rddreg [dreg:$0x9]  }
0x95: {  	s23 =	sshrl.u32 s16, $0x3;
	s16 =	rddreg [dreg:$0x8]  }
0x96: {  	[smem:$0x78C] =	sst s23  }
0x97: {  	[spmem:s23], [sflag:s17] =	dma.local [hbm:s16], $0x480  }
0x98: {  	_ =	swait.ge [sflag:s22], $0x480  }
0x99: {  	[sflag:s22] =	ssyncset.done $0x0  }
0x9a: {  	[sflag:s22] =	ssyncadd.s32 $0xFFFFFB80  }
0x9b: {  	[bflag:$0x0] =	sbarrier.arrive $0xFFFF  }
0x9c: {  	s17 =	rddreg [dreg:$0xa]  }
0x9d: {  	[tilespmem:s4], [sflag:$0x2] =	stream.strided.gather [hbm4b:s17+s18], $0x18700, s20, s18, $0x38;
	[tilespmem:$0x1FB00] =	vst v63  }
0x9e: {  	_ =	swait.ge [sflag:s22], $0x18700  }
0x9f: {  	[sflag:s22] =	ssyncset.done $0x0  }
0xa0: {  	s17 =	rddreg [dreg:$0x1f];
	[sflag:s22] =	ssyncadd.s32 $0xFFFE7900  }
0xa1: {  	s20 =	simm.s32 $0x18700;
	s18 =	rddreg [dreg:$0x3]  }
0xa2: {  	[tilespmem:s20], [sflag:$0x1] =	stream.linear.gather [spmem:s18], $0x80, $0x38;
	[tilespmem:$0x1FB00] =	vst v63  }
0xa3: {  	s18 =	rddreg [dreg:$0x18];
	s20 =	simm.s32 $0x18800  }
0xa4: {  	[tilespmem:s20], [sflag:$0x1] =	stream.linear.gather [spmem:s18], $0x80, $0x38;
	[tilespmem:$0x1FB00] =	vst v63  }
0xa5: {  	s18 =	rddreg [dreg:$0x1a];
	s20 =	simm.s32 $0x18900  }
0xa6: {  	[tilespmem:s20], [sflag:$0x1] =	stream.linear.gather [spmem:s18], $0x80, $0x38;
	[tilespmem:$0x1FB00] =	vst v63  }
0xa7: {  	s18 =	rddreg [dreg:$0x1b];
	s20 =	simm.s32 $0x18A00  }
0xa8: {  	[tilespmem:s20], [sflag:$0x1] =	stream.linear.gather [spmem:s18], $0x80, $0x38;
	[tilespmem:$0x1FB00] =	vst v63  }
0xa9: {  	s18 =	rddreg [dreg:$0x1c];
	s20 =	simm.s32 $0x18B00  }
0xaa: {  	[tilespmem:s20], [sflag:$0x1] =	stream.linear.gather [spmem:s18], $0x80, $0x38;
	[tilespmem:$0x1FB00] =	vst v63  }
0xab: {  	s18 =	rddreg [dreg:$0x1d];
	s20 =	simm.s32 $0x18C00  }
0xac: {  	[tilespmem:s20], [sflag:$0x1] =	stream.linear.gather [spmem:s18], $0x80, $0x38;
	[tilespmem:$0x1FB00] =	vst v63  }
0xad: {  	s18 =	rddreg [dreg:$0x1e];
	s20 =	simm.s32 $0x18D00  }
0xae: {  	[tilespmem:s20], [sflag:$0x1] =	stream.linear.gather [spmem:s18], $0x80, $0x38;
	[tilespmem:$0x1FB00] =	vst v63  }
0xaf: {  	s18 =	simm.s32 $0x18E00;
	s20 =	sld [smem:$0x78D]  }
0xb0: {  	[tilespmem:s18], [sflag:$0x1] =	stream.linear.gather [spmem:s17], $0x80, $0x38;
	[tilespmem:$0x1FB00] =	vst v63  }
0xb1: {  	s23 =	simm.s32 $0x18F00;
	s17 =	sld [smem:$0x78E]  }
0xb2: {  	[tilespmem:s23], [sflag:$0x1] =	stream.linear.gather [spmem:s20], $0x80, $0x38;
	[tilespmem:$0x1FB00] =	vst v63  }
0xb3: {  	s18 =	sld [smem:$0x78F]  }
0xb4: {  	[tilespmem:s24], [sflag:$0x1] =	stream.linear.gather [spmem:s17], $0x80, $0x38;
	[tilespmem:$0x1FB00] =	vst v63  }
0xb5: {  	s20 =	sld [smem:$0x790]  }
0xb6: {  	[tilespmem:s25], [sflag:$0x1] =	stream.linear.gather [spmem:s18], $0x80, $0x38;
	[tilespmem:$0x1FB00] =	vst v63  }
0xb7: {  	s17 =	sld [smem:$0x791]  }
0xb8: {  	[tilespmem:s26], [sflag:$0x1] =	stream.linear.gather [spmem:s20], $0x80, $0x38;
	[tilespmem:$0x1FB00] =	vst v63  }
0xb9: {  	s18 =	sld [smem:$0x792]  }
0xba: {  	[tilespmem:s28], [sflag:$0x1] =	stream.linear.gather [spmem:s17], $0x80, $0x38;
	[tilespmem:$0x1FB00] =	vst v63  }
0xbb: {  	s20 =	sld [smem:$0x793]  }
0xbc: {  	[tilespmem:s8], [sflag:$0x1] =	stream.linear.gather [spmem:s18], $0x80, $0x38;
	[tilespmem:$0x1FB00] =	vst v63  }
0xbd: {  	s17 =	sld [smem:$0x794]  }
0xbe: {  	[tilespmem:s29], [sflag:$0x1] =	stream.linear.gather [spmem:s20], $0x80, $0x38;
	[tilespmem:$0x1FB00] =	vst v63  }
0xbf: {  	s18 =	rddreg [dreg:$0xb]  }
0xc0: {  	[tilespmem:s30], [sflag:$0x1] =	stream.linear.gather [spmem:s17], $0x80, $0x38;
	[tilespmem:$0x1FB00] =	vst v63  }
0xc1: {  	s20 =	sld [smem:$0x795]  }
0xc2: {  	[tilespmem:s31], [sflag:$0x1] =	stream.linear.gather [spmem:s18], $0x80, $0x38;
	[tilespmem:$0x1FB00] =	vst v63  }
0xc3: {  	s17 =	sld [smem:$0x796]  }
0xc4: {  	[tilespmem:s0], [sflag:$0x1] =	stream.linear.gather [spmem:s20], $0x80, $0x38;
	[tilespmem:$0x1FB00] =	vst v63  }
0xc5: {  	s18 =	sld [smem:$0x797]  }
0xc6: {  	[tilespmem:s3], [sflag:$0x1] =	stream.linear.gather [spmem:s17], $0x80, $0x38;
	[tilespmem:$0x1FB00] =	vst v63  }
0xc7: {  	s20 =	sld [smem:$0x798]  }
0xc8: {  	[tilespmem:s6], [sflag:$0x1] =	stream.linear.gather [spmem:s18], $0x80, $0x38;
	[tilespmem:$0x1FB00] =	vst v63  }
0xc9: {  	s17 =	sld [smem:$0x799]  }
0xca: {  	[tilespmem:s9], [sflag:$0x1] =	stream.linear.gather [spmem:s20], $0x80, $0x38;
	[tilespmem:$0x1FB00] =	vst v63  }
0xcb: {  	s18 =	sld [smem:$0x79A]  }
0xcc: {  	[tilespmem:s5], [sflag:$0x1] =	stream.linear.gather [spmem:s17], $0x80, $0x38;
	[tilespmem:$0x1FB00] =	vst v63  }
0xcd: {  	s20 =	sld [smem:$0x79B]  }
0xce: {  	[tilespmem:s19], [sflag:$0x1] =	stream.linear.gather [spmem:s18], $0x80, $0x38;
	[tilespmem:$0x1FB00] =	vst v63  }
0xcf: {  	s17 =	sld [smem:$0x79C]  }
0xd0: {  	[tilespmem:s21], [sflag:$0x1] =	stream.linear.gather [spmem:s20], $0x80, $0x38;
	[tilespmem:$0x1FB00] =	vst v63  }
0xd1: {  	s18 =	sld [smem:$0x79D]  }
0xd2: {  	[tilespmem:s1], [sflag:$0x1] =	stream.linear.gather [spmem:s17], $0x80, $0x38;
	[tilespmem:$0x1FB00] =	vst v63  }
0xd3: {  	s20 =	sld [smem:$0x79E]  }
0xd4: {  	[tilespmem:s2], [sflag:$0x1] =	stream.linear.gather [spmem:s18], $0x80, $0x38;
	[tilespmem:$0x1FB00] =	vst v63  }
0xd5: {  	s17 =	sld [smem:$0x79F]  }
0xd6: {  	[tilespmem:s11], [sflag:$0x1] =	stream.linear.gather [spmem:s20], $0x80, $0x38;
	[tilespmem:$0x1FB00] =	vst v63  }
0xd7: {  	s18 =	sld [smem:$0x7A0]  }
0xd8: {  	[tilespmem:s12], [sflag:$0x1] =	stream.linear.gather [spmem:s17], $0x80, $0x38;
	[tilespmem:$0x1FB00] =	vst v63  }
0xd9: {  	s20 =	sld [smem:$0x7A1]  }
0xda: {  	[tilespmem:s7], [sflag:$0x1] =	stream.linear.gather [spmem:s18], $0x80, $0x38;
	[tilespmem:$0x1FB00] =	vst v63  }
0xdb: {  	s17 =	sld [smem:$0x7A2]  }
0xdc: {  	[tilespmem:s10], [sflag:$0x1] =	stream.linear.gather [spmem:s20], $0x80, $0x38;
	[tilespmem:$0x1FB00] =	vst v63  }
0xdd: {  	s18 =	sld [smem:$0x7A3]  }
0xde: {  	[tilespmem:s13], [sflag:$0x1] =	stream.linear.gather [spmem:s17], $0x80, $0x38;
	[tilespmem:$0x1FB00] =	vst v63  }
0xdf: {  	_ = 	snop  }
0xe0: {  	[tilespmem:s14], [sflag:$0x1] =	stream.linear.gather [spmem:s18], $0x80, $0x38;
	[tilespmem:$0x1FB00] =	vst v63  }
0xe1: {  	_ =	swait.ge [sflag:s15], $0x800  }
0xe2: {  	[sflag:s15] =	ssyncset.done $0x0  }
0xe3: {  	s20 =	simm.s32 $0x18740;
	[sflag:s15] =	ssyncadd.s32 $0xFFFFF800  }
0xe4: {  	v0 =	vld [tilespmem:s20+$0x30]  }
0xe5: {  	v1 =	vld [tilespmem:s20+$0xFFFFFFD0]  }
0xe6: {  	v2 =	vld [tilespmem:s20+$0xFFFFFFE0]  }
0xe7: {  	v3 =	vld [tilespmem:s20+$0xFFFFFFF0]  }
0xe8: {  	v4 =	vld [tilespmem:s20+$0x0]  }
0xe9: {  	v6 =	vld [tilespmem:s20+$0x10]  }
0xea: {  	v7 =	vld [tilespmem:s20+$0x20]  }
0xeb: {  	v8 =	vld [tilespmem:s20+$0xFFFFFFC0]  }
0xec: {  	v9 =	vld.idx.msk [tilespmem:v0+s4+$0x0], $0xffff  }
0xed: {  	v10 =	vld.idx.msk [tilespmem:v1+s4+$0x0], $0xffff  }
0xee: {  	v5 =	vld.idx.msk [tilespmem:v2+s4+$0x0], $0xffff  }
0xef: {  	v3 =	vld.idx.msk [tilespmem:v3+s4+$0x0], $0xffff  }
0xf0: {  	v0 =	vld.idx.msk [tilespmem:v4+s4+$0x0], $0xffff  }
0xf1: {  	s16 =	simm.s32 $0x19740;
	v1 =	vld.idx.msk [tilespmem:v6+s4+$0x0], $0xffff  }
0xf2: {  	v2 =	vld.idx.msk [tilespmem:v7+s4+$0x0], $0xffff;
	[tilespmem:s16+$0x30] =	vst v9  }
0xf3: {  	s17 =	simm.s32 $0x0;
	s18 =	simm.s32 $0x18840;
	v4 =	vld.idx.msk [tilespmem:v8+s4+$0x0], $0xffff;
	[tilespmem:s16+$0xFFFFFFD0] =	vst v10  }
.LBB2_2:
0xf4: {  	v6 =	vld [tilespmem:s18+$0x30];
	s17 =	sadd.s32 $0x8, s17;
	[tilespmem:s16+$0xFFFFFFE0] =	vst v5  }
0xf5: {  	v5 =	vld [tilespmem:s18+$0xFFFFFFD0];
	p0 =	slt.u32 s17, $0x78;
	[tilespmem:s16+$0xFFFFFFF0] =	vst v3  }
0xf6: {  	v3 =	vld [tilespmem:s18+$0xFFFFFFE0];
	[tilespmem:s16+$0x0] =	vst v0  }
0xf7: {  	v0 =	vld [tilespmem:s18+$0xFFFFFFF0];
	[tilespmem:s16+$0x10] =	vst v1  }
0xf8: {  	v1 =	vld [tilespmem:s18+$0x0];
	[tilespmem:s16+$0x20] =	vst v2  }
0xf9: {  	v2 =	vld [tilespmem:s18+$0x10];
	[tilespmem:s16+$0xFFFFFFC0] =	vst v4  }
0xfa: {  	v4 =	vld [tilespmem:s18+$0x20]  }
0xfb: {  	v7 =	vld [tilespmem:s18+$0xFFFFFFC0]  }
0xfc: {  	v6 =	vld.idx.msk [tilespmem:v6+s4+$0x0], $0xffff  }
0xfd: {  	v8 =	vld.idx.msk [tilespmem:v5+s4+$0x0], $0xffff  }
0xfe: {  	v5 =	vld.idx.msk [tilespmem:v3+s4+$0x0], $0xffff  }
.Ltmp0:
0xff: {  	v3 =	vld.idx.msk [tilespmem:v0+s4+$0x0], $0xffff;
	(pc) =	sbr.rel @p0 .LBB2_2-.Ltmp0, $4  }
0x100: {  	v0 =	vld.idx.msk [tilespmem:v1+s4+$0x0], $0xffff  }
0x101: {  	s16 =	sadd.s32 $0x80, s16;
	v1 =	vld.idx.msk [tilespmem:v2+s4+$0x0], $0xffff  }
0x102: {  	v2 =	vld.idx.msk [tilespmem:v4+s4+$0x0], $0xffff;
	[tilespmem:s16+$0x30] =	vst v6  }
0x103: {  	s18 =	sadd.s32 $0x100, s18;
	v4 =	vld.idx.msk [tilespmem:v7+s4+$0x0], $0xffff;
	[tilespmem:s16+$0xFFFFFFD0] =	vst v8  }
0x104: {  	[tilespmem:s16+$0xFFFFFFE0] =	vst v5  }
0x105: {  	[tilespmem:s16+$0xFFFFFFF0] =	vst v3  }
0x106: {  	[tilespmem:s16+$0x0] =	vst v0  }
0x107: {  	[tilespmem:s16+$0x10] =	vst v1  }
0x108: {  	[tilespmem:s16+$0x20] =	vst v2  }
0x109: {  	[tilespmem:s16+$0xFFFFFFC0] =	vst v4  }
0x10a: {  	s16 =	rddreg [dreg:$0xc]  }
0x10b: {  	s17 =	simm.s32 $0x18700;
	s18 =	sld [smem:$0x7A4]  }
0x10c: {  	[tilespmem:s17], [sflag:$0x1] =	stream.linear.gather [spmem:s16], $0x80, $0x38;
	[tilespmem:$0x1FB00] =	vst v63  }
0x10d: {  	s20 =	simm.s32 $0x18800  }
0x10e: {  	[tilespmem:s20], [sflag:$0x1] =	stream.linear.gather [spmem:s18], $0x80, $0x38;
	[tilespmem:$0x1FB00] =	vst v63  }
0x10f: {  	s18 =	sld [smem:$0x7A5];
	_ =	sdelay $0x1  }
0x110: {  	s20 =	simm.s32 $0x18900  }
0x111: {  	[tilespmem:s20], [sflag:$0x1] =	stream.linear.gather [spmem:s18], $0x80, $0x38;
	[tilespmem:$0x1FB00] =	vst v63  }
0x112: {  	s18 =	sld [smem:$0x7A6];
	_ =	sdelay $0x1  }
0x113: {  	s20 =	simm.s32 $0x18A00  }
0x114: {  	[tilespmem:s20], [sflag:$0x1] =	stream.linear.gather [spmem:s18], $0x80, $0x38;
	[tilespmem:$0x1FB00] =	vst v63  }
0x115: {  	s18 =	sld [smem:$0x7A7];
	_ =	sdelay $0x1  }
0x116: {  	s20 =	simm.s32 $0x18B00  }
0x117: {  	[tilespmem:s20], [sflag:$0x1] =	stream.linear.gather [spmem:s18], $0x80, $0x38;
	[tilespmem:$0x1FB00] =	vst v63  }
0x118: {  	s18 =	sld [smem:$0x7A8];
	_ =	sdelay $0x1  }
0x119: {  	s20 =	simm.s32 $0x18C00  }
0x11a: {  	[tilespmem:s20], [sflag:$0x1] =	stream.linear.gather [spmem:s18], $0x80, $0x38;
	[tilespmem:$0x1FB00] =	vst v63  }
0x11b: {  	s18 =	sld [smem:$0x7A9];
	_ =	sdelay $0x1  }
0x11c: {  	s20 =	simm.s32 $0x18D00  }
0x11d: {  	[tilespmem:s20], [sflag:$0x1] =	stream.linear.gather [spmem:s18], $0x80, $0x38;
	[tilespmem:$0x1FB00] =	vst v63  }
0x11e: {  	s18 =	sld [smem:$0x7AA];
	_ =	sdelay $0x1  }
0x11f: {  	s17 =	sld [smem:$0x7AB];
	s20 =	simm.s32 $0x18E00  }
0x120: {  	[tilespmem:s20], [sflag:$0x1] =	stream.linear.gather [spmem:s18], $0x80, $0x38;
	[tilespmem:$0x1FB00] =	vst v63  }
0x121: {  	s18 =	sld [smem:$0x7AC]  }
0x122: {  	[tilespmem:s23], [sflag:$0x1] =	stream.linear.gather [spmem:s17], $0x80, $0x38;
	[tilespmem:$0x1FB00] =	vst v63  }
0x123: {  	s20 =	sld [smem:$0x7AD]  }
0x124: {  	[tilespmem:s24], [sflag:$0x1] =	stream.linear.gather [spmem:s18], $0x80, $0x38;
	[tilespmem:$0x1FB00] =	vst v63  }
0x125: {  	s17 =	sld [smem:$0x7AE]  }
0x126: {  	[tilespmem:s25], [sflag:$0x1] =	stream.linear.gather [spmem:s20], $0x80, $0x38;
	[tilespmem:$0x1FB00] =	vst v63  }
0x127: {  	s18 =	sld [smem:$0x7AF]  }
0x128: {  	[tilespmem:s26], [sflag:$0x1] =	stream.linear.gather [spmem:s17], $0x80, $0x38;
	[tilespmem:$0x1FB00] =	vst v63  }
0x129: {  	s20 =	sld [smem:$0x7B0]  }
0x12a: {  	[tilespmem:s28], [sflag:$0x1] =	stream.linear.gather [spmem:s18], $0x80, $0x38;
	[tilespmem:$0x1FB00] =	vst v63  }
0x12b: {  	s17 =	sld [smem:$0x7B1]  }
0x12c: {  	[tilespmem:s8], [sflag:$0x1] =	stream.linear.gather [spmem:s20], $0x80, $0x38;
	[tilespmem:$0x1FB00] =	vst v63  }
0x12d: {  	s18 =	sld [smem:$0x7B2]  }
0x12e: {  	[tilespmem:s29], [sflag:$0x1] =	stream.linear.gather [spmem:s17], $0x80, $0x38;
	[tilespmem:$0x1FB00] =	vst v63  }
0x12f: {  	_ = 	snop  }
0x130: {  	[tilespmem:s30], [sflag:$0x1] =	stream.linear.gather [spmem:s18], $0x80, $0x38;
	[tilespmem:$0x1FB00] =	vst v63  }
0x131: {  	_ =	swait.ge [sflag:s15], $0x800  }
0x132: {  	[sflag:s15] =	ssyncset.done $0x0  }
0x133: {  	s20 =	simm.s32 $0x187F0;
	[sflag:s15] =	ssyncadd.s32 $0xFFFFF800  }
0x134: {  	v0 =	vld [tilespmem:s20+$0x0]  }
0x135: {  	v1 =	vld [tilespmem:s20+$0xFFFFFFA0]  }
0x136: {  	v2 =	vld [tilespmem:s20+$0xFFFFFFB0]  }
0x137: {  	v3 =	vld [tilespmem:s20+$0xFFFFFFC0]  }
0x138: {  	v4 =	vld [tilespmem:s20+$0xFFFFFFD0]  }
0x139: {  	v6 =	vld [tilespmem:s20+$0xFFFFFFE0]  }
0x13a: {  	v7 =	vld [tilespmem:s20+$0xFFFFFFF0]  }
0x13b: {  	v8 =	vld [tilespmem:s20+$0xFFFFFF90]  }
0x13c: {  	v9 =	vld.idx.msk [tilespmem:v0+s4+$0x0], $0xffff  }
0x13d: {  	v10 =	vld.idx.msk [tilespmem:v1+s4+$0x0], $0xffff  }
0x13e: {  	v5 =	vld.idx.msk [tilespmem:v2+s4+$0x0], $0xffff  }
0x13f: {  	v3 =	vld.idx.msk [tilespmem:v3+s4+$0x0], $0xffff  }
0x140: {  	v0 =	vld.idx.msk [tilespmem:v4+s4+$0x0], $0xffff  }
0x141: {  	s16 =	simm.s32 $0x19F70;
	v1 =	vld.idx.msk [tilespmem:v6+s4+$0x0], $0xffff  }
0x142: {  	v2 =	vld.idx.msk [tilespmem:v7+s4+$0x0], $0xffff;
	[tilespmem:s16+$0x0] =	vst v9  }
0x143: {  	s17 =	simm.s32 $0x0;
	s18 =	simm.s32 $0x188F0;
	v4 =	vld.idx.msk [tilespmem:v8+s4+$0x0], $0xffff;
	[tilespmem:s16+$0xFFFFFFA0] =	vst v10  }
.LBB2_4:
0x144: {  	v6 =	vld [tilespmem:s18+$0x0];
	s17 =	sadd.s32 $0x8, s17;
	[tilespmem:s16+$0xFFFFFFB0] =	vst v5  }
0x145: {  	v5 =	vld [tilespmem:s18+$0xFFFFFFA0];
	p0 =	slt.u32 s17, $0x78;
	[tilespmem:s16+$0xFFFFFFC0] =	vst v3  }
0x146: {  	v3 =	vld [tilespmem:s18+$0xFFFFFFB0];
	[tilespmem:s16+$0xFFFFFFD0] =	vst v0  }
0x147: {  	v0 =	vld [tilespmem:s18+$0xFFFFFFC0];
	[tilespmem:s16+$0xFFFFFFE0] =	vst v1  }
0x148: {  	v1 =	vld [tilespmem:s18+$0xFFFFFFD0];
	[tilespmem:s16+$0xFFFFFFF0] =	vst v2  }
0x149: {  	v2 =	vld [tilespmem:s18+$0xFFFFFFE0];
	[tilespmem:s16+$0xFFFFFF90] =	vst v4  }
0x14a: {  	v4 =	vld [tilespmem:s18+$0xFFFFFFF0]  }
0x14b: {  	v7 =	vld [tilespmem:s18+$0xFFFFFF90]  }
0x14c: {  	v6 =	vld.idx.msk [tilespmem:v6+s4+$0x0], $0xffff  }
0x14d: {  	v8 =	vld.idx.msk [tilespmem:v5+s4+$0x0], $0xffff  }
0x14e: {  	v5 =	vld.idx.msk [tilespmem:v3+s4+$0x0], $0xffff  }
.Ltmp1:
0x14f: {  	v3 =	vld.idx.msk [tilespmem:v0+s4+$0x0], $0xffff;
	(pc) =	sbr.rel @p0 .LBB2_4-.Ltmp1, $4  }
0x150: {  	v0 =	vld.idx.msk [tilespmem:v1+s4+$0x0], $0xffff  }
0x151: {  	s16 =	sadd.s32 $0x80, s16;
	v1 =	vld.idx.msk [tilespmem:v2+s4+$0x0], $0xffff  }
0x152: {  	v2 =	vld.idx.msk [tilespmem:v4+s4+$0x0], $0xffff;
	[tilespmem:s16+$0x0] =	vst v6  }
0x153: {  	s18 =	sadd.s32 $0x100, s18;
	v4 =	vld.idx.msk [tilespmem:v7+s4+$0x0], $0xffff;
	[tilespmem:s16+$0xFFFFFFA0] =	vst v8  }
0x154: {  	[tilespmem:s16+$0xFFFFFFB0] =	vst v5  }
0x155: {  	[tilespmem:s16+$0xFFFFFFC0] =	vst v3  }
0x156: {  	[tilespmem:s16+$0xFFFFFFD0] =	vst v0  }
0x157: {  	[tilespmem:s16+$0xFFFFFFE0] =	vst v1  }
0x158: {  	[tilespmem:s16+$0xFFFFFFF0] =	vst v2  }
0x159: {  	[tilespmem:s16+$0xFFFFFF90] =	vst v4  }
0x15a: {  	s16 =	rddreg [dreg:$0xd]  }
0x15b: {  	s20 =	sld [smem:$0x7B3]  }
0x15c: {  	[tilespmem:s31], [sflag:$0x1] =	stream.linear.gather [spmem:s16], $0x80, $0x38;
	[tilespmem:$0x1FB00] =	vst v63  }
0x15d: {  	s17 =	sld [smem:$0x7B4]  }
0x15e: {  	[tilespmem:s0], [sflag:$0x1] =	stream.linear.gather [spmem:s20], $0x80, $0x38;
	[tilespmem:$0x1FB00] =	vst v63  }
0x15f: {  	s18 =	sld [smem:$0x7B5]  }
0x160: {  	[tilespmem:s3], [sflag:$0x1] =	stream.linear.gather [spmem:s17], $0x80, $0x38;
	[tilespmem:$0x1FB00] =	vst v63  }
0x161: {  	s20 =	sld [smem:$0x7B6]  }
0x162: {  	[tilespmem:s6], [sflag:$0x1] =	stream.linear.gather [spmem:s18], $0x80, $0x38;
	[tilespmem:$0x1FB00] =	vst v63  }
0x163: {  	s17 =	sld [smem:$0x7B7]  }
0x164: {  	[tilespmem:s9], [sflag:$0x1] =	stream.linear.gather [spmem:s20], $0x80, $0x38;
	[tilespmem:$0x1FB00] =	vst v63  }
0x165: {  	s18 =	sld [smem:$0x7B8]  }
0x166: {  	[tilespmem:s5], [sflag:$0x1] =	stream.linear.gather [spmem:s17], $0x80, $0x38;
	[tilespmem:$0x1FB00] =	vst v63  }
0x167: {  	s20 =	sld [smem:$0x7B9]  }
0x168: {  	[tilespmem:s19], [sflag:$0x1] =	stream.linear.gather [spmem:s18], $0x80, $0x38;
	[tilespmem:$0x1FB00] =	vst v63  }
0x169: {  	s17 =	sld [smem:$0x7BA]  }
0x16a: {  	[tilespmem:s21], [sflag:$0x1] =	stream.linear.gather [spmem:s20], $0x80, $0x38;
	[tilespmem:$0x1FB00] =	vst v63  }
0x16b: {  	s18 =	sld [smem:$0x7BB]  }
0x16c: {  	[tilespmem:s1], [sflag:$0x1] =	stream.linear.gather [spmem:s17], $0x80, $0x38;
	[tilespmem:$0x1FB00] =	vst v63  }
0x16d: {  	s20 =	sld [smem:$0x7BC]  }
0x16e: {  	[tilespmem:s2], [sflag:$0x1] =	stream.linear.gather [spmem:s18], $0x80, $0x38;
	[tilespmem:$0x1FB00] =	vst v63  }
0x16f: {  	s17 =	sld [smem:$0x7BD]  }
0x170: {  	[tilespmem:s11], [sflag:$0x1] =	stream.linear.gather [spmem:s20], $0x80, $0x38;
	[tilespmem:$0x1FB00] =	vst v63  }
0x171: {  	s18 =	sld [smem:$0x7BE]  }
0x172: {  	[tilespmem:s12], [sflag:$0x1] =	stream.linear.gather [spmem:s17], $0x80, $0x38;
	[tilespmem:$0x1FB00] =	vst v63  }
0x173: {  	s20 =	sld [smem:$0x7BF]  }
0x174: {  	[tilespmem:s7], [sflag:$0x1] =	stream.linear.gather [spmem:s18], $0x80, $0x38;
	[tilespmem:$0x1FB00] =	vst v63  }
0x175: {  	s17 =	sld [smem:$0x7C0]  }
0x176: {  	[tilespmem:s10], [sflag:$0x1] =	stream.linear.gather [spmem:s20], $0x80, $0x38;
	[tilespmem:$0x1FB00] =	vst v63  }
0x177: {  	s18 =	sld [smem:$0x7C1]  }
0x178: {  	[tilespmem:s13], [sflag:$0x1] =	stream.linear.gather [spmem:s17], $0x80, $0x38;
	[tilespmem:$0x1FB00] =	vst v63  }
0x179: {  	_ = 	snop  }
0x17a: {  	[tilespmem:s14], [sflag:$0x1] =	stream.linear.gather [spmem:s18], $0x80, $0x38;
	[tilespmem:$0x1FB00] =	vst v63  }
0x17b: {  	_ =	swait.ge [sflag:s15], $0x800  }
0x17c: {  	[sflag:s15] =	ssyncset.done $0x0  }
0x17d: {  	s20 =	simm.s32 $0x18740;
	[sflag:s15] =	ssyncadd.s32 $0xFFFFF800  }
0x17e: {  	v0 =	vld [tilespmem:s20+$0x30]  }
0x17f: {  	v1 =	vld [tilespmem:s20+$0xFFFFFFD0]  }
0x180: {  	v2 =	vld [tilespmem:s20+$0xFFFFFFE0]  }
0x181: {  	v3 =	vld [tilespmem:s20+$0xFFFFFFF0]  }
0x182: {  	v4 =	vld [tilespmem:s20+$0x0]  }
0x183: {  	v6 =	vld [tilespmem:s20+$0x10]  }
0x184: {  	v7 =	vld [tilespmem:s20+$0x20]  }
0x185: {  	v8 =	vld [tilespmem:s20+$0xFFFFFFC0]  }
0x186: {  	v9 =	vld.idx.msk [tilespmem:v0+s4+$0x0], $0xffff  }
0x187: {  	v10 =	vld.idx.msk [tilespmem:v1+s4+$0x0], $0xffff  }
0x188: {  	v5 =	vld.idx.msk [tilespmem:v2+s4+$0x0], $0xffff  }
0x189: {  	v3 =	vld.idx.msk [tilespmem:v3+s4+$0x0], $0xffff  }
0x18a: {  	v0 =	vld.idx.msk [tilespmem:v4+s4+$0x0], $0xffff  }
0x18b: {  	s16 =	simm.s32 $0x1A770;
	v1 =	vld.idx.msk [tilespmem:v6+s4+$0x0], $0xffff  }
0x18c: {  	v2 =	vld.idx.msk [tilespmem:v7+s4+$0x0], $0xffff;
	[tilespmem:s16+$0x0] =	vst v9  }
0x18d: {  	s17 =	simm.s32 $0x0;
	s18 =	simm.s32 $0x18840;
	v4 =	vld.idx.msk [tilespmem:v8+s4+$0x0], $0xffff;
	[tilespmem:s16+$0xFFFFFFA0] =	vst v10  }
.LBB2_6:
0x18e: {  	v6 =	vld [tilespmem:s18+$0x30];
	s17 =	sadd.s32 $0x8, s17;
	[tilespmem:s16+$0xFFFFFFB0] =	vst v5  }
0x18f: {  	v5 =	vld [tilespmem:s18+$0xFFFFFFD0];
	p0 =	slt.u32 s17, $0x78;
	[tilespmem:s16+$0xFFFFFFC0] =	vst v3  }
0x190: {  	v3 =	vld [tilespmem:s18+$0xFFFFFFE0];
	[tilespmem:s16+$0xFFFFFFD0] =	vst v0  }
0x191: {  	v0 =	vld [tilespmem:s18+$0xFFFFFFF0];
	[tilespmem:s16+$0xFFFFFFE0] =	vst v1  }
0x192: {  	v1 =	vld [tilespmem:s18+$0x0];
	[tilespmem:s16+$0xFFFFFFF0] =	vst v2  }
0x193: {  	v2 =	vld [tilespmem:s18+$0x10];
	[tilespmem:s16+$0xFFFFFF90] =	vst v4  }
0x194: {  	v4 =	vld [tilespmem:s18+$0x20]  }
0x195: {  	v7 =	vld [tilespmem:s18+$0xFFFFFFC0]  }
0x196: {  	v6 =	vld.idx.msk [tilespmem:v6+s4+$0x0], $0xffff  }
0x197: {  	v8 =	vld.idx.msk [tilespmem:v5+s4+$0x0], $0xffff  }
0x198: {  	v5 =	vld.idx.msk [tilespmem:v3+s4+$0x0], $0xffff  }
.Ltmp2:
0x199: {  	v3 =	vld.idx.msk [tilespmem:v0+s4+$0x0], $0xffff;
	(pc) =	sbr.rel @p0 .LBB2_6-.Ltmp2, $4  }
0x19a: {  	v0 =	vld.idx.msk [tilespmem:v1+s4+$0x0], $0xffff  }
0x19b: {  	s16 =	sadd.s32 $0x80, s16;
	v1 =	vld.idx.msk [tilespmem:v2+s4+$0x0], $0xffff  }
0x19c: {  	v2 =	vld.idx.msk [tilespmem:v4+s4+$0x0], $0xffff;
	[tilespmem:s16+$0x0] =	vst v6  }
0x19d: {  	s18 =	sadd.s32 $0x100, s18;
	v4 =	vld.idx.msk [tilespmem:v7+s4+$0x0], $0xffff;
	[tilespmem:s16+$0xFFFFFFA0] =	vst v8  }
0x19e: {  	[tilespmem:s16+$0xFFFFFFB0] =	vst v5  }
0x19f: {  	[tilespmem:s16+$0xFFFFFFC0] =	vst v3  }
0x1a0: {  	[tilespmem:s16+$0xFFFFFFD0] =	vst v0  }
0x1a1: {  	[tilespmem:s16+$0xFFFFFFE0] =	vst v1  }
0x1a2: {  	[tilespmem:s16+$0xFFFFFFF0] =	vst v2  }
0x1a3: {  	[tilespmem:s16+$0xFFFFFF90] =	vst v4  }
0x1a4: {  	s16 =	rddreg [dreg:$0xe]  }
0x1a5: {  	s17 =	simm.s32 $0x18700;
	s18 =	sld [smem:$0x7C2]  }
0x1a6: {  	[tilespmem:s17], [sflag:$0x1] =	stream.linear.gather [spmem:s16], $0x80, $0x38;
	[tilespmem:$0x1FB00] =	vst v63  }
0x1a7: {  	s20 =	simm.s32 $0x18800  }
0x1a8: {  	[tilespmem:s20], [sflag:$0x1] =	stream.linear.gather [spmem:s18], $0x80, $0x38;
	[tilespmem:$0x1FB00] =	vst v63  }
0x1a9: {  	s18 =	sld [smem:$0x7C3];
	_ =	sdelay $0x1  }
0x1aa: {  	s20 =	simm.s32 $0x18900  }
0x1ab: {  	[tilespmem:s20], [sflag:$0x1] =	stream.linear.gather [spmem:s18], $0x80, $0x38;
	[tilespmem:$0x1FB00] =	vst v63  }
0x1ac: {  	s18 =	sld [smem:$0x7C4];
	_ =	sdelay $0x1  }
0x1ad: {  	s20 =	simm.s32 $0x18A00  }
0x1ae: {  	[tilespmem:s20], [sflag:$0x1] =	stream.linear.gather [spmem:s18], $0x80, $0x38;
	[tilespmem:$0x1FB00] =	vst v63  }
0x1af: {  	s18 =	sld [smem:$0x7C5];
	_ =	sdelay $0x1  }
0x1b0: {  	s20 =	simm.s32 $0x18B00  }
0x1b1: {  	[tilespmem:s20], [sflag:$0x1] =	stream.linear.gather [spmem:s18], $0x80, $0x38;
	[tilespmem:$0x1FB00] =	vst v63  }
0x1b2: {  	s18 =	sld [smem:$0x7C6];
	_ =	sdelay $0x1  }
0x1b3: {  	s20 =	simm.s32 $0x18C00  }
0x1b4: {  	[tilespmem:s20], [sflag:$0x1] =	stream.linear.gather [spmem:s18], $0x80, $0x38;
	[tilespmem:$0x1FB00] =	vst v63  }
0x1b5: {  	s18 =	sld [smem:$0x7C7];
	_ =	sdelay $0x1  }
0x1b6: {  	s20 =	simm.s32 $0x18D00  }
0x1b7: {  	[tilespmem:s20], [sflag:$0x1] =	stream.linear.gather [spmem:s18], $0x80, $0x38;
	[tilespmem:$0x1FB00] =	vst v63  }
0x1b8: {  	s18 =	sld [smem:$0x7C8];
	_ =	sdelay $0x1  }
0x1b9: {  	s17 =	sld [smem:$0x7C9];
	s20 =	simm.s32 $0x18E00  }
0x1ba: {  	[tilespmem:s20], [sflag:$0x1] =	stream.linear.gather [spmem:s18], $0x80, $0x38;
	[tilespmem:$0x1FB00] =	vst v63  }
0x1bb: {  	s18 =	sld [smem:$0x7CA]  }
0x1bc: {  	[tilespmem:s23], [sflag:$0x1] =	stream.linear.gather [spmem:s17], $0x80, $0x38;
	[tilespmem:$0x1FB00] =	vst v63  }
0x1bd: {  	s20 =	sld [smem:$0x7CB]  }
0x1be: {  	[tilespmem:s24], [sflag:$0x1] =	stream.linear.gather [spmem:s18], $0x80, $0x38;
	[tilespmem:$0x1FB00] =	vst v63  }
0x1bf: {  	s17 =	sld [smem:$0x7CC]  }
0x1c0: {  	[tilespmem:s25], [sflag:$0x1] =	stream.linear.gather [spmem:s20], $0x80, $0x38;
	[tilespmem:$0x1FB00] =	vst v63  }
0x1c1: {  	s18 =	sld [smem:$0x7CD]  }
0x1c2: {  	[tilespmem:s26], [sflag:$0x1] =	stream.linear.gather [spmem:s17], $0x80, $0x38;
	[tilespmem:$0x1FB00] =	vst v63  }
0x1c3: {  	s20 =	sld [smem:$0x7CE]  }
0x1c4: {  	[tilespmem:s28], [sflag:$0x1] =	stream.linear.gather [spmem:s18], $0x80, $0x38;
	[tilespmem:$0x1FB00] =	vst v63  }
0x1c5: {  	s17 =	sld [smem:$0x7CF]  }
0x1c6: {  	[tilespmem:s8], [sflag:$0x1] =	stream.linear.gather [spmem:s20], $0x80, $0x38;
	[tilespmem:$0x1FB00] =	vst v63  }
0x1c7: {  	s18 =	sld [smem:$0x7D0]  }
0x1c8: {  	[tilespmem:s29], [sflag:$0x1] =	stream.linear.gather [spmem:s17], $0x80, $0x38;
	[tilespmem:$0x1FB00] =	vst v63  }
0x1c9: {  	_ = 	snop  }
0x1ca: {  	[tilespmem:s30], [sflag:$0x1] =	stream.linear.gather [spmem:s18], $0x80, $0x38;
	[tilespmem:$0x1FB00] =	vst v63  }
0x1cb: {  	_ =	swait.ge [sflag:s15], $0x800  }
0x1cc: {  	[sflag:s15] =	ssyncset.done $0x0  }
0x1cd: {  	s20 =	simm.s32 $0x187F0;
	[sflag:s15] =	ssyncadd.s32 $0xFFFFF800  }
0x1ce: {  	v0 =	vld [tilespmem:s20+$0x0]  }
0x1cf: {  	v1 =	vld [tilespmem:s20+$0xFFFFFFA0]  }
0x1d0: {  	v2 =	vld [tilespmem:s20+$0xFFFFFFB0]  }
0x1d1: {  	v3 =	vld [tilespmem:s20+$0xFFFFFFC0]  }
0x1d2: {  	v4 =	vld [tilespmem:s20+$0xFFFFFFD0]  }
0x1d3: {  	v6 =	vld [tilespmem:s20+$0xFFFFFFE0]  }
0x1d4: {  	v7 =	vld [tilespmem:s20+$0xFFFFFFF0]  }
0x1d5: {  	v8 =	vld [tilespmem:s20+$0xFFFFFF90]  }
0x1d6: {  	v9 =	vld.idx.msk [tilespmem:v0+s4+$0x0], $0xffff  }
0x1d7: {  	v10 =	vld.idx.msk [tilespmem:v1+s4+$0x0], $0xffff  }
0x1d8: {  	v5 =	vld.idx.msk [tilespmem:v2+s4+$0x0], $0xffff  }
0x1d9: {  	v3 =	vld.idx.msk [tilespmem:v3+s4+$0x0], $0xffff  }
0x1da: {  	v0 =	vld.idx.msk [tilespmem:v4+s4+$0x0], $0xffff  }
0x1db: {  	s16 =	simm.s32 $0x1AF70;
	v1 =	vld.idx.msk [tilespmem:v6+s4+$0x0], $0xffff  }
0x1dc: {  	v2 =	vld.idx.msk [tilespmem:v7+s4+$0x0], $0xffff;
	[tilespmem:s16+$0x0] =	vst v9  }
0x1dd: {  	s17 =	simm.s32 $0x0;
	s18 =	simm.s32 $0x188F0;
	v4 =	vld.idx.msk [tilespmem:v8+s4+$0x0], $0xffff;
	[tilespmem:s16+$0xFFFFFFA0] =	vst v10  }
.LBB2_8:
0x1de: {  	v6 =	vld [tilespmem:s18+$0x0];
	s17 =	sadd.s32 $0x8, s17;
	[tilespmem:s16+$0xFFFFFFB0] =	vst v5  }
0x1df: {  	v5 =	vld [tilespmem:s18+$0xFFFFFFA0];
	p0 =	slt.u32 s17, $0x78;
	[tilespmem:s16+$0xFFFFFFC0] =	vst v3  }
0x1e0: {  	v3 =	vld [tilespmem:s18+$0xFFFFFFB0];
	[tilespmem:s16+$0xFFFFFFD0] =	vst v0  }
0x1e1: {  	v0 =	vld [tilespmem:s18+$0xFFFFFFC0];
	[tilespmem:s16+$0xFFFFFFE0] =	vst v1  }
0x1e2: {  	v1 =	vld [tilespmem:s18+$0xFFFFFFD0];
	[tilespmem:s16+$0xFFFFFFF0] =	vst v2  }
0x1e3: {  	v2 =	vld [tilespmem:s18+$0xFFFFFFE0];
	[tilespmem:s16+$0xFFFFFF90] =	vst v4  }
0x1e4: {  	v4 =	vld [tilespmem:s18+$0xFFFFFFF0]  }
0x1e5: {  	v7 =	vld [tilespmem:s18+$0xFFFFFF90]  }
0x1e6: {  	v6 =	vld.idx.msk [tilespmem:v6+s4+$0x0], $0xffff  }
0x1e7: {  	v8 =	vld.idx.msk [tilespmem:v5+s4+$0x0], $0xffff  }
0x1e8: {  	v5 =	vld.idx.msk [tilespmem:v3+s4+$0x0], $0xffff  }
.Ltmp3:
0x1e9: {  	v3 =	vld.idx.msk [tilespmem:v0+s4+$0x0], $0xffff;
	(pc) =	sbr.rel @p0 .LBB2_8-.Ltmp3, $4  }
0x1ea: {  	v0 =	vld.idx.msk [tilespmem:v1+s4+$0x0], $0xffff  }
0x1eb: {  	s16 =	sadd.s32 $0x80, s16;
	v1 =	vld.idx.msk [tilespmem:v2+s4+$0x0], $0xffff  }
0x1ec: {  	v2 =	vld.idx.msk [tilespmem:v4+s4+$0x0], $0xffff;
	[tilespmem:s16+$0x0] =	vst v6  }
0x1ed: {  	s18 =	sadd.s32 $0x100, s18;
	v4 =	vld.idx.msk [tilespmem:v7+s4+$0x0], $0xffff;
	[tilespmem:s16+$0xFFFFFFA0] =	vst v8  }
0x1ee: {  	[tilespmem:s16+$0xFFFFFFB0] =	vst v5  }
0x1ef: {  	[tilespmem:s16+$0xFFFFFFC0] =	vst v3  }
0x1f0: {  	[tilespmem:s16+$0xFFFFFFD0] =	vst v0  }
0x1f1: {  	[tilespmem:s16+$0xFFFFFFE0] =	vst v1  }
0x1f2: {  	[tilespmem:s16+$0xFFFFFFF0] =	vst v2  }
0x1f3: {  	[tilespmem:s16+$0xFFFFFF90] =	vst v4  }
0x1f4: {  	s16 =	rddreg [dreg:$0xf]  }
0x1f5: {  	s20 =	sld [smem:$0x7D1]  }
0x1f6: {  	[tilespmem:s31], [sflag:$0x1] =	stream.linear.gather [spmem:s16], $0x80, $0x38;
	[tilespmem:$0x1FB00] =	vst v63  }
0x1f7: {  	s17 =	sld [smem:$0x7D2]  }
0x1f8: {  	[tilespmem:s0], [sflag:$0x1] =	stream.linear.gather [spmem:s20], $0x80, $0x38;
	[tilespmem:$0x1FB00] =	vst v63  }
0x1f9: {  	s18 =	sld [smem:$0x7D3]  }
0x1fa: {  	[tilespmem:s3], [sflag:$0x1] =	stream.linear.gather [spmem:s17], $0x80, $0x38;
	[tilespmem:$0x1FB00] =	vst v63  }
0x1fb: {  	s20 =	sld [smem:$0x7D4]  }
0x1fc: {  	[tilespmem:s6], [sflag:$0x1] =	stream.linear.gather [spmem:s18], $0x80, $0x38;
	[tilespmem:$0x1FB00] =	vst v63  }
0x1fd: {  	s17 =	sld [smem:$0x7D5]  }
0x1fe: {  	[tilespmem:s9], [sflag:$0x1] =	stream.linear.gather [spmem:s20], $0x80, $0x38;
	[tilespmem:$0x1FB00] =	vst v63  }
0x1ff: {  	s18 =	sld [smem:$0x7D6]  }
0x200: {  	[tilespmem:s5], [sflag:$0x1] =	stream.linear.gather [spmem:s17], $0x80, $0x38;
	[tilespmem:$0x1FB00] =	vst v63  }
0x201: {  	s20 =	sld [smem:$0x7D7]  }
0x202: {  	[tilespmem:s19], [sflag:$0x1] =	stream.linear.gather [spmem:s18], $0x80, $0x38;
	[tilespmem:$0x1FB00] =	vst v63  }
0x203: {  	s17 =	sld [smem:$0x7D8]  }
0x204: {  	[tilespmem:s21], [sflag:$0x1] =	stream.linear.gather [spmem:s20], $0x80, $0x38;
	[tilespmem:$0x1FB00] =	vst v63  }
0x205: {  	s18 =	sld [smem:$0x7D9]  }
0x206: {  	[tilespmem:s1], [sflag:$0x1] =	stream.linear.gather [spmem:s17], $0x80, $0x38;
	[tilespmem:$0x1FB00] =	vst v63  }
0x207: {  	s20 =	sld [smem:$0x7DA]  }
0x208: {  	[tilespmem:s2], [sflag:$0x1] =	stream.linear.gather [spmem:s18], $0x80, $0x38;
	[tilespmem:$0x1FB00] =	vst v63  }
0x209: {  	s17 =	sld [smem:$0x7DB]  }
0x20a: {  	[tilespmem:s11], [sflag:$0x1] =	stream.linear.gather [spmem:s20], $0x80, $0x38;
	[tilespmem:$0x1FB00] =	vst v63  }
0x20b: {  	s18 =	sld [smem:$0x7DC]  }
0x20c: {  	[tilespmem:s12], [sflag:$0x1] =	stream.linear.gather [spmem:s17], $0x80, $0x38;
	[tilespmem:$0x1FB00] =	vst v63  }
0x20d: {  	s20 =	sld [smem:$0x7DD]  }
0x20e: {  	[tilespmem:s7], [sflag:$0x1] =	stream.linear.gather [spmem:s18], $0x80, $0x38;
	[tilespmem:$0x1FB00] =	vst v63  }
0x20f: {  	s17 =	sld [smem:$0x7DE]  }
0x210: {  	[tilespmem:s10], [sflag:$0x1] =	stream.linear.gather [spmem:s20], $0x80, $0x38;
	[tilespmem:$0x1FB00] =	vst v63  }
0x211: {  	s18 =	sld [smem:$0x7DF]  }
0x212: {  	[tilespmem:s13], [sflag:$0x1] =	stream.linear.gather [spmem:s17], $0x80, $0x38;
	[tilespmem:$0x1FB00] =	vst v63  }
0x213: {  	_ = 	snop  }
0x214: {  	[tilespmem:s14], [sflag:$0x1] =	stream.linear.gather [spmem:s18], $0x80, $0x38;
	[tilespmem:$0x1FB00] =	vst v63  }
0x215: {  	_ =	swait.ge [sflag:s15], $0x800  }
0x216: {  	[sflag:s15] =	ssyncset.done $0x0  }
0x217: {  	s20 =	simm.s32 $0x18740;
	[sflag:s15] =	ssyncadd.s32 $0xFFFFF800  }
0x218: {  	v0 =	vld [tilespmem:s20+$0x30]  }
0x219: {  	v1 =	vld [tilespmem:s20+$0xFFFFFFD0]  }
0x21a: {  	v2 =	vld [tilespmem:s20+$0xFFFFFFE0]  }
0x21b: {  	v3 =	vld [tilespmem:s20+$0xFFFFFFF0]  }
0x21c: {  	v4 =	vld [tilespmem:s20+$0x0]  }
0x21d: {  	v6 =	vld [tilespmem:s20+$0x10]  }
0x21e: {  	v7 =	vld [tilespmem:s20+$0x20]  }
0x21f: {  	v8 =	vld [tilespmem:s20+$0xFFFFFFC0]  }
0x220: {  	v9 =	vld.idx.msk [tilespmem:v0+s4+$0x0], $0xffff  }
0x221: {  	v10 =	vld.idx.msk [tilespmem:v1+s4+$0x0], $0xffff  }
0x222: {  	v5 =	vld.idx.msk [tilespmem:v2+s4+$0x0], $0xffff  }
0x223: {  	v3 =	vld.idx.msk [tilespmem:v3+s4+$0x0], $0xffff  }
0x224: {  	v0 =	vld.idx.msk [tilespmem:v4+s4+$0x0], $0xffff  }
0x225: {  	s16 =	simm.s32 $0x1B770;
	v1 =	vld.idx.msk [tilespmem:v6+s4+$0x0], $0xffff  }
0x226: {  	v2 =	vld.idx.msk [tilespmem:v7+s4+$0x0], $0xffff;
	[tilespmem:s16+$0x0] =	vst v9  }
0x227: {  	s17 =	simm.s32 $0x0;
	s18 =	simm.s32 $0x18840;
	v4 =	vld.idx.msk [tilespmem:v8+s4+$0x0], $0xffff;
	[tilespmem:s16+$0xFFFFFFA0] =	vst v10  }
.LBB2_10:
0x228: {  	v6 =	vld [tilespmem:s18+$0x30];
	s17 =	sadd.s32 $0x8, s17;
	[tilespmem:s16+$0xFFFFFFB0] =	vst v5  }
0x229: {  	v5 =	vld [tilespmem:s18+$0xFFFFFFD0];
	p0 =	slt.u32 s17, $0x78;
	[tilespmem:s16+$0xFFFFFFC0] =	vst v3  }
0x22a: {  	v3 =	vld [tilespmem:s18+$0xFFFFFFE0];
	[tilespmem:s16+$0xFFFFFFD0] =	vst v0  }
0x22b: {  	v0 =	vld [tilespmem:s18+$0xFFFFFFF0];
	[tilespmem:s16+$0xFFFFFFE0] =	vst v1  }
0x22c: {  	v1 =	vld [tilespmem:s18+$0x0];
	[tilespmem:s16+$0xFFFFFFF0] =	vst v2  }
0x22d: {  	v2 =	vld [tilespmem:s18+$0x10];
	[tilespmem:s16+$0xFFFFFF90] =	vst v4  }
0x22e: {  	v4 =	vld [tilespmem:s18+$0x20]  }
0x22f: {  	v7 =	vld [tilespmem:s18+$0xFFFFFFC0]  }
0x230: {  	v6 =	vld.idx.msk [tilespmem:v6+s4+$0x0], $0xffff  }
0x231: {  	v8 =	vld.idx.msk [tilespmem:v5+s4+$0x0], $0xffff  }
0x232: {  	v5 =	vld.idx.msk [tilespmem:v3+s4+$0x0], $0xffff  }
.Ltmp4:
0x233: {  	v3 =	vld.idx.msk [tilespmem:v0+s4+$0x0], $0xffff;
	(pc) =	sbr.rel @p0 .LBB2_10-.Ltmp4, $4  }
0x234: {  	v0 =	vld.idx.msk [tilespmem:v1+s4+$0x0], $0xffff  }
0x235: {  	s16 =	sadd.s32 $0x80, s16;
	v1 =	vld.idx.msk [tilespmem:v2+s4+$0x0], $0xffff  }
0x236: {  	v2 =	vld.idx.msk [tilespmem:v4+s4+$0x0], $0xffff;
	[tilespmem:s16+$0x0] =	vst v6  }
0x237: {  	s18 =	sadd.s32 $0x100, s18;
	v4 =	vld.idx.msk [tilespmem:v7+s4+$0x0], $0xffff;
	[tilespmem:s16+$0xFFFFFFA0] =	vst v8  }
0x238: {  	[tilespmem:s16+$0xFFFFFFB0] =	vst v5  }
0x239: {  	[tilespmem:s16+$0xFFFFFFC0] =	vst v3  }
0x23a: {  	[tilespmem:s16+$0xFFFFFFD0] =	vst v0  }
0x23b: {  	[tilespmem:s16+$0xFFFFFFE0] =	vst v1  }
0x23c: {  	[tilespmem:s16+$0xFFFFFFF0] =	vst v2  }
0x23d: {  	[tilespmem:s16+$0xFFFFFF90] =	vst v4  }
0x23e: {  	s16 =	rddreg [dreg:$0x10]  }
0x23f: {  	s17 =	simm.s32 $0x18700;
	s18 =	sld [smem:$0x7E0]  }
0x240: {  	[tilespmem:s17], [sflag:$0x1] =	stream.linear.gather [spmem:s16], $0x80, $0x38;
	[tilespmem:$0x1FB00] =	vst v63  }
0x241: {  	s20 =	simm.s32 $0x18800  }
0x242: {  	[tilespmem:s20], [sflag:$0x1] =	stream.linear.gather [spmem:s18], $0x80, $0x38;
	[tilespmem:$0x1FB00] =	vst v63  }
0x243: {  	s18 =	sld [smem:$0x7E1];
	_ =	sdelay $0x1  }
0x244: {  	s20 =	simm.s32 $0x18900  }
0x245: {  	[tilespmem:s20], [sflag:$0x1] =	stream.linear.gather [spmem:s18], $0x80, $0x38;
	[tilespmem:$0x1FB00] =	vst v63  }
0x246: {  	s18 =	sld [smem:$0x7E2];
	_ =	sdelay $0x1  }
0x247: {  	s20 =	simm.s32 $0x18A00  }
0x248: {  	[tilespmem:s20], [sflag:$0x1] =	stream.linear.gather [spmem:s18], $0x80, $0x38;
	[tilespmem:$0x1FB00] =	vst v63  }
0x249: {  	s18 =	sld [smem:$0x7E3];
	_ =	sdelay $0x1  }
0x24a: {  	s20 =	simm.s32 $0x18B00  }
0x24b: {  	[tilespmem:s20], [sflag:$0x1] =	stream.linear.gather [spmem:s18], $0x80, $0x38;
	[tilespmem:$0x1FB00] =	vst v63  }
0x24c: {  	s18 =	sld [smem:$0x7E4];
	_ =	sdelay $0x1  }
0x24d: {  	s20 =	simm.s32 $0x18C00  }
0x24e: {  	[tilespmem:s20], [sflag:$0x1] =	stream.linear.gather [spmem:s18], $0x80, $0x38;
	[tilespmem:$0x1FB00] =	vst v63  }
0x24f: {  	s18 =	sld [smem:$0x7E5];
	_ =	sdelay $0x1  }
0x250: {  	s20 =	simm.s32 $0x18D00  }
0x251: {  	[tilespmem:s20], [sflag:$0x1] =	stream.linear.gather [spmem:s18], $0x80, $0x38;
	[tilespmem:$0x1FB00] =	vst v63  }
0x252: {  	s18 =	sld [smem:$0x7E6];
	_ =	sdelay $0x1  }
0x253: {  	s17 =	sld [smem:$0x7E7];
	s20 =	simm.s32 $0x18E00  }
0x254: {  	[tilespmem:s20], [sflag:$0x1] =	stream.linear.gather [spmem:s18], $0x80, $0x38;
	[tilespmem:$0x1FB00] =	vst v63  }
0x255: {  	s18 =	sld [smem:$0x7E8]  }
0x256: {  	[tilespmem:s23], [sflag:$0x1] =	stream.linear.gather [spmem:s17], $0x80, $0x38;
	[tilespmem:$0x1FB00] =	vst v63  }
0x257: {  	s20 =	sld [smem:$0x7E9]  }
0x258: {  	[tilespmem:s24], [sflag:$0x1] =	stream.linear.gather [spmem:s18], $0x80, $0x38;
	[tilespmem:$0x1FB00] =	vst v63  }
0x259: {  	s17 =	sld [smem:$0x7EA]  }
0x25a: {  	[tilespmem:s25], [sflag:$0x1] =	stream.linear.gather [spmem:s20], $0x80, $0x38;
	[tilespmem:$0x1FB00] =	vst v63  }
0x25b: {  	s18 =	sld [smem:$0x7EB]  }
0x25c: {  	[tilespmem:s26], [sflag:$0x1] =	stream.linear.gather [spmem:s17], $0x80, $0x38;
	[tilespmem:$0x1FB00] =	vst v63  }
0x25d: {  	s20 =	sld [smem:$0x7EC]  }
0x25e: {  	[tilespmem:s28], [sflag:$0x1] =	stream.linear.gather [spmem:s18], $0x80, $0x38;
	[tilespmem:$0x1FB00] =	vst v63  }
0x25f: {  	s17 =	sld [smem:$0x7ED]  }
0x260: {  	[tilespmem:s8], [sflag:$0x1] =	stream.linear.gather [spmem:s20], $0x80, $0x38;
	[tilespmem:$0x1FB00] =	vst v63  }
0x261: {  	s18 =	sld [smem:$0x7EE]  }
0x262: {  	[tilespmem:s29], [sflag:$0x1] =	stream.linear.gather [spmem:s17], $0x80, $0x38;
	[tilespmem:$0x1FB00] =	vst v63  }
0x263: {  	_ = 	snop  }
0x264: {  	[tilespmem:s30], [sflag:$0x1] =	stream.linear.gather [spmem:s18], $0x80, $0x38;
	[tilespmem:$0x1FB00] =	vst v63  }
0x265: {  	_ =	swait.ge [sflag:s15], $0x800  }
0x266: {  	[sflag:s15] =	ssyncset.done $0x0  }
0x267: {  	s20 =	simm.s32 $0x187F0;
	[sflag:s15] =	ssyncadd.s32 $0xFFFFF800  }
0x268: {  	v0 =	vld [tilespmem:s20+$0x0]  }
0x269: {  	v1 =	vld [tilespmem:s20+$0xFFFFFFA0]  }
0x26a: {  	v2 =	vld [tilespmem:s20+$0xFFFFFFB0]  }
0x26b: {  	v3 =	vld [tilespmem:s20+$0xFFFFFFC0]  }
0x26c: {  	v4 =	vld [tilespmem:s20+$0xFFFFFFD0]  }
0x26d: {  	v6 =	vld [tilespmem:s20+$0xFFFFFFE0]  }
0x26e: {  	v7 =	vld [tilespmem:s20+$0xFFFFFFF0]  }
0x26f: {  	v8 =	vld [tilespmem:s20+$0xFFFFFF90]  }
0x270: {  	v9 =	vld.idx.msk [tilespmem:v0+s4+$0x0], $0xffff  }
0x271: {  	v10 =	vld.idx.msk [tilespmem:v1+s4+$0x0], $0xffff  }
0x272: {  	v5 =	vld.idx.msk [tilespmem:v2+s4+$0x0], $0xffff  }
0x273: {  	v3 =	vld.idx.msk [tilespmem:v3+s4+$0x0], $0xffff  }
0x274: {  	v0 =	vld.idx.msk [tilespmem:v4+s4+$0x0], $0xffff  }
0x275: {  	s16 =	simm.s32 $0x1BF70;
	v1 =	vld.idx.msk [tilespmem:v6+s4+$0x0], $0xffff  }
0x276: {  	v2 =	vld.idx.msk [tilespmem:v7+s4+$0x0], $0xffff;
	[tilespmem:s16+$0x0] =	vst v9  }
0x277: {  	s17 =	simm.s32 $0x0;
	s18 =	simm.s32 $0x188F0;
	v4 =	vld.idx.msk [tilespmem:v8+s4+$0x0], $0xffff;
	[tilespmem:s16+$0xFFFFFFA0] =	vst v10  }
.LBB2_12:
0x278: {  	v6 =	vld [tilespmem:s18+$0x0];
	s17 =	sadd.s32 $0x8, s17;
	[tilespmem:s16+$0xFFFFFFB0] =	vst v5  }
0x279: {  	v5 =	vld [tilespmem:s18+$0xFFFFFFA0];
	p0 =	slt.u32 s17, $0x78;
	[tilespmem:s16+$0xFFFFFFC0] =	vst v3  }
0x27a: {  	v3 =	vld [tilespmem:s18+$0xFFFFFFB0];
	[tilespmem:s16+$0xFFFFFFD0] =	vst v0  }
0x27b: {  	v0 =	vld [tilespmem:s18+$0xFFFFFFC0];
	[tilespmem:s16+$0xFFFFFFE0] =	vst v1  }
0x27c: {  	v1 =	vld [tilespmem:s18+$0xFFFFFFD0];
	[tilespmem:s16+$0xFFFFFFF0] =	vst v2  }
0x27d: {  	v2 =	vld [tilespmem:s18+$0xFFFFFFE0];
	[tilespmem:s16+$0xFFFFFF90] =	vst v4  }
0x27e: {  	v4 =	vld [tilespmem:s18+$0xFFFFFFF0]  }
0x27f: {  	v7 =	vld [tilespmem:s18+$0xFFFFFF90]  }
0x280: {  	v6 =	vld.idx.msk [tilespmem:v6+s4+$0x0], $0xffff  }
0x281: {  	v8 =	vld.idx.msk [tilespmem:v5+s4+$0x0], $0xffff  }
0x282: {  	v5 =	vld.idx.msk [tilespmem:v3+s4+$0x0], $0xffff  }
.Ltmp5:
0x283: {  	v3 =	vld.idx.msk [tilespmem:v0+s4+$0x0], $0xffff;
	(pc) =	sbr.rel @p0 .LBB2_12-.Ltmp5, $4  }
0x284: {  	v0 =	vld.idx.msk [tilespmem:v1+s4+$0x0], $0xffff  }
0x285: {  	s16 =	sadd.s32 $0x80, s16;
	v1 =	vld.idx.msk [tilespmem:v2+s4+$0x0], $0xffff  }
0x286: {  	v2 =	vld.idx.msk [tilespmem:v4+s4+$0x0], $0xffff;
	[tilespmem:s16+$0x0] =	vst v6  }
0x287: {  	s18 =	sadd.s32 $0x100, s18;
	v4 =	vld.idx.msk [tilespmem:v7+s4+$0x0], $0xffff;
	[tilespmem:s16+$0xFFFFFFA0] =	vst v8  }
0x288: {  	[tilespmem:s16+$0xFFFFFFB0] =	vst v5  }
0x289: {  	[tilespmem:s16+$0xFFFFFFC0] =	vst v3  }
0x28a: {  	[tilespmem:s16+$0xFFFFFFD0] =	vst v0  }
0x28b: {  	[tilespmem:s16+$0xFFFFFFE0] =	vst v1  }
0x28c: {  	[tilespmem:s16+$0xFFFFFFF0] =	vst v2  }
0x28d: {  	[tilespmem:s16+$0xFFFFFF90] =	vst v4  }
0x28e: {  	s16 =	rddreg [dreg:$0x11]  }
0x28f: {  	s20 =	sld [smem:$0x7EF]  }
0x290: {  	[tilespmem:s31], [sflag:$0x1] =	stream.linear.gather [spmem:s16], $0x80, $0x38;
	[tilespmem:$0x1FB00] =	vst v63  }
0x291: {  	s17 =	sld [smem:$0x7F0]  }
0x292: {  	[tilespmem:s0], [sflag:$0x1] =	stream.linear.gather [spmem:s20], $0x80, $0x38;
	[tilespmem:$0x1FB00] =	vst v63  }
0x293: {  	s18 =	sld [smem:$0x7F1]  }
0x294: {  	[tilespmem:s3], [sflag:$0x1] =	stream.linear.gather [spmem:s17], $0x80, $0x38;
	[tilespmem:$0x1FB00] =	vst v63  }
0x295: {  	s20 =	sld [smem:$0x7F2]  }
0x296: {  	[tilespmem:s6], [sflag:$0x1] =	stream.linear.gather [spmem:s18], $0x80, $0x38;
	[tilespmem:$0x1FB00] =	vst v63  }
0x297: {  	s17 =	sld [smem:$0x7F3]  }
0x298: {  	[tilespmem:s9], [sflag:$0x1] =	stream.linear.gather [spmem:s20], $0x80, $0x38;
	[tilespmem:$0x1FB00] =	vst v63  }
0x299: {  	s18 =	sld [smem:$0x7F4]  }
0x29a: {  	[tilespmem:s5], [sflag:$0x1] =	stream.linear.gather [spmem:s17], $0x80, $0x38;
	[tilespmem:$0x1FB00] =	vst v63  }
0x29b: {  	s20 =	sld [smem:$0x7F5]  }
0x29c: {  	[tilespmem:s19], [sflag:$0x1] =	stream.linear.gather [spmem:s18], $0x80, $0x38;
	[tilespmem:$0x1FB00] =	vst v63  }
0x29d: {  	s17 =	sld [smem:$0x7F6]  }
0x29e: {  	[tilespmem:s21], [sflag:$0x1] =	stream.linear.gather [spmem:s20], $0x80, $0x38;
	[tilespmem:$0x1FB00] =	vst v63  }
0x29f: {  	s18 =	sld [smem:$0x7F7]  }
0x2a0: {  	[tilespmem:s1], [sflag:$0x1] =	stream.linear.gather [spmem:s17], $0x80, $0x38;
	[tilespmem:$0x1FB00] =	vst v63  }
0x2a1: {  	s20 =	sld [smem:$0x7F8]  }
0x2a2: {  	[tilespmem:s2], [sflag:$0x1] =	stream.linear.gather [spmem:s18], $0x80, $0x38;
	[tilespmem:$0x1FB00] =	vst v63  }
0x2a3: {  	s17 =	sld [smem:$0x7F9]  }
0x2a4: {  	[tilespmem:s11], [sflag:$0x1] =	stream.linear.gather [spmem:s20], $0x80, $0x38;
	[tilespmem:$0x1FB00] =	vst v63  }
0x2a5: {  	s18 =	sld [smem:$0x7FA]  }
0x2a6: {  	[tilespmem:s12], [sflag:$0x1] =	stream.linear.gather [spmem:s17], $0x80, $0x38;
	[tilespmem:$0x1FB00] =	vst v63  }
0x2a7: {  	s20 =	sld [smem:$0x7FB]  }
0x2a8: {  	[tilespmem:s7], [sflag:$0x1] =	stream.linear.gather [spmem:s18], $0x80, $0x38;
	[tilespmem:$0x1FB00] =	vst v63  }
0x2a9: {  	s17 =	sld [smem:$0x7FC]  }
0x2aa: {  	[tilespmem:s10], [sflag:$0x1] =	stream.linear.gather [spmem:s20], $0x80, $0x38;
	[tilespmem:$0x1FB00] =	vst v63  }
0x2ab: {  	s18 =	sld [smem:$0x7FD]  }
0x2ac: {  	[tilespmem:s13], [sflag:$0x1] =	stream.linear.gather [spmem:s17], $0x80, $0x38;
	[tilespmem:$0x1FB00] =	vst v63  }
0x2ad: {  	_ = 	snop  }
0x2ae: {  	[tilespmem:s14], [sflag:$0x1] =	stream.linear.gather [spmem:s18], $0x80, $0x38;
	[tilespmem:$0x1FB00] =	vst v63  }
0x2af: {  	_ =	swait.ge [sflag:s15], $0x800  }
0x2b0: {  	[sflag:s15] =	ssyncset.done $0x0  }
0x2b1: {  	s20 =	simm.s32 $0x18740;
	[sflag:s15] =	ssyncadd.s32 $0xFFFFF800  }
0x2b2: {  	v0 =	vld [tilespmem:s20+$0x30]  }
0x2b3: {  	v1 =	vld [tilespmem:s20+$0xFFFFFFD0]  }
0x2b4: {  	v2 =	vld [tilespmem:s20+$0xFFFFFFE0]  }
0x2b5: {  	v3 =	vld [tilespmem:s20+$0xFFFFFFF0]  }
0x2b6: {  	v4 =	vld [tilespmem:s20+$0x0]  }
0x2b7: {  	v6 =	vld [tilespmem:s20+$0x10]  }
0x2b8: {  	v7 =	vld [tilespmem:s20+$0x20]  }
0x2b9: {  	v8 =	vld [tilespmem:s20+$0xFFFFFFC0]  }
0x2ba: {  	v9 =	vld.idx.msk [tilespmem:v0+s4+$0x0], $0xffff  }
0x2bb: {  	v10 =	vld.idx.msk [tilespmem:v1+s4+$0x0], $0xffff  }
0x2bc: {  	v5 =	vld.idx.msk [tilespmem:v2+s4+$0x0], $0xffff  }
0x2bd: {  	v3 =	vld.idx.msk [tilespmem:v3+s4+$0x0], $0xffff  }
0x2be: {  	v0 =	vld.idx.msk [tilespmem:v4+s4+$0x0], $0xffff  }
0x2bf: {  	s16 =	simm.s32 $0x1C770;
	v1 =	vld.idx.msk [tilespmem:v6+s4+$0x0], $0xffff  }
0x2c0: {  	v2 =	vld.idx.msk [tilespmem:v7+s4+$0x0], $0xffff;
	[tilespmem:s16+$0x0] =	vst v9  }
0x2c1: {  	s17 =	simm.s32 $0x0;
	s18 =	simm.s32 $0x18840;
	v4 =	vld.idx.msk [tilespmem:v8+s4+$0x0], $0xffff;
	[tilespmem:s16+$0xFFFFFFA0] =	vst v10  }
.LBB2_14:
0x2c2: {  	v6 =	vld [tilespmem:s18+$0x30];
	s17 =	sadd.s32 $0x8, s17;
	[tilespmem:s16+$0xFFFFFFB0] =	vst v5  }
0x2c3: {  	v5 =	vld [tilespmem:s18+$0xFFFFFFD0];
	p0 =	slt.u32 s17, $0x78;
	[tilespmem:s16+$0xFFFFFFC0] =	vst v3  }
0x2c4: {  	v3 =	vld [tilespmem:s18+$0xFFFFFFE0];
	[tilespmem:s16+$0xFFFFFFD0] =	vst v0  }
0x2c5: {  	v0 =	vld [tilespmem:s18+$0xFFFFFFF0];
	[tilespmem:s16+$0xFFFFFFE0] =	vst v1  }
0x2c6: {  	v1 =	vld [tilespmem:s18+$0x0];
	[tilespmem:s16+$0xFFFFFFF0] =	vst v2  }
0x2c7: {  	v2 =	vld [tilespmem:s18+$0x10];
	[tilespmem:s16+$0xFFFFFF90] =	vst v4  }
0x2c8: {  	v4 =	vld [tilespmem:s18+$0x20]  }
0x2c9: {  	v7 =	vld [tilespmem:s18+$0xFFFFFFC0]  }
0x2ca: {  	v6 =	vld.idx.msk [tilespmem:v6+s4+$0x0], $0xffff  }
0x2cb: {  	v8 =	vld.idx.msk [tilespmem:v5+s4+$0x0], $0xffff  }
0x2cc: {  	v5 =	vld.idx.msk [tilespmem:v3+s4+$0x0], $0xffff  }
.Ltmp6:
0x2cd: {  	v3 =	vld.idx.msk [tilespmem:v0+s4+$0x0], $0xffff;
	(pc) =	sbr.rel @p0 .LBB2_14-.Ltmp6, $4  }
0x2ce: {  	v0 =	vld.idx.msk [tilespmem:v1+s4+$0x0], $0xffff  }
0x2cf: {  	s16 =	sadd.s32 $0x80, s16;
	v1 =	vld.idx.msk [tilespmem:v2+s4+$0x0], $0xffff  }
0x2d0: {  	v2 =	vld.idx.msk [tilespmem:v4+s4+$0x0], $0xffff;
	[tilespmem:s16+$0x0] =	vst v6  }
0x2d1: {  	s18 =	sadd.s32 $0x100, s18;
	v4 =	vld.idx.msk [tilespmem:v7+s4+$0x0], $0xffff;
	[tilespmem:s16+$0xFFFFFFA0] =	vst v8  }
0x2d2: {  	[tilespmem:s16+$0xFFFFFFB0] =	vst v5  }
0x2d3: {  	[tilespmem:s16+$0xFFFFFFC0] =	vst v3  }
0x2d4: {  	[tilespmem:s16+$0xFFFFFFD0] =	vst v0  }
0x2d5: {  	[tilespmem:s16+$0xFFFFFFE0] =	vst v1  }
0x2d6: {  	[tilespmem:s16+$0xFFFFFFF0] =	vst v2  }
0x2d7: {  	[tilespmem:s16+$0xFFFFFF90] =	vst v4  }
0x2d8: {  	_ =	swait.ge [sflag:s15], $0x800  }
0x2d9: {  	[sflag:s15] =	ssyncset.done $0x0  }
0x2da: {  	s20 =	simm.s32 $0x187F0;
	[sflag:s15] =	ssyncadd.s32 $0xFFFFF800  }
0x2db: {  	v0 =	vld [tilespmem:s20+$0x0]  }
0x2dc: {  	v1 =	vld [tilespmem:s20+$0xFFFFFFA0]  }
0x2dd: {  	v2 =	vld [tilespmem:s20+$0xFFFFFFB0]  }
0x2de: {  	v3 =	vld [tilespmem:s20+$0xFFFFFFC0]  }
0x2df: {  	v5 =	vld [tilespmem:s20+$0xFFFFFFD0]  }
0x2e0: {  	v6 =	vld [tilespmem:s20+$0xFFFFFFE0]  }
0x2e1: {  	v7 =	vld [tilespmem:s20+$0xFFFFFFF0]  }
0x2e2: {  	v8 =	vld [tilespmem:s20+$0xFFFFFF90]  }
0x2e3: {  	v9 =	vld.idx.msk [tilespmem:v0+s4+$0x0], $0xffff  }
0x2e4: {  	v10 =	vld.idx.msk [tilespmem:v1+s4+$0x0], $0xffff  }
0x2e5: {  	v4 =	vld.idx.msk [tilespmem:v2+s4+$0x0], $0xffff  }
0x2e6: {  	v3 =	vld.idx.msk [tilespmem:v3+s4+$0x0], $0xffff  }
0x2e7: {  	v0 =	vld.idx.msk [tilespmem:v5+s4+$0x0], $0xffff  }
0x2e8: {  	s17 =	simm.s32 $0x1CF70;
	v1 =	vld.idx.msk [tilespmem:v6+s4+$0x0], $0xffff  }
0x2e9: {  	v2 =	vld.idx.msk [tilespmem:v7+s4+$0x0], $0xffff;
	[tilespmem:s17+$0x0] =	vst v9  }
0x2ea: {  	s18 =	simm.s32 $0x0;
	s20 =	simm.s32 $0x188F0;
	v5 =	vld.idx.msk [tilespmem:v8+s4+$0x0], $0xffff;
	[tilespmem:s17+$0xFFFFFFA0] =	vst v10  }
.LBB2_16:
0x2eb: {  	v6 =	vld [tilespmem:s20+$0x0];
	s18 =	sadd.s32 $0x8, s18;
	[tilespmem:s17+$0xFFFFFFB0] =	vst v4  }
0x2ec: {  	v4 =	vld [tilespmem:s20+$0xFFFFFFA0];
	p0 =	slt.u32 s18, $0x78;
	[tilespmem:s17+$0xFFFFFFC0] =	vst v3  }
0x2ed: {  	v3 =	vld [tilespmem:s20+$0xFFFFFFB0];
	[tilespmem:s17+$0xFFFFFFD0] =	vst v0  }
0x2ee: {  	v0 =	vld [tilespmem:s20+$0xFFFFFFC0];
	[tilespmem:s17+$0xFFFFFFE0] =	vst v1  }
0x2ef: {  	v1 =	vld [tilespmem:s20+$0xFFFFFFD0];
	[tilespmem:s17+$0xFFFFFFF0] =	vst v2  }
0x2f0: {  	v2 =	vld [tilespmem:s20+$0xFFFFFFE0];
	[tilespmem:s17+$0xFFFFFF90] =	vst v5  }
0x2f1: {  	v5 =	vld [tilespmem:s20+$0xFFFFFFF0]  }
0x2f2: {  	v7 =	vld [tilespmem:s20+$0xFFFFFF90]  }
0x2f3: {  	v6 =	vld.idx.msk [tilespmem:v6+s4+$0x0], $0xffff  }
0x2f4: {  	v8 =	vld.idx.msk [tilespmem:v4+s4+$0x0], $0xffff  }
0x2f5: {  	v4 =	vld.idx.msk [tilespmem:v3+s4+$0x0], $0xffff  }
.Ltmp7:
0x2f6: {  	v3 =	vld.idx.msk [tilespmem:v0+s4+$0x0], $0xffff;
	(pc) =	sbr.rel @p0 .LBB2_16-.Ltmp7, $4  }
0x2f7: {  	v0 =	vld.idx.msk [tilespmem:v1+s4+$0x0], $0xffff  }
0x2f8: {  	s17 =	sadd.s32 $0x80, s17;
	v1 =	vld.idx.msk [tilespmem:v2+s4+$0x0], $0xffff  }
0x2f9: {  	s16 =	simm.s32 $0x1;
	v2 =	vld.idx.msk [tilespmem:v5+s4+$0x0], $0xffff;
	[tilespmem:s17+$0x0] =	vst v6  }
0x2fa: {  	s20 =	sadd.s32 $0x100, s20;
	v5 =	vld.idx.msk [tilespmem:v7+s4+$0x0], $0xffff;
	[tilespmem:s17+$0xFFFFFFA0] =	vst v8  }
0x2fb: {  	[tilespmem:s17+$0xFFFFFFB0] =	vst v4  }
0x2fc: {  	[tilespmem:s17+$0xFFFFFFC0] =	vst v3  }
0x2fd: {  	[tilespmem:s17+$0xFFFFFFD0] =	vst v0  }
0x2fe: {  	[tilespmem:s17+$0xFFFFFFE0] =	vst v1  }
0x2ff: {  	[tilespmem:s17+$0xFFFFFFF0] =	vst v2  }
0x300: {  	[tilespmem:s17+$0xFFFFFF90] =	vst v5  }
.LBB2_18:
0x301: {  	s17 =	sshll.u32 s16, $0x5;
	s18 =	rddreg [dreg:$0x5]  }
0x302: {  	s17 =	sor.u32 s18, s17  }
0x303: {  	s17 =	sshrl.u32 s17, $0x3  }
0x304: {  	s17 =	smul.u32 $0xC3800, s17  }
0x305: {  	s20 =	rddreg [dreg:$0x7]  }
0x306: {  	s17 =	sor.u32 s20, s17  }
0x307: {  	s20 =	rddreg [dreg:$0x0];
	s17 =	sshrl.u32 s17, $0x3  }
0x308: {  	s18 =	simm.s32 $0x80;
	s17 =	sadd.s32 s20, s17;
	s20 =	simm.s32 $0x400  }
0x309: {  	[tilespmem:s4], [sflag:$0x2] =	stream.strided.gather [hbm4b:s17+s18], $0x18700, s20, s18, $0x38;
	[tilespmem:$0x1FB00] =	vst v63  }
0x30a: {  	_ =	swait.ge [sflag:s22], $0x18700  }
0x30b: {  	[sflag:s22] =	ssyncset.done $0x0  }
0x30c: {  	s18 =	sshll.u32 s16, $0xE;
	[sflag:s22] =	ssyncadd.s32 $0xFFFE7900  }
0x30d: {  	s17 =	sand.u32 $0x3FFFC000, s18;
	s20 =	rddreg [dreg:$0x3]  }
0x30e: {  	s22 =	simm.s32 $0x18700;
	s17 =	sadd.s32 s17, s20  }
0x30f: {  	[tilespmem:s22], [sflag:$0x1] =	stream.linear.gather [spmem:s17], $0x80, $0x38;
	[tilespmem:$0x1FB00] =	vst v63  }
0x310: {  	s20 =	sadd.s32 $0x80, s17;
	s22 =	simm.s32 $0x18800  }
0x311: {  	[tilespmem:s22], [sflag:$0x1] =	stream.linear.gather [spmem:s20], $0x80, $0x38;
	[tilespmem:$0x1FB00] =	vst v63  }
0x312: {  	s20 =	sadd.s32 $0x100, s17;
	s22 =	simm.s32 $0x18900  }
0x313: {  	[tilespmem:s22], [sflag:$0x1] =	stream.linear.gather [spmem:s20], $0x80, $0x38;
	[tilespmem:$0x1FB00] =	vst v63  }
0x314: {  	s20 =	sadd.s32 $0x180, s17;
	s22 =	simm.s32 $0x18A00  }
0x315: {  	[tilespmem:s22], [sflag:$0x1] =	stream.linear.gather [spmem:s20], $0x80, $0x38;
	[tilespmem:$0x1FB00] =	vst v63  }
0x316: {  	s20 =	sadd.s32 $0x200, s17;
	s22 =	simm.s32 $0x18B00  }
0x317: {  	[tilespmem:s22], [sflag:$0x1] =	stream.linear.gather [spmem:s20], $0x80, $0x38;
	[tilespmem:$0x1FB00] =	vst v63  }
0x318: {  	s20 =	sadd.s32 $0x280, s17;
	s22 =	simm.s32 $0x18C00  }
0x319: {  	[tilespmem:s22], [sflag:$0x1] =	stream.linear.gather [spmem:s20], $0x80, $0x38;
	[tilespmem:$0x1FB00] =	vst v63  }
0x31a: {  	s20 =	sadd.s32 $0x300, s17;
	s22 =	simm.s32 $0x18D00  }
0x31b: {  	[tilespmem:s22], [sflag:$0x1] =	stream.linear.gather [spmem:s20], $0x80, $0x38;
	[tilespmem:$0x1FB00] =	vst v63  }
0x31c: {  	s20 =	sadd.s32 $0x380, s17;
	s22 =	simm.s32 $0x18E00  }
0x31d: {  	[tilespmem:s22], [sflag:$0x1] =	stream.linear.gather [spmem:s20], $0x80, $0x38;
	[tilespmem:$0x1FB00] =	vst v63  }
0x31e: {  	s22 =	sadd.s32 $0x400, s17  }
0x31f: {  	[tilespmem:s23], [sflag:$0x1] =	stream.linear.gather [spmem:s22], $0x80, $0x38;
	[tilespmem:$0x1FB00] =	vst v63  }
0x320: {  	s20 =	sadd.s32 $0x480, s17  }
0x321: {  	[tilespmem:s24], [sflag:$0x1] =	stream.linear.gather [spmem:s20], $0x80, $0x38;
	[tilespmem:$0x1FB00] =	vst v63  }
0x322: {  	s22 =	sadd.s32 $0x500, s17  }
0x323: {  	[tilespmem:s25], [sflag:$0x1] =	stream.linear.gather [spmem:s22], $0x80, $0x38;
	[tilespmem:$0x1FB00] =	vst v63  }
0x324: {  	s20 =	sadd.s32 $0x580, s17  }
0x325: {  	[tilespmem:s26], [sflag:$0x1] =	stream.linear.gather [spmem:s20], $0x80, $0x38;
	[tilespmem:$0x1FB00] =	vst v63  }
0x326: {  	s22 =	sadd.s32 $0x600, s17  }
0x327: {  	[tilespmem:s28], [sflag:$0x1] =	stream.linear.gather [spmem:s22], $0x80, $0x38;
	[tilespmem:$0x1FB00] =	vst v63  }
0x328: {  	s20 =	sadd.s32 $0x680, s17  }
0x329: {  	[tilespmem:s8], [sflag:$0x1] =	stream.linear.gather [spmem:s20], $0x80, $0x38;
	[tilespmem:$0x1FB00] =	vst v63  }
0x32a: {  	s22 =	sadd.s32 $0x700, s17  }
0x32b: {  	[tilespmem:s29], [sflag:$0x1] =	stream.linear.gather [spmem:s22], $0x80, $0x38;
	[tilespmem:$0x1FB00] =	vst v63  }
0x32c: {  	s20 =	sadd.s32 $0x780, s17  }
0x32d: {  	[tilespmem:s30], [sflag:$0x1] =	stream.linear.gather [spmem:s20], $0x80, $0x38;
	[tilespmem:$0x1FB00] =	vst v63  }
0x32e: {  	s22 =	sadd.s32 $0x800, s17  }
0x32f: {  	[tilespmem:s31], [sflag:$0x1] =	stream.linear.gather [spmem:s22], $0x80, $0x38;
	[tilespmem:$0x1FB00] =	vst v63  }
0x330: {  	s20 =	sadd.s32 $0x880, s17  }
0x331: {  	[tilespmem:s0], [sflag:$0x1] =	stream.linear.gather [spmem:s20], $0x80, $0x38;
	[tilespmem:$0x1FB00] =	vst v63  }
0x332: {  	s22 =	sadd.s32 $0x900, s17  }
0x333: {  	[tilespmem:s3], [sflag:$0x1] =	stream.linear.gather [spmem:s22], $0x80, $0x38;
	[tilespmem:$0x1FB00] =	vst v63  }
0x334: {  	s20 =	sadd.s32 $0x980, s17  }
0x335: {  	[tilespmem:s6], [sflag:$0x1] =	stream.linear.gather [spmem:s20], $0x80, $0x38;
	[tilespmem:$0x1FB00] =	vst v63  }
0x336: {  	s22 =	sadd.s32 $0xA00, s17  }
0x337: {  	[tilespmem:s9], [sflag:$0x1] =	stream.linear.gather [spmem:s22], $0x80, $0x38;
	[tilespmem:$0x1FB00] =	vst v63  }
0x338: {  	s20 =	sadd.s32 $0xA80, s17  }
0x339: {  	[tilespmem:s5], [sflag:$0x1] =	stream.linear.gather [spmem:s20], $0x80, $0x38;
	[tilespmem:$0x1FB00] =	vst v63  }
0x33a: {  	s22 =	sadd.s32 $0xB00, s17  }
0x33b: {  	[tilespmem:s19], [sflag:$0x1] =	stream.linear.gather [spmem:s22], $0x80, $0x38;
	[tilespmem:$0x1FB00] =	vst v63  }
0x33c: {  	s20 =	sadd.s32 $0xB80, s17  }
0x33d: {  	[tilespmem:s21], [sflag:$0x1] =	stream.linear.gather [spmem:s20], $0x80, $0x38;
	[tilespmem:$0x1FB00] =	vst v63  }
0x33e: {  	s22 =	sadd.s32 $0xC00, s17  }
0x33f: {  	[tilespmem:s1], [sflag:$0x1] =	stream.linear.gather [spmem:s22], $0x80, $0x38;
	[tilespmem:$0x1FB00] =	vst v63  }
0x340: {  	s20 =	sadd.s32 $0xC80, s17  }
0x341: {  	[tilespmem:s2], [sflag:$0x1] =	stream.linear.gather [spmem:s20], $0x80, $0x38;
	[tilespmem:$0x1FB00] =	vst v63  }
0x342: {  	s22 =	sadd.s32 $0xD00, s17  }
0x343: {  	[tilespmem:s11], [sflag:$0x1] =	stream.linear.gather [spmem:s22], $0x80, $0x38;
	[tilespmem:$0x1FB00] =	vst v63  }
0x344: {  	s20 =	sadd.s32 $0xD80, s17  }
0x345: {  	[tilespmem:s12], [sflag:$0x1] =	stream.linear.gather [spmem:s20], $0x80, $0x38;
	[tilespmem:$0x1FB00] =	vst v63  }
0x346: {  	s22 =	sadd.s32 $0xE00, s17  }
0x347: {  	[tilespmem:s7], [sflag:$0x1] =	stream.linear.gather [spmem:s22], $0x80, $0x38;
	[tilespmem:$0x1FB00] =	vst v63  }
0x348: {  	s20 =	sadd.s32 $0xE80, s17  }
0x349: {  	[tilespmem:s10], [sflag:$0x1] =	stream.linear.gather [spmem:s20], $0x80, $0x38;
	[tilespmem:$0x1FB00] =	vst v63  }
0x34a: {  	s22 =	sadd.s32 $0xF00, s17  }
0x34b: {  	[tilespmem:s13], [sflag:$0x1] =	stream.linear.gather [spmem:s22], $0x80, $0x38;
	[tilespmem:$0x1FB00] =	vst v63  }
0x34c: {  	s20 =	sadd.s32 $0xF80, s17  }
0x34d: {  	[tilespmem:s14], [sflag:$0x1] =	stream.linear.gather [spmem:s20], $0x80, $0x38;
	[tilespmem:$0x1FB00] =	vst v63  }
0x34e: {  	_ =	swait.ge [sflag:s15], $0x800  }
0x34f: {  	[sflag:s15] =	ssyncset.done $0x0  }
0x350: {  	s22 =	simm.s32 $0x18740;
	[sflag:s15] =	ssyncadd.s32 $0xFFFFF800  }
0x351: {  	v0 =	vld [tilespmem:s22+$0x30]  }
0x352: {  	v1 =	vld [tilespmem:s22+$0xFFFFFFD0]  }
0x353: {  	v2 =	vld [tilespmem:s22+$0xFFFFFFE0]  }
0x354: {  	v3 =	vld [tilespmem:s22+$0xFFFFFFF0]  }
0x355: {  	v4 =	vld [tilespmem:s22+$0x0]  }
0x356: {  	v5 =	vld [tilespmem:s22+$0x10]  }
0x357: {  	v7 =	vld [tilespmem:s22+$0xFFFFFFC0]  }
0x358: {  	v6 =	vld [tilespmem:s22+$0x20]  }
0x359: {  	v0 =	vld.idx.msk [tilespmem:v0+s4+$0x0], $0xffff  }
0x35a: {  	v1 =	vld.idx.msk [tilespmem:v1+s4+$0x0], $0xffff  }
0x35b: {  	v2 =	vld.idx.msk [tilespmem:v2+s4+$0x0], $0xffff  }
0x35c: {  	v3 =	vld.idx.msk [tilespmem:v3+s4+$0x0], $0xffff  }
0x35d: {  	v4 =	vld.idx.msk [tilespmem:v4+s4+$0x0], $0xffff  }
0x35e: {  	v5 =	vld.idx.msk [tilespmem:v5+s4+$0x0], $0xffff  }
0x35f: {  	v63 =	vld.idx.msk [tilespmem:v7+s4+$0x0], $0xffff  }
0x360: {  	s18 =	simm.s32 $0x19770;
	v6 =	vld.idx.msk [tilespmem:v6+s4+$0x0], $0xffff  }
0x361: {  	[tilespmem:s18+$0x0] =	vst.add.f32.msk $0xffff, v0  }
0x362: {  	[tilespmem:s18+$0xFFFFFFA0] =	vst.add.f32.msk $0xffff, v1  }
0x363: {  	[tilespmem:s18+$0xFFFFFFB0] =	vst.add.f32.msk $0xffff, v2  }
0x364: {  	[tilespmem:s18+$0xFFFFFFC0] =	vst.add.f32.msk $0xffff, v3  }
0x365: {  	[tilespmem:s18+$0xFFFFFFD0] =	vst.add.f32.msk $0xffff, v4  }
0x366: {  	[tilespmem:s18+$0xFFFFFF90] =	vst.add.f32.msk $0xffff, v63  }
0x367: {  	[tilespmem:s18+$0xFFFFFFE0] =	vst.add.f32.msk $0xffff, v5  }
0x368: {  	s20 =	simm.s32 $0x0;
	s22 =	simm.s32 $0x18840;
	[tilespmem:s18+$0xFFFFFFF0] =	vst.add.f32.msk $0xffff, v6  }
.LBB2_19:
0x369: {  	v0 =	vld [tilespmem:s22+$0x30];
	s20 =	sadd.s32 $0x8, s20  }
0x36a: {  	v1 =	vld [tilespmem:s22+$0xFFFFFFD0];
	p0 =	slt.u32 s20, $0x78  }
0x36b: {  	v2 =	vld [tilespmem:s22+$0xFFFFFFE0]  }
0x36c: {  	v3 =	vld [tilespmem:s22+$0xFFFFFFF0]  }
0x36d: {  	v4 =	vld [tilespmem:s22+$0x0]  }
0x36e: {  	v5 =	vld [tilespmem:s22+$0x10]  }
0x36f: {  	v6 =	vld [tilespmem:s22+$0x20]  }
0x370: {  	v7 =	vld [tilespmem:s22+$0xFFFFFFC0]  }
0x371: {  	v0 =	vld.idx.msk [tilespmem:v0+s4+$0x0], $0xffff  }
0x372: {  	v1 =	vld.idx.msk [tilespmem:v1+s4+$0x0], $0xffff  }
0x373: {  	v2 =	vld.idx.msk [tilespmem:v2+s4+$0x0], $0xffff  }
0x374: {  	v3 =	vld.idx.msk [tilespmem:v3+s4+$0x0], $0xffff  }
0x375: {  	v4 =	vld.idx.msk [tilespmem:v4+s4+$0x0], $0xffff  }
0x376: {  	s18 =	sadd.s32 $0x80, s18;
	v5 =	vld.idx.msk [tilespmem:v5+s4+$0x0], $0xffff  }
0x377: {  	[tilespmem:s18+$0x0] =	vst.add.f32.msk $0xffff, v0  }
0x378: {  	v0 =	vld.idx.msk [tilespmem:v7+s4+$0x0], $0xffff  }
0x379: {  	v6 =	vld.idx.msk [tilespmem:v6+s4+$0x0], $0xffff  }
0x37a: {  	[tilespmem:s18+$0xFFFFFFA0] =	vst.add.f32.msk $0xffff, v1  }
0x37b: {  	[tilespmem:s18+$0xFFFFFFB0] =	vst.add.f32.msk $0xffff, v2  }
.Ltmp8:
0x37c: {  	[tilespmem:s18+$0xFFFFFFC0] =	vst.add.f32.msk $0xffff, v3;
	(pc) =	sbr.rel @p0 .LBB2_19-.Ltmp8, $4  }
0x37d: {  	[tilespmem:s18+$0xFFFFFFD0] =	vst.add.f32.msk $0xffff, v4  }
0x37e: {  	[tilespmem:s18+$0xFFFFFF90] =	vst.add.f32.msk $0xffff, v0  }
0x37f: {  	[tilespmem:s18+$0xFFFFFFE0] =	vst.add.f32.msk $0xffff, v5  }
0x380: {  	s22 =	sadd.s32 $0x100, s22;
	[tilespmem:s18+$0xFFFFFFF0] =	vst.add.f32.msk $0xffff, v6  }
0x381: {  	s18 =	sadd.s32 $0x1000, s17;
	s20 =	simm.s32 $0x18700  }
0x382: {  	[tilespmem:s20], [sflag:$0x1] =	stream.linear.gather [spmem:s18], $0x80, $0x38;
	[tilespmem:$0x1FB00] =	vst v63  }
0x383: {  	s22 =	simm.s32 $0x18800;
	s20 =	sadd.s32 $0x1080, s17  }
0x384: {  	[tilespmem:s22], [sflag:$0x1] =	stream.linear.gather [spmem:s20], $0x80, $0x38;
	[tilespmem:$0x1FB00] =	vst v63  }
0x385: {  	s20 =	sadd.s32 $0x1100, s17;
	s22 =	simm.s32 $0x18900  }
0x386: {  	[tilespmem:s22], [sflag:$0x1] =	stream.linear.gather [spmem:s20], $0x80, $0x38;
	[tilespmem:$0x1FB00] =	vst v63  }
0x387: {  	s20 =	sadd.s32 $0x1180, s17;
	s22 =	simm.s32 $0x18A00  }
0x388: {  	[tilespmem:s22], [sflag:$0x1] =	stream.linear.gather [spmem:s20], $0x80, $0x38;
	[tilespmem:$0x1FB00] =	vst v63  }
0x389: {  	s20 =	sadd.s32 $0x1200, s17;
	s22 =	simm.s32 $0x18B00  }
0x38a: {  	[tilespmem:s22], [sflag:$0x1] =	stream.linear.gather [spmem:s20], $0x80, $0x38;
	[tilespmem:$0x1FB00] =	vst v63  }
0x38b: {  	s20 =	sadd.s32 $0x1280, s17;
	s22 =	simm.s32 $0x18C00  }
0x38c: {  	[tilespmem:s22], [sflag:$0x1] =	stream.linear.gather [spmem:s20], $0x80, $0x38;
	[tilespmem:$0x1FB00] =	vst v63  }
0x38d: {  	s20 =	sadd.s32 $0x1300, s17;
	s22 =	simm.s32 $0x18D00  }
0x38e: {  	[tilespmem:s22], [sflag:$0x1] =	stream.linear.gather [spmem:s20], $0x80, $0x38;
	[tilespmem:$0x1FB00] =	vst v63  }
0x38f: {  	s20 =	sadd.s32 $0x1380, s17;
	s22 =	simm.s32 $0x18E00  }
0x390: {  	[tilespmem:s22], [sflag:$0x1] =	stream.linear.gather [spmem:s20], $0x80, $0x38;
	[tilespmem:$0x1FB00] =	vst v63  }
0x391: {  	s22 =	sadd.s32 $0x1400, s17  }
0x392: {  	[tilespmem:s23], [sflag:$0x1] =	stream.linear.gather [spmem:s22], $0x80, $0x38;
	[tilespmem:$0x1FB00] =	vst v63  }
0x393: {  	s20 =	sadd.s32 $0x1480, s17  }
0x394: {  	[tilespmem:s24], [sflag:$0x1] =	stream.linear.gather [spmem:s20], $0x80, $0x38;
	[tilespmem:$0x1FB00] =	vst v63  }
0x395: {  	s22 =	sadd.s32 $0x1500, s17  }
0x396: {  	[tilespmem:s25], [sflag:$0x1] =	stream.linear.gather [spmem:s22], $0x80, $0x38;
	[tilespmem:$0x1FB00] =	vst v63  }
0x397: {  	s20 =	sadd.s32 $0x1580, s17  }
0x398: {  	[tilespmem:s26], [sflag:$0x1] =	stream.linear.gather [spmem:s20], $0x80, $0x38;
	[tilespmem:$0x1FB00] =	vst v63  }
0x399: {  	s22 =	sadd.s32 $0x1600, s17  }
0x39a: {  	[tilespmem:s28], [sflag:$0x1] =	stream.linear.gather [spmem:s22], $0x80, $0x38;
	[tilespmem:$0x1FB00] =	vst v63  }
0x39b: {  	s20 =	sadd.s32 $0x1680, s17  }
0x39c: {  	[tilespmem:s8], [sflag:$0x1] =	stream.linear.gather [spmem:s20], $0x80, $0x38;
	[tilespmem:$0x1FB00] =	vst v63  }
0x39d: {  	s22 =	sadd.s32 $0x1700, s17  }
0x39e: {  	[tilespmem:s29], [sflag:$0x1] =	stream.linear.gather [spmem:s22], $0x80, $0x38;
	[tilespmem:$0x1FB00] =	vst v63  }
0x39f: {  	s20 =	sadd.s32 $0x1780, s17  }
0x3a0: {  	[tilespmem:s30], [sflag:$0x1] =	stream.linear.gather [spmem:s20], $0x80, $0x38;
	[tilespmem:$0x1FB00] =	vst v63  }
0x3a1: {  	_ =	swait.ge [sflag:s15], $0x800  }
0x3a2: {  	[sflag:s15] =	ssyncset.done $0x0  }
0x3a3: {  	s22 =	simm.s32 $0x187F0;
	[sflag:s15] =	ssyncadd.s32 $0xFFFFF800  }
0x3a4: {  	v0 =	vld [tilespmem:s22+$0x0]  }
0x3a5: {  	v1 =	vld [tilespmem:s22+$0xFFFFFFA0]  }
0x3a6: {  	v2 =	vld [tilespmem:s22+$0xFFFFFFB0]  }
0x3a7: {  	v3 =	vld [tilespmem:s22+$0xFFFFFFC0]  }
0x3a8: {  	v4 =	vld [tilespmem:s22+$0xFFFFFFD0]  }
0x3a9: {  	v5 =	vld [tilespmem:s22+$0xFFFFFFE0]  }
0x3aa: {  	v7 =	vld [tilespmem:s22+$0xFFFFFF90]  }
0x3ab: {  	v6 =	vld [tilespmem:s22+$0xFFFFFFF0]  }
0x3ac: {  	v0 =	vld.idx.msk [tilespmem:v0+s4+$0x0], $0xffff  }
0x3ad: {  	v1 =	vld.idx.msk [tilespmem:v1+s4+$0x0], $0xffff  }
0x3ae: {  	v2 =	vld.idx.msk [tilespmem:v2+s4+$0x0], $0xffff  }
0x3af: {  	v3 =	vld.idx.msk [tilespmem:v3+s4+$0x0], $0xffff  }
0x3b0: {  	v4 =	vld.idx.msk [tilespmem:v4+s4+$0x0], $0xffff  }
0x3b1: {  	v5 =	vld.idx.msk [tilespmem:v5+s4+$0x0], $0xffff  }
0x3b2: {  	v63 =	vld.idx.msk [tilespmem:v7+s4+$0x0], $0xffff  }
0x3b3: {  	s18 =	simm.s32 $0x19F70;
	v6 =	vld.idx.msk [tilespmem:v6+s4+$0x0], $0xffff  }
0x3b4: {  	[tilespmem:s18+$0x0] =	vst.add.f32.msk $0xffff, v0  }
0x3b5: {  	[tilespmem:s18+$0xFFFFFFA0] =	vst.add.f32.msk $0xffff, v1  }
0x3b6: {  	[tilespmem:s18+$0xFFFFFFB0] =	vst.add.f32.msk $0xffff, v2  }
0x3b7: {  	[tilespmem:s18+$0xFFFFFFC0] =	vst.add.f32.msk $0xffff, v3  }
0x3b8: {  	[tilespmem:s18+$0xFFFFFFD0] =	vst.add.f32.msk $0xffff, v4  }
0x3b9: {  	[tilespmem:s18+$0xFFFFFF90] =	vst.add.f32.msk $0xffff, v63  }
0x3ba: {  	[tilespmem:s18+$0xFFFFFFE0] =	vst.add.f32.msk $0xffff, v5  }
0x3bb: {  	s20 =	simm.s32 $0x0;
	s22 =	simm.s32 $0x188F0;
	[tilespmem:s18+$0xFFFFFFF0] =	vst.add.f32.msk $0xffff, v6  }
.LBB2_21:
0x3bc: {  	v0 =	vld [tilespmem:s22+$0x0];
	s20 =	sadd.s32 $0x8, s20  }
0x3bd: {  	v1 =	vld [tilespmem:s22+$0xFFFFFFA0];
	p0 =	slt.u32 s20, $0x78  }
0x3be: {  	v2 =	vld [tilespmem:s22+$0xFFFFFFB0]  }
0x3bf: {  	v3 =	vld [tilespmem:s22+$0xFFFFFFC0]  }
0x3c0: {  	v4 =	vld [tilespmem:s22+$0xFFFFFFD0]  }
0x3c1: {  	v5 =	vld [tilespmem:s22+$0xFFFFFFE0]  }
0x3c2: {  	v6 =	vld [tilespmem:s22+$0xFFFFFFF0]  }
0x3c3: {  	v7 =	vld [tilespmem:s22+$0xFFFFFF90]  }
0x3c4: {  	v0 =	vld.idx.msk [tilespmem:v0+s4+$0x0], $0xffff  }
0x3c5: {  	v1 =	vld.idx.msk [tilespmem:v1+s4+$0x0], $0xffff  }
0x3c6: {  	v2 =	vld.idx.msk [tilespmem:v2+s4+$0x0], $0xffff  }
0x3c7: {  	v3 =	vld.idx.msk [tilespmem:v3+s4+$0x0], $0xffff  }
0x3c8: {  	v4 =	vld.idx.msk [tilespmem:v4+s4+$0x0], $0xffff  }
0x3c9: {  	s18 =	sadd.s32 $0x80, s18;
	v5 =	vld.idx.msk [tilespmem:v5+s4+$0x0], $0xffff  }
0x3ca: {  	[tilespmem:s18+$0x0] =	vst.add.f32.msk $0xffff, v0  }
0x3cb: {  	v0 =	vld.idx.msk [tilespmem:v7+s4+$0x0], $0xffff  }
0x3cc: {  	v6 =	vld.idx.msk [tilespmem:v6+s4+$0x0], $0xffff  }
0x3cd: {  	[tilespmem:s18+$0xFFFFFFA0] =	vst.add.f32.msk $0xffff, v1  }
0x3ce: {  	[tilespmem:s18+$0xFFFFFFB0] =	vst.add.f32.msk $0xffff, v2  }
.Ltmp9:
0x3cf: {  	[tilespmem:s18+$0xFFFFFFC0] =	vst.add.f32.msk $0xffff, v3;
	(pc) =	sbr.rel @p0 .LBB2_21-.Ltmp9, $4  }
0x3d0: {  	[tilespmem:s18+$0xFFFFFFD0] =	vst.add.f32.msk $0xffff, v4  }
0x3d1: {  	[tilespmem:s18+$0xFFFFFF90] =	vst.add.f32.msk $0xffff, v0  }
0x3d2: {  	[tilespmem:s18+$0xFFFFFFE0] =	vst.add.f32.msk $0xffff, v5  }
0x3d3: {  	s22 =	sadd.s32 $0x100, s22;
	[tilespmem:s18+$0xFFFFFFF0] =	vst.add.f32.msk $0xffff, v6  }
0x3d4: {  	s18 =	sadd.s32 $0x1800, s17  }
0x3d5: {  	[tilespmem:s31], [sflag:$0x1] =	stream.linear.gather [spmem:s18], $0x80, $0x38;
	[tilespmem:$0x1FB00] =	vst v63  }
0x3d6: {  	s20 =	sadd.s32 $0x1880, s17  }
0x3d7: {  	[tilespmem:s0], [sflag:$0x1] =	stream.linear.gather [spmem:s20], $0x80, $0x38;
	[tilespmem:$0x1FB00] =	vst v63  }
0x3d8: {  	s22 =	sadd.s32 $0x1900, s17  }
0x3d9: {  	[tilespmem:s3], [sflag:$0x1] =	stream.linear.gather [spmem:s22], $0x80, $0x38;
	[tilespmem:$0x1FB00] =	vst v63  }
0x3da: {  	s20 =	sadd.s32 $0x1980, s17  }
0x3db: {  	[tilespmem:s6], [sflag:$0x1] =	stream.linear.gather [spmem:s20], $0x80, $0x38;
	[tilespmem:$0x1FB00] =	vst v63  }
0x3dc: {  	s22 =	sadd.s32 $0x1A00, s17  }
0x3dd: {  	[tilespmem:s9], [sflag:$0x1] =	stream.linear.gather [spmem:s22], $0x80, $0x38;
	[tilespmem:$0x1FB00] =	vst v63  }
0x3de: {  	s20 =	sadd.s32 $0x1A80, s17  }
0x3df: {  	[tilespmem:s5], [sflag:$0x1] =	stream.linear.gather [spmem:s20], $0x80, $0x38;
	[tilespmem:$0x1FB00] =	vst v63  }
0x3e0: {  	s22 =	sadd.s32 $0x1B00, s17  }
0x3e1: {  	[tilespmem:s19], [sflag:$0x1] =	stream.linear.gather [spmem:s22], $0x80, $0x38;
	[tilespmem:$0x1FB00] =	vst v63  }
0x3e2: {  	s20 =	sadd.s32 $0x1B80, s17  }
0x3e3: {  	[tilespmem:s21], [sflag:$0x1] =	stream.linear.gather [spmem:s20], $0x80, $0x38;
	[tilespmem:$0x1FB00] =	vst v63  }
0x3e4: {  	s22 =	sadd.s32 $0x1C00, s17  }
0x3e5: {  	[tilespmem:s1], [sflag:$0x1] =	stream.linear.gather [spmem:s22], $0x80, $0x38;
	[tilespmem:$0x1FB00] =	vst v63  }
0x3e6: {  	s20 =	sadd.s32 $0x1C80, s17  }
0x3e7: {  	[tilespmem:s2], [sflag:$0x1] =	stream.linear.gather [spmem:s20], $0x80, $0x38;
	[tilespmem:$0x1FB00] =	vst v63  }
0x3e8: {  	s22 =	sadd.s32 $0x1D00, s17  }
0x3e9: {  	[tilespmem:s11], [sflag:$0x1] =	stream.linear.gather [spmem:s22], $0x80, $0x38;
	[tilespmem:$0x1FB00] =	vst v63  }
0x3ea: {  	s20 =	sadd.s32 $0x1D80, s17  }
0x3eb: {  	[tilespmem:s12], [sflag:$0x1] =	stream.linear.gather [spmem:s20], $0x80, $0x38;
	[tilespmem:$0x1FB00] =	vst v63  }
0x3ec: {  	s22 =	sadd.s32 $0x1E00, s17  }
0x3ed: {  	[tilespmem:s7], [sflag:$0x1] =	stream.linear.gather [spmem:s22], $0x80, $0x38;
	[tilespmem:$0x1FB00] =	vst v63  }
0x3ee: {  	s20 =	sadd.s32 $0x1E80, s17  }
0x3ef: {  	[tilespmem:s10], [sflag:$0x1] =	stream.linear.gather [spmem:s20], $0x80, $0x38;
	[tilespmem:$0x1FB00] =	vst v63  }
0x3f0: {  	s22 =	sadd.s32 $0x1F00, s17  }
0x3f1: {  	[tilespmem:s13], [sflag:$0x1] =	stream.linear.gather [spmem:s22], $0x80, $0x38;
	[tilespmem:$0x1FB00] =	vst v63  }
0x3f2: {  	s20 =	sadd.s32 $0x1F80, s17  }
0x3f3: {  	[tilespmem:s14], [sflag:$0x1] =	stream.linear.gather [spmem:s20], $0x80, $0x38;
	[tilespmem:$0x1FB00] =	vst v63  }
0x3f4: {  	_ =	swait.ge [sflag:s15], $0x800  }
0x3f5: {  	[sflag:s15] =	ssyncset.done $0x0  }
0x3f6: {  	s22 =	simm.s32 $0x18740;
	[sflag:s15] =	ssyncadd.s32 $0xFFFFF800  }
0x3f7: {  	v0 =	vld [tilespmem:s22+$0x30]  }
0x3f8: {  	v1 =	vld [tilespmem:s22+$0xFFFFFFD0]  }
0x3f9: {  	v2 =	vld [tilespmem:s22+$0xFFFFFFE0]  }
0x3fa: {  	v3 =	vld [tilespmem:s22+$0xFFFFFFF0]  }
0x3fb: {  	v4 =	vld [tilespmem:s22+$0x0]  }
0x3fc: {  	v5 =	vld [tilespmem:s22+$0x10]  }
0x3fd: {  	v7 =	vld [tilespmem:s22+$0xFFFFFFC0]  }
0x3fe: {  	v6 =	vld [tilespmem:s22+$0x20]  }
0x3ff: {  	v0 =	vld.idx.msk [tilespmem:v0+s4+$0x0], $0xffff  }
0x400: {  	v1 =	vld.idx.msk [tilespmem:v1+s4+$0x0], $0xffff  }
0x401: {  	v2 =	vld.idx.msk [tilespmem:v2+s4+$0x0], $0xffff  }
0x402: {  	v3 =	vld.idx.msk [tilespmem:v3+s4+$0x0], $0xffff  }
0x403: {  	v4 =	vld.idx.msk [tilespmem:v4+s4+$0x0], $0xffff  }
0x404: {  	v5 =	vld.idx.msk [tilespmem:v5+s4+$0x0], $0xffff  }
0x405: {  	v63 =	vld.idx.msk [tilespmem:v7+s4+$0x0], $0xffff  }
0x406: {  	s18 =	simm.s32 $0x1A770;
	v6 =	vld.idx.msk [tilespmem:v6+s4+$0x0], $0xffff  }
0x407: {  	[tilespmem:s18+$0x0] =	vst.add.f32.msk $0xffff, v0  }
0x408: {  	[tilespmem:s18+$0xFFFFFFA0] =	vst.add.f32.msk $0xffff, v1  }
0x409: {  	[tilespmem:s18+$0xFFFFFFB0] =	vst.add.f32.msk $0xffff, v2  }
0x40a: {  	[tilespmem:s18+$0xFFFFFFC0] =	vst.add.f32.msk $0xffff, v3  }
0x40b: {  	[tilespmem:s18+$0xFFFFFFD0] =	vst.add.f32.msk $0xffff, v4  }
0x40c: {  	[tilespmem:s18+$0xFFFFFF90] =	vst.add.f32.msk $0xffff, v63  }
0x40d: {  	[tilespmem:s18+$0xFFFFFFE0] =	vst.add.f32.msk $0xffff, v5  }
0x40e: {  	s20 =	simm.s32 $0x0;
	s22 =	simm.s32 $0x18840;
	[tilespmem:s18+$0xFFFFFFF0] =	vst.add.f32.msk $0xffff, v6  }
.LBB2_23:
0x40f: {  	v0 =	vld [tilespmem:s22+$0x30];
	s20 =	sadd.s32 $0x8, s20  }
0x410: {  	v1 =	vld [tilespmem:s22+$0xFFFFFFD0];
	p0 =	slt.u32 s20, $0x78  }
0x411: {  	v2 =	vld [tilespmem:s22+$0xFFFFFFE0]  }
0x412: {  	v3 =	vld [tilespmem:s22+$0xFFFFFFF0]  }
0x413: {  	v4 =	vld [tilespmem:s22+$0x0]  }
0x414: {  	v5 =	vld [tilespmem:s22+$0x10]  }
0x415: {  	v6 =	vld [tilespmem:s22+$0x20]  }
0x416: {  	v7 =	vld [tilespmem:s22+$0xFFFFFFC0]  }
0x417: {  	v0 =	vld.idx.msk [tilespmem:v0+s4+$0x0], $0xffff  }
0x418: {  	v1 =	vld.idx.msk [tilespmem:v1+s4+$0x0], $0xffff  }
0x419: {  	v2 =	vld.idx.msk [tilespmem:v2+s4+$0x0], $0xffff  }
0x41a: {  	v3 =	vld.idx.msk [tilespmem:v3+s4+$0x0], $0xffff  }
0x41b: {  	v4 =	vld.idx.msk [tilespmem:v4+s4+$0x0], $0xffff  }
0x41c: {  	s18 =	sadd.s32 $0x80, s18;
	v5 =	vld.idx.msk [tilespmem:v5+s4+$0x0], $0xffff  }
0x41d: {  	[tilespmem:s18+$0x0] =	vst.add.f32.msk $0xffff, v0  }
0x41e: {  	v0 =	vld.idx.msk [tilespmem:v7+s4+$0x0], $0xffff  }
0x41f: {  	v6 =	vld.idx.msk [tilespmem:v6+s4+$0x0], $0xffff  }
0x420: {  	[tilespmem:s18+$0xFFFFFFA0] =	vst.add.f32.msk $0xffff, v1  }
0x421: {  	[tilespmem:s18+$0xFFFFFFB0] =	vst.add.f32.msk $0xffff, v2  }
.Ltmp10:
0x422: {  	[tilespmem:s18+$0xFFFFFFC0] =	vst.add.f32.msk $0xffff, v3;
	(pc) =	sbr.rel @p0 .LBB2_23-.Ltmp10, $4  }
0x423: {  	[tilespmem:s18+$0xFFFFFFD0] =	vst.add.f32.msk $0xffff, v4  }
0x424: {  	[tilespmem:s18+$0xFFFFFF90] =	vst.add.f32.msk $0xffff, v0  }
0x425: {  	[tilespmem:s18+$0xFFFFFFE0] =	vst.add.f32.msk $0xffff, v5  }
0x426: {  	s22 =	sadd.s32 $0x100, s22;
	[tilespmem:s18+$0xFFFFFFF0] =	vst.add.f32.msk $0xffff, v6  }
0x427: {  	s18 =	sadd.s32 $0x2000, s17;
	s20 =	simm.s32 $0x18700  }
0x428: {  	[tilespmem:s20], [sflag:$0x1] =	stream.linear.gather [spmem:s18], $0x80, $0x38;
	[tilespmem:$0x1FB00] =	vst v63  }
0x429: {  	s22 =	simm.s32 $0x18800;
	s20 =	sadd.s32 $0x2080, s17  }
0x42a: {  	[tilespmem:s22], [sflag:$0x1] =	stream.linear.gather [spmem:s20], $0x80, $0x38;
	[tilespmem:$0x1FB00] =	vst v63  }
0x42b: {  	s20 =	sadd.s32 $0x2100, s17;
	s22 =	simm.s32 $0x18900  }
0x42c: {  	[tilespmem:s22], [sflag:$0x1] =	stream.linear.gather [spmem:s20], $0x80, $0x38;
	[tilespmem:$0x1FB00] =	vst v63  }
0x42d: {  	s20 =	sadd.s32 $0x2180, s17;
	s22 =	simm.s32 $0x18A00  }
0x42e: {  	[tilespmem:s22], [sflag:$0x1] =	stream.linear.gather [spmem:s20], $0x80, $0x38;
	[tilespmem:$0x1FB00] =	vst v63  }
0x42f: {  	s20 =	sadd.s32 $0x2200, s17;
	s22 =	simm.s32 $0x18B00  }
0x430: {  	[tilespmem:s22], [sflag:$0x1] =	stream.linear.gather [spmem:s20], $0x80, $0x38;
	[tilespmem:$0x1FB00] =	vst v63  }
0x431: {  	s20 =	sadd.s32 $0x2280, s17;
	s22 =	simm.s32 $0x18C00  }
0x432: {  	[tilespmem:s22], [sflag:$0x1] =	stream.linear.gather [spmem:s20], $0x80, $0x38;
	[tilespmem:$0x1FB00] =	vst v63  }
0x433: {  	s20 =	sadd.s32 $0x2300, s17;
	s22 =	simm.s32 $0x18D00  }
0x434: {  	[tilespmem:s22], [sflag:$0x1] =	stream.linear.gather [spmem:s20], $0x80, $0x38;
	[tilespmem:$0x1FB00] =	vst v63  }
0x435: {  	s20 =	sadd.s32 $0x2380, s17;
	s22 =	simm.s32 $0x18E00  }
0x436: {  	[tilespmem:s22], [sflag:$0x1] =	stream.linear.gather [spmem:s20], $0x80, $0x38;
	[tilespmem:$0x1FB00] =	vst v63  }
0x437: {  	s22 =	sadd.s32 $0x2400, s17  }
0x438: {  	[tilespmem:s23], [sflag:$0x1] =	stream.linear.gather [spmem:s22], $0x80, $0x38;
	[tilespmem:$0x1FB00] =	vst v63  }
0x439: {  	s20 =	sadd.s32 $0x2480, s17  }
0x43a: {  	[tilespmem:s24], [sflag:$0x1] =	stream.linear.gather [spmem:s20], $0x80, $0x38;
	[tilespmem:$0x1FB00] =	vst v63  }
0x43b: {  	s22 =	sadd.s32 $0x2500, s17  }
0x43c: {  	[tilespmem:s25], [sflag:$0x1] =	stream.linear.gather [spmem:s22], $0x80, $0x38;
	[tilespmem:$0x1FB00] =	vst v63  }
0x43d: {  	s20 =	sadd.s32 $0x2580, s17  }
0x43e: {  	[tilespmem:s26], [sflag:$0x1] =	stream.linear.gather [spmem:s20], $0x80, $0x38;
	[tilespmem:$0x1FB00] =	vst v63  }
0x43f: {  	s22 =	sadd.s32 $0x2600, s17  }
0x440: {  	[tilespmem:s28], [sflag:$0x1] =	stream.linear.gather [spmem:s22], $0x80, $0x38;
	[tilespmem:$0x1FB00] =	vst v63  }
0x441: {  	s20 =	sadd.s32 $0x2680, s17  }
0x442: {  	[tilespmem:s8], [sflag:$0x1] =	stream.linear.gather [spmem:s20], $0x80, $0x38;
	[tilespmem:$0x1FB00] =	vst v63  }
0x443: {  	s22 =	sadd.s32 $0x2700, s17  }
0x444: {  	[tilespmem:s29], [sflag:$0x1] =	stream.linear.gather [spmem:s22], $0x80, $0x38;
	[tilespmem:$0x1FB00] =	vst v63  }
0x445: {  	s20 =	sadd.s32 $0x2780, s17  }
0x446: {  	[tilespmem:s30], [sflag:$0x1] =	stream.linear.gather [spmem:s20], $0x80, $0x38;
	[tilespmem:$0x1FB00] =	vst v63  }
0x447: {  	_ =	swait.ge [sflag:s15], $0x800  }
0x448: {  	[sflag:s15] =	ssyncset.done $0x0  }
0x449: {  	s22 =	simm.s32 $0x187F0;
	[sflag:s15] =	ssyncadd.s32 $0xFFFFF800  }
0x44a: {  	v0 =	vld [tilespmem:s22+$0x0]  }
0x44b: {  	v1 =	vld [tilespmem:s22+$0xFFFFFFA0]  }
0x44c: {  	v2 =	vld [tilespmem:s22+$0xFFFFFFB0]  }
0x44d: {  	v3 =	vld [tilespmem:s22+$0xFFFFFFC0]  }
0x44e: {  	v4 =	vld [tilespmem:s22+$0xFFFFFFD0]  }
0x44f: {  	v5 =	vld [tilespmem:s22+$0xFFFFFFE0]  }
0x450: {  	v7 =	vld [tilespmem:s22+$0xFFFFFF90]  }
0x451: {  	v6 =	vld [tilespmem:s22+$0xFFFFFFF0]  }
0x452: {  	v0 =	vld.idx.msk [tilespmem:v0+s4+$0x0], $0xffff  }
0x453: {  	v1 =	vld.idx.msk [tilespmem:v1+s4+$0x0], $0xffff  }
0x454: {  	v2 =	vld.idx.msk [tilespmem:v2+s4+$0x0], $0xffff  }
0x455: {  	v3 =	vld.idx.msk [tilespmem:v3+s4+$0x0], $0xffff  }
0x456: {  	v4 =	vld.idx.msk [tilespmem:v4+s4+$0x0], $0xffff  }
0x457: {  	v5 =	vld.idx.msk [tilespmem:v5+s4+$0x0], $0xffff  }
0x458: {  	v63 =	vld.idx.msk [tilespmem:v7+s4+$0x0], $0xffff  }
0x459: {  	s18 =	simm.s32 $0x1AF70;
	v6 =	vld.idx.msk [tilespmem:v6+s4+$0x0], $0xffff  }
0x45a: {  	[tilespmem:s18+$0x0] =	vst.add.f32.msk $0xffff, v0  }
0x45b: {  	[tilespmem:s18+$0xFFFFFFA0] =	vst.add.f32.msk $0xffff, v1  }
0x45c: {  	[tilespmem:s18+$0xFFFFFFB0] =	vst.add.f32.msk $0xffff, v2  }
0x45d: {  	[tilespmem:s18+$0xFFFFFFC0] =	vst.add.f32.msk $0xffff, v3  }
0x45e: {  	[tilespmem:s18+$0xFFFFFFD0] =	vst.add.f32.msk $0xffff, v4  }
0x45f: {  	[tilespmem:s18+$0xFFFFFF90] =	vst.add.f32.msk $0xffff, v63  }
0x460: {  	[tilespmem:s18+$0xFFFFFFE0] =	vst.add.f32.msk $0xffff, v5  }
0x461: {  	s20 =	simm.s32 $0x0;
	s22 =	simm.s32 $0x188F0;
	[tilespmem:s18+$0xFFFFFFF0] =	vst.add.f32.msk $0xffff, v6  }
.LBB2_25:
0x462: {  	v0 =	vld [tilespmem:s22+$0x0];
	s20 =	sadd.s32 $0x8, s20  }
0x463: {  	v1 =	vld [tilespmem:s22+$0xFFFFFFA0];
	p0 =	slt.u32 s20, $0x78  }
0x464: {  	v2 =	vld [tilespmem:s22+$0xFFFFFFB0]  }
0x465: {  	v3 =	vld [tilespmem:s22+$0xFFFFFFC0]  }
0x466: {  	v4 =	vld [tilespmem:s22+$0xFFFFFFD0]  }
0x467: {  	v5 =	vld [tilespmem:s22+$0xFFFFFFE0]  }
0x468: {  	v6 =	vld [tilespmem:s22+$0xFFFFFFF0]  }
0x469: {  	v7 =	vld [tilespmem:s22+$0xFFFFFF90]  }
0x46a: {  	v0 =	vld.idx.msk [tilespmem:v0+s4+$0x0], $0xffff  }
0x46b: {  	v1 =	vld.idx.msk [tilespmem:v1+s4+$0x0], $0xffff  }
0x46c: {  	v2 =	vld.idx.msk [tilespmem:v2+s4+$0x0], $0xffff  }
0x46d: {  	v3 =	vld.idx.msk [tilespmem:v3+s4+$0x0], $0xffff  }
0x46e: {  	v4 =	vld.idx.msk [tilespmem:v4+s4+$0x0], $0xffff  }
0x46f: {  	s18 =	sadd.s32 $0x80, s18;
	v5 =	vld.idx.msk [tilespmem:v5+s4+$0x0], $0xffff  }
0x470: {  	[tilespmem:s18+$0x0] =	vst.add.f32.msk $0xffff, v0  }
0x471: {  	v0 =	vld.idx.msk [tilespmem:v7+s4+$0x0], $0xffff  }
0x472: {  	v6 =	vld.idx.msk [tilespmem:v6+s4+$0x0], $0xffff  }
0x473: {  	[tilespmem:s18+$0xFFFFFFA0] =	vst.add.f32.msk $0xffff, v1  }
0x474: {  	[tilespmem:s18+$0xFFFFFFB0] =	vst.add.f32.msk $0xffff, v2  }
.Ltmp11:
0x475: {  	[tilespmem:s18+$0xFFFFFFC0] =	vst.add.f32.msk $0xffff, v3;
	(pc) =	sbr.rel @p0 .LBB2_25-.Ltmp11, $4  }
0x476: {  	[tilespmem:s18+$0xFFFFFFD0] =	vst.add.f32.msk $0xffff, v4  }
0x477: {  	[tilespmem:s18+$0xFFFFFF90] =	vst.add.f32.msk $0xffff, v0  }
0x478: {  	[tilespmem:s18+$0xFFFFFFE0] =	vst.add.f32.msk $0xffff, v5  }
0x479: {  	s22 =	sadd.s32 $0x100, s22;
	[tilespmem:s18+$0xFFFFFFF0] =	vst.add.f32.msk $0xffff, v6  }
0x47a: {  	s18 =	sadd.s32 $0x2800, s17  }
0x47b: {  	[tilespmem:s31], [sflag:$0x1] =	stream.linear.gather [spmem:s18], $0x80, $0x38;
	[tilespmem:$0x1FB00] =	vst v63  }
0x47c: {  	s20 =	sadd.s32 $0x2880, s17  }
0x47d: {  	[tilespmem:s0], [sflag:$0x1] =	stream.linear.gather [spmem:s20], $0x80, $0x38;
	[tilespmem:$0x1FB00] =	vst v63  }
0x47e: {  	s22 =	sadd.s32 $0x2900, s17  }
0x47f: {  	[tilespmem:s3], [sflag:$0x1] =	stream.linear.gather [spmem:s22], $0x80, $0x38;
	[tilespmem:$0x1FB00] =	vst v63  }
0x480: {  	s20 =	sadd.s32 $0x2980, s17  }
0x481: {  	[tilespmem:s6], [sflag:$0x1] =	stream.linear.gather [spmem:s20], $0x80, $0x38;
	[tilespmem:$0x1FB00] =	vst v63  }
0x482: {  	s22 =	sadd.s32 $0x2A00, s17  }
0x483: {  	[tilespmem:s9], [sflag:$0x1] =	stream.linear.gather [spmem:s22], $0x80, $0x38;
	[tilespmem:$0x1FB00] =	vst v63  }
0x484: {  	s20 =	sadd.s32 $0x2A80, s17  }
0x485: {  	[tilespmem:s5], [sflag:$0x1] =	stream.linear.gather [spmem:s20], $0x80, $0x38;
	[tilespmem:$0x1FB00] =	vst v63  }
0x486: {  	s22 =	sadd.s32 $0x2B00, s17  }
0x487: {  	[tilespmem:s19], [sflag:$0x1] =	stream.linear.gather [spmem:s22], $0x80, $0x38;
	[tilespmem:$0x1FB00] =	vst v63  }
0x488: {  	s20 =	sadd.s32 $0x2B80, s17  }
0x489: {  	[tilespmem:s21], [sflag:$0x1] =	stream.linear.gather [spmem:s20], $0x80, $0x38;
	[tilespmem:$0x1FB00] =	vst v63  }
0x48a: {  	s22 =	sadd.s32 $0x2C00, s17  }
0x48b: {  	[tilespmem:s1], [sflag:$0x1] =	stream.linear.gather [spmem:s22], $0x80, $0x38;
	[tilespmem:$0x1FB00] =	vst v63  }
0x48c: {  	s20 =	sadd.s32 $0x2C80, s17  }
0x48d: {  	[tilespmem:s2], [sflag:$0x1] =	stream.linear.gather [spmem:s20], $0x80, $0x38;
	[tilespmem:$0x1FB00] =	vst v63  }
0x48e: {  	s22 =	sadd.s32 $0x2D00, s17  }
0x48f: {  	[tilespmem:s11], [sflag:$0x1] =	stream.linear.gather [spmem:s22], $0x80, $0x38;
	[tilespmem:$0x1FB00] =	vst v63  }
0x490: {  	s20 =	sadd.s32 $0x2D80, s17  }
0x491: {  	[tilespmem:s12], [sflag:$0x1] =	stream.linear.gather [spmem:s20], $0x80, $0x38;
	[tilespmem:$0x1FB00] =	vst v63  }
0x492: {  	s22 =	sadd.s32 $0x2E00, s17  }
0x493: {  	[tilespmem:s7], [sflag:$0x1] =	stream.linear.gather [spmem:s22], $0x80, $0x38;
	[tilespmem:$0x1FB00] =	vst v63  }
0x494: {  	s20 =	sadd.s32 $0x2E80, s17  }
0x495: {  	[tilespmem:s10], [sflag:$0x1] =	stream.linear.gather [spmem:s20], $0x80, $0x38;
	[tilespmem:$0x1FB00] =	vst v63  }
0x496: {  	s22 =	sadd.s32 $0x2F00, s17  }
0x497: {  	[tilespmem:s13], [sflag:$0x1] =	stream.linear.gather [spmem:s22], $0x80, $0x38;
	[tilespmem:$0x1FB00] =	vst v63  }
0x498: {  	s20 =	sadd.s32 $0x2F80, s17  }
0x499: {  	[tilespmem:s14], [sflag:$0x1] =	stream.linear.gather [spmem:s20], $0x80, $0x38;
	[tilespmem:$0x1FB00] =	vst v63  }
0x49a: {  	_ =	swait.ge [sflag:s15], $0x800  }
0x49b: {  	[sflag:s15] =	ssyncset.done $0x0  }
0x49c: {  	s22 =	simm.s32 $0x18740;
	[sflag:s15] =	ssyncadd.s32 $0xFFFFF800  }
0x49d: {  	v0 =	vld [tilespmem:s22+$0x30]  }
0x49e: {  	v1 =	vld [tilespmem:s22+$0xFFFFFFD0]  }
0x49f: {  	v2 =	vld [tilespmem:s22+$0xFFFFFFE0]  }
0x4a0: {  	v3 =	vld [tilespmem:s22+$0xFFFFFFF0]  }
0x4a1: {  	v4 =	vld [tilespmem:s22+$0x0]  }
0x4a2: {  	v5 =	vld [tilespmem:s22+$0x10]  }
0x4a3: {  	v7 =	vld [tilespmem:s22+$0xFFFFFFC0]  }
0x4a4: {  	v6 =	vld [tilespmem:s22+$0x20]  }
0x4a5: {  	v0 =	vld.idx.msk [tilespmem:v0+s4+$0x0], $0xffff  }
0x4a6: {  	v1 =	vld.idx.msk [tilespmem:v1+s4+$0x0], $0xffff  }
0x4a7: {  	v2 =	vld.idx.msk [tilespmem:v2+s4+$0x0], $0xffff  }
0x4a8: {  	v3 =	vld.idx.msk [tilespmem:v3+s4+$0x0], $0xffff  }
0x4a9: {  	v4 =	vld.idx.msk [tilespmem:v4+s4+$0x0], $0xffff  }
0x4aa: {  	v5 =	vld.idx.msk [tilespmem:v5+s4+$0x0], $0xffff  }
0x4ab: {  	v63 =	vld.idx.msk [tilespmem:v7+s4+$0x0], $0xffff  }
0x4ac: {  	s18 =	simm.s32 $0x1B770;
	v6 =	vld.idx.msk [tilespmem:v6+s4+$0x0], $0xffff  }
0x4ad: {  	[tilespmem:s18+$0x0] =	vst.add.f32.msk $0xffff, v0  }
0x4ae: {  	[tilespmem:s18+$0xFFFFFFA0] =	vst.add.f32.msk $0xffff, v1  }
0x4af: {  	[tilespmem:s18+$0xFFFFFFB0] =	vst.add.f32.msk $0xffff, v2  }
0x4b0: {  	[tilespmem:s18+$0xFFFFFFC0] =	vst.add.f32.msk $0xffff, v3  }
0x4b1: {  	[tilespmem:s18+$0xFFFFFFD0] =	vst.add.f32.msk $0xffff, v4  }
0x4b2: {  	[tilespmem:s18+$0xFFFFFF90] =	vst.add.f32.msk $0xffff, v63  }
0x4b3: {  	[tilespmem:s18+$0xFFFFFFE0] =	vst.add.f32.msk $0xffff, v5  }
0x4b4: {  	s20 =	simm.s32 $0x0;
	s22 =	simm.s32 $0x18840;
	[tilespmem:s18+$0xFFFFFFF0] =	vst.add.f32.msk $0xffff, v6  }
.LBB2_27:
0x4b5: {  	v0 =	vld [tilespmem:s22+$0x30];
	s20 =	sadd.s32 $0x8, s20  }
0x4b6: {  	v1 =	vld [tilespmem:s22+$0xFFFFFFD0];
	p0 =	slt.u32 s20, $0x78  }
0x4b7: {  	v2 =	vld [tilespmem:s22+$0xFFFFFFE0]  }
0x4b8: {  	v3 =	vld [tilespmem:s22+$0xFFFFFFF0]  }
0x4b9: {  	v4 =	vld [tilespmem:s22+$0x0]  }
0x4ba: {  	v5 =	vld [tilespmem:s22+$0x10]  }
0x4bb: {  	v6 =	vld [tilespmem:s22+$0x20]  }
0x4bc: {  	v7 =	vld [tilespmem:s22+$0xFFFFFFC0]  }
0x4bd: {  	v0 =	vld.idx.msk [tilespmem:v0+s4+$0x0], $0xffff  }
0x4be: {  	v1 =	vld.idx.msk [tilespmem:v1+s4+$0x0], $0xffff  }
0x4bf: {  	v2 =	vld.idx.msk [tilespmem:v2+s4+$0x0], $0xffff  }
0x4c0: {  	v3 =	vld.idx.msk [tilespmem:v3+s4+$0x0], $0xffff  }
0x4c1: {  	v4 =	vld.idx.msk [tilespmem:v4+s4+$0x0], $0xffff  }
0x4c2: {  	s18 =	sadd.s32 $0x80, s18;
	v5 =	vld.idx.msk [tilespmem:v5+s4+$0x0], $0xffff  }
0x4c3: {  	[tilespmem:s18+$0x0] =	vst.add.f32.msk $0xffff, v0  }
0x4c4: {  	v0 =	vld.idx.msk [tilespmem:v7+s4+$0x0], $0xffff  }
0x4c5: {  	v6 =	vld.idx.msk [tilespmem:v6+s4+$0x0], $0xffff  }
0x4c6: {  	[tilespmem:s18+$0xFFFFFFA0] =	vst.add.f32.msk $0xffff, v1  }
0x4c7: {  	[tilespmem:s18+$0xFFFFFFB0] =	vst.add.f32.msk $0xffff, v2  }
.Ltmp12:
0x4c8: {  	[tilespmem:s18+$0xFFFFFFC0] =	vst.add.f32.msk $0xffff, v3;
	(pc) =	sbr.rel @p0 .LBB2_27-.Ltmp12, $4  }
0x4c9: {  	[tilespmem:s18+$0xFFFFFFD0] =	vst.add.f32.msk $0xffff, v4  }
0x4ca: {  	[tilespmem:s18+$0xFFFFFF90] =	vst.add.f32.msk $0xffff, v0  }
0x4cb: {  	[tilespmem:s18+$0xFFFFFFE0] =	vst.add.f32.msk $0xffff, v5  }
0x4cc: {  	s22 =	sadd.s32 $0x100, s22;
	[tilespmem:s18+$0xFFFFFFF0] =	vst.add.f32.msk $0xffff, v6  }
0x4cd: {  	s18 =	sadd.s32 $0x3000, s17;
	s20 =	simm.s32 $0x18700  }
0x4ce: {  	[tilespmem:s20], [sflag:$0x1] =	stream.linear.gather [spmem:s18], $0x80, $0x38;
	[tilespmem:$0x1FB00] =	vst v63  }
0x4cf: {  	s22 =	simm.s32 $0x18800;
	s20 =	sadd.s32 $0x3080, s17  }
0x4d0: {  	[tilespmem:s22], [sflag:$0x1] =	stream.linear.gather [spmem:s20], $0x80, $0x38;
	[tilespmem:$0x1FB00] =	vst v63  }
0x4d1: {  	s20 =	sadd.s32 $0x3100, s17;
	s22 =	simm.s32 $0x18900  }
0x4d2: {  	[tilespmem:s22], [sflag:$0x1] =	stream.linear.gather [spmem:s20], $0x80, $0x38;
	[tilespmem:$0x1FB00] =	vst v63  }
0x4d3: {  	s20 =	sadd.s32 $0x3180, s17;
	s22 =	simm.s32 $0x18A00  }
0x4d4: {  	[tilespmem:s22], [sflag:$0x1] =	stream.linear.gather [spmem:s20], $0x80, $0x38;
	[tilespmem:$0x1FB00] =	vst v63  }
0x4d5: {  	s20 =	sadd.s32 $0x3200, s17;
	s22 =	simm.s32 $0x18B00  }
0x4d6: {  	[tilespmem:s22], [sflag:$0x1] =	stream.linear.gather [spmem:s20], $0x80, $0x38;
	[tilespmem:$0x1FB00] =	vst v63  }
0x4d7: {  	s20 =	sadd.s32 $0x3280, s17;
	s22 =	simm.s32 $0x18C00  }
0x4d8: {  	[tilespmem:s22], [sflag:$0x1] =	stream.linear.gather [spmem:s20], $0x80, $0x38;
	[tilespmem:$0x1FB00] =	vst v63  }
0x4d9: {  	s20 =	sadd.s32 $0x3300, s17;
	s22 =	simm.s32 $0x18D00  }
0x4da: {  	[tilespmem:s22], [sflag:$0x1] =	stream.linear.gather [spmem:s20], $0x80, $0x38;
	[tilespmem:$0x1FB00] =	vst v63  }
0x4db: {  	s20 =	sadd.s32 $0x3380, s17;
	s22 =	simm.s32 $0x18E00  }
0x4dc: {  	[tilespmem:s22], [sflag:$0x1] =	stream.linear.gather [spmem:s20], $0x80, $0x38;
	[tilespmem:$0x1FB00] =	vst v63  }
0x4dd: {  	s22 =	sadd.s32 $0x3400, s17  }
0x4de: {  	[tilespmem:s23], [sflag:$0x1] =	stream.linear.gather [spmem:s22], $0x80, $0x38;
	[tilespmem:$0x1FB00] =	vst v63  }
0x4df: {  	s20 =	sadd.s32 $0x3480, s17  }
0x4e0: {  	[tilespmem:s24], [sflag:$0x1] =	stream.linear.gather [spmem:s20], $0x80, $0x38;
	[tilespmem:$0x1FB00] =	vst v63  }
0x4e1: {  	s22 =	sadd.s32 $0x3500, s17  }
0x4e2: {  	[tilespmem:s25], [sflag:$0x1] =	stream.linear.gather [spmem:s22], $0x80, $0x38;
	[tilespmem:$0x1FB00] =	vst v63  }
0x4e3: {  	s20 =	sadd.s32 $0x3580, s17  }
0x4e4: {  	[tilespmem:s26], [sflag:$0x1] =	stream.linear.gather [spmem:s20], $0x80, $0x38;
	[tilespmem:$0x1FB00] =	vst v63  }
0x4e5: {  	s22 =	sadd.s32 $0x3600, s17  }
0x4e6: {  	[tilespmem:s28], [sflag:$0x1] =	stream.linear.gather [spmem:s22], $0x80, $0x38;
	[tilespmem:$0x1FB00] =	vst v63  }
0x4e7: {  	s20 =	sadd.s32 $0x3680, s17  }
0x4e8: {  	[tilespmem:s8], [sflag:$0x1] =	stream.linear.gather [spmem:s20], $0x80, $0x38;
	[tilespmem:$0x1FB00] =	vst v63  }
0x4e9: {  	s22 =	sadd.s32 $0x3700, s17  }
0x4ea: {  	[tilespmem:s29], [sflag:$0x1] =	stream.linear.gather [spmem:s22], $0x80, $0x38;
	[tilespmem:$0x1FB00] =	vst v63  }
0x4eb: {  	s20 =	sadd.s32 $0x3780, s17  }
0x4ec: {  	[tilespmem:s30], [sflag:$0x1] =	stream.linear.gather [spmem:s20], $0x80, $0x38;
	[tilespmem:$0x1FB00] =	vst v63  }
0x4ed: {  	_ =	swait.ge [sflag:s15], $0x800  }
0x4ee: {  	[sflag:s15] =	ssyncset.done $0x0  }
0x4ef: {  	s22 =	simm.s32 $0x187F0;
	[sflag:s15] =	ssyncadd.s32 $0xFFFFF800  }
0x4f0: {  	v0 =	vld [tilespmem:s22+$0x0]  }
0x4f1: {  	v1 =	vld [tilespmem:s22+$0xFFFFFFA0]  }
0x4f2: {  	v2 =	vld [tilespmem:s22+$0xFFFFFFB0]  }
0x4f3: {  	v3 =	vld [tilespmem:s22+$0xFFFFFFC0]  }
0x4f4: {  	v4 =	vld [tilespmem:s22+$0xFFFFFFD0]  }
0x4f5: {  	v5 =	vld [tilespmem:s22+$0xFFFFFFE0]  }
0x4f6: {  	v7 =	vld [tilespmem:s22+$0xFFFFFF90]  }
0x4f7: {  	v6 =	vld [tilespmem:s22+$0xFFFFFFF0]  }
0x4f8: {  	v0 =	vld.idx.msk [tilespmem:v0+s4+$0x0], $0xffff  }
0x4f9: {  	v1 =	vld.idx.msk [tilespmem:v1+s4+$0x0], $0xffff  }
0x4fa: {  	v2 =	vld.idx.msk [tilespmem:v2+s4+$0x0], $0xffff  }
0x4fb: {  	v3 =	vld.idx.msk [tilespmem:v3+s4+$0x0], $0xffff  }
0x4fc: {  	v4 =	vld.idx.msk [tilespmem:v4+s4+$0x0], $0xffff  }
0x4fd: {  	v5 =	vld.idx.msk [tilespmem:v5+s4+$0x0], $0xffff  }
0x4fe: {  	v63 =	vld.idx.msk [tilespmem:v7+s4+$0x0], $0xffff  }
0x4ff: {  	s18 =	simm.s32 $0x1BF70;
	v6 =	vld.idx.msk [tilespmem:v6+s4+$0x0], $0xffff  }
0x500: {  	[tilespmem:s18+$0x0] =	vst.add.f32.msk $0xffff, v0  }
0x501: {  	[tilespmem:s18+$0xFFFFFFA0] =	vst.add.f32.msk $0xffff, v1  }
0x502: {  	[tilespmem:s18+$0xFFFFFFB0] =	vst.add.f32.msk $0xffff, v2  }
0x503: {  	[tilespmem:s18+$0xFFFFFFC0] =	vst.add.f32.msk $0xffff, v3  }
0x504: {  	[tilespmem:s18+$0xFFFFFFD0] =	vst.add.f32.msk $0xffff, v4  }
0x505: {  	[tilespmem:s18+$0xFFFFFF90] =	vst.add.f32.msk $0xffff, v63  }
0x506: {  	[tilespmem:s18+$0xFFFFFFE0] =	vst.add.f32.msk $0xffff, v5  }
0x507: {  	s20 =	simm.s32 $0x0;
	s22 =	simm.s32 $0x188F0;
	[tilespmem:s18+$0xFFFFFFF0] =	vst.add.f32.msk $0xffff, v6  }
.LBB2_29:
0x508: {  	v0 =	vld [tilespmem:s22+$0x0];
	s20 =	sadd.s32 $0x8, s20  }
0x509: {  	v1 =	vld [tilespmem:s22+$0xFFFFFFA0];
	p0 =	slt.u32 s20, $0x78  }
0x50a: {  	v2 =	vld [tilespmem:s22+$0xFFFFFFB0]  }
0x50b: {  	v3 =	vld [tilespmem:s22+$0xFFFFFFC0]  }
0x50c: {  	v4 =	vld [tilespmem:s22+$0xFFFFFFD0]  }
0x50d: {  	v5 =	vld [tilespmem:s22+$0xFFFFFFE0]  }
0x50e: {  	v6 =	vld [tilespmem:s22+$0xFFFFFFF0]  }
0x50f: {  	v7 =	vld [tilespmem:s22+$0xFFFFFF90]  }
0x510: {  	v0 =	vld.idx.msk [tilespmem:v0+s4+$0x0], $0xffff  }
0x511: {  	v1 =	vld.idx.msk [tilespmem:v1+s4+$0x0], $0xffff  }
0x512: {  	v2 =	vld.idx.msk [tilespmem:v2+s4+$0x0], $0xffff  }
0x513: {  	v3 =	vld.idx.msk [tilespmem:v3+s4+$0x0], $0xffff  }
0x514: {  	v4 =	vld.idx.msk [tilespmem:v4+s4+$0x0], $0xffff  }
0x515: {  	s18 =	sadd.s32 $0x80, s18;
	v5 =	vld.idx.msk [tilespmem:v5+s4+$0x0], $0xffff  }
0x516: {  	[tilespmem:s18+$0x0] =	vst.add.f32.msk $0xffff, v0  }
0x517: {  	v0 =	vld.idx.msk [tilespmem:v7+s4+$0x0], $0xffff  }
0x518: {  	v6 =	vld.idx.msk [tilespmem:v6+s4+$0x0], $0xffff  }
0x519: {  	[tilespmem:s18+$0xFFFFFFA0] =	vst.add.f32.msk $0xffff, v1  }
0x51a: {  	[tilespmem:s18+$0xFFFFFFB0] =	vst.add.f32.msk $0xffff, v2  }
.Ltmp13:
0x51b: {  	[tilespmem:s18+$0xFFFFFFC0] =	vst.add.f32.msk $0xffff, v3;
	(pc) =	sbr.rel @p0 .LBB2_29-.Ltmp13, $4  }
0x51c: {  	[tilespmem:s18+$0xFFFFFFD0] =	vst.add.f32.msk $0xffff, v4  }
0x51d: {  	[tilespmem:s18+$0xFFFFFF90] =	vst.add.f32.msk $0xffff, v0  }
0x51e: {  	[tilespmem:s18+$0xFFFFFFE0] =	vst.add.f32.msk $0xffff, v5  }
0x51f: {  	s22 =	sadd.s32 $0x100, s22;
	[tilespmem:s18+$0xFFFFFFF0] =	vst.add.f32.msk $0xffff, v6  }
0x520: {  	s18 =	sadd.s32 $0x3800, s17  }
0x521: {  	[tilespmem:s31], [sflag:$0x1] =	stream.linear.gather [spmem:s18], $0x80, $0x38;
	[tilespmem:$0x1FB00] =	vst v63  }
0x522: {  	s20 =	sadd.s32 $0x3880, s17  }
0x523: {  	[tilespmem:s0], [sflag:$0x1] =	stream.linear.gather [spmem:s20], $0x80, $0x38;
	[tilespmem:$0x1FB00] =	vst v63  }
0x524: {  	s22 =	sadd.s32 $0x3900, s17  }
0x525: {  	[tilespmem:s3], [sflag:$0x1] =	stream.linear.gather [spmem:s22], $0x80, $0x38;
	[tilespmem:$0x1FB00] =	vst v63  }
0x526: {  	s20 =	sadd.s32 $0x3980, s17  }
0x527: {  	[tilespmem:s6], [sflag:$0x1] =	stream.linear.gather [spmem:s20], $0x80, $0x38;
	[tilespmem:$0x1FB00] =	vst v63  }
0x528: {  	s22 =	sadd.s32 $0x3A00, s17  }
0x529: {  	[tilespmem:s9], [sflag:$0x1] =	stream.linear.gather [spmem:s22], $0x80, $0x38;
	[tilespmem:$0x1FB00] =	vst v63  }
0x52a: {  	s20 =	sadd.s32 $0x3A80, s17  }
0x52b: {  	[tilespmem:s5], [sflag:$0x1] =	stream.linear.gather [spmem:s20], $0x80, $0x38;
	[tilespmem:$0x1FB00] =	vst v63  }
0x52c: {  	s22 =	sadd.s32 $0x3B00, s17  }
0x52d: {  	[tilespmem:s19], [sflag:$0x1] =	stream.linear.gather [spmem:s22], $0x80, $0x38;
	[tilespmem:$0x1FB00] =	vst v63  }
0x52e: {  	s20 =	sadd.s32 $0x3B80, s17  }
0x52f: {  	[tilespmem:s21], [sflag:$0x1] =	stream.linear.gather [spmem:s20], $0x80, $0x38;
	[tilespmem:$0x1FB00] =	vst v63  }
0x530: {  	s22 =	sadd.s32 $0x3C00, s17  }
0x531: {  	[tilespmem:s1], [sflag:$0x1] =	stream.linear.gather [spmem:s22], $0x80, $0x38;
	[tilespmem:$0x1FB00] =	vst v63  }
0x532: {  	s20 =	sadd.s32 $0x3C80, s17  }
0x533: {  	[tilespmem:s2], [sflag:$0x1] =	stream.linear.gather [spmem:s20], $0x80, $0x38;
	[tilespmem:$0x1FB00] =	vst v63  }
0x534: {  	s22 =	sadd.s32 $0x3D00, s17  }
0x535: {  	[tilespmem:s11], [sflag:$0x1] =	stream.linear.gather [spmem:s22], $0x80, $0x38;
	[tilespmem:$0x1FB00] =	vst v63  }
0x536: {  	s20 =	sadd.s32 $0x3D80, s17  }
0x537: {  	[tilespmem:s12], [sflag:$0x1] =	stream.linear.gather [spmem:s20], $0x80, $0x38;
	[tilespmem:$0x1FB00] =	vst v63  }
0x538: {  	s22 =	sadd.s32 $0x3E00, s17  }
0x539: {  	[tilespmem:s7], [sflag:$0x1] =	stream.linear.gather [spmem:s22], $0x80, $0x38;
	[tilespmem:$0x1FB00] =	vst v63  }
0x53a: {  	s20 =	sadd.s32 $0x3E80, s17  }
0x53b: {  	[tilespmem:s10], [sflag:$0x1] =	stream.linear.gather [spmem:s20], $0x80, $0x38;
	[tilespmem:$0x1FB00] =	vst v63  }
0x53c: {  	s22 =	sadd.s32 $0x3F00, s17  }
0x53d: {  	[tilespmem:s13], [sflag:$0x1] =	stream.linear.gather [spmem:s22], $0x80, $0x38;
	[tilespmem:$0x1FB00] =	vst v63  }
0x53e: {  	s20 =	sadd.s32 $0x3F80, s17  }
0x53f: {  	[tilespmem:s14], [sflag:$0x1] =	stream.linear.gather [spmem:s20], $0x80, $0x38;
	[tilespmem:$0x1FB00] =	vst v63  }
0x540: {  	_ =	swait.ge [sflag:s15], $0x800  }
0x541: {  	[sflag:s15] =	ssyncset.done $0x0  }
0x542: {  	s22 =	simm.s32 $0x18740;
	[sflag:s15] =	ssyncadd.s32 $0xFFFFF800  }
0x543: {  	v0 =	vld [tilespmem:s22+$0x30]  }
0x544: {  	v1 =	vld [tilespmem:s22+$0xFFFFFFD0]  }
0x545: {  	v2 =	vld [tilespmem:s22+$0xFFFFFFE0]  }
0x546: {  	v3 =	vld [tilespmem:s22+$0xFFFFFFF0]  }
0x547: {  	v4 =	vld [tilespmem:s22+$0x0]  }
0x548: {  	v5 =	vld [tilespmem:s22+$0x10]  }
0x549: {  	v7 =	vld [tilespmem:s22+$0xFFFFFFC0]  }
0x54a: {  	v6 =	vld [tilespmem:s22+$0x20]  }
0x54b: {  	v0 =	vld.idx.msk [tilespmem:v0+s4+$0x0], $0xffff  }
0x54c: {  	v1 =	vld.idx.msk [tilespmem:v1+s4+$0x0], $0xffff  }
0x54d: {  	v2 =	vld.idx.msk [tilespmem:v2+s4+$0x0], $0xffff  }
0x54e: {  	v3 =	vld.idx.msk [tilespmem:v3+s4+$0x0], $0xffff  }
0x54f: {  	v4 =	vld.idx.msk [tilespmem:v4+s4+$0x0], $0xffff  }
0x550: {  	v5 =	vld.idx.msk [tilespmem:v5+s4+$0x0], $0xffff  }
0x551: {  	v63 =	vld.idx.msk [tilespmem:v7+s4+$0x0], $0xffff  }
0x552: {  	s17 =	simm.s32 $0x1C770;
	v6 =	vld.idx.msk [tilespmem:v6+s4+$0x0], $0xffff  }
0x553: {  	[tilespmem:s17+$0x0] =	vst.add.f32.msk $0xffff, v0  }
0x554: {  	[tilespmem:s17+$0xFFFFFFA0] =	vst.add.f32.msk $0xffff, v1  }
0x555: {  	[tilespmem:s17+$0xFFFFFFB0] =	vst.add.f32.msk $0xffff, v2  }
0x556: {  	[tilespmem:s17+$0xFFFFFFC0] =	vst.add.f32.msk $0xffff, v3  }
0x557: {  	[tilespmem:s17+$0xFFFFFFD0] =	vst.add.f32.msk $0xffff, v4  }
0x558: {  	[tilespmem:s17+$0xFFFFFF90] =	vst.add.f32.msk $0xffff, v63  }
0x559: {  	[tilespmem:s17+$0xFFFFFFE0] =	vst.add.f32.msk $0xffff, v5  }
0x55a: {  	s18 =	simm.s32 $0x0;
	s20 =	simm.s32 $0x18840;
	[tilespmem:s17+$0xFFFFFFF0] =	vst.add.f32.msk $0xffff, v6  }
.LBB2_31:
0x55b: {  	v0 =	vld [tilespmem:s20+$0x30];
	s18 =	sadd.s32 $0x8, s18  }
0x55c: {  	v1 =	vld [tilespmem:s20+$0xFFFFFFD0];
	p0 =	slt.u32 s18, $0x78  }
0x55d: {  	v2 =	vld [tilespmem:s20+$0xFFFFFFE0]  }
0x55e: {  	v3 =	vld [tilespmem:s20+$0xFFFFFFF0]  }
0x55f: {  	v4 =	vld [tilespmem:s20+$0x0]  }
0x560: {  	v5 =	vld [tilespmem:s20+$0x10]  }
0x561: {  	v6 =	vld [tilespmem:s20+$0x20]  }
0x562: {  	v7 =	vld [tilespmem:s20+$0xFFFFFFC0]  }
0x563: {  	v0 =	vld.idx.msk [tilespmem:v0+s4+$0x0], $0xffff  }
0x564: {  	v1 =	vld.idx.msk [tilespmem:v1+s4+$0x0], $0xffff  }
0x565: {  	v2 =	vld.idx.msk [tilespmem:v2+s4+$0x0], $0xffff  }
0x566: {  	v3 =	vld.idx.msk [tilespmem:v3+s4+$0x0], $0xffff  }
0x567: {  	v4 =	vld.idx.msk [tilespmem:v4+s4+$0x0], $0xffff  }
0x568: {  	s17 =	sadd.s32 $0x80, s17;
	v5 =	vld.idx.msk [tilespmem:v5+s4+$0x0], $0xffff  }
0x569: {  	[tilespmem:s17+$0x0] =	vst.add.f32.msk $0xffff, v0  }
0x56a: {  	v0 =	vld.idx.msk [tilespmem:v7+s4+$0x0], $0xffff  }
0x56b: {  	v6 =	vld.idx.msk [tilespmem:v6+s4+$0x0], $0xffff  }
0x56c: {  	[tilespmem:s17+$0xFFFFFFA0] =	vst.add.f32.msk $0xffff, v1  }
0x56d: {  	[tilespmem:s17+$0xFFFFFFB0] =	vst.add.f32.msk $0xffff, v2  }
.Ltmp14:
0x56e: {  	[tilespmem:s17+$0xFFFFFFC0] =	vst.add.f32.msk $0xffff, v3;
	(pc) =	sbr.rel @p0 .LBB2_31-.Ltmp14, $4  }
0x56f: {  	[tilespmem:s17+$0xFFFFFFD0] =	vst.add.f32.msk $0xffff, v4  }
0x570: {  	[tilespmem:s17+$0xFFFFFF90] =	vst.add.f32.msk $0xffff, v0  }
0x571: {  	[tilespmem:s17+$0xFFFFFFE0] =	vst.add.f32.msk $0xffff, v5  }
0x572: {  	s20 =	sadd.s32 $0x100, s20;
	[tilespmem:s17+$0xFFFFFFF0] =	vst.add.f32.msk $0xffff, v6  }
0x573: {  	_ =	swait.ge [sflag:s15], $0x800  }
0x574: {  	[sflag:s15] =	ssyncset.done $0x0  }
0x575: {  	s17 =	simm.s32 $0x187F0;
	[sflag:s15] =	ssyncadd.s32 $0xFFFFF800  }
0x576: {  	v0 =	vld [tilespmem:s17+$0x0]  }
0x577: {  	v1 =	vld [tilespmem:s17+$0xFFFFFFA0]  }
0x578: {  	v2 =	vld [tilespmem:s17+$0xFFFFFFB0]  }
0x579: {  	v3 =	vld [tilespmem:s17+$0xFFFFFFC0]  }
0x57a: {  	v4 =	vld [tilespmem:s17+$0xFFFFFFD0]  }
0x57b: {  	v5 =	vld [tilespmem:s17+$0xFFFFFFE0]  }
0x57c: {  	v7 =	vld [tilespmem:s17+$0xFFFFFF90]  }
0x57d: {  	v6 =	vld [tilespmem:s17+$0xFFFFFFF0]  }
0x57e: {  	v0 =	vld.idx.msk [tilespmem:v0+s4+$0x0], $0xffff  }
0x57f: {  	v1 =	vld.idx.msk [tilespmem:v1+s4+$0x0], $0xffff  }
0x580: {  	v2 =	vld.idx.msk [tilespmem:v2+s4+$0x0], $0xffff  }
0x581: {  	v3 =	vld.idx.msk [tilespmem:v3+s4+$0x0], $0xffff  }
0x582: {  	v4 =	vld.idx.msk [tilespmem:v4+s4+$0x0], $0xffff  }
0x583: {  	v5 =	vld.idx.msk [tilespmem:v5+s4+$0x0], $0xffff  }
0x584: {  	v63 =	vld.idx.msk [tilespmem:v7+s4+$0x0], $0xffff  }
0x585: {  	s17 =	simm.s32 $0x1CF70;
	v6 =	vld.idx.msk [tilespmem:v6+s4+$0x0], $0xffff  }
0x586: {  	[tilespmem:s17+$0x0] =	vst.add.f32.msk $0xffff, v0  }
0x587: {  	[tilespmem:s17+$0xFFFFFFA0] =	vst.add.f32.msk $0xffff, v1  }
0x588: {  	[tilespmem:s17+$0xFFFFFFB0] =	vst.add.f32.msk $0xffff, v2  }
0x589: {  	[tilespmem:s17+$0xFFFFFFC0] =	vst.add.f32.msk $0xffff, v3  }
0x58a: {  	[tilespmem:s17+$0xFFFFFFD0] =	vst.add.f32.msk $0xffff, v4  }
0x58b: {  	[tilespmem:s17+$0xFFFFFF90] =	vst.add.f32.msk $0xffff, v63  }
0x58c: {  	[tilespmem:s17+$0xFFFFFFE0] =	vst.add.f32.msk $0xffff, v5  }
0x58d: {  	s18 =	simm.s32 $0x0;
	s20 =	simm.s32 $0x188F0;
	s22 =	simm.s32 $0x2;
	[tilespmem:s17+$0xFFFFFFF0] =	vst.add.f32.msk $0xffff, v6  }
.LBB2_33:
0x58e: {  	v0 =	vld [tilespmem:s20+$0x0];
	s18 =	sadd.s32 $0x8, s18  }
0x58f: {  	v1 =	vld [tilespmem:s20+$0xFFFFFFA0];
	p0 =	slt.u32 s18, $0x78  }
0x590: {  	v2 =	vld [tilespmem:s20+$0xFFFFFFB0]  }
0x591: {  	v3 =	vld [tilespmem:s20+$0xFFFFFFC0]  }
0x592: {  	v4 =	vld [tilespmem:s20+$0xFFFFFFD0]  }
0x593: {  	v5 =	vld [tilespmem:s20+$0xFFFFFFE0]  }
0x594: {  	v6 =	vld [tilespmem:s20+$0xFFFFFFF0]  }
0x595: {  	v7 =	vld [tilespmem:s20+$0xFFFFFF90]  }
0x596: {  	v0 =	vld.idx.msk [tilespmem:v0+s4+$0x0], $0xffff  }
0x597: {  	v1 =	vld.idx.msk [tilespmem:v1+s4+$0x0], $0xffff  }
0x598: {  	v2 =	vld.idx.msk [tilespmem:v2+s4+$0x0], $0xffff  }
0x599: {  	v3 =	vld.idx.msk [tilespmem:v3+s4+$0x0], $0xffff  }
0x59a: {  	v4 =	vld.idx.msk [tilespmem:v4+s4+$0x0], $0xffff  }
0x59b: {  	s17 =	sadd.s32 $0x80, s17;
	v5 =	vld.idx.msk [tilespmem:v5+s4+$0x0], $0xffff  }
0x59c: {  	[tilespmem:s17+$0x0] =	vst.add.f32.msk $0xffff, v0  }
0x59d: {  	v0 =	vld.idx.msk [tilespmem:v7+s4+$0x0], $0xffff  }
0x59e: {  	v6 =	vld.idx.msk [tilespmem:v6+s4+$0x0], $0xffff  }
0x59f: {  	[tilespmem:s17+$0xFFFFFFA0] =	vst.add.f32.msk $0xffff, v1  }
0x5a0: {  	[tilespmem:s17+$0xFFFFFFB0] =	vst.add.f32.msk $0xffff, v2  }
.Ltmp15:
0x5a1: {  	[tilespmem:s17+$0xFFFFFFC0] =	vst.add.f32.msk $0xffff, v3;
	(pc) =	sbr.rel @p0 .LBB2_33-.Ltmp15, $4  }
0x5a2: {  	[tilespmem:s17+$0xFFFFFFD0] =	vst.add.f32.msk $0xffff, v4  }
0x5a3: {  	[tilespmem:s17+$0xFFFFFF90] =	vst.add.f32.msk $0xffff, v0  }
0x5a4: {  	[tilespmem:s17+$0xFFFFFFE0] =	vst.add.f32.msk $0xffff, v5  }
0x5a5: {  	s20 =	sadd.s32 $0x100, s20;
	[tilespmem:s17+$0xFFFFFFF0] =	vst.add.f32.msk $0xffff, v6  }
0x5a6: {  	s16 =	sadd.s32 $0x1, s16  }
0x5a7: {  	p0 =	sne.s32 s16, $0x9  }
.Ltmp16:
0x5a8: {  	_ = 	snop;
	(pc) =	sbr.rel @p0 .LBB2_18-.Ltmp16, $1  }
0x5a9: {  	_ =	sdelay $0x3  }
0x5aa: {  	[bflag:$0x0] =	sbarrier.arrive $0xFFFF  }
0x5ab: {  	s18 =	sld [smem:$0x78C]  }
0x5ac: {  	s16 =	rddreg [dreg:$0x9]  }
0x5ad: {  	s17 =	rddreg [dreg:$0x12]  }
0x5ae: {  	[spmem:s18], [sflag:s16] =	dma.local [hbm:s17], $0x480  }
0x5af: {  	_ =	swait.ge [sflag:s22], $0x480  }
0x5b0: {  	[sflag:s22] =	ssyncset.done $0x0  }
0x5b1: {  	[sflag:s22] =	ssyncadd.s32 $0xFFFFFB80  }
0x5b2: {  	s20 =	simm.s32 $0x400;
	s16 =	simm.s32 $0x0;
	[bflag:$0x0] =	sbarrier.arrive $0xFFFF  }
.LBB2_36:
0x5b3: {  	s17 =	sshll.u32 s16, $0x5;
	s18 =	rddreg [dreg:$0x13]  }
0x5b4: {  	s17 =	sadd.s32 s18, s17  }
0x5b5: {  	s17 =	sshrl.u32 s17, $0x3  }
0x5b6: {  	s17 =	smul.u32 $0xC3800, s17  }
0x5b7: {  	s18 =	rddreg [dreg:$0x7]  }
0x5b8: {  	s17 =	sor.u32 s18, s17  }
0x5b9: {  	s18 =	rddreg [dreg:$0x0];
	s17 =	sshrl.u32 s17, $0x3  }
0x5ba: {  	s17 =	sadd.s32 s18, s17;
	s18 =	simm.s32 $0x80  }
0x5bb: {  	[tilespmem:s4], [sflag:$0x2] =	stream.strided.gather [hbm4b:s17+s18], $0x18700, s20, s18, $0x38;
	[tilespmem:$0x1FB00] =	vst v63  }
0x5bc: {  	_ =	swait.ge [sflag:s22], $0x18700  }
0x5bd: {  	[sflag:s22] =	ssyncset.done $0x0  }
0x5be: {  	s18 =	sshll.u32 s16, $0xE;
	[sflag:s22] =	ssyncadd.s32 $0xFFFE7900  }
0x5bf: {  	s17 =	sand.u32 $0x3FFFC000, s18;
	s20 =	rddreg [dreg:$0x3]  }
0x5c0: {  	s22 =	simm.s32 $0x18700;
	s17 =	sadd.s32 s17, s20  }
0x5c1: {  	[tilespmem:s22], [sflag:$0x1] =	stream.linear.gather [spmem:s17], $0x80, $0x38;
	[tilespmem:$0x1FB00] =	vst v63  }
0x5c2: {  	s20 =	sadd.s32 $0x80, s17;
	s22 =	simm.s32 $0x18800  }
0x5c3: {  	[tilespmem:s22], [sflag:$0x1] =	stream.linear.gather [spmem:s20], $0x80, $0x38;
	[tilespmem:$0x1FB00] =	vst v63  }
0x5c4: {  	s20 =	sadd.s32 $0x100, s17;
	s22 =	simm.s32 $0x18900  }
0x5c5: {  	[tilespmem:s22], [sflag:$0x1] =	stream.linear.gather [spmem:s20], $0x80, $0x38;
	[tilespmem:$0x1FB00] =	vst v63  }
0x5c6: {  	s20 =	sadd.s32 $0x180, s17;
	s22 =	simm.s32 $0x18A00  }
0x5c7: {  	[tilespmem:s22], [sflag:$0x1] =	stream.linear.gather [spmem:s20], $0x80, $0x38;
	[tilespmem:$0x1FB00] =	vst v63  }
0x5c8: {  	s20 =	sadd.s32 $0x200, s17;
	s22 =	simm.s32 $0x18B00  }
0x5c9: {  	[tilespmem:s22], [sflag:$0x1] =	stream.linear.gather [spmem:s20], $0x80, $0x38;
	[tilespmem:$0x1FB00] =	vst v63  }
0x5ca: {  	s20 =	sadd.s32 $0x280, s17;
	s22 =	simm.s32 $0x18C00  }
0x5cb: {  	[tilespmem:s22], [sflag:$0x1] =	stream.linear.gather [spmem:s20], $0x80, $0x38;
	[tilespmem:$0x1FB00] =	vst v63  }
0x5cc: {  	s20 =	sadd.s32 $0x300, s17;
	s22 =	simm.s32 $0x18D00  }
0x5cd: {  	[tilespmem:s22], [sflag:$0x1] =	stream.linear.gather [spmem:s20], $0x80, $0x38;
	[tilespmem:$0x1FB00] =	vst v63  }
0x5ce: {  	s20 =	sadd.s32 $0x380, s17;
	s22 =	simm.s32 $0x18E00  }
0x5cf: {  	[tilespmem:s22], [sflag:$0x1] =	stream.linear.gather [spmem:s20], $0x80, $0x38;
	[tilespmem:$0x1FB00] =	vst v63  }
0x5d0: {  	s22 =	sadd.s32 $0x400, s17  }
0x5d1: {  	[tilespmem:s23], [sflag:$0x1] =	stream.linear.gather [spmem:s22], $0x80, $0x38;
	[tilespmem:$0x1FB00] =	vst v63  }
0x5d2: {  	s20 =	sadd.s32 $0x480, s17  }
0x5d3: {  	[tilespmem:s24], [sflag:$0x1] =	stream.linear.gather [spmem:s20], $0x80, $0x38;
	[tilespmem:$0x1FB00] =	vst v63  }
0x5d4: {  	s22 =	sadd.s32 $0x500, s17  }
0x5d5: {  	[tilespmem:s25], [sflag:$0x1] =	stream.linear.gather [spmem:s22], $0x80, $0x38;
	[tilespmem:$0x1FB00] =	vst v63  }
0x5d6: {  	s20 =	sadd.s32 $0x580, s17  }
0x5d7: {  	[tilespmem:s26], [sflag:$0x1] =	stream.linear.gather [spmem:s20], $0x80, $0x38;
	[tilespmem:$0x1FB00] =	vst v63  }
0x5d8: {  	s22 =	sadd.s32 $0x600, s17  }
0x5d9: {  	[tilespmem:s28], [sflag:$0x1] =	stream.linear.gather [spmem:s22], $0x80, $0x38;
	[tilespmem:$0x1FB00] =	vst v63  }
0x5da: {  	s20 =	sadd.s32 $0x680, s17  }
0x5db: {  	[tilespmem:s8], [sflag:$0x1] =	stream.linear.gather [spmem:s20], $0x80, $0x38;
	[tilespmem:$0x1FB00] =	vst v63  }
0x5dc: {  	s22 =	sadd.s32 $0x700, s17  }
0x5dd: {  	[tilespmem:s29], [sflag:$0x1] =	stream.linear.gather [spmem:s22], $0x80, $0x38;
	[tilespmem:$0x1FB00] =	vst v63  }
0x5de: {  	s20 =	sadd.s32 $0x780, s17  }
0x5df: {  	[tilespmem:s30], [sflag:$0x1] =	stream.linear.gather [spmem:s20], $0x80, $0x38;
	[tilespmem:$0x1FB00] =	vst v63  }
0x5e0: {  	s22 =	sadd.s32 $0x800, s17  }
0x5e1: {  	[tilespmem:s31], [sflag:$0x1] =	stream.linear.gather [spmem:s22], $0x80, $0x38;
	[tilespmem:$0x1FB00] =	vst v63  }
0x5e2: {  	s20 =	sadd.s32 $0x880, s17  }
0x5e3: {  	[tilespmem:s0], [sflag:$0x1] =	stream.linear.gather [spmem:s20], $0x80, $0x38;
	[tilespmem:$0x1FB00] =	vst v63  }
0x5e4: {  	s22 =	sadd.s32 $0x900, s17  }
0x5e5: {  	[tilespmem:s3], [sflag:$0x1] =	stream.linear.gather [spmem:s22], $0x80, $0x38;
	[tilespmem:$0x1FB00] =	vst v63  }
0x5e6: {  	s20 =	sadd.s32 $0x980, s17  }
0x5e7: {  	[tilespmem:s6], [sflag:$0x1] =	stream.linear.gather [spmem:s20], $0x80, $0x38;
	[tilespmem:$0x1FB00] =	vst v63  }
0x5e8: {  	s22 =	sadd.s32 $0xA00, s17  }
0x5e9: {  	[tilespmem:s9], [sflag:$0x1] =	stream.linear.gather [spmem:s22], $0x80, $0x38;
	[tilespmem:$0x1FB00] =	vst v63  }
0x5ea: {  	s20 =	sadd.s32 $0xA80, s17  }
0x5eb: {  	[tilespmem:s5], [sflag:$0x1] =	stream.linear.gather [spmem:s20], $0x80, $0x38;
	[tilespmem:$0x1FB00] =	vst v63  }
0x5ec: {  	s22 =	sadd.s32 $0xB00, s17  }
0x5ed: {  	[tilespmem:s19], [sflag:$0x1] =	stream.linear.gather [spmem:s22], $0x80, $0x38;
	[tilespmem:$0x1FB00] =	vst v63  }
0x5ee: {  	s20 =	sadd.s32 $0xB80, s17  }
0x5ef: {  	[tilespmem:s21], [sflag:$0x1] =	stream.linear.gather [spmem:s20], $0x80, $0x38;
	[tilespmem:$0x1FB00] =	vst v63  }
0x5f0: {  	s22 =	sadd.s32 $0xC00, s17  }
0x5f1: {  	[tilespmem:s1], [sflag:$0x1] =	stream.linear.gather [spmem:s22], $0x80, $0x38;
	[tilespmem:$0x1FB00] =	vst v63  }
0x5f2: {  	s20 =	sadd.s32 $0xC80, s17  }
0x5f3: {  	[tilespmem:s2], [sflag:$0x1] =	stream.linear.gather [spmem:s20], $0x80, $0x38;
	[tilespmem:$0x1FB00] =	vst v63  }
0x5f4: {  	s22 =	sadd.s32 $0xD00, s17  }
0x5f5: {  	[tilespmem:s11], [sflag:$0x1] =	stream.linear.gather [spmem:s22], $0x80, $0x38;
	[tilespmem:$0x1FB00] =	vst v63  }
0x5f6: {  	s20 =	sadd.s32 $0xD80, s17  }
0x5f7: {  	[tilespmem:s12], [sflag:$0x1] =	stream.linear.gather [spmem:s20], $0x80, $0x38;
	[tilespmem:$0x1FB00] =	vst v63  }
0x5f8: {  	s22 =	sadd.s32 $0xE00, s17  }
0x5f9: {  	[tilespmem:s7], [sflag:$0x1] =	stream.linear.gather [spmem:s22], $0x80, $0x38;
	[tilespmem:$0x1FB00] =	vst v63  }
0x5fa: {  	s20 =	sadd.s32 $0xE80, s17  }
0x5fb: {  	[tilespmem:s10], [sflag:$0x1] =	stream.linear.gather [spmem:s20], $0x80, $0x38;
	[tilespmem:$0x1FB00] =	vst v63  }
0x5fc: {  	s22 =	sadd.s32 $0xF00, s17  }
0x5fd: {  	[tilespmem:s13], [sflag:$0x1] =	stream.linear.gather [spmem:s22], $0x80, $0x38;
	[tilespmem:$0x1FB00] =	vst v63  }
0x5fe: {  	s20 =	sadd.s32 $0xF80, s17  }
0x5ff: {  	[tilespmem:s14], [sflag:$0x1] =	stream.linear.gather [spmem:s20], $0x80, $0x38;
	[tilespmem:$0x1FB00] =	vst v63  }
0x600: {  	_ =	swait.ge [sflag:s15], $0x800  }
0x601: {  	[sflag:s15] =	ssyncset.done $0x0  }
0x602: {  	s22 =	simm.s32 $0x18740;
	[sflag:s15] =	ssyncadd.s32 $0xFFFFF800  }
0x603: {  	v0 =	vld [tilespmem:s22+$0x30]  }
0x604: {  	v1 =	vld [tilespmem:s22+$0xFFFFFFD0]  }
0x605: {  	v2 =	vld [tilespmem:s22+$0xFFFFFFE0]  }
0x606: {  	v3 =	vld [tilespmem:s22+$0xFFFFFFF0]  }
0x607: {  	v4 =	vld [tilespmem:s22+$0x0]  }
0x608: {  	v5 =	vld [tilespmem:s22+$0x10]  }
0x609: {  	v7 =	vld [tilespmem:s22+$0xFFFFFFC0]  }
0x60a: {  	v6 =	vld [tilespmem:s22+$0x20]  }
0x60b: {  	v0 =	vld.idx.msk [tilespmem:v0+s4+$0x0], $0xffff  }
0x60c: {  	v1 =	vld.idx.msk [tilespmem:v1+s4+$0x0], $0xffff  }
0x60d: {  	v2 =	vld.idx.msk [tilespmem:v2+s4+$0x0], $0xffff  }
0x60e: {  	v3 =	vld.idx.msk [tilespmem:v3+s4+$0x0], $0xffff  }
0x60f: {  	v4 =	vld.idx.msk [tilespmem:v4+s4+$0x0], $0xffff  }
0x610: {  	v5 =	vld.idx.msk [tilespmem:v5+s4+$0x0], $0xffff  }
0x611: {  	v63 =	vld.idx.msk [tilespmem:v7+s4+$0x0], $0xffff  }
0x612: {  	s18 =	simm.s32 $0x19770;
	v6 =	vld.idx.msk [tilespmem:v6+s4+$0x0], $0xffff  }
0x613: {  	[tilespmem:s18+$0x0] =	vst.add.f32.msk $0xffff, v0  }
0x614: {  	[tilespmem:s18+$0xFFFFFFA0] =	vst.add.f32.msk $0xffff, v1  }
0x615: {  	[tilespmem:s18+$0xFFFFFFB0] =	vst.add.f32.msk $0xffff, v2  }
0x616: {  	[tilespmem:s18+$0xFFFFFFC0] =	vst.add.f32.msk $0xffff, v3  }
0x617: {  	[tilespmem:s18+$0xFFFFFFD0] =	vst.add.f32.msk $0xffff, v4  }
0x618: {  	[tilespmem:s18+$0xFFFFFF90] =	vst.add.f32.msk $0xffff, v63  }
0x619: {  	[tilespmem:s18+$0xFFFFFFE0] =	vst.add.f32.msk $0xffff, v5  }
0x61a: {  	s20 =	simm.s32 $0x0;
	s22 =	simm.s32 $0x18840;
	[tilespmem:s18+$0xFFFFFFF0] =	vst.add.f32.msk $0xffff, v6  }
.LBB2_37:
0x61b: {  	v0 =	vld [tilespmem:s22+$0x30];
	s20 =	sadd.s32 $0x8, s20  }
0x61c: {  	v1 =	vld [tilespmem:s22+$0xFFFFFFD0];
	p0 =	slt.u32 s20, $0x78  }
0x61d: {  	v2 =	vld [tilespmem:s22+$0xFFFFFFE0]  }
0x61e: {  	v3 =	vld [tilespmem:s22+$0xFFFFFFF0]  }
0x61f: {  	v4 =	vld [tilespmem:s22+$0x0]  }
0x620: {  	v5 =	vld [tilespmem:s22+$0x10]  }
0x621: {  	v6 =	vld [tilespmem:s22+$0x20]  }
0x622: {  	v7 =	vld [tilespmem:s22+$0xFFFFFFC0]  }
0x623: {  	v0 =	vld.idx.msk [tilespmem:v0+s4+$0x0], $0xffff  }
0x624: {  	v1 =	vld.idx.msk [tilespmem:v1+s4+$0x0], $0xffff  }
0x625: {  	v2 =	vld.idx.msk [tilespmem:v2+s4+$0x0], $0xffff  }
0x626: {  	v3 =	vld.idx.msk [tilespmem:v3+s4+$0x0], $0xffff  }
0x627: {  	v4 =	vld.idx.msk [tilespmem:v4+s4+$0x0], $0xffff  }
0x628: {  	s18 =	sadd.s32 $0x80, s18;
	v5 =	vld.idx.msk [tilespmem:v5+s4+$0x0], $0xffff  }
0x629: {  	[tilespmem:s18+$0x0] =	vst.add.f32.msk $0xffff, v0  }
0x62a: {  	v0 =	vld.idx.msk [tilespmem:v7+s4+$0x0], $0xffff  }
0x62b: {  	v6 =	vld.idx.msk [tilespmem:v6+s4+$0x0], $0xffff  }
0x62c: {  	[tilespmem:s18+$0xFFFFFFA0] =	vst.add.f32.msk $0xffff, v1  }
0x62d: {  	[tilespmem:s18+$0xFFFFFFB0] =	vst.add.f32.msk $0xffff, v2  }
.Ltmp17:
0x62e: {  	[tilespmem:s18+$0xFFFFFFC0] =	vst.add.f32.msk $0xffff, v3;
	(pc) =	sbr.rel @p0 .LBB2_37-.Ltmp17, $4  }
0x62f: {  	[tilespmem:s18+$0xFFFFFFD0] =	vst.add.f32.msk $0xffff, v4  }
0x630: {  	[tilespmem:s18+$0xFFFFFF90] =	vst.add.f32.msk $0xffff, v0  }
0x631: {  	[tilespmem:s18+$0xFFFFFFE0] =	vst.add.f32.msk $0xffff, v5  }
0x632: {  	s22 =	sadd.s32 $0x100, s22;
	[tilespmem:s18+$0xFFFFFFF0] =	vst.add.f32.msk $0xffff, v6  }
0x633: {  	s18 =	sadd.s32 $0x1000, s17;
	s20 =	simm.s32 $0x18700  }
0x634: {  	[tilespmem:s20], [sflag:$0x1] =	stream.linear.gather [spmem:s18], $0x80, $0x38;
	[tilespmem:$0x1FB00] =	vst v63  }
0x635: {  	s22 =	simm.s32 $0x18800;
	s20 =	sadd.s32 $0x1080, s17  }
0x636: {  	[tilespmem:s22], [sflag:$0x1] =	stream.linear.gather [spmem:s20], $0x80, $0x38;
	[tilespmem:$0x1FB00] =	vst v63  }
0x637: {  	s20 =	sadd.s32 $0x1100, s17;
	s22 =	simm.s32 $0x18900  }
0x638: {  	[tilespmem:s22], [sflag:$0x1] =	stream.linear.gather [spmem:s20], $0x80, $0x38;
	[tilespmem:$0x1FB00] =	vst v63  }
0x639: {  	s20 =	sadd.s32 $0x1180, s17;
	s22 =	simm.s32 $0x18A00  }
0x63a: {  	[tilespmem:s22], [sflag:$0x1] =	stream.linear.gather [spmem:s20], $0x80, $0x38;
	[tilespmem:$0x1FB00] =	vst v63  }
0x63b: {  	s20 =	sadd.s32 $0x1200, s17;
	s22 =	simm.s32 $0x18B00  }
0x63c: {  	[tilespmem:s22], [sflag:$0x1] =	stream.linear.gather [spmem:s20], $0x80, $0x38;
	[tilespmem:$0x1FB00] =	vst v63  }
0x63d: {  	s20 =	sadd.s32 $0x1280, s17;
	s22 =	simm.s32 $0x18C00  }
0x63e: {  	[tilespmem:s22], [sflag:$0x1] =	stream.linear.gather [spmem:s20], $0x80, $0x38;
	[tilespmem:$0x1FB00] =	vst v63  }
0x63f: {  	s20 =	sadd.s32 $0x1300, s17;
	s22 =	simm.s32 $0x18D00  }
0x640: {  	[tilespmem:s22], [sflag:$0x1] =	stream.linear.gather [spmem:s20], $0x80, $0x38;
	[tilespmem:$0x1FB00] =	vst v63  }
0x641: {  	s20 =	sadd.s32 $0x1380, s17;
	s22 =	simm.s32 $0x18E00  }
0x642: {  	[tilespmem:s22], [sflag:$0x1] =	stream.linear.gather [spmem:s20], $0x80, $0x38;
	[tilespmem:$0x1FB00] =	vst v63  }
0x643: {  	s22 =	sadd.s32 $0x1400, s17  }
0x644: {  	[tilespmem:s23], [sflag:$0x1] =	stream.linear.gather [spmem:s22], $0x80, $0x38;
	[tilespmem:$0x1FB00] =	vst v63  }
0x645: {  	s20 =	sadd.s32 $0x1480, s17  }
0x646: {  	[tilespmem:s24], [sflag:$0x1] =	stream.linear.gather [spmem:s20], $0x80, $0x38;
	[tilespmem:$0x1FB00] =	vst v63  }
0x647: {  	s22 =	sadd.s32 $0x1500, s17  }
0x648: {  	[tilespmem:s25], [sflag:$0x1] =	stream.linear.gather [spmem:s22], $0x80, $0x38;
	[tilespmem:$0x1FB00] =	vst v63  }
0x649: {  	s20 =	sadd.s32 $0x1580, s17  }
0x64a: {  	[tilespmem:s26], [sflag:$0x1] =	stream.linear.gather [spmem:s20], $0x80, $0x38;
	[tilespmem:$0x1FB00] =	vst v63  }
0x64b: {  	s22 =	sadd.s32 $0x1600, s17  }
0x64c: {  	[tilespmem:s28], [sflag:$0x1] =	stream.linear.gather [spmem:s22], $0x80, $0x38;
	[tilespmem:$0x1FB00] =	vst v63  }
0x64d: {  	s20 =	sadd.s32 $0x1680, s17  }
0x64e: {  	[tilespmem:s8], [sflag:$0x1] =	stream.linear.gather [spmem:s20], $0x80, $0x38;
	[tilespmem:$0x1FB00] =	vst v63  }
0x64f: {  	s22 =	sadd.s32 $0x1700, s17  }
0x650: {  	[tilespmem:s29], [sflag:$0x1] =	stream.linear.gather [spmem:s22], $0x80, $0x38;
	[tilespmem:$0x1FB00] =	vst v63  }
0x651: {  	s20 =	sadd.s32 $0x1780, s17  }
0x652: {  	[tilespmem:s30], [sflag:$0x1] =	stream.linear.gather [spmem:s20], $0x80, $0x38;
	[tilespmem:$0x1FB00] =	vst v63  }
0x653: {  	_ =	swait.ge [sflag:s15], $0x800  }
0x654: {  	[sflag:s15] =	ssyncset.done $0x0  }
0x655: {  	s22 =	simm.s32 $0x187F0;
	[sflag:s15] =	ssyncadd.s32 $0xFFFFF800  }
0x656: {  	v0 =	vld [tilespmem:s22+$0x0]  }
0x657: {  	v1 =	vld [tilespmem:s22+$0xFFFFFFA0]  }
0x658: {  	v2 =	vld [tilespmem:s22+$0xFFFFFFB0]  }
0x659: {  	v3 =	vld [tilespmem:s22+$0xFFFFFFC0]  }
0x65a: {  	v4 =	vld [tilespmem:s22+$0xFFFFFFD0]  }
0x65b: {  	v5 =	vld [tilespmem:s22+$0xFFFFFFE0]  }
0x65c: {  	v7 =	vld [tilespmem:s22+$0xFFFFFF90]  }
0x65d: {  	v6 =	vld [tilespmem:s22+$0xFFFFFFF0]  }
0x65e: {  	v0 =	vld.idx.msk [tilespmem:v0+s4+$0x0], $0xffff  }
0x65f: {  	v1 =	vld.idx.msk [tilespmem:v1+s4+$0x0], $0xffff  }
0x660: {  	v2 =	vld.idx.msk [tilespmem:v2+s4+$0x0], $0xffff  }
0x661: {  	v3 =	vld.idx.msk [tilespmem:v3+s4+$0x0], $0xffff  }
0x662: {  	v4 =	vld.idx.msk [tilespmem:v4+s4+$0x0], $0xffff  }
0x663: {  	v5 =	vld.idx.msk [tilespmem:v5+s4+$0x0], $0xffff  }
0x664: {  	v63 =	vld.idx.msk [tilespmem:v7+s4+$0x0], $0xffff  }
0x665: {  	s18 =	simm.s32 $0x19F70;
	v6 =	vld.idx.msk [tilespmem:v6+s4+$0x0], $0xffff  }
0x666: {  	[tilespmem:s18+$0x0] =	vst.add.f32.msk $0xffff, v0  }
0x667: {  	[tilespmem:s18+$0xFFFFFFA0] =	vst.add.f32.msk $0xffff, v1  }
0x668: {  	[tilespmem:s18+$0xFFFFFFB0] =	vst.add.f32.msk $0xffff, v2  }
0x669: {  	[tilespmem:s18+$0xFFFFFFC0] =	vst.add.f32.msk $0xffff, v3  }
0x66a: {  	[tilespmem:s18+$0xFFFFFFD0] =	vst.add.f32.msk $0xffff, v4  }
0x66b: {  	[tilespmem:s18+$0xFFFFFF90] =	vst.add.f32.msk $0xffff, v63  }
0x66c: {  	[tilespmem:s18+$0xFFFFFFE0] =	vst.add.f32.msk $0xffff, v5  }
0x66d: {  	s20 =	simm.s32 $0x0;
	s22 =	simm.s32 $0x188F0;
	[tilespmem:s18+$0xFFFFFFF0] =	vst.add.f32.msk $0xffff, v6  }
.LBB2_39:
0x66e: {  	v0 =	vld [tilespmem:s22+$0x0];
	s20 =	sadd.s32 $0x8, s20  }
0x66f: {  	v1 =	vld [tilespmem:s22+$0xFFFFFFA0];
	p0 =	slt.u32 s20, $0x78  }
0x670: {  	v2 =	vld [tilespmem:s22+$0xFFFFFFB0]  }
0x671: {  	v3 =	vld [tilespmem:s22+$0xFFFFFFC0]  }
0x672: {  	v4 =	vld [tilespmem:s22+$0xFFFFFFD0]  }
0x673: {  	v5 =	vld [tilespmem:s22+$0xFFFFFFE0]  }
0x674: {  	v6 =	vld [tilespmem:s22+$0xFFFFFFF0]  }
0x675: {  	v7 =	vld [tilespmem:s22+$0xFFFFFF90]  }
0x676: {  	v0 =	vld.idx.msk [tilespmem:v0+s4+$0x0], $0xffff  }
0x677: {  	v1 =	vld.idx.msk [tilespmem:v1+s4+$0x0], $0xffff  }
0x678: {  	v2 =	vld.idx.msk [tilespmem:v2+s4+$0x0], $0xffff  }
0x679: {  	v3 =	vld.idx.msk [tilespmem:v3+s4+$0x0], $0xffff  }
0x67a: {  	v4 =	vld.idx.msk [tilespmem:v4+s4+$0x0], $0xffff  }
0x67b: {  	s18 =	sadd.s32 $0x80, s18;
	v5 =	vld.idx.msk [tilespmem:v5+s4+$0x0], $0xffff  }
0x67c: {  	[tilespmem:s18+$0x0] =	vst.add.f32.msk $0xffff, v0  }
0x67d: {  	v0 =	vld.idx.msk [tilespmem:v7+s4+$0x0], $0xffff  }
0x67e: {  	v6 =	vld.idx.msk [tilespmem:v6+s4+$0x0], $0xffff  }
0x67f: {  	[tilespmem:s18+$0xFFFFFFA0] =	vst.add.f32.msk $0xffff, v1  }
0x680: {  	[tilespmem:s18+$0xFFFFFFB0] =	vst.add.f32.msk $0xffff, v2  }
.Ltmp18:
0x681: {  	[tilespmem:s18+$0xFFFFFFC0] =	vst.add.f32.msk $0xffff, v3;
	(pc) =	sbr.rel @p0 .LBB2_39-.Ltmp18, $4  }
0x682: {  	[tilespmem:s18+$0xFFFFFFD0] =	vst.add.f32.msk $0xffff, v4  }
0x683: {  	[tilespmem:s18+$0xFFFFFF90] =	vst.add.f32.msk $0xffff, v0  }
0x684: {  	[tilespmem:s18+$0xFFFFFFE0] =	vst.add.f32.msk $0xffff, v5  }
0x685: {  	s22 =	sadd.s32 $0x100, s22;
	[tilespmem:s18+$0xFFFFFFF0] =	vst.add.f32.msk $0xffff, v6  }
0x686: {  	s18 =	sadd.s32 $0x1800, s17  }
0x687: {  	[tilespmem:s31], [sflag:$0x1] =	stream.linear.gather [spmem:s18], $0x80, $0x38;
	[tilespmem:$0x1FB00] =	vst v63  }
0x688: {  	s20 =	sadd.s32 $0x1880, s17  }
0x689: {  	[tilespmem:s0], [sflag:$0x1] =	stream.linear.gather [spmem:s20], $0x80, $0x38;
	[tilespmem:$0x1FB00] =	vst v63  }
0x68a: {  	s22 =	sadd.s32 $0x1900, s17  }
0x68b: {  	[tilespmem:s3], [sflag:$0x1] =	stream.linear.gather [spmem:s22], $0x80, $0x38;
	[tilespmem:$0x1FB00] =	vst v63  }
0x68c: {  	s20 =	sadd.s32 $0x1980, s17  }
0x68d: {  	[tilespmem:s6], [sflag:$0x1] =	stream.linear.gather [spmem:s20], $0x80, $0x38;
	[tilespmem:$0x1FB00] =	vst v63  }
0x68e: {  	s22 =	sadd.s32 $0x1A00, s17  }
0x68f: {  	[tilespmem:s9], [sflag:$0x1] =	stream.linear.gather [spmem:s22], $0x80, $0x38;
	[tilespmem:$0x1FB00] =	vst v63  }
0x690: {  	s20 =	sadd.s32 $0x1A80, s17  }
0x691: {  	[tilespmem:s5], [sflag:$0x1] =	stream.linear.gather [spmem:s20], $0x80, $0x38;
	[tilespmem:$0x1FB00] =	vst v63  }
0x692: {  	s22 =	sadd.s32 $0x1B00, s17  }
0x693: {  	[tilespmem:s19], [sflag:$0x1] =	stream.linear.gather [spmem:s22], $0x80, $0x38;
	[tilespmem:$0x1FB00] =	vst v63  }
0x694: {  	s20 =	sadd.s32 $0x1B80, s17  }
0x695: {  	[tilespmem:s21], [sflag:$0x1] =	stream.linear.gather [spmem:s20], $0x80, $0x38;
	[tilespmem:$0x1FB00] =	vst v63  }
0x696: {  	s22 =	sadd.s32 $0x1C00, s17  }
0x697: {  	[tilespmem:s1], [sflag:$0x1] =	stream.linear.gather [spmem:s22], $0x80, $0x38;
	[tilespmem:$0x1FB00] =	vst v63  }
0x698: {  	s20 =	sadd.s32 $0x1C80, s17  }
0x699: {  	[tilespmem:s2], [sflag:$0x1] =	stream.linear.gather [spmem:s20], $0x80, $0x38;
	[tilespmem:$0x1FB00] =	vst v63  }
0x69a: {  	s22 =	sadd.s32 $0x1D00, s17  }
0x69b: {  	[tilespmem:s11], [sflag:$0x1] =	stream.linear.gather [spmem:s22], $0x80, $0x38;
	[tilespmem:$0x1FB00] =	vst v63  }
0x69c: {  	s20 =	sadd.s32 $0x1D80, s17  }
0x69d: {  	[tilespmem:s12], [sflag:$0x1] =	stream.linear.gather [spmem:s20], $0x80, $0x38;
	[tilespmem:$0x1FB00] =	vst v63  }
0x69e: {  	s22 =	sadd.s32 $0x1E00, s17  }
0x69f: {  	[tilespmem:s7], [sflag:$0x1] =	stream.linear.gather [spmem:s22], $0x80, $0x38;
	[tilespmem:$0x1FB00] =	vst v63  }
0x6a0: {  	s20 =	sadd.s32 $0x1E80, s17  }
0x6a1: {  	[tilespmem:s10], [sflag:$0x1] =	stream.linear.gather [spmem:s20], $0x80, $0x38;
	[tilespmem:$0x1FB00] =	vst v63  }
0x6a2: {  	s22 =	sadd.s32 $0x1F00, s17  }
0x6a3: {  	[tilespmem:s13], [sflag:$0x1] =	stream.linear.gather [spmem:s22], $0x80, $0x38;
	[tilespmem:$0x1FB00] =	vst v63  }
0x6a4: {  	s20 =	sadd.s32 $0x1F80, s17  }
0x6a5: {  	[tilespmem:s14], [sflag:$0x1] =	stream.linear.gather [spmem:s20], $0x80, $0x38;
	[tilespmem:$0x1FB00] =	vst v63  }
0x6a6: {  	_ =	swait.ge [sflag:s15], $0x800  }
0x6a7: {  	[sflag:s15] =	ssyncset.done $0x0  }
0x6a8: {  	s22 =	simm.s32 $0x18740;
	[sflag:s15] =	ssyncadd.s32 $0xFFFFF800  }
0x6a9: {  	v0 =	vld [tilespmem:s22+$0x30]  }
0x6aa: {  	v1 =	vld [tilespmem:s22+$0xFFFFFFD0]  }
0x6ab: {  	v2 =	vld [tilespmem:s22+$0xFFFFFFE0]  }
0x6ac: {  	v3 =	vld [tilespmem:s22+$0xFFFFFFF0]  }
0x6ad: {  	v4 =	vld [tilespmem:s22+$0x0]  }
0x6ae: {  	v5 =	vld [tilespmem:s22+$0x10]  }
0x6af: {  	v7 =	vld [tilespmem:s22+$0xFFFFFFC0]  }
0x6b0: {  	v6 =	vld [tilespmem:s22+$0x20]  }
0x6b1: {  	v0 =	vld.idx.msk [tilespmem:v0+s4+$0x0], $0xffff  }
0x6b2: {  	v1 =	vld.idx.msk [tilespmem:v1+s4+$0x0], $0xffff  }
0x6b3: {  	v2 =	vld.idx.msk [tilespmem:v2+s4+$0x0], $0xffff  }
0x6b4: {  	v3 =	vld.idx.msk [tilespmem:v3+s4+$0x0], $0xffff  }
0x6b5: {  	v4 =	vld.idx.msk [tilespmem:v4+s4+$0x0], $0xffff  }
0x6b6: {  	v5 =	vld.idx.msk [tilespmem:v5+s4+$0x0], $0xffff  }
0x6b7: {  	v63 =	vld.idx.msk [tilespmem:v7+s4+$0x0], $0xffff  }
0x6b8: {  	s18 =	simm.s32 $0x1A770;
	v6 =	vld.idx.msk [tilespmem:v6+s4+$0x0], $0xffff  }
0x6b9: {  	[tilespmem:s18+$0x0] =	vst.add.f32.msk $0xffff, v0  }
0x6ba: {  	[tilespmem:s18+$0xFFFFFFA0] =	vst.add.f32.msk $0xffff, v1  }
0x6bb: {  	[tilespmem:s18+$0xFFFFFFB0] =	vst.add.f32.msk $0xffff, v2  }
0x6bc: {  	[tilespmem:s18+$0xFFFFFFC0] =	vst.add.f32.msk $0xffff, v3  }
0x6bd: {  	[tilespmem:s18+$0xFFFFFFD0] =	vst.add.f32.msk $0xffff, v4  }
0x6be: {  	[tilespmem:s18+$0xFFFFFF90] =	vst.add.f32.msk $0xffff, v63  }
0x6bf: {  	[tilespmem:s18+$0xFFFFFFE0] =	vst.add.f32.msk $0xffff, v5  }
0x6c0: {  	s20 =	simm.s32 $0x0;
	s22 =	simm.s32 $0x18840;
	[tilespmem:s18+$0xFFFFFFF0] =	vst.add.f32.msk $0xffff, v6  }
.LBB2_41:
0x6c1: {  	v0 =	vld [tilespmem:s22+$0x30];
	s20 =	sadd.s32 $0x8, s20  }
0x6c2: {  	v1 =	vld [tilespmem:s22+$0xFFFFFFD0];
	p0 =	slt.u32 s20, $0x78  }
0x6c3: {  	v2 =	vld [tilespmem:s22+$0xFFFFFFE0]  }
0x6c4: {  	v3 =	vld [tilespmem:s22+$0xFFFFFFF0]  }
0x6c5: {  	v4 =	vld [tilespmem:s22+$0x0]  }
0x6c6: {  	v5 =	vld [tilespmem:s22+$0x10]  }
0x6c7: {  	v6 =	vld [tilespmem:s22+$0x20]  }
0x6c8: {  	v7 =	vld [tilespmem:s22+$0xFFFFFFC0]  }
0x6c9: {  	v0 =	vld.idx.msk [tilespmem:v0+s4+$0x0], $0xffff  }
0x6ca: {  	v1 =	vld.idx.msk [tilespmem:v1+s4+$0x0], $0xffff  }
0x6cb: {  	v2 =	vld.idx.msk [tilespmem:v2+s4+$0x0], $0xffff  }
0x6cc: {  	v3 =	vld.idx.msk [tilespmem:v3+s4+$0x0], $0xffff  }
0x6cd: {  	v4 =	vld.idx.msk [tilespmem:v4+s4+$0x0], $0xffff  }
0x6ce: {  	s18 =	sadd.s32 $0x80, s18;
	v5 =	vld.idx.msk [tilespmem:v5+s4+$0x0], $0xffff  }
0x6cf: {  	[tilespmem:s18+$0x0] =	vst.add.f32.msk $0xffff, v0  }
0x6d0: {  	v0 =	vld.idx.msk [tilespmem:v7+s4+$0x0], $0xffff  }
0x6d1: {  	v6 =	vld.idx.msk [tilespmem:v6+s4+$0x0], $0xffff  }
0x6d2: {  	[tilespmem:s18+$0xFFFFFFA0] =	vst.add.f32.msk $0xffff, v1  }
0x6d3: {  	[tilespmem:s18+$0xFFFFFFB0] =	vst.add.f32.msk $0xffff, v2  }
.Ltmp19:
0x6d4: {  	[tilespmem:s18+$0xFFFFFFC0] =	vst.add.f32.msk $0xffff, v3;
	(pc) =	sbr.rel @p0 .LBB2_41-.Ltmp19, $4  }
0x6d5: {  	[tilespmem:s18+$0xFFFFFFD0] =	vst.add.f32.msk $0xffff, v4  }
0x6d6: {  	[tilespmem:s18+$0xFFFFFF90] =	vst.add.f32.msk $0xffff, v0  }
0x6d7: {  	[tilespmem:s18+$0xFFFFFFE0] =	vst.add.f32.msk $0xffff, v5  }
0x6d8: {  	s22 =	sadd.s32 $0x100, s22;
	[tilespmem:s18+$0xFFFFFFF0] =	vst.add.f32.msk $0xffff, v6  }
0x6d9: {  	s18 =	sadd.s32 $0x2000, s17;
	s20 =	simm.s32 $0x18700  }
0x6da: {  	[tilespmem:s20], [sflag:$0x1] =	stream.linear.gather [spmem:s18], $0x80, $0x38;
	[tilespmem:$0x1FB00] =	vst v63  }
0x6db: {  	s22 =	simm.s32 $0x18800;
	s20 =	sadd.s32 $0x2080, s17  }
0x6dc: {  	[tilespmem:s22], [sflag:$0x1] =	stream.linear.gather [spmem:s20], $0x80, $0x38;
	[tilespmem:$0x1FB00] =	vst v63  }
0x6dd: {  	s20 =	sadd.s32 $0x2100, s17;
	s22 =	simm.s32 $0x18900  }
0x6de: {  	[tilespmem:s22], [sflag:$0x1] =	stream.linear.gather [spmem:s20], $0x80, $0x38;
	[tilespmem:$0x1FB00] =	vst v63  }
0x6df: {  	s20 =	sadd.s32 $0x2180, s17;
	s22 =	simm.s32 $0x18A00  }
0x6e0: {  	[tilespmem:s22], [sflag:$0x1] =	stream.linear.gather [spmem:s20], $0x80, $0x38;
	[tilespmem:$0x1FB00] =	vst v63  }
0x6e1: {  	s20 =	sadd.s32 $0x2200, s17;
	s22 =	simm.s32 $0x18B00  }
0x6e2: {  	[tilespmem:s22], [sflag:$0x1] =	stream.linear.gather [spmem:s20], $0x80, $0x38;
	[tilespmem:$0x1FB00] =	vst v63  }
0x6e3: {  	s20 =	sadd.s32 $0x2280, s17;
	s22 =	simm.s32 $0x18C00  }
0x6e4: {  	[tilespmem:s22], [sflag:$0x1] =	stream.linear.gather [spmem:s20], $0x80, $0x38;
	[tilespmem:$0x1FB00] =	vst v63  }
0x6e5: {  	s20 =	sadd.s32 $0x2300, s17;
	s22 =	simm.s32 $0x18D00  }
0x6e6: {  	[tilespmem:s22], [sflag:$0x1] =	stream.linear.gather [spmem:s20], $0x80, $0x38;
	[tilespmem:$0x1FB00] =	vst v63  }
0x6e7: {  	s20 =	sadd.s32 $0x2380, s17;
	s22 =	simm.s32 $0x18E00  }
0x6e8: {  	[tilespmem:s22], [sflag:$0x1] =	stream.linear.gather [spmem:s20], $0x80, $0x38;
	[tilespmem:$0x1FB00] =	vst v63  }
0x6e9: {  	s22 =	sadd.s32 $0x2400, s17  }
0x6ea: {  	[tilespmem:s23], [sflag:$0x1] =	stream.linear.gather [spmem:s22], $0x80, $0x38;
	[tilespmem:$0x1FB00] =	vst v63  }
0x6eb: {  	s20 =	sadd.s32 $0x2480, s17  }
0x6ec: {  	[tilespmem:s24], [sflag:$0x1] =	stream.linear.gather [spmem:s20], $0x80, $0x38;
	[tilespmem:$0x1FB00] =	vst v63  }
0x6ed: {  	s22 =	sadd.s32 $0x2500, s17  }
0x6ee: {  	[tilespmem:s25], [sflag:$0x1] =	stream.linear.gather [spmem:s22], $0x80, $0x38;
	[tilespmem:$0x1FB00] =	vst v63  }
0x6ef: {  	s20 =	sadd.s32 $0x2580, s17  }
0x6f0: {  	[tilespmem:s26], [sflag:$0x1] =	stream.linear.gather [spmem:s20], $0x80, $0x38;
	[tilespmem:$0x1FB00] =	vst v63  }
0x6f1: {  	s22 =	sadd.s32 $0x2600, s17  }
0x6f2: {  	[tilespmem:s28], [sflag:$0x1] =	stream.linear.gather [spmem:s22], $0x80, $0x38;
	[tilespmem:$0x1FB00] =	vst v63  }
0x6f3: {  	s20 =	sadd.s32 $0x2680, s17  }
0x6f4: {  	[tilespmem:s8], [sflag:$0x1] =	stream.linear.gather [spmem:s20], $0x80, $0x38;
	[tilespmem:$0x1FB00] =	vst v63  }
0x6f5: {  	s22 =	sadd.s32 $0x2700, s17  }
0x6f6: {  	[tilespmem:s29], [sflag:$0x1] =	stream.linear.gather [spmem:s22], $0x80, $0x38;
	[tilespmem:$0x1FB00] =	vst v63  }
0x6f7: {  	s20 =	sadd.s32 $0x2780, s17  }
0x6f8: {  	[tilespmem:s30], [sflag:$0x1] =	stream.linear.gather [spmem:s20], $0x80, $0x38;
	[tilespmem:$0x1FB00] =	vst v63  }
0x6f9: {  	_ =	swait.ge [sflag:s15], $0x800  }
0x6fa: {  	[sflag:s15] =	ssyncset.done $0x0  }
0x6fb: {  	s22 =	simm.s32 $0x187F0;
	[sflag:s15] =	ssyncadd.s32 $0xFFFFF800  }
0x6fc: {  	v0 =	vld [tilespmem:s22+$0x0]  }
0x6fd: {  	v1 =	vld [tilespmem:s22+$0xFFFFFFA0]  }
0x6fe: {  	v2 =	vld [tilespmem:s22+$0xFFFFFFB0]  }
0x6ff: {  	v3 =	vld [tilespmem:s22+$0xFFFFFFC0]  }
0x700: {  	v4 =	vld [tilespmem:s22+$0xFFFFFFD0]  }
0x701: {  	v5 =	vld [tilespmem:s22+$0xFFFFFFE0]  }
0x702: {  	v7 =	vld [tilespmem:s22+$0xFFFFFF90]  }
0x703: {  	v6 =	vld [tilespmem:s22+$0xFFFFFFF0]  }
0x704: {  	v0 =	vld.idx.msk [tilespmem:v0+s4+$0x0], $0xffff  }
0x705: {  	v1 =	vld.idx.msk [tilespmem:v1+s4+$0x0], $0xffff  }
0x706: {  	v2 =	vld.idx.msk [tilespmem:v2+s4+$0x0], $0xffff  }
0x707: {  	v3 =	vld.idx.msk [tilespmem:v3+s4+$0x0], $0xffff  }
0x708: {  	v4 =	vld.idx.msk [tilespmem:v4+s4+$0x0], $0xffff  }
0x709: {  	v5 =	vld.idx.msk [tilespmem:v5+s4+$0x0], $0xffff  }
0x70a: {  	v63 =	vld.idx.msk [tilespmem:v7+s4+$0x0], $0xffff  }
0x70b: {  	s18 =	simm.s32 $0x1AF70;
	v6 =	vld.idx.msk [tilespmem:v6+s4+$0x0], $0xffff  }
0x70c: {  	[tilespmem:s18+$0x0] =	vst.add.f32.msk $0xffff, v0  }
0x70d: {  	[tilespmem:s18+$0xFFFFFFA0] =	vst.add.f32.msk $0xffff, v1  }
0x70e: {  	[tilespmem:s18+$0xFFFFFFB0] =	vst.add.f32.msk $0xffff, v2  }
0x70f: {  	[tilespmem:s18+$0xFFFFFFC0] =	vst.add.f32.msk $0xffff, v3  }
0x710: {  	[tilespmem:s18+$0xFFFFFFD0] =	vst.add.f32.msk $0xffff, v4  }
0x711: {  	[tilespmem:s18+$0xFFFFFF90] =	vst.add.f32.msk $0xffff, v63  }
0x712: {  	[tilespmem:s18+$0xFFFFFFE0] =	vst.add.f32.msk $0xffff, v5  }
0x713: {  	s20 =	simm.s32 $0x0;
	s22 =	simm.s32 $0x188F0;
	[tilespmem:s18+$0xFFFFFFF0] =	vst.add.f32.msk $0xffff, v6  }
.LBB2_43:
0x714: {  	v0 =	vld [tilespmem:s22+$0x0];
	s20 =	sadd.s32 $0x8, s20  }
0x715: {  	v1 =	vld [tilespmem:s22+$0xFFFFFFA0];
	p0 =	slt.u32 s20, $0x78  }
0x716: {  	v2 =	vld [tilespmem:s22+$0xFFFFFFB0]  }
0x717: {  	v3 =	vld [tilespmem:s22+$0xFFFFFFC0]  }
0x718: {  	v4 =	vld [tilespmem:s22+$0xFFFFFFD0]  }
0x719: {  	v5 =	vld [tilespmem:s22+$0xFFFFFFE0]  }
0x71a: {  	v6 =	vld [tilespmem:s22+$0xFFFFFFF0]  }
0x71b: {  	v7 =	vld [tilespmem:s22+$0xFFFFFF90]  }
0x71c: {  	v0 =	vld.idx.msk [tilespmem:v0+s4+$0x0], $0xffff  }
0x71d: {  	v1 =	vld.idx.msk [tilespmem:v1+s4+$0x0], $0xffff  }
0x71e: {  	v2 =	vld.idx.msk [tilespmem:v2+s4+$0x0], $0xffff  }
0x71f: {  	v3 =	vld.idx.msk [tilespmem:v3+s4+$0x0], $0xffff  }
0x720: {  	v4 =	vld.idx.msk [tilespmem:v4+s4+$0x0], $0xffff  }
0x721: {  	s18 =	sadd.s32 $0x80, s18;
	v5 =	vld.idx.msk [tilespmem:v5+s4+$0x0], $0xffff  }
0x722: {  	[tilespmem:s18+$0x0] =	vst.add.f32.msk $0xffff, v0  }
0x723: {  	v0 =	vld.idx.msk [tilespmem:v7+s4+$0x0], $0xffff  }
0x724: {  	v6 =	vld.idx.msk [tilespmem:v6+s4+$0x0], $0xffff  }
0x725: {  	[tilespmem:s18+$0xFFFFFFA0] =	vst.add.f32.msk $0xffff, v1  }
0x726: {  	[tilespmem:s18+$0xFFFFFFB0] =	vst.add.f32.msk $0xffff, v2  }
.Ltmp20:
0x727: {  	[tilespmem:s18+$0xFFFFFFC0] =	vst.add.f32.msk $0xffff, v3;
	(pc) =	sbr.rel @p0 .LBB2_43-.Ltmp20, $4  }
0x728: {  	[tilespmem:s18+$0xFFFFFFD0] =	vst.add.f32.msk $0xffff, v4  }
0x729: {  	[tilespmem:s18+$0xFFFFFF90] =	vst.add.f32.msk $0xffff, v0  }
0x72a: {  	[tilespmem:s18+$0xFFFFFFE0] =	vst.add.f32.msk $0xffff, v5  }
0x72b: {  	s22 =	sadd.s32 $0x100, s22;
	[tilespmem:s18+$0xFFFFFFF0] =	vst.add.f32.msk $0xffff, v6  }
0x72c: {  	s18 =	sadd.s32 $0x2800, s17  }
0x72d: {  	[tilespmem:s31], [sflag:$0x1] =	stream.linear.gather [spmem:s18], $0x80, $0x38;
	[tilespmem:$0x1FB00] =	vst v63  }
0x72e: {  	s20 =	sadd.s32 $0x2880, s17  }
0x72f: {  	[tilespmem:s0], [sflag:$0x1] =	stream.linear.gather [spmem:s20], $0x80, $0x38;
	[tilespmem:$0x1FB00] =	vst v63  }
0x730: {  	s22 =	sadd.s32 $0x2900, s17  }
0x731: {  	[tilespmem:s3], [sflag:$0x1] =	stream.linear.gather [spmem:s22], $0x80, $0x38;
	[tilespmem:$0x1FB00] =	vst v63  }
0x732: {  	s20 =	sadd.s32 $0x2980, s17  }
0x733: {  	[tilespmem:s6], [sflag:$0x1] =	stream.linear.gather [spmem:s20], $0x80, $0x38;
	[tilespmem:$0x1FB00] =	vst v63  }
0x734: {  	s22 =	sadd.s32 $0x2A00, s17  }
0x735: {  	[tilespmem:s9], [sflag:$0x1] =	stream.linear.gather [spmem:s22], $0x80, $0x38;
	[tilespmem:$0x1FB00] =	vst v63  }
0x736: {  	s20 =	sadd.s32 $0x2A80, s17  }
0x737: {  	[tilespmem:s5], [sflag:$0x1] =	stream.linear.gather [spmem:s20], $0x80, $0x38;
	[tilespmem:$0x1FB00] =	vst v63  }
0x738: {  	s22 =	sadd.s32 $0x2B00, s17  }
0x739: {  	[tilespmem:s19], [sflag:$0x1] =	stream.linear.gather [spmem:s22], $0x80, $0x38;
	[tilespmem:$0x1FB00] =	vst v63  }
0x73a: {  	s20 =	sadd.s32 $0x2B80, s17  }
0x73b: {  	[tilespmem:s21], [sflag:$0x1] =	stream.linear.gather [spmem:s20], $0x80, $0x38;
	[tilespmem:$0x1FB00] =	vst v63  }
0x73c: {  	s22 =	sadd.s32 $0x2C00, s17  }
0x73d: {  	[tilespmem:s1], [sflag:$0x1] =	stream.linear.gather [spmem:s22], $0x80, $0x38;
	[tilespmem:$0x1FB00] =	vst v63  }
0x73e: {  	s20 =	sadd.s32 $0x2C80, s17  }
0x73f: {  	[tilespmem:s2], [sflag:$0x1] =	stream.linear.gather [spmem:s20], $0x80, $0x38;
	[tilespmem:$0x1FB00] =	vst v63  }
0x740: {  	s22 =	sadd.s32 $0x2D00, s17  }
0x741: {  	[tilespmem:s11], [sflag:$0x1] =	stream.linear.gather [spmem:s22], $0x80, $0x38;
	[tilespmem:$0x1FB00] =	vst v63  }
0x742: {  	s20 =	sadd.s32 $0x2D80, s17  }
0x743: {  	[tilespmem:s12], [sflag:$0x1] =	stream.linear.gather [spmem:s20], $0x80, $0x38;
	[tilespmem:$0x1FB00] =	vst v63  }
0x744: {  	s22 =	sadd.s32 $0x2E00, s17  }
0x745: {  	[tilespmem:s7], [sflag:$0x1] =	stream.linear.gather [spmem:s22], $0x80, $0x38;
	[tilespmem:$0x1FB00] =	vst v63  }
0x746: {  	s20 =	sadd.s32 $0x2E80, s17  }
0x747: {  	[tilespmem:s10], [sflag:$0x1] =	stream.linear.gather [spmem:s20], $0x80, $0x38;
	[tilespmem:$0x1FB00] =	vst v63  }
0x748: {  	s22 =	sadd.s32 $0x2F00, s17  }
0x749: {  	[tilespmem:s13], [sflag:$0x1] =	stream.linear.gather [spmem:s22], $0x80, $0x38;
	[tilespmem:$0x1FB00] =	vst v63  }
0x74a: {  	s20 =	sadd.s32 $0x2F80, s17  }
0x74b: {  	[tilespmem:s14], [sflag:$0x1] =	stream.linear.gather [spmem:s20], $0x80, $0x38;
	[tilespmem:$0x1FB00] =	vst v63  }
0x74c: {  	_ =	swait.ge [sflag:s15], $0x800  }
0x74d: {  	[sflag:s15] =	ssyncset.done $0x0  }
0x74e: {  	s22 =	simm.s32 $0x18740;
	[sflag:s15] =	ssyncadd.s32 $0xFFFFF800  }
0x74f: {  	v0 =	vld [tilespmem:s22+$0x30]  }
0x750: {  	v1 =	vld [tilespmem:s22+$0xFFFFFFD0]  }
0x751: {  	v2 =	vld [tilespmem:s22+$0xFFFFFFE0]  }
0x752: {  	v3 =	vld [tilespmem:s22+$0xFFFFFFF0]  }
0x753: {  	v4 =	vld [tilespmem:s22+$0x0]  }
0x754: {  	v5 =	vld [tilespmem:s22+$0x10]  }
0x755: {  	v7 =	vld [tilespmem:s22+$0xFFFFFFC0]  }
0x756: {  	v6 =	vld [tilespmem:s22+$0x20]  }
0x757: {  	v0 =	vld.idx.msk [tilespmem:v0+s4+$0x0], $0xffff  }
0x758: {  	v1 =	vld.idx.msk [tilespmem:v1+s4+$0x0], $0xffff  }
0x759: {  	v2 =	vld.idx.msk [tilespmem:v2+s4+$0x0], $0xffff  }
0x75a: {  	v3 =	vld.idx.msk [tilespmem:v3+s4+$0x0], $0xffff  }
0x75b: {  	v4 =	vld.idx.msk [tilespmem:v4+s4+$0x0], $0xffff  }
0x75c: {  	v5 =	vld.idx.msk [tilespmem:v5+s4+$0x0], $0xffff  }
0x75d: {  	v63 =	vld.idx.msk [tilespmem:v7+s4+$0x0], $0xffff  }
0x75e: {  	s18 =	simm.s32 $0x1B770;
	v6 =	vld.idx.msk [tilespmem:v6+s4+$0x0], $0xffff  }
0x75f: {  	[tilespmem:s18+$0x0] =	vst.add.f32.msk $0xffff, v0  }
0x760: {  	[tilespmem:s18+$0xFFFFFFA0] =	vst.add.f32.msk $0xffff, v1  }
0x761: {  	[tilespmem:s18+$0xFFFFFFB0] =	vst.add.f32.msk $0xffff, v2  }
0x762: {  	[tilespmem:s18+$0xFFFFFFC0] =	vst.add.f32.msk $0xffff, v3  }
0x763: {  	[tilespmem:s18+$0xFFFFFFD0] =	vst.add.f32.msk $0xffff, v4  }
0x764: {  	[tilespmem:s18+$0xFFFFFF90] =	vst.add.f32.msk $0xffff, v63  }
0x765: {  	[tilespmem:s18+$0xFFFFFFE0] =	vst.add.f32.msk $0xffff, v5  }
0x766: {  	s20 =	simm.s32 $0x0;
	s22 =	simm.s32 $0x18840;
	[tilespmem:s18+$0xFFFFFFF0] =	vst.add.f32.msk $0xffff, v6  }
.LBB2_45:
0x767: {  	v0 =	vld [tilespmem:s22+$0x30];
	s20 =	sadd.s32 $0x8, s20  }
0x768: {  	v1 =	vld [tilespmem:s22+$0xFFFFFFD0];
	p0 =	slt.u32 s20, $0x78  }
0x769: {  	v2 =	vld [tilespmem:s22+$0xFFFFFFE0]  }
0x76a: {  	v3 =	vld [tilespmem:s22+$0xFFFFFFF0]  }
0x76b: {  	v4 =	vld [tilespmem:s22+$0x0]  }
0x76c: {  	v5 =	vld [tilespmem:s22+$0x10]  }
0x76d: {  	v6 =	vld [tilespmem:s22+$0x20]  }
0x76e: {  	v7 =	vld [tilespmem:s22+$0xFFFFFFC0]  }
0x76f: {  	v0 =	vld.idx.msk [tilespmem:v0+s4+$0x0], $0xffff  }
0x770: {  	v1 =	vld.idx.msk [tilespmem:v1+s4+$0x0], $0xffff  }
0x771: {  	v2 =	vld.idx.msk [tilespmem:v2+s4+$0x0], $0xffff  }
0x772: {  	v3 =	vld.idx.msk [tilespmem:v3+s4+$0x0], $0xffff  }
0x773: {  	v4 =	vld.idx.msk [tilespmem:v4+s4+$0x0], $0xffff  }
0x774: {  	s18 =	sadd.s32 $0x80, s18;
	v5 =	vld.idx.msk [tilespmem:v5+s4+$0x0], $0xffff  }
0x775: {  	[tilespmem:s18+$0x0] =	vst.add.f32.msk $0xffff, v0  }
0x776: {  	v0 =	vld.idx.msk [tilespmem:v7+s4+$0x0], $0xffff  }
0x777: {  	v6 =	vld.idx.msk [tilespmem:v6+s4+$0x0], $0xffff  }
0x778: {  	[tilespmem:s18+$0xFFFFFFA0] =	vst.add.f32.msk $0xffff, v1  }
0x779: {  	[tilespmem:s18+$0xFFFFFFB0] =	vst.add.f32.msk $0xffff, v2  }
.Ltmp21:
0x77a: {  	[tilespmem:s18+$0xFFFFFFC0] =	vst.add.f32.msk $0xffff, v3;
	(pc) =	sbr.rel @p0 .LBB2_45-.Ltmp21, $4  }
0x77b: {  	[tilespmem:s18+$0xFFFFFFD0] =	vst.add.f32.msk $0xffff, v4  }
0x77c: {  	[tilespmem:s18+$0xFFFFFF90] =	vst.add.f32.msk $0xffff, v0  }
0x77d: {  	[tilespmem:s18+$0xFFFFFFE0] =	vst.add.f32.msk $0xffff, v5  }
0x77e: {  	s22 =	sadd.s32 $0x100, s22;
	[tilespmem:s18+$0xFFFFFFF0] =	vst.add.f32.msk $0xffff, v6  }
0x77f: {  	s18 =	sadd.s32 $0x3000, s17;
	s20 =	simm.s32 $0x18700  }
0x780: {  	[tilespmem:s20], [sflag:$0x1] =	stream.linear.gather [spmem:s18], $0x80, $0x38;
	[tilespmem:$0x1FB00] =	vst v63  }
0x781: {  	s22 =	simm.s32 $0x18800;
	s20 =	sadd.s32 $0x3080, s17  }
0x782: {  	[tilespmem:s22], [sflag:$0x1] =	stream.linear.gather [spmem:s20], $0x80, $0x38;
	[tilespmem:$0x1FB00] =	vst v63  }
0x783: {  	s20 =	sadd.s32 $0x3100, s17;
	s22 =	simm.s32 $0x18900  }
0x784: {  	[tilespmem:s22], [sflag:$0x1] =	stream.linear.gather [spmem:s20], $0x80, $0x38;
	[tilespmem:$0x1FB00] =	vst v63  }
0x785: {  	s20 =	sadd.s32 $0x3180, s17;
	s22 =	simm.s32 $0x18A00  }
0x786: {  	[tilespmem:s22], [sflag:$0x1] =	stream.linear.gather [spmem:s20], $0x80, $0x38;
	[tilespmem:$0x1FB00] =	vst v63  }
0x787: {  	s20 =	sadd.s32 $0x3200, s17;
	s22 =	simm.s32 $0x18B00  }
0x788: {  	[tilespmem:s22], [sflag:$0x1] =	stream.linear.gather [spmem:s20], $0x80, $0x38;
	[tilespmem:$0x1FB00] =	vst v63  }
0x789: {  	s20 =	sadd.s32 $0x3280, s17;
	s22 =	simm.s32 $0x18C00  }
0x78a: {  	[tilespmem:s22], [sflag:$0x1] =	stream.linear.gather [spmem:s20], $0x80, $0x38;
	[tilespmem:$0x1FB00] =	vst v63  }
0x78b: {  	s20 =	sadd.s32 $0x3300, s17;
	s22 =	simm.s32 $0x18D00  }
0x78c: {  	[tilespmem:s22], [sflag:$0x1] =	stream.linear.gather [spmem:s20], $0x80, $0x38;
	[tilespmem:$0x1FB00] =	vst v63  }
0x78d: {  	s20 =	sadd.s32 $0x3380, s17;
	s22 =	simm.s32 $0x18E00  }
0x78e: {  	[tilespmem:s22], [sflag:$0x1] =	stream.linear.gather [spmem:s20], $0x80, $0x38;
	[tilespmem:$0x1FB00] =	vst v63  }
0x78f: {  	s22 =	sadd.s32 $0x3400, s17  }
0x790: {  	[tilespmem:s23], [sflag:$0x1] =	stream.linear.gather [spmem:s22], $0x80, $0x38;
	[tilespmem:$0x1FB00] =	vst v63  }
0x791: {  	s20 =	sadd.s32 $0x3480, s17  }
0x792: {  	[tilespmem:s24], [sflag:$0x1] =	stream.linear.gather [spmem:s20], $0x80, $0x38;
	[tilespmem:$0x1FB00] =	vst v63  }
0x793: {  	s22 =	sadd.s32 $0x3500, s17  }
0x794: {  	[tilespmem:s25], [sflag:$0x1] =	stream.linear.gather [spmem:s22], $0x80, $0x38;
	[tilespmem:$0x1FB00] =	vst v63  }
0x795: {  	s20 =	sadd.s32 $0x3580, s17  }
0x796: {  	[tilespmem:s26], [sflag:$0x1] =	stream.linear.gather [spmem:s20], $0x80, $0x38;
	[tilespmem:$0x1FB00] =	vst v63  }
0x797: {  	s22 =	sadd.s32 $0x3600, s17  }
0x798: {  	[tilespmem:s28], [sflag:$0x1] =	stream.linear.gather [spmem:s22], $0x80, $0x38;
	[tilespmem:$0x1FB00] =	vst v63  }
0x799: {  	s20 =	sadd.s32 $0x3680, s17  }
0x79a: {  	[tilespmem:s8], [sflag:$0x1] =	stream.linear.gather [spmem:s20], $0x80, $0x38;
	[tilespmem:$0x1FB00] =	vst v63  }
0x79b: {  	s22 =	sadd.s32 $0x3700, s17  }
0x79c: {  	[tilespmem:s29], [sflag:$0x1] =	stream.linear.gather [spmem:s22], $0x80, $0x38;
	[tilespmem:$0x1FB00] =	vst v63  }
0x79d: {  	s20 =	sadd.s32 $0x3780, s17  }
0x79e: {  	[tilespmem:s30], [sflag:$0x1] =	stream.linear.gather [spmem:s20], $0x80, $0x38;
	[tilespmem:$0x1FB00] =	vst v63  }
0x79f: {  	_ =	swait.ge [sflag:s15], $0x800  }
0x7a0: {  	[sflag:s15] =	ssyncset.done $0x0  }
0x7a1: {  	s22 =	simm.s32 $0x187F0;
	[sflag:s15] =	ssyncadd.s32 $0xFFFFF800  }
0x7a2: {  	v0 =	vld [tilespmem:s22+$0x0]  }
0x7a3: {  	v1 =	vld [tilespmem:s22+$0xFFFFFFA0]  }
0x7a4: {  	v2 =	vld [tilespmem:s22+$0xFFFFFFB0]  }
0x7a5: {  	v3 =	vld [tilespmem:s22+$0xFFFFFFC0]  }
0x7a6: {  	v4 =	vld [tilespmem:s22+$0xFFFFFFD0]  }
0x7a7: {  	v5 =	vld [tilespmem:s22+$0xFFFFFFE0]  }
0x7a8: {  	v7 =	vld [tilespmem:s22+$0xFFFFFF90]  }
0x7a9: {  	v6 =	vld [tilespmem:s22+$0xFFFFFFF0]  }
0x7aa: {  	v0 =	vld.idx.msk [tilespmem:v0+s4+$0x0], $0xffff  }
0x7ab: {  	v1 =	vld.idx.msk [tilespmem:v1+s4+$0x0], $0xffff  }
0x7ac: {  	v2 =	vld.idx.msk [tilespmem:v2+s4+$0x0], $0xffff  }
0x7ad: {  	v3 =	vld.idx.msk [tilespmem:v3+s4+$0x0], $0xffff  }
0x7ae: {  	v4 =	vld.idx.msk [tilespmem:v4+s4+$0x0], $0xffff  }
0x7af: {  	v5 =	vld.idx.msk [tilespmem:v5+s4+$0x0], $0xffff  }
0x7b0: {  	v63 =	vld.idx.msk [tilespmem:v7+s4+$0x0], $0xffff  }
0x7b1: {  	s18 =	simm.s32 $0x1BF70;
	v6 =	vld.idx.msk [tilespmem:v6+s4+$0x0], $0xffff  }
0x7b2: {  	[tilespmem:s18+$0x0] =	vst.add.f32.msk $0xffff, v0  }
0x7b3: {  	[tilespmem:s18+$0xFFFFFFA0] =	vst.add.f32.msk $0xffff, v1  }
0x7b4: {  	[tilespmem:s18+$0xFFFFFFB0] =	vst.add.f32.msk $0xffff, v2  }
0x7b5: {  	[tilespmem:s18+$0xFFFFFFC0] =	vst.add.f32.msk $0xffff, v3  }
0x7b6: {  	[tilespmem:s18+$0xFFFFFFD0] =	vst.add.f32.msk $0xffff, v4  }
0x7b7: {  	[tilespmem:s18+$0xFFFFFF90] =	vst.add.f32.msk $0xffff, v63  }
0x7b8: {  	[tilespmem:s18+$0xFFFFFFE0] =	vst.add.f32.msk $0xffff, v5  }
0x7b9: {  	s20 =	simm.s32 $0x0;
	s22 =	simm.s32 $0x188F0;
	[tilespmem:s18+$0xFFFFFFF0] =	vst.add.f32.msk $0xffff, v6  }
.LBB2_47:
0x7ba: {  	v0 =	vld [tilespmem:s22+$0x0];
	s20 =	sadd.s32 $0x8, s20  }
0x7bb: {  	v1 =	vld [tilespmem:s22+$0xFFFFFFA0];
	p0 =	slt.u32 s20, $0x78  }
0x7bc: {  	v2 =	vld [tilespmem:s22+$0xFFFFFFB0]  }
0x7bd: {  	v3 =	vld [tilespmem:s22+$0xFFFFFFC0]  }
0x7be: {  	v4 =	vld [tilespmem:s22+$0xFFFFFFD0]  }
0x7bf: {  	v5 =	vld [tilespmem:s22+$0xFFFFFFE0]  }
0x7c0: {  	v6 =	vld [tilespmem:s22+$0xFFFFFFF0]  }
0x7c1: {  	v7 =	vld [tilespmem:s22+$0xFFFFFF90]  }
0x7c2: {  	v0 =	vld.idx.msk [tilespmem:v0+s4+$0x0], $0xffff  }
0x7c3: {  	v1 =	vld.idx.msk [tilespmem:v1+s4+$0x0], $0xffff  }
0x7c4: {  	v2 =	vld.idx.msk [tilespmem:v2+s4+$0x0], $0xffff  }
0x7c5: {  	v3 =	vld.idx.msk [tilespmem:v3+s4+$0x0], $0xffff  }
0x7c6: {  	v4 =	vld.idx.msk [tilespmem:v4+s4+$0x0], $0xffff  }
0x7c7: {  	s18 =	sadd.s32 $0x80, s18;
	v5 =	vld.idx.msk [tilespmem:v5+s4+$0x0], $0xffff  }
0x7c8: {  	[tilespmem:s18+$0x0] =	vst.add.f32.msk $0xffff, v0  }
0x7c9: {  	v0 =	vld.idx.msk [tilespmem:v7+s4+$0x0], $0xffff  }
0x7ca: {  	v6 =	vld.idx.msk [tilespmem:v6+s4+$0x0], $0xffff  }
0x7cb: {  	[tilespmem:s18+$0xFFFFFFA0] =	vst.add.f32.msk $0xffff, v1  }
0x7cc: {  	[tilespmem:s18+$0xFFFFFFB0] =	vst.add.f32.msk $0xffff, v2  }
.Ltmp22:
0x7cd: {  	[tilespmem:s18+$0xFFFFFFC0] =	vst.add.f32.msk $0xffff, v3;
	(pc) =	sbr.rel @p0 .LBB2_47-.Ltmp22, $4  }
0x7ce: {  	[tilespmem:s18+$0xFFFFFFD0] =	vst.add.f32.msk $0xffff, v4  }
0x7cf: {  	[tilespmem:s18+$0xFFFFFF90] =	vst.add.f32.msk $0xffff, v0  }
0x7d0: {  	[tilespmem:s18+$0xFFFFFFE0] =	vst.add.f32.msk $0xffff, v5  }
0x7d1: {  	s22 =	sadd.s32 $0x100, s22;
	[tilespmem:s18+$0xFFFFFFF0] =	vst.add.f32.msk $0xffff, v6  }
0x7d2: {  	s18 =	sadd.s32 $0x3800, s17  }
0x7d3: {  	[tilespmem:s31], [sflag:$0x1] =	stream.linear.gather [spmem:s18], $0x80, $0x38;
	[tilespmem:$0x1FB00] =	vst v63  }
0x7d4: {  	s20 =	sadd.s32 $0x3880, s17  }
0x7d5: {  	[tilespmem:s0], [sflag:$0x1] =	stream.linear.gather [spmem:s20], $0x80, $0x38;
	[tilespmem:$0x1FB00] =	vst v63  }
0x7d6: {  	s22 =	sadd.s32 $0x3900, s17  }
0x7d7: {  	[tilespmem:s3], [sflag:$0x1] =	stream.linear.gather [spmem:s22], $0x80, $0x38;
	[tilespmem:$0x1FB00] =	vst v63  }
0x7d8: {  	s20 =	sadd.s32 $0x3980, s17  }
0x7d9: {  	[tilespmem:s6], [sflag:$0x1] =	stream.linear.gather [spmem:s20], $0x80, $0x38;
	[tilespmem:$0x1FB00] =	vst v63  }
0x7da: {  	s22 =	sadd.s32 $0x3A00, s17  }
0x7db: {  	[tilespmem:s9], [sflag:$0x1] =	stream.linear.gather [spmem:s22], $0x80, $0x38;
	[tilespmem:$0x1FB00] =	vst v63  }
0x7dc: {  	s20 =	sadd.s32 $0x3A80, s17  }
0x7dd: {  	[tilespmem:s5], [sflag:$0x1] =	stream.linear.gather [spmem:s20], $0x80, $0x38;
	[tilespmem:$0x1FB00] =	vst v63  }
0x7de: {  	s22 =	sadd.s32 $0x3B00, s17  }
0x7df: {  	[tilespmem:s19], [sflag:$0x1] =	stream.linear.gather [spmem:s22], $0x80, $0x38;
	[tilespmem:$0x1FB00] =	vst v63  }
0x7e0: {  	s20 =	sadd.s32 $0x3B80, s17  }
0x7e1: {  	[tilespmem:s21], [sflag:$0x1] =	stream.linear.gather [spmem:s20], $0x80, $0x38;
	[tilespmem:$0x1FB00] =	vst v63  }
0x7e2: {  	s22 =	sadd.s32 $0x3C00, s17  }
0x7e3: {  	[tilespmem:s1], [sflag:$0x1] =	stream.linear.gather [spmem:s22], $0x80, $0x38;
	[tilespmem:$0x1FB00] =	vst v63  }
0x7e4: {  	s20 =	sadd.s32 $0x3C80, s17  }
0x7e5: {  	[tilespmem:s2], [sflag:$0x1] =	stream.linear.gather [spmem:s20], $0x80, $0x38;
	[tilespmem:$0x1FB00] =	vst v63  }
0x7e6: {  	s22 =	sadd.s32 $0x3D00, s17  }
0x7e7: {  	[tilespmem:s11], [sflag:$0x1] =	stream.linear.gather [spmem:s22], $0x80, $0x38;
	[tilespmem:$0x1FB00] =	vst v63  }
0x7e8: {  	s20 =	sadd.s32 $0x3D80, s17  }
0x7e9: {  	[tilespmem:s12], [sflag:$0x1] =	stream.linear.gather [spmem:s20], $0x80, $0x38;
	[tilespmem:$0x1FB00] =	vst v63  }
0x7ea: {  	s22 =	sadd.s32 $0x3E00, s17  }
0x7eb: {  	[tilespmem:s7], [sflag:$0x1] =	stream.linear.gather [spmem:s22], $0x80, $0x38;
	[tilespmem:$0x1FB00] =	vst v63  }
0x7ec: {  	s20 =	sadd.s32 $0x3E80, s17  }
0x7ed: {  	[tilespmem:s10], [sflag:$0x1] =	stream.linear.gather [spmem:s20], $0x80, $0x38;
	[tilespmem:$0x1FB00] =	vst v63  }
0x7ee: {  	s22 =	sadd.s32 $0x3F00, s17  }
0x7ef: {  	[tilespmem:s13], [sflag:$0x1] =	stream.linear.gather [spmem:s22], $0x80, $0x38;
	[tilespmem:$0x1FB00] =	vst v63  }
0x7f0: {  	s20 =	sadd.s32 $0x3F80, s17  }
0x7f1: {  	[tilespmem:s14], [sflag:$0x1] =	stream.linear.gather [spmem:s20], $0x80, $0x38;
	[tilespmem:$0x1FB00] =	vst v63  }
0x7f2: {  	_ =	swait.ge [sflag:s15], $0x800  }
0x7f3: {  	[sflag:s15] =	ssyncset.done $0x0  }
0x7f4: {  	s22 =	simm.s32 $0x18740;
	[sflag:s15] =	ssyncadd.s32 $0xFFFFF800  }
0x7f5: {  	v0 =	vld [tilespmem:s22+$0x30]  }
0x7f6: {  	v1 =	vld [tilespmem:s22+$0xFFFFFFD0]  }
0x7f7: {  	v2 =	vld [tilespmem:s22+$0xFFFFFFE0]  }
0x7f8: {  	v3 =	vld [tilespmem:s22+$0xFFFFFFF0]  }
0x7f9: {  	v4 =	vld [tilespmem:s22+$0x0]  }
0x7fa: {  	v5 =	vld [tilespmem:s22+$0x10]  }
0x7fb: {  	v7 =	vld [tilespmem:s22+$0xFFFFFFC0]  }
0x7fc: {  	v6 =	vld [tilespmem:s22+$0x20]  }
0x7fd: {  	v0 =	vld.idx.msk [tilespmem:v0+s4+$0x0], $0xffff  }
0x7fe: {  	v1 =	vld.idx.msk [tilespmem:v1+s4+$0x0], $0xffff  }
0x7ff: {  	v2 =	vld.idx.msk [tilespmem:v2+s4+$0x0], $0xffff  }
0x800: {  	v3 =	vld.idx.msk [tilespmem:v3+s4+$0x0], $0xffff  }
0x801: {  	v4 =	vld.idx.msk [tilespmem:v4+s4+$0x0], $0xffff  }
0x802: {  	v5 =	vld.idx.msk [tilespmem:v5+s4+$0x0], $0xffff  }
0x803: {  	v63 =	vld.idx.msk [tilespmem:v7+s4+$0x0], $0xffff  }
0x804: {  	s17 =	simm.s32 $0x1C770;
	v6 =	vld.idx.msk [tilespmem:v6+s4+$0x0], $0xffff  }
0x805: {  	[tilespmem:s17+$0x0] =	vst.add.f32.msk $0xffff, v0  }
0x806: {  	[tilespmem:s17+$0xFFFFFFA0] =	vst.add.f32.msk $0xffff, v1  }
0x807: {  	[tilespmem:s17+$0xFFFFFFB0] =	vst.add.f32.msk $0xffff, v2  }
0x808: {  	[tilespmem:s17+$0xFFFFFFC0] =	vst.add.f32.msk $0xffff, v3  }
0x809: {  	[tilespmem:s17+$0xFFFFFFD0] =	vst.add.f32.msk $0xffff, v4  }
0x80a: {  	[tilespmem:s17+$0xFFFFFF90] =	vst.add.f32.msk $0xffff, v63  }
0x80b: {  	[tilespmem:s17+$0xFFFFFFE0] =	vst.add.f32.msk $0xffff, v5  }
0x80c: {  	s18 =	simm.s32 $0x0;
	s20 =	simm.s32 $0x18840;
	[tilespmem:s17+$0xFFFFFFF0] =	vst.add.f32.msk $0xffff, v6  }
.LBB2_49:
0x80d: {  	v0 =	vld [tilespmem:s20+$0x30];
	s18 =	sadd.s32 $0x8, s18  }
0x80e: {  	v1 =	vld [tilespmem:s20+$0xFFFFFFD0];
	p0 =	slt.u32 s18, $0x78  }
0x80f: {  	v2 =	vld [tilespmem:s20+$0xFFFFFFE0]  }
0x810: {  	v3 =	vld [tilespmem:s20+$0xFFFFFFF0]  }
0x811: {  	v4 =	vld [tilespmem:s20+$0x0]  }
0x812: {  	v5 =	vld [tilespmem:s20+$0x10]  }
0x813: {  	v6 =	vld [tilespmem:s20+$0x20]  }
0x814: {  	v7 =	vld [tilespmem:s20+$0xFFFFFFC0]  }
0x815: {  	v0 =	vld.idx.msk [tilespmem:v0+s4+$0x0], $0xffff  }
0x816: {  	v1 =	vld.idx.msk [tilespmem:v1+s4+$0x0], $0xffff  }
0x817: {  	v2 =	vld.idx.msk [tilespmem:v2+s4+$0x0], $0xffff  }
0x818: {  	v3 =	vld.idx.msk [tilespmem:v3+s4+$0x0], $0xffff  }
0x819: {  	v4 =	vld.idx.msk [tilespmem:v4+s4+$0x0], $0xffff  }
0x81a: {  	s17 =	sadd.s32 $0x80, s17;
	v5 =	vld.idx.msk [tilespmem:v5+s4+$0x0], $0xffff  }
0x81b: {  	[tilespmem:s17+$0x0] =	vst.add.f32.msk $0xffff, v0  }
0x81c: {  	v0 =	vld.idx.msk [tilespmem:v7+s4+$0x0], $0xffff  }
0x81d: {  	v6 =	vld.idx.msk [tilespmem:v6+s4+$0x0], $0xffff  }
0x81e: {  	[tilespmem:s17+$0xFFFFFFA0] =	vst.add.f32.msk $0xffff, v1  }
0x81f: {  	[tilespmem:s17+$0xFFFFFFB0] =	vst.add.f32.msk $0xffff, v2  }
.Ltmp23:
0x820: {  	[tilespmem:s17+$0xFFFFFFC0] =	vst.add.f32.msk $0xffff, v3;
	(pc) =	sbr.rel @p0 .LBB2_49-.Ltmp23, $4  }
0x821: {  	[tilespmem:s17+$0xFFFFFFD0] =	vst.add.f32.msk $0xffff, v4  }
0x822: {  	[tilespmem:s17+$0xFFFFFF90] =	vst.add.f32.msk $0xffff, v0  }
0x823: {  	[tilespmem:s17+$0xFFFFFFE0] =	vst.add.f32.msk $0xffff, v5  }
0x824: {  	s20 =	sadd.s32 $0x100, s20;
	[tilespmem:s17+$0xFFFFFFF0] =	vst.add.f32.msk $0xffff, v6  }
0x825: {  	_ =	swait.ge [sflag:s15], $0x800  }
0x826: {  	[sflag:s15] =	ssyncset.done $0x0  }
0x827: {  	s17 =	simm.s32 $0x187F0;
	[sflag:s15] =	ssyncadd.s32 $0xFFFFF800  }
0x828: {  	v0 =	vld [tilespmem:s17+$0x0]  }
0x829: {  	v1 =	vld [tilespmem:s17+$0xFFFFFFA0]  }
0x82a: {  	v2 =	vld [tilespmem:s17+$0xFFFFFFB0]  }
0x82b: {  	v3 =	vld [tilespmem:s17+$0xFFFFFFC0]  }
0x82c: {  	v4 =	vld [tilespmem:s17+$0xFFFFFFD0]  }
0x82d: {  	v5 =	vld [tilespmem:s17+$0xFFFFFFE0]  }
0x82e: {  	v7 =	vld [tilespmem:s17+$0xFFFFFF90]  }
0x82f: {  	v6 =	vld [tilespmem:s17+$0xFFFFFFF0]  }
0x830: {  	v0 =	vld.idx.msk [tilespmem:v0+s4+$0x0], $0xffff  }
0x831: {  	v1 =	vld.idx.msk [tilespmem:v1+s4+$0x0], $0xffff  }
0x832: {  	v2 =	vld.idx.msk [tilespmem:v2+s4+$0x0], $0xffff  }
0x833: {  	v3 =	vld.idx.msk [tilespmem:v3+s4+$0x0], $0xffff  }
0x834: {  	v4 =	vld.idx.msk [tilespmem:v4+s4+$0x0], $0xffff  }
0x835: {  	v5 =	vld.idx.msk [tilespmem:v5+s4+$0x0], $0xffff  }
0x836: {  	v63 =	vld.idx.msk [tilespmem:v7+s4+$0x0], $0xffff  }
0x837: {  	s17 =	simm.s32 $0x1CF70;
	v6 =	vld.idx.msk [tilespmem:v6+s4+$0x0], $0xffff  }
0x838: {  	[tilespmem:s17+$0x0] =	vst.add.f32.msk $0xffff, v0  }
0x839: {  	[tilespmem:s17+$0xFFFFFFA0] =	vst.add.f32.msk $0xffff, v1  }
0x83a: {  	[tilespmem:s17+$0xFFFFFFB0] =	vst.add.f32.msk $0xffff, v2  }
0x83b: {  	[tilespmem:s17+$0xFFFFFFC0] =	vst.add.f32.msk $0xffff, v3  }
0x83c: {  	[tilespmem:s17+$0xFFFFFFD0] =	vst.add.f32.msk $0xffff, v4  }
0x83d: {  	[tilespmem:s17+$0xFFFFFF90] =	vst.add.f32.msk $0xffff, v63  }
0x83e: {  	[tilespmem:s17+$0xFFFFFFE0] =	vst.add.f32.msk $0xffff, v5  }
0x83f: {  	s18 =	simm.s32 $0x0;
	s20 =	simm.s32 $0x188F0;
	s22 =	simm.s32 $0x2;
	[tilespmem:s17+$0xFFFFFFF0] =	vst.add.f32.msk $0xffff, v6  }
.LBB2_51:
0x840: {  	v0 =	vld [tilespmem:s20+$0x0];
	s18 =	sadd.s32 $0x8, s18  }
0x841: {  	v1 =	vld [tilespmem:s20+$0xFFFFFFA0];
	p0 =	slt.u32 s18, $0x78  }
0x842: {  	v2 =	vld [tilespmem:s20+$0xFFFFFFB0]  }
0x843: {  	v3 =	vld [tilespmem:s20+$0xFFFFFFC0]  }
0x844: {  	v4 =	vld [tilespmem:s20+$0xFFFFFFD0]  }
0x845: {  	v5 =	vld [tilespmem:s20+$0xFFFFFFE0]  }
0x846: {  	v6 =	vld [tilespmem:s20+$0xFFFFFFF0]  }
0x847: {  	v7 =	vld [tilespmem:s20+$0xFFFFFF90]  }
0x848: {  	v0 =	vld.idx.msk [tilespmem:v0+s4+$0x0], $0xffff  }
0x849: {  	v1 =	vld.idx.msk [tilespmem:v1+s4+$0x0], $0xffff  }
0x84a: {  	v2 =	vld.idx.msk [tilespmem:v2+s4+$0x0], $0xffff  }
0x84b: {  	v3 =	vld.idx.msk [tilespmem:v3+s4+$0x0], $0xffff  }
0x84c: {  	v4 =	vld.idx.msk [tilespmem:v4+s4+$0x0], $0xffff  }
0x84d: {  	s17 =	sadd.s32 $0x80, s17;
	v5 =	vld.idx.msk [tilespmem:v5+s4+$0x0], $0xffff  }
0x84e: {  	[tilespmem:s17+$0x0] =	vst.add.f32.msk $0xffff, v0  }
0x84f: {  	v0 =	vld.idx.msk [tilespmem:v7+s4+$0x0], $0xffff  }
0x850: {  	v6 =	vld.idx.msk [tilespmem:v6+s4+$0x0], $0xffff  }
0x851: {  	[tilespmem:s17+$0xFFFFFFA0] =	vst.add.f32.msk $0xffff, v1  }
0x852: {  	[tilespmem:s17+$0xFFFFFFB0] =	vst.add.f32.msk $0xffff, v2  }
.Ltmp24:
0x853: {  	[tilespmem:s17+$0xFFFFFFC0] =	vst.add.f32.msk $0xffff, v3;
	(pc) =	sbr.rel @p0 .LBB2_51-.Ltmp24, $4  }
0x854: {  	[tilespmem:s17+$0xFFFFFFD0] =	vst.add.f32.msk $0xffff, v4  }
0x855: {  	[tilespmem:s17+$0xFFFFFF90] =	vst.add.f32.msk $0xffff, v0  }
0x856: {  	[tilespmem:s17+$0xFFFFFFE0] =	vst.add.f32.msk $0xffff, v5  }
0x857: {  	s20 =	sadd.s32 $0x100, s20;
	[tilespmem:s17+$0xFFFFFFF0] =	vst.add.f32.msk $0xffff, v6  }
0x858: {  	s16 =	sadd.s32 $0x1, s16  }
0x859: {  	p0 =	sne.s32 s16, $0x9  }
.Ltmp25:
0x85a: {  	_ = 	snop;
	(pc) =	sbr.rel @p0 .LBB2_36-.Ltmp25, $2  }
0x85b: {  	_ =	sdelay $0x2  }
0x85c: {  	s20 =	simm.s32 $0x400  }
0x85d: {  	[bflag:$0x0] =	sbarrier.arrive $0xFFFF  }
0x85e: {  	s16 =	rddreg [dreg:$0x9]  }
0x85f: {  	s17 =	rddreg [dreg:$0x14]  }
0x860: {  	s18 =	rddreg [dreg:$0x19]  }
0x861: {  	[spmem:s18], [sflag:s16] =	dma.local [hbm:s17], $0x400  }
0x862: {  	_ =	swait.ge [sflag:s22], $0x400  }
0x863: {  	[sflag:s22] =	ssyncset.done $0x0  }
0x864: {  	[sflag:s22] =	ssyncadd.s32 $0xFFFFFC00  }
0x865: {  	s16 =	simm.s32 $0x0;
	[bflag:$0x0] =	sbarrier.arrive $0xFFFF  }
.LBB2_54:
0x866: {  	s17 =	sshll.u32 s16, $0x5;
	s18 =	rddreg [dreg:$0x15]  }
0x867: {  	s17 =	sadd.s32 s18, s17  }
0x868: {  	s17 =	sshrl.u32 s17, $0x3  }
0x869: {  	s17 =	smul.u32 $0xC3800, s17  }
0x86a: {  	s18 =	rddreg [dreg:$0x7]  }
0x86b: {  	s17 =	sor.u32 s18, s17  }
0x86c: {  	s18 =	rddreg [dreg:$0x0];
	s17 =	sshrl.u32 s17, $0x3  }
0x86d: {  	s17 =	sadd.s32 s18, s17;
	s18 =	simm.s32 $0x80  }
0x86e: {  	[tilespmem:s4], [sflag:$0x2] =	stream.strided.gather [hbm4b:s17+s18], $0x18700, s20, s18, $0x38;
	[tilespmem:$0x1FB00] =	vst v63  }
0x86f: {  	_ =	swait.ge [sflag:s22], $0x18700  }
0x870: {  	[sflag:s22] =	ssyncset.done $0x0  }
0x871: {  	s18 =	sshll.u32 s16, $0xE;
	[sflag:s22] =	ssyncadd.s32 $0xFFFE7900  }
0x872: {  	s17 =	sand.u32 $0x3FFFC000, s18;
	s20 =	rddreg [dreg:$0x3]  }
0x873: {  	s22 =	simm.s32 $0x18700;
	s17 =	sadd.s32 s17, s20  }
0x874: {  	[tilespmem:s22], [sflag:$0x1] =	stream.linear.gather [spmem:s17], $0x80, $0x38;
	[tilespmem:$0x1FB00] =	vst v63  }
0x875: {  	s20 =	sadd.s32 $0x80, s17;
	s22 =	simm.s32 $0x18800  }
0x876: {  	[tilespmem:s22], [sflag:$0x1] =	stream.linear.gather [spmem:s20], $0x80, $0x38;
	[tilespmem:$0x1FB00] =	vst v63  }
0x877: {  	s20 =	sadd.s32 $0x100, s17;
	s22 =	simm.s32 $0x18900  }
0x878: {  	[tilespmem:s22], [sflag:$0x1] =	stream.linear.gather [spmem:s20], $0x80, $0x38;
	[tilespmem:$0x1FB00] =	vst v63  }
0x879: {  	s20 =	sadd.s32 $0x180, s17;
	s22 =	simm.s32 $0x18A00  }
0x87a: {  	[tilespmem:s22], [sflag:$0x1] =	stream.linear.gather [spmem:s20], $0x80, $0x38;
	[tilespmem:$0x1FB00] =	vst v63  }
0x87b: {  	s20 =	sadd.s32 $0x200, s17;
	s22 =	simm.s32 $0x18B00  }
0x87c: {  	[tilespmem:s22], [sflag:$0x1] =	stream.linear.gather [spmem:s20], $0x80, $0x38;
	[tilespmem:$0x1FB00] =	vst v63  }
0x87d: {  	s20 =	sadd.s32 $0x280, s17;
	s22 =	simm.s32 $0x18C00  }
0x87e: {  	[tilespmem:s22], [sflag:$0x1] =	stream.linear.gather [spmem:s20], $0x80, $0x38;
	[tilespmem:$0x1FB00] =	vst v63  }
0x87f: {  	s20 =	sadd.s32 $0x300, s17;
	s22 =	simm.s32 $0x18D00  }
0x880: {  	[tilespmem:s22], [sflag:$0x1] =	stream.linear.gather [spmem:s20], $0x80, $0x38;
	[tilespmem:$0x1FB00] =	vst v63  }
0x881: {  	s20 =	sadd.s32 $0x380, s17;
	s22 =	simm.s32 $0x18E00  }
0x882: {  	[tilespmem:s22], [sflag:$0x1] =	stream.linear.gather [spmem:s20], $0x80, $0x38;
	[tilespmem:$0x1FB00] =	vst v63  }
0x883: {  	s22 =	sadd.s32 $0x400, s17  }
0x884: {  	[tilespmem:s23], [sflag:$0x1] =	stream.linear.gather [spmem:s22], $0x80, $0x38;
	[tilespmem:$0x1FB00] =	vst v63  }
0x885: {  	s20 =	sadd.s32 $0x480, s17  }
0x886: {  	[tilespmem:s24], [sflag:$0x1] =	stream.linear.gather [spmem:s20], $0x80, $0x38;
	[tilespmem:$0x1FB00] =	vst v63  }
0x887: {  	s22 =	sadd.s32 $0x500, s17  }
0x888: {  	[tilespmem:s25], [sflag:$0x1] =	stream.linear.gather [spmem:s22], $0x80, $0x38;
	[tilespmem:$0x1FB00] =	vst v63  }
0x889: {  	s20 =	sadd.s32 $0x580, s17  }
0x88a: {  	[tilespmem:s26], [sflag:$0x1] =	stream.linear.gather [spmem:s20], $0x80, $0x38;
	[tilespmem:$0x1FB00] =	vst v63  }
0x88b: {  	s22 =	sadd.s32 $0x600, s17  }
0x88c: {  	[tilespmem:s28], [sflag:$0x1] =	stream.linear.gather [spmem:s22], $0x80, $0x38;
	[tilespmem:$0x1FB00] =	vst v63  }
0x88d: {  	s20 =	sadd.s32 $0x680, s17  }
0x88e: {  	[tilespmem:s8], [sflag:$0x1] =	stream.linear.gather [spmem:s20], $0x80, $0x38;
	[tilespmem:$0x1FB00] =	vst v63  }
0x88f: {  	s22 =	sadd.s32 $0x700, s17  }
0x890: {  	[tilespmem:s29], [sflag:$0x1] =	stream.linear.gather [spmem:s22], $0x80, $0x38;
	[tilespmem:$0x1FB00] =	vst v63  }
0x891: {  	s20 =	sadd.s32 $0x780, s17  }
0x892: {  	[tilespmem:s30], [sflag:$0x1] =	stream.linear.gather [spmem:s20], $0x80, $0x38;
	[tilespmem:$0x1FB00] =	vst v63  }
0x893: {  	s22 =	sadd.s32 $0x800, s17  }
0x894: {  	[tilespmem:s31], [sflag:$0x1] =	stream.linear.gather [spmem:s22], $0x80, $0x38;
	[tilespmem:$0x1FB00] =	vst v63  }
0x895: {  	s20 =	sadd.s32 $0x880, s17  }
0x896: {  	[tilespmem:s0], [sflag:$0x1] =	stream.linear.gather [spmem:s20], $0x80, $0x38;
	[tilespmem:$0x1FB00] =	vst v63  }
0x897: {  	s22 =	sadd.s32 $0x900, s17  }
0x898: {  	[tilespmem:s3], [sflag:$0x1] =	stream.linear.gather [spmem:s22], $0x80, $0x38;
	[tilespmem:$0x1FB00] =	vst v63  }
0x899: {  	s20 =	sadd.s32 $0x980, s17  }
0x89a: {  	[tilespmem:s6], [sflag:$0x1] =	stream.linear.gather [spmem:s20], $0x80, $0x38;
	[tilespmem:$0x1FB00] =	vst v63  }
0x89b: {  	s22 =	sadd.s32 $0xA00, s17  }
0x89c: {  	[tilespmem:s9], [sflag:$0x1] =	stream.linear.gather [spmem:s22], $0x80, $0x38;
	[tilespmem:$0x1FB00] =	vst v63  }
0x89d: {  	s20 =	sadd.s32 $0xA80, s17  }
0x89e: {  	[tilespmem:s5], [sflag:$0x1] =	stream.linear.gather [spmem:s20], $0x80, $0x38;
	[tilespmem:$0x1FB00] =	vst v63  }
0x89f: {  	s22 =	sadd.s32 $0xB00, s17  }
0x8a0: {  	[tilespmem:s19], [sflag:$0x1] =	stream.linear.gather [spmem:s22], $0x80, $0x38;
	[tilespmem:$0x1FB00] =	vst v63  }
0x8a1: {  	s20 =	sadd.s32 $0xB80, s17  }
0x8a2: {  	[tilespmem:s21], [sflag:$0x1] =	stream.linear.gather [spmem:s20], $0x80, $0x38;
	[tilespmem:$0x1FB00] =	vst v63  }
0x8a3: {  	s22 =	sadd.s32 $0xC00, s17  }
0x8a4: {  	[tilespmem:s1], [sflag:$0x1] =	stream.linear.gather [spmem:s22], $0x80, $0x38;
	[tilespmem:$0x1FB00] =	vst v63  }
0x8a5: {  	s20 =	sadd.s32 $0xC80, s17  }
0x8a6: {  	[tilespmem:s2], [sflag:$0x1] =	stream.linear.gather [spmem:s20], $0x80, $0x38;
	[tilespmem:$0x1FB00] =	vst v63  }
0x8a7: {  	s22 =	sadd.s32 $0xD00, s17  }
0x8a8: {  	[tilespmem:s11], [sflag:$0x1] =	stream.linear.gather [spmem:s22], $0x80, $0x38;
	[tilespmem:$0x1FB00] =	vst v63  }
0x8a9: {  	s20 =	sadd.s32 $0xD80, s17  }
0x8aa: {  	[tilespmem:s12], [sflag:$0x1] =	stream.linear.gather [spmem:s20], $0x80, $0x38;
	[tilespmem:$0x1FB00] =	vst v63  }
0x8ab: {  	s22 =	sadd.s32 $0xE00, s17  }
0x8ac: {  	[tilespmem:s7], [sflag:$0x1] =	stream.linear.gather [spmem:s22], $0x80, $0x38;
	[tilespmem:$0x1FB00] =	vst v63  }
0x8ad: {  	s20 =	sadd.s32 $0xE80, s17  }
0x8ae: {  	[tilespmem:s10], [sflag:$0x1] =	stream.linear.gather [spmem:s20], $0x80, $0x38;
	[tilespmem:$0x1FB00] =	vst v63  }
0x8af: {  	s22 =	sadd.s32 $0xF00, s17  }
0x8b0: {  	[tilespmem:s13], [sflag:$0x1] =	stream.linear.gather [spmem:s22], $0x80, $0x38;
	[tilespmem:$0x1FB00] =	vst v63  }
0x8b1: {  	s20 =	sadd.s32 $0xF80, s17  }
0x8b2: {  	[tilespmem:s14], [sflag:$0x1] =	stream.linear.gather [spmem:s20], $0x80, $0x38;
	[tilespmem:$0x1FB00] =	vst v63  }
0x8b3: {  	_ =	swait.ge [sflag:s15], $0x800  }
0x8b4: {  	[sflag:s15] =	ssyncset.done $0x0  }
0x8b5: {  	s22 =	simm.s32 $0x18740;
	[sflag:s15] =	ssyncadd.s32 $0xFFFFF800  }
0x8b6: {  	v0 =	vld [tilespmem:s22+$0x30]  }
0x8b7: {  	v1 =	vld [tilespmem:s22+$0xFFFFFFD0]  }
0x8b8: {  	v2 =	vld [tilespmem:s22+$0xFFFFFFE0]  }
0x8b9: {  	v3 =	vld [tilespmem:s22+$0xFFFFFFF0]  }
0x8ba: {  	v4 =	vld [tilespmem:s22+$0x0]  }
0x8bb: {  	v5 =	vld [tilespmem:s22+$0x10]  }
0x8bc: {  	v7 =	vld [tilespmem:s22+$0xFFFFFFC0]  }
0x8bd: {  	v6 =	vld [tilespmem:s22+$0x20]  }
0x8be: {  	v0 =	vld.idx.msk [tilespmem:v0+s4+$0x0], $0xffff  }
0x8bf: {  	v1 =	vld.idx.msk [tilespmem:v1+s4+$0x0], $0xffff  }
0x8c0: {  	v2 =	vld.idx.msk [tilespmem:v2+s4+$0x0], $0xffff  }
0x8c1: {  	v3 =	vld.idx.msk [tilespmem:v3+s4+$0x0], $0xffff  }
0x8c2: {  	v4 =	vld.idx.msk [tilespmem:v4+s4+$0x0], $0xffff  }
0x8c3: {  	v5 =	vld.idx.msk [tilespmem:v5+s4+$0x0], $0xffff  }
0x8c4: {  	v63 =	vld.idx.msk [tilespmem:v7+s4+$0x0], $0xffff  }
0x8c5: {  	s18 =	simm.s32 $0x19770;
	v6 =	vld.idx.msk [tilespmem:v6+s4+$0x0], $0xffff  }
0x8c6: {  	[tilespmem:s18+$0x0] =	vst.add.f32.msk $0xffff, v0  }
0x8c7: {  	[tilespmem:s18+$0xFFFFFFA0] =	vst.add.f32.msk $0xffff, v1  }
0x8c8: {  	[tilespmem:s18+$0xFFFFFFB0] =	vst.add.f32.msk $0xffff, v2  }
0x8c9: {  	[tilespmem:s18+$0xFFFFFFC0] =	vst.add.f32.msk $0xffff, v3  }
0x8ca: {  	[tilespmem:s18+$0xFFFFFFD0] =	vst.add.f32.msk $0xffff, v4  }
0x8cb: {  	[tilespmem:s18+$0xFFFFFF90] =	vst.add.f32.msk $0xffff, v63  }
0x8cc: {  	[tilespmem:s18+$0xFFFFFFE0] =	vst.add.f32.msk $0xffff, v5  }
0x8cd: {  	s20 =	simm.s32 $0x0;
	s22 =	simm.s32 $0x18840;
	[tilespmem:s18+$0xFFFFFFF0] =	vst.add.f32.msk $0xffff, v6  }
.LBB2_55:
0x8ce: {  	v0 =	vld [tilespmem:s22+$0x30];
	s20 =	sadd.s32 $0x8, s20  }
0x8cf: {  	v1 =	vld [tilespmem:s22+$0xFFFFFFD0];
	p0 =	slt.u32 s20, $0x78  }
0x8d0: {  	v2 =	vld [tilespmem:s22+$0xFFFFFFE0]  }
0x8d1: {  	v3 =	vld [tilespmem:s22+$0xFFFFFFF0]  }
0x8d2: {  	v4 =	vld [tilespmem:s22+$0x0]  }
0x8d3: {  	v5 =	vld [tilespmem:s22+$0x10]  }
0x8d4: {  	v6 =	vld [tilespmem:s22+$0x20]  }
0x8d5: {  	v7 =	vld [tilespmem:s22+$0xFFFFFFC0]  }
0x8d6: {  	v0 =	vld.idx.msk [tilespmem:v0+s4+$0x0], $0xffff  }
0x8d7: {  	v1 =	vld.idx.msk [tilespmem:v1+s4+$0x0], $0xffff  }
0x8d8: {  	v2 =	vld.idx.msk [tilespmem:v2+s4+$0x0], $0xffff  }
0x8d9: {  	v3 =	vld.idx.msk [tilespmem:v3+s4+$0x0], $0xffff  }
0x8da: {  	v4 =	vld.idx.msk [tilespmem:v4+s4+$0x0], $0xffff  }
0x8db: {  	s18 =	sadd.s32 $0x80, s18;
	v5 =	vld.idx.msk [tilespmem:v5+s4+$0x0], $0xffff  }
0x8dc: {  	[tilespmem:s18+$0x0] =	vst.add.f32.msk $0xffff, v0  }
0x8dd: {  	v0 =	vld.idx.msk [tilespmem:v7+s4+$0x0], $0xffff  }
0x8de: {  	v6 =	vld.idx.msk [tilespmem:v6+s4+$0x0], $0xffff  }
0x8df: {  	[tilespmem:s18+$0xFFFFFFA0] =	vst.add.f32.msk $0xffff, v1  }
0x8e0: {  	[tilespmem:s18+$0xFFFFFFB0] =	vst.add.f32.msk $0xffff, v2  }
.Ltmp26:
0x8e1: {  	[tilespmem:s18+$0xFFFFFFC0] =	vst.add.f32.msk $0xffff, v3;
	(pc) =	sbr.rel @p0 .LBB2_55-.Ltmp26, $4  }
0x8e2: {  	[tilespmem:s18+$0xFFFFFFD0] =	vst.add.f32.msk $0xffff, v4  }
0x8e3: {  	[tilespmem:s18+$0xFFFFFF90] =	vst.add.f32.msk $0xffff, v0  }
0x8e4: {  	[tilespmem:s18+$0xFFFFFFE0] =	vst.add.f32.msk $0xffff, v5  }
0x8e5: {  	s22 =	sadd.s32 $0x100, s22;
	[tilespmem:s18+$0xFFFFFFF0] =	vst.add.f32.msk $0xffff, v6  }
0x8e6: {  	s18 =	sadd.s32 $0x1000, s17;
	s20 =	simm.s32 $0x18700  }
0x8e7: {  	[tilespmem:s20], [sflag:$0x1] =	stream.linear.gather [spmem:s18], $0x80, $0x38;
	[tilespmem:$0x1FB00] =	vst v63  }
0x8e8: {  	s22 =	simm.s32 $0x18800;
	s20 =	sadd.s32 $0x1080, s17  }
0x8e9: {  	[tilespmem:s22], [sflag:$0x1] =	stream.linear.gather [spmem:s20], $0x80, $0x38;
	[tilespmem:$0x1FB00] =	vst v63  }
0x8ea: {  	s20 =	sadd.s32 $0x1100, s17;
	s22 =	simm.s32 $0x18900  }
0x8eb: {  	[tilespmem:s22], [sflag:$0x1] =	stream.linear.gather [spmem:s20], $0x80, $0x38;
	[tilespmem:$0x1FB00] =	vst v63  }
0x8ec: {  	s20 =	sadd.s32 $0x1180, s17;
	s22 =	simm.s32 $0x18A00  }
0x8ed: {  	[tilespmem:s22], [sflag:$0x1] =	stream.linear.gather [spmem:s20], $0x80, $0x38;
	[tilespmem:$0x1FB00] =	vst v63  }
0x8ee: {  	s20 =	sadd.s32 $0x1200, s17;
	s22 =	simm.s32 $0x18B00  }
0x8ef: {  	[tilespmem:s22], [sflag:$0x1] =	stream.linear.gather [spmem:s20], $0x80, $0x38;
	[tilespmem:$0x1FB00] =	vst v63  }
0x8f0: {  	s20 =	sadd.s32 $0x1280, s17;
	s22 =	simm.s32 $0x18C00  }
0x8f1: {  	[tilespmem:s22], [sflag:$0x1] =	stream.linear.gather [spmem:s20], $0x80, $0x38;
	[tilespmem:$0x1FB00] =	vst v63  }
0x8f2: {  	s20 =	sadd.s32 $0x1300, s17;
	s22 =	simm.s32 $0x18D00  }
0x8f3: {  	[tilespmem:s22], [sflag:$0x1] =	stream.linear.gather [spmem:s20], $0x80, $0x38;
	[tilespmem:$0x1FB00] =	vst v63  }
0x8f4: {  	s20 =	sadd.s32 $0x1380, s17;
	s22 =	simm.s32 $0x18E00  }
0x8f5: {  	[tilespmem:s22], [sflag:$0x1] =	stream.linear.gather [spmem:s20], $0x80, $0x38;
	[tilespmem:$0x1FB00] =	vst v63  }
0x8f6: {  	s22 =	sadd.s32 $0x1400, s17  }
0x8f7: {  	[tilespmem:s23], [sflag:$0x1] =	stream.linear.gather [spmem:s22], $0x80, $0x38;
	[tilespmem:$0x1FB00] =	vst v63  }
0x8f8: {  	s20 =	sadd.s32 $0x1480, s17  }
0x8f9: {  	[tilespmem:s24], [sflag:$0x1] =	stream.linear.gather [spmem:s20], $0x80, $0x38;
	[tilespmem:$0x1FB00] =	vst v63  }
0x8fa: {  	s22 =	sadd.s32 $0x1500, s17  }
0x8fb: {  	[tilespmem:s25], [sflag:$0x1] =	stream.linear.gather [spmem:s22], $0x80, $0x38;
	[tilespmem:$0x1FB00] =	vst v63  }
0x8fc: {  	s20 =	sadd.s32 $0x1580, s17  }
0x8fd: {  	[tilespmem:s26], [sflag:$0x1] =	stream.linear.gather [spmem:s20], $0x80, $0x38;
	[tilespmem:$0x1FB00] =	vst v63  }
0x8fe: {  	s22 =	sadd.s32 $0x1600, s17  }
0x8ff: {  	[tilespmem:s28], [sflag:$0x1] =	stream.linear.gather [spmem:s22], $0x80, $0x38;
	[tilespmem:$0x1FB00] =	vst v63  }
0x900: {  	s20 =	sadd.s32 $0x1680, s17  }
0x901: {  	[tilespmem:s8], [sflag:$0x1] =	stream.linear.gather [spmem:s20], $0x80, $0x38;
	[tilespmem:$0x1FB00] =	vst v63  }
0x902: {  	s22 =	sadd.s32 $0x1700, s17  }
0x903: {  	[tilespmem:s29], [sflag:$0x1] =	stream.linear.gather [spmem:s22], $0x80, $0x38;
	[tilespmem:$0x1FB00] =	vst v63  }
0x904: {  	s20 =	sadd.s32 $0x1780, s17  }
0x905: {  	[tilespmem:s30], [sflag:$0x1] =	stream.linear.gather [spmem:s20], $0x80, $0x38;
	[tilespmem:$0x1FB00] =	vst v63  }
0x906: {  	_ =	swait.ge [sflag:s15], $0x800  }
0x907: {  	[sflag:s15] =	ssyncset.done $0x0  }
0x908: {  	s22 =	simm.s32 $0x187F0;
	[sflag:s15] =	ssyncadd.s32 $0xFFFFF800  }
0x909: {  	v0 =	vld [tilespmem:s22+$0x0]  }
0x90a: {  	v1 =	vld [tilespmem:s22+$0xFFFFFFA0]  }
0x90b: {  	v2 =	vld [tilespmem:s22+$0xFFFFFFB0]  }
0x90c: {  	v3 =	vld [tilespmem:s22+$0xFFFFFFC0]  }
0x90d: {  	v4 =	vld [tilespmem:s22+$0xFFFFFFD0]  }
0x90e: {  	v5 =	vld [tilespmem:s22+$0xFFFFFFE0]  }
0x90f: {  	v7 =	vld [tilespmem:s22+$0xFFFFFF90]  }
0x910: {  	v6 =	vld [tilespmem:s22+$0xFFFFFFF0]  }
0x911: {  	v0 =	vld.idx.msk [tilespmem:v0+s4+$0x0], $0xffff  }
0x912: {  	v1 =	vld.idx.msk [tilespmem:v1+s4+$0x0], $0xffff  }
0x913: {  	v2 =	vld.idx.msk [tilespmem:v2+s4+$0x0], $0xffff  }
0x914: {  	v3 =	vld.idx.msk [tilespmem:v3+s4+$0x0], $0xffff  }
0x915: {  	v4 =	vld.idx.msk [tilespmem:v4+s4+$0x0], $0xffff  }
0x916: {  	v5 =	vld.idx.msk [tilespmem:v5+s4+$0x0], $0xffff  }
0x917: {  	v63 =	vld.idx.msk [tilespmem:v7+s4+$0x0], $0xffff  }
0x918: {  	s18 =	simm.s32 $0x19F70;
	v6 =	vld.idx.msk [tilespmem:v6+s4+$0x0], $0xffff  }
0x919: {  	[tilespmem:s18+$0x0] =	vst.add.f32.msk $0xffff, v0  }
0x91a: {  	[tilespmem:s18+$0xFFFFFFA0] =	vst.add.f32.msk $0xffff, v1  }
0x91b: {  	[tilespmem:s18+$0xFFFFFFB0] =	vst.add.f32.msk $0xffff, v2  }
0x91c: {  	[tilespmem:s18+$0xFFFFFFC0] =	vst.add.f32.msk $0xffff, v3  }
0x91d: {  	[tilespmem:s18+$0xFFFFFFD0] =	vst.add.f32.msk $0xffff, v4  }
0x91e: {  	[tilespmem:s18+$0xFFFFFF90] =	vst.add.f32.msk $0xffff, v63  }
0x91f: {  	[tilespmem:s18+$0xFFFFFFE0] =	vst.add.f32.msk $0xffff, v5  }
0x920: {  	s20 =	simm.s32 $0x0;
	s22 =	simm.s32 $0x188F0;
	[tilespmem:s18+$0xFFFFFFF0] =	vst.add.f32.msk $0xffff, v6  }
.LBB2_57:
0x921: {  	v0 =	vld [tilespmem:s22+$0x0];
	s20 =	sadd.s32 $0x8, s20  }
0x922: {  	v1 =	vld [tilespmem:s22+$0xFFFFFFA0];
	p0 =	slt.u32 s20, $0x78  }
0x923: {  	v2 =	vld [tilespmem:s22+$0xFFFFFFB0]  }
0x924: {  	v3 =	vld [tilespmem:s22+$0xFFFFFFC0]  }
0x925: {  	v4 =	vld [tilespmem:s22+$0xFFFFFFD0]  }
0x926: {  	v5 =	vld [tilespmem:s22+$0xFFFFFFE0]  }
0x927: {  	v6 =	vld [tilespmem:s22+$0xFFFFFFF0]  }
0x928: {  	v7 =	vld [tilespmem:s22+$0xFFFFFF90]  }
0x929: {  	v0 =	vld.idx.msk [tilespmem:v0+s4+$0x0], $0xffff  }
0x92a: {  	v1 =	vld.idx.msk [tilespmem:v1+s4+$0x0], $0xffff  }
0x92b: {  	v2 =	vld.idx.msk [tilespmem:v2+s4+$0x0], $0xffff  }
0x92c: {  	v3 =	vld.idx.msk [tilespmem:v3+s4+$0x0], $0xffff  }
0x92d: {  	v4 =	vld.idx.msk [tilespmem:v4+s4+$0x0], $0xffff  }
0x92e: {  	s18 =	sadd.s32 $0x80, s18;
	v5 =	vld.idx.msk [tilespmem:v5+s4+$0x0], $0xffff  }
0x92f: {  	[tilespmem:s18+$0x0] =	vst.add.f32.msk $0xffff, v0  }
0x930: {  	v0 =	vld.idx.msk [tilespmem:v7+s4+$0x0], $0xffff  }
0x931: {  	v6 =	vld.idx.msk [tilespmem:v6+s4+$0x0], $0xffff  }
0x932: {  	[tilespmem:s18+$0xFFFFFFA0] =	vst.add.f32.msk $0xffff, v1  }
0x933: {  	[tilespmem:s18+$0xFFFFFFB0] =	vst.add.f32.msk $0xffff, v2  }
.Ltmp27:
0x934: {  	[tilespmem:s18+$0xFFFFFFC0] =	vst.add.f32.msk $0xffff, v3;
	(pc) =	sbr.rel @p0 .LBB2_57-.Ltmp27, $4  }
0x935: {  	[tilespmem:s18+$0xFFFFFFD0] =	vst.add.f32.msk $0xffff, v4  }
0x936: {  	[tilespmem:s18+$0xFFFFFF90] =	vst.add.f32.msk $0xffff, v0  }
0x937: {  	[tilespmem:s18+$0xFFFFFFE0] =	vst.add.f32.msk $0xffff, v5  }
0x938: {  	s22 =	sadd.s32 $0x100, s22;
	[tilespmem:s18+$0xFFFFFFF0] =	vst.add.f32.msk $0xffff, v6  }
0x939: {  	s18 =	sadd.s32 $0x1800, s17  }
0x93a: {  	[tilespmem:s31], [sflag:$0x1] =	stream.linear.gather [spmem:s18], $0x80, $0x38;
	[tilespmem:$0x1FB00] =	vst v63  }
0x93b: {  	s20 =	sadd.s32 $0x1880, s17  }
0x93c: {  	[tilespmem:s0], [sflag:$0x1] =	stream.linear.gather [spmem:s20], $0x80, $0x38;
	[tilespmem:$0x1FB00] =	vst v63  }
0x93d: {  	s22 =	sadd.s32 $0x1900, s17  }
0x93e: {  	[tilespmem:s3], [sflag:$0x1] =	stream.linear.gather [spmem:s22], $0x80, $0x38;
	[tilespmem:$0x1FB00] =	vst v63  }
0x93f: {  	s20 =	sadd.s32 $0x1980, s17  }
0x940: {  	[tilespmem:s6], [sflag:$0x1] =	stream.linear.gather [spmem:s20], $0x80, $0x38;
	[tilespmem:$0x1FB00] =	vst v63  }
0x941: {  	s22 =	sadd.s32 $0x1A00, s17  }
0x942: {  	[tilespmem:s9], [sflag:$0x1] =	stream.linear.gather [spmem:s22], $0x80, $0x38;
	[tilespmem:$0x1FB00] =	vst v63  }
0x943: {  	s20 =	sadd.s32 $0x1A80, s17  }
0x944: {  	[tilespmem:s5], [sflag:$0x1] =	stream.linear.gather [spmem:s20], $0x80, $0x38;
	[tilespmem:$0x1FB00] =	vst v63  }
0x945: {  	s22 =	sadd.s32 $0x1B00, s17  }
0x946: {  	[tilespmem:s19], [sflag:$0x1] =	stream.linear.gather [spmem:s22], $0x80, $0x38;
	[tilespmem:$0x1FB00] =	vst v63  }
0x947: {  	s20 =	sadd.s32 $0x1B80, s17  }
0x948: {  	[tilespmem:s21], [sflag:$0x1] =	stream.linear.gather [spmem:s20], $0x80, $0x38;
	[tilespmem:$0x1FB00] =	vst v63  }
0x949: {  	s22 =	sadd.s32 $0x1C00, s17  }
0x94a: {  	[tilespmem:s1], [sflag:$0x1] =	stream.linear.gather [spmem:s22], $0x80, $0x38;
	[tilespmem:$0x1FB00] =	vst v63  }
0x94b: {  	s20 =	sadd.s32 $0x1C80, s17  }
0x94c: {  	[tilespmem:s2], [sflag:$0x1] =	stream.linear.gather [spmem:s20], $0x80, $0x38;
	[tilespmem:$0x1FB00] =	vst v63  }
0x94d: {  	s22 =	sadd.s32 $0x1D00, s17  }
0x94e: {  	[tilespmem:s11], [sflag:$0x1] =	stream.linear.gather [spmem:s22], $0x80, $0x38;
	[tilespmem:$0x1FB00] =	vst v63  }
0x94f: {  	s20 =	sadd.s32 $0x1D80, s17  }
0x950: {  	[tilespmem:s12], [sflag:$0x1] =	stream.linear.gather [spmem:s20], $0x80, $0x38;
	[tilespmem:$0x1FB00] =	vst v63  }
0x951: {  	s22 =	sadd.s32 $0x1E00, s17  }
0x952: {  	[tilespmem:s7], [sflag:$0x1] =	stream.linear.gather [spmem:s22], $0x80, $0x38;
	[tilespmem:$0x1FB00] =	vst v63  }
0x953: {  	s20 =	sadd.s32 $0x1E80, s17  }
0x954: {  	[tilespmem:s10], [sflag:$0x1] =	stream.linear.gather [spmem:s20], $0x80, $0x38;
	[tilespmem:$0x1FB00] =	vst v63  }
0x955: {  	s22 =	sadd.s32 $0x1F00, s17  }
0x956: {  	[tilespmem:s13], [sflag:$0x1] =	stream.linear.gather [spmem:s22], $0x80, $0x38;
	[tilespmem:$0x1FB00] =	vst v63  }
0x957: {  	s20 =	sadd.s32 $0x1F80, s17  }
0x958: {  	[tilespmem:s14], [sflag:$0x1] =	stream.linear.gather [spmem:s20], $0x80, $0x38;
	[tilespmem:$0x1FB00] =	vst v63  }
0x959: {  	_ =	swait.ge [sflag:s15], $0x800  }
0x95a: {  	[sflag:s15] =	ssyncset.done $0x0  }
0x95b: {  	s22 =	simm.s32 $0x18740;
	[sflag:s15] =	ssyncadd.s32 $0xFFFFF800  }
0x95c: {  	v0 =	vld [tilespmem:s22+$0x30]  }
0x95d: {  	v1 =	vld [tilespmem:s22+$0xFFFFFFD0]  }
0x95e: {  	v2 =	vld [tilespmem:s22+$0xFFFFFFE0]  }
0x95f: {  	v3 =	vld [tilespmem:s22+$0xFFFFFFF0]  }
0x960: {  	v4 =	vld [tilespmem:s22+$0x0]  }
0x961: {  	v5 =	vld [tilespmem:s22+$0x10]  }
0x962: {  	v7 =	vld [tilespmem:s22+$0xFFFFFFC0]  }
0x963: {  	v6 =	vld [tilespmem:s22+$0x20]  }
0x964: {  	v0 =	vld.idx.msk [tilespmem:v0+s4+$0x0], $0xffff  }
0x965: {  	v1 =	vld.idx.msk [tilespmem:v1+s4+$0x0], $0xffff  }
0x966: {  	v2 =	vld.idx.msk [tilespmem:v2+s4+$0x0], $0xffff  }
0x967: {  	v3 =	vld.idx.msk [tilespmem:v3+s4+$0x0], $0xffff  }
0x968: {  	v4 =	vld.idx.msk [tilespmem:v4+s4+$0x0], $0xffff  }
0x969: {  	v5 =	vld.idx.msk [tilespmem:v5+s4+$0x0], $0xffff  }
0x96a: {  	v63 =	vld.idx.msk [tilespmem:v7+s4+$0x0], $0xffff  }
0x96b: {  	s18 =	simm.s32 $0x1A770;
	v6 =	vld.idx.msk [tilespmem:v6+s4+$0x0], $0xffff  }
0x96c: {  	[tilespmem:s18+$0x0] =	vst.add.f32.msk $0xffff, v0  }
0x96d: {  	[tilespmem:s18+$0xFFFFFFA0] =	vst.add.f32.msk $0xffff, v1  }
0x96e: {  	[tilespmem:s18+$0xFFFFFFB0] =	vst.add.f32.msk $0xffff, v2  }
0x96f: {  	[tilespmem:s18+$0xFFFFFFC0] =	vst.add.f32.msk $0xffff, v3  }
0x970: {  	[tilespmem:s18+$0xFFFFFFD0] =	vst.add.f32.msk $0xffff, v4  }
0x971: {  	[tilespmem:s18+$0xFFFFFF90] =	vst.add.f32.msk $0xffff, v63  }
0x972: {  	[tilespmem:s18+$0xFFFFFFE0] =	vst.add.f32.msk $0xffff, v5  }
0x973: {  	s20 =	simm.s32 $0x0;
	s22 =	simm.s32 $0x18840;
	[tilespmem:s18+$0xFFFFFFF0] =	vst.add.f32.msk $0xffff, v6  }
.LBB2_59:
0x974: {  	v0 =	vld [tilespmem:s22+$0x30];
	s20 =	sadd.s32 $0x8, s20  }
0x975: {  	v1 =	vld [tilespmem:s22+$0xFFFFFFD0];
	p0 =	slt.u32 s20, $0x78  }
0x976: {  	v2 =	vld [tilespmem:s22+$0xFFFFFFE0]  }
0x977: {  	v3 =	vld [tilespmem:s22+$0xFFFFFFF0]  }
0x978: {  	v4 =	vld [tilespmem:s22+$0x0]  }
0x979: {  	v5 =	vld [tilespmem:s22+$0x10]  }
0x97a: {  	v6 =	vld [tilespmem:s22+$0x20]  }
0x97b: {  	v7 =	vld [tilespmem:s22+$0xFFFFFFC0]  }
0x97c: {  	v0 =	vld.idx.msk [tilespmem:v0+s4+$0x0], $0xffff  }
0x97d: {  	v1 =	vld.idx.msk [tilespmem:v1+s4+$0x0], $0xffff  }
0x97e: {  	v2 =	vld.idx.msk [tilespmem:v2+s4+$0x0], $0xffff  }
0x97f: {  	v3 =	vld.idx.msk [tilespmem:v3+s4+$0x0], $0xffff  }
0x980: {  	v4 =	vld.idx.msk [tilespmem:v4+s4+$0x0], $0xffff  }
0x981: {  	s18 =	sadd.s32 $0x80, s18;
	v5 =	vld.idx.msk [tilespmem:v5+s4+$0x0], $0xffff  }
0x982: {  	[tilespmem:s18+$0x0] =	vst.add.f32.msk $0xffff, v0  }
0x983: {  	v0 =	vld.idx.msk [tilespmem:v7+s4+$0x0], $0xffff  }
0x984: {  	v6 =	vld.idx.msk [tilespmem:v6+s4+$0x0], $0xffff  }
0x985: {  	[tilespmem:s18+$0xFFFFFFA0] =	vst.add.f32.msk $0xffff, v1  }
0x986: {  	[tilespmem:s18+$0xFFFFFFB0] =	vst.add.f32.msk $0xffff, v2  }
.Ltmp28:
0x987: {  	[tilespmem:s18+$0xFFFFFFC0] =	vst.add.f32.msk $0xffff, v3;
	(pc) =	sbr.rel @p0 .LBB2_59-.Ltmp28, $4  }
0x988: {  	[tilespmem:s18+$0xFFFFFFD0] =	vst.add.f32.msk $0xffff, v4  }
0x989: {  	[tilespmem:s18+$0xFFFFFF90] =	vst.add.f32.msk $0xffff, v0  }
0x98a: {  	[tilespmem:s18+$0xFFFFFFE0] =	vst.add.f32.msk $0xffff, v5  }
0x98b: {  	s22 =	sadd.s32 $0x100, s22;
	[tilespmem:s18+$0xFFFFFFF0] =	vst.add.f32.msk $0xffff, v6  }
0x98c: {  	s18 =	sadd.s32 $0x2000, s17;
	s20 =	simm.s32 $0x18700  }
0x98d: {  	[tilespmem:s20], [sflag:$0x1] =	stream.linear.gather [spmem:s18], $0x80, $0x38;
	[tilespmem:$0x1FB00] =	vst v63  }
0x98e: {  	s22 =	simm.s32 $0x18800;
	s20 =	sadd.s32 $0x2080, s17  }
0x98f: {  	[tilespmem:s22], [sflag:$0x1] =	stream.linear.gather [spmem:s20], $0x80, $0x38;
	[tilespmem:$0x1FB00] =	vst v63  }
0x990: {  	s20 =	sadd.s32 $0x2100, s17;
	s22 =	simm.s32 $0x18900  }
0x991: {  	[tilespmem:s22], [sflag:$0x1] =	stream.linear.gather [spmem:s20], $0x80, $0x38;
	[tilespmem:$0x1FB00] =	vst v63  }
0x992: {  	s20 =	sadd.s32 $0x2180, s17;
	s22 =	simm.s32 $0x18A00  }
0x993: {  	[tilespmem:s22], [sflag:$0x1] =	stream.linear.gather [spmem:s20], $0x80, $0x38;
	[tilespmem:$0x1FB00] =	vst v63  }
0x994: {  	s20 =	sadd.s32 $0x2200, s17;
	s22 =	simm.s32 $0x18B00  }
0x995: {  	[tilespmem:s22], [sflag:$0x1] =	stream.linear.gather [spmem:s20], $0x80, $0x38;
	[tilespmem:$0x1FB00] =	vst v63  }
0x996: {  	s20 =	sadd.s32 $0x2280, s17;
	s22 =	simm.s32 $0x18C00  }
0x997: {  	[tilespmem:s22], [sflag:$0x1] =	stream.linear.gather [spmem:s20], $0x80, $0x38;
	[tilespmem:$0x1FB00] =	vst v63  }
0x998: {  	s20 =	sadd.s32 $0x2300, s17;
	s22 =	simm.s32 $0x18D00  }
0x999: {  	[tilespmem:s22], [sflag:$0x1] =	stream.linear.gather [spmem:s20], $0x80, $0x38;
	[tilespmem:$0x1FB00] =	vst v63  }
0x99a: {  	s20 =	sadd.s32 $0x2380, s17;
	s22 =	simm.s32 $0x18E00  }
0x99b: {  	[tilespmem:s22], [sflag:$0x1] =	stream.linear.gather [spmem:s20], $0x80, $0x38;
	[tilespmem:$0x1FB00] =	vst v63  }
0x99c: {  	s22 =	sadd.s32 $0x2400, s17  }
0x99d: {  	[tilespmem:s23], [sflag:$0x1] =	stream.linear.gather [spmem:s22], $0x80, $0x38;
	[tilespmem:$0x1FB00] =	vst v63  }
0x99e: {  	s20 =	sadd.s32 $0x2480, s17  }
0x99f: {  	[tilespmem:s24], [sflag:$0x1] =	stream.linear.gather [spmem:s20], $0x80, $0x38;
	[tilespmem:$0x1FB00] =	vst v63  }
0x9a0: {  	s22 =	sadd.s32 $0x2500, s17  }
0x9a1: {  	[tilespmem:s25], [sflag:$0x1] =	stream.linear.gather [spmem:s22], $0x80, $0x38;
	[tilespmem:$0x1FB00] =	vst v63  }
0x9a2: {  	s20 =	sadd.s32 $0x2580, s17  }
0x9a3: {  	[tilespmem:s26], [sflag:$0x1] =	stream.linear.gather [spmem:s20], $0x80, $0x38;
	[tilespmem:$0x1FB00] =	vst v63  }
0x9a4: {  	s22 =	sadd.s32 $0x2600, s17  }
0x9a5: {  	[tilespmem:s28], [sflag:$0x1] =	stream.linear.gather [spmem:s22], $0x80, $0x38;
	[tilespmem:$0x1FB00] =	vst v63  }
0x9a6: {  	s20 =	sadd.s32 $0x2680, s17  }
0x9a7: {  	[tilespmem:s8], [sflag:$0x1] =	stream.linear.gather [spmem:s20], $0x80, $0x38;
	[tilespmem:$0x1FB00] =	vst v63  }
0x9a8: {  	s22 =	sadd.s32 $0x2700, s17  }
0x9a9: {  	[tilespmem:s29], [sflag:$0x1] =	stream.linear.gather [spmem:s22], $0x80, $0x38;
	[tilespmem:$0x1FB00] =	vst v63  }
0x9aa: {  	s20 =	sadd.s32 $0x2780, s17  }
0x9ab: {  	[tilespmem:s30], [sflag:$0x1] =	stream.linear.gather [spmem:s20], $0x80, $0x38;
	[tilespmem:$0x1FB00] =	vst v63  }
0x9ac: {  	_ =	swait.ge [sflag:s15], $0x800  }
0x9ad: {  	[sflag:s15] =	ssyncset.done $0x0  }
0x9ae: {  	s22 =	simm.s32 $0x187F0;
	[sflag:s15] =	ssyncadd.s32 $0xFFFFF800  }
0x9af: {  	v0 =	vld [tilespmem:s22+$0x0]  }
0x9b0: {  	v1 =	vld [tilespmem:s22+$0xFFFFFFA0]  }
0x9b1: {  	v2 =	vld [tilespmem:s22+$0xFFFFFFB0]  }
0x9b2: {  	v3 =	vld [tilespmem:s22+$0xFFFFFFC0]  }
0x9b3: {  	v4 =	vld [tilespmem:s22+$0xFFFFFFD0]  }
0x9b4: {  	v5 =	vld [tilespmem:s22+$0xFFFFFFE0]  }
0x9b5: {  	v7 =	vld [tilespmem:s22+$0xFFFFFF90]  }
0x9b6: {  	v6 =	vld [tilespmem:s22+$0xFFFFFFF0]  }
0x9b7: {  	v0 =	vld.idx.msk [tilespmem:v0+s4+$0x0], $0xffff  }
0x9b8: {  	v1 =	vld.idx.msk [tilespmem:v1+s4+$0x0], $0xffff  }
0x9b9: {  	v2 =	vld.idx.msk [tilespmem:v2+s4+$0x0], $0xffff  }
0x9ba: {  	v3 =	vld.idx.msk [tilespmem:v3+s4+$0x0], $0xffff  }
0x9bb: {  	v4 =	vld.idx.msk [tilespmem:v4+s4+$0x0], $0xffff  }
0x9bc: {  	v5 =	vld.idx.msk [tilespmem:v5+s4+$0x0], $0xffff  }
0x9bd: {  	v63 =	vld.idx.msk [tilespmem:v7+s4+$0x0], $0xffff  }
0x9be: {  	s18 =	simm.s32 $0x1AF70;
	v6 =	vld.idx.msk [tilespmem:v6+s4+$0x0], $0xffff  }
0x9bf: {  	[tilespmem:s18+$0x0] =	vst.add.f32.msk $0xffff, v0  }
0x9c0: {  	[tilespmem:s18+$0xFFFFFFA0] =	vst.add.f32.msk $0xffff, v1  }
0x9c1: {  	[tilespmem:s18+$0xFFFFFFB0] =	vst.add.f32.msk $0xffff, v2  }
0x9c2: {  	[tilespmem:s18+$0xFFFFFFC0] =	vst.add.f32.msk $0xffff, v3  }
0x9c3: {  	[tilespmem:s18+$0xFFFFFFD0] =	vst.add.f32.msk $0xffff, v4  }
0x9c4: {  	[tilespmem:s18+$0xFFFFFF90] =	vst.add.f32.msk $0xffff, v63  }
0x9c5: {  	[tilespmem:s18+$0xFFFFFFE0] =	vst.add.f32.msk $0xffff, v5  }
0x9c6: {  	s20 =	simm.s32 $0x0;
	s22 =	simm.s32 $0x188F0;
	[tilespmem:s18+$0xFFFFFFF0] =	vst.add.f32.msk $0xffff, v6  }
.LBB2_61:
0x9c7: {  	v0 =	vld [tilespmem:s22+$0x0];
	s20 =	sadd.s32 $0x8, s20  }
0x9c8: {  	v1 =	vld [tilespmem:s22+$0xFFFFFFA0];
	p0 =	slt.u32 s20, $0x78  }
0x9c9: {  	v2 =	vld [tilespmem:s22+$0xFFFFFFB0]  }
0x9ca: {  	v3 =	vld [tilespmem:s22+$0xFFFFFFC0]  }
0x9cb: {  	v4 =	vld [tilespmem:s22+$0xFFFFFFD0]  }
0x9cc: {  	v5 =	vld [tilespmem:s22+$0xFFFFFFE0]  }
0x9cd: {  	v6 =	vld [tilespmem:s22+$0xFFFFFFF0]  }
0x9ce: {  	v7 =	vld [tilespmem:s22+$0xFFFFFF90]  }
0x9cf: {  	v0 =	vld.idx.msk [tilespmem:v0+s4+$0x0], $0xffff  }
0x9d0: {  	v1 =	vld.idx.msk [tilespmem:v1+s4+$0x0], $0xffff  }
0x9d1: {  	v2 =	vld.idx.msk [tilespmem:v2+s4+$0x0], $0xffff  }
0x9d2: {  	v3 =	vld.idx.msk [tilespmem:v3+s4+$0x0], $0xffff  }
0x9d3: {  	v4 =	vld.idx.msk [tilespmem:v4+s4+$0x0], $0xffff  }
0x9d4: {  	s18 =	sadd.s32 $0x80, s18;
	v5 =	vld.idx.msk [tilespmem:v5+s4+$0x0], $0xffff  }
0x9d5: {  	[tilespmem:s18+$0x0] =	vst.add.f32.msk $0xffff, v0  }
0x9d6: {  	v0 =	vld.idx.msk [tilespmem:v7+s4+$0x0], $0xffff  }
0x9d7: {  	v6 =	vld.idx.msk [tilespmem:v6+s4+$0x0], $0xffff  }
0x9d8: {  	[tilespmem:s18+$0xFFFFFFA0] =	vst.add.f32.msk $0xffff, v1  }
0x9d9: {  	[tilespmem:s18+$0xFFFFFFB0] =	vst.add.f32.msk $0xffff, v2  }
.Ltmp29:
0x9da: {  	[tilespmem:s18+$0xFFFFFFC0] =	vst.add.f32.msk $0xffff, v3;
	(pc) =	sbr.rel @p0 .LBB2_61-.Ltmp29, $4  }
0x9db: {  	[tilespmem:s18+$0xFFFFFFD0] =	vst.add.f32.msk $0xffff, v4  }
0x9dc: {  	[tilespmem:s18+$0xFFFFFF90] =	vst.add.f32.msk $0xffff, v0  }
0x9dd: {  	[tilespmem:s18+$0xFFFFFFE0] =	vst.add.f32.msk $0xffff, v5  }
0x9de: {  	s22 =	sadd.s32 $0x100, s22;
	[tilespmem:s18+$0xFFFFFFF0] =	vst.add.f32.msk $0xffff, v6  }
0x9df: {  	s18 =	sadd.s32 $0x2800, s17  }
0x9e0: {  	[tilespmem:s31], [sflag:$0x1] =	stream.linear.gather [spmem:s18], $0x80, $0x38;
	[tilespmem:$0x1FB00] =	vst v63  }
0x9e1: {  	s20 =	sadd.s32 $0x2880, s17  }
0x9e2: {  	[tilespmem:s0], [sflag:$0x1] =	stream.linear.gather [spmem:s20], $0x80, $0x38;
	[tilespmem:$0x1FB00] =	vst v63  }
0x9e3: {  	s22 =	sadd.s32 $0x2900, s17  }
0x9e4: {  	[tilespmem:s3], [sflag:$0x1] =	stream.linear.gather [spmem:s22], $0x80, $0x38;
	[tilespmem:$0x1FB00] =	vst v63  }
0x9e5: {  	s20 =	sadd.s32 $0x2980, s17  }
0x9e6: {  	[tilespmem:s6], [sflag:$0x1] =	stream.linear.gather [spmem:s20], $0x80, $0x38;
	[tilespmem:$0x1FB00] =	vst v63  }
0x9e7: {  	s22 =	sadd.s32 $0x2A00, s17  }
0x9e8: {  	[tilespmem:s9], [sflag:$0x1] =	stream.linear.gather [spmem:s22], $0x80, $0x38;
	[tilespmem:$0x1FB00] =	vst v63  }
0x9e9: {  	s20 =	sadd.s32 $0x2A80, s17  }
0x9ea: {  	[tilespmem:s5], [sflag:$0x1] =	stream.linear.gather [spmem:s20], $0x80, $0x38;
	[tilespmem:$0x1FB00] =	vst v63  }
0x9eb: {  	s22 =	sadd.s32 $0x2B00, s17  }
0x9ec: {  	[tilespmem:s19], [sflag:$0x1] =	stream.linear.gather [spmem:s22], $0x80, $0x38;
	[tilespmem:$0x1FB00] =	vst v63  }
0x9ed: {  	s20 =	sadd.s32 $0x2B80, s17  }
0x9ee: {  	[tilespmem:s21], [sflag:$0x1] =	stream.linear.gather [spmem:s20], $0x80, $0x38;
	[tilespmem:$0x1FB00] =	vst v63  }
0x9ef: {  	s22 =	sadd.s32 $0x2C00, s17  }
0x9f0: {  	[tilespmem:s1], [sflag:$0x1] =	stream.linear.gather [spmem:s22], $0x80, $0x38;
	[tilespmem:$0x1FB00] =	vst v63  }
0x9f1: {  	s20 =	sadd.s32 $0x2C80, s17  }
0x9f2: {  	[tilespmem:s2], [sflag:$0x1] =	stream.linear.gather [spmem:s20], $0x80, $0x38;
	[tilespmem:$0x1FB00] =	vst v63  }
0x9f3: {  	s22 =	sadd.s32 $0x2D00, s17  }
0x9f4: {  	[tilespmem:s11], [sflag:$0x1] =	stream.linear.gather [spmem:s22], $0x80, $0x38;
	[tilespmem:$0x1FB00] =	vst v63  }
0x9f5: {  	s20 =	sadd.s32 $0x2D80, s17  }
0x9f6: {  	[tilespmem:s12], [sflag:$0x1] =	stream.linear.gather [spmem:s20], $0x80, $0x38;
	[tilespmem:$0x1FB00] =	vst v63  }
0x9f7: {  	s22 =	sadd.s32 $0x2E00, s17  }
0x9f8: {  	[tilespmem:s7], [sflag:$0x1] =	stream.linear.gather [spmem:s22], $0x80, $0x38;
	[tilespmem:$0x1FB00] =	vst v63  }
0x9f9: {  	s20 =	sadd.s32 $0x2E80, s17  }
0x9fa: {  	[tilespmem:s10], [sflag:$0x1] =	stream.linear.gather [spmem:s20], $0x80, $0x38;
	[tilespmem:$0x1FB00] =	vst v63  }
0x9fb: {  	s22 =	sadd.s32 $0x2F00, s17  }
0x9fc: {  	[tilespmem:s13], [sflag:$0x1] =	stream.linear.gather [spmem:s22], $0x80, $0x38;
	[tilespmem:$0x1FB00] =	vst v63  }
0x9fd: {  	s20 =	sadd.s32 $0x2F80, s17  }
0x9fe: {  	[tilespmem:s14], [sflag:$0x1] =	stream.linear.gather [spmem:s20], $0x80, $0x38;
	[tilespmem:$0x1FB00] =	vst v63  }
0x9ff: {  	_ =	swait.ge [sflag:s15], $0x800  }
0xa00: {  	[sflag:s15] =	ssyncset.done $0x0  }
0xa01: {  	s22 =	simm.s32 $0x18740;
	[sflag:s15] =	ssyncadd.s32 $0xFFFFF800  }
0xa02: {  	v0 =	vld [tilespmem:s22+$0x30]  }
0xa03: {  	v1 =	vld [tilespmem:s22+$0xFFFFFFD0]  }
0xa04: {  	v2 =	vld [tilespmem:s22+$0xFFFFFFE0]  }
0xa05: {  	v3 =	vld [tilespmem:s22+$0xFFFFFFF0]  }
0xa06: {  	v4 =	vld [tilespmem:s22+$0x0]  }
0xa07: {  	v5 =	vld [tilespmem:s22+$0x10]  }
0xa08: {  	v7 =	vld [tilespmem:s22+$0xFFFFFFC0]  }
0xa09: {  	v6 =	vld [tilespmem:s22+$0x20]  }
0xa0a: {  	v0 =	vld.idx.msk [tilespmem:v0+s4+$0x0], $0xffff  }
0xa0b: {  	v1 =	vld.idx.msk [tilespmem:v1+s4+$0x0], $0xffff  }
0xa0c: {  	v2 =	vld.idx.msk [tilespmem:v2+s4+$0x0], $0xffff  }
0xa0d: {  	v3 =	vld.idx.msk [tilespmem:v3+s4+$0x0], $0xffff  }
0xa0e: {  	v4 =	vld.idx.msk [tilespmem:v4+s4+$0x0], $0xffff  }
0xa0f: {  	v5 =	vld.idx.msk [tilespmem:v5+s4+$0x0], $0xffff  }
0xa10: {  	v63 =	vld.idx.msk [tilespmem:v7+s4+$0x0], $0xffff  }
0xa11: {  	s18 =	simm.s32 $0x1B770;
	v6 =	vld.idx.msk [tilespmem:v6+s4+$0x0], $0xffff  }
0xa12: {  	[tilespmem:s18+$0x0] =	vst.add.f32.msk $0xffff, v0  }
0xa13: {  	[tilespmem:s18+$0xFFFFFFA0] =	vst.add.f32.msk $0xffff, v1  }
0xa14: {  	[tilespmem:s18+$0xFFFFFFB0] =	vst.add.f32.msk $0xffff, v2  }
0xa15: {  	[tilespmem:s18+$0xFFFFFFC0] =	vst.add.f32.msk $0xffff, v3  }
0xa16: {  	[tilespmem:s18+$0xFFFFFFD0] =	vst.add.f32.msk $0xffff, v4  }
0xa17: {  	[tilespmem:s18+$0xFFFFFF90] =	vst.add.f32.msk $0xffff, v63  }
0xa18: {  	[tilespmem:s18+$0xFFFFFFE0] =	vst.add.f32.msk $0xffff, v5  }
0xa19: {  	s20 =	simm.s32 $0x0;
	s22 =	simm.s32 $0x18840;
	[tilespmem:s18+$0xFFFFFFF0] =	vst.add.f32.msk $0xffff, v6  }
.LBB2_63:
0xa1a: {  	v0 =	vld [tilespmem:s22+$0x30];
	s20 =	sadd.s32 $0x8, s20  }
0xa1b: {  	v1 =	vld [tilespmem:s22+$0xFFFFFFD0];
	p0 =	slt.u32 s20, $0x78  }
0xa1c: {  	v2 =	vld [tilespmem:s22+$0xFFFFFFE0]  }
0xa1d: {  	v3 =	vld [tilespmem:s22+$0xFFFFFFF0]  }
0xa1e: {  	v4 =	vld [tilespmem:s22+$0x0]  }
0xa1f: {  	v5 =	vld [tilespmem:s22+$0x10]  }
0xa20: {  	v6 =	vld [tilespmem:s22+$0x20]  }
0xa21: {  	v7 =	vld [tilespmem:s22+$0xFFFFFFC0]  }
0xa22: {  	v0 =	vld.idx.msk [tilespmem:v0+s4+$0x0], $0xffff  }
0xa23: {  	v1 =	vld.idx.msk [tilespmem:v1+s4+$0x0], $0xffff  }
0xa24: {  	v2 =	vld.idx.msk [tilespmem:v2+s4+$0x0], $0xffff  }
0xa25: {  	v3 =	vld.idx.msk [tilespmem:v3+s4+$0x0], $0xffff  }
0xa26: {  	v4 =	vld.idx.msk [tilespmem:v4+s4+$0x0], $0xffff  }
0xa27: {  	s18 =	sadd.s32 $0x80, s18;
	v5 =	vld.idx.msk [tilespmem:v5+s4+$0x0], $0xffff  }
0xa28: {  	[tilespmem:s18+$0x0] =	vst.add.f32.msk $0xffff, v0  }
0xa29: {  	v0 =	vld.idx.msk [tilespmem:v7+s4+$0x0], $0xffff  }
0xa2a: {  	v6 =	vld.idx.msk [tilespmem:v6+s4+$0x0], $0xffff  }
0xa2b: {  	[tilespmem:s18+$0xFFFFFFA0] =	vst.add.f32.msk $0xffff, v1  }
0xa2c: {  	[tilespmem:s18+$0xFFFFFFB0] =	vst.add.f32.msk $0xffff, v2  }
.Ltmp30:
0xa2d: {  	[tilespmem:s18+$0xFFFFFFC0] =	vst.add.f32.msk $0xffff, v3;
	(pc) =	sbr.rel @p0 .LBB2_63-.Ltmp30, $4  }
0xa2e: {  	[tilespmem:s18+$0xFFFFFFD0] =	vst.add.f32.msk $0xffff, v4  }
0xa2f: {  	[tilespmem:s18+$0xFFFFFF90] =	vst.add.f32.msk $0xffff, v0  }
0xa30: {  	[tilespmem:s18+$0xFFFFFFE0] =	vst.add.f32.msk $0xffff, v5  }
0xa31: {  	s22 =	sadd.s32 $0x100, s22;
	[tilespmem:s18+$0xFFFFFFF0] =	vst.add.f32.msk $0xffff, v6  }
0xa32: {  	s18 =	sadd.s32 $0x3000, s17;
	s20 =	simm.s32 $0x18700  }
0xa33: {  	[tilespmem:s20], [sflag:$0x1] =	stream.linear.gather [spmem:s18], $0x80, $0x38;
	[tilespmem:$0x1FB00] =	vst v63  }
0xa34: {  	s22 =	simm.s32 $0x18800;
	s20 =	sadd.s32 $0x3080, s17  }
0xa35: {  	[tilespmem:s22], [sflag:$0x1] =	stream.linear.gather [spmem:s20], $0x80, $0x38;
	[tilespmem:$0x1FB00] =	vst v63  }
0xa36: {  	s20 =	sadd.s32 $0x3100, s17;
	s22 =	simm.s32 $0x18900  }
0xa37: {  	[tilespmem:s22], [sflag:$0x1] =	stream.linear.gather [spmem:s20], $0x80, $0x38;
	[tilespmem:$0x1FB00] =	vst v63  }
0xa38: {  	s20 =	sadd.s32 $0x3180, s17;
	s22 =	simm.s32 $0x18A00  }
0xa39: {  	[tilespmem:s22], [sflag:$0x1] =	stream.linear.gather [spmem:s20], $0x80, $0x38;
	[tilespmem:$0x1FB00] =	vst v63  }
0xa3a: {  	s20 =	sadd.s32 $0x3200, s17;
	s22 =	simm.s32 $0x18B00  }
0xa3b: {  	[tilespmem:s22], [sflag:$0x1] =	stream.linear.gather [spmem:s20], $0x80, $0x38;
	[tilespmem:$0x1FB00] =	vst v63  }
0xa3c: {  	s20 =	sadd.s32 $0x3280, s17;
	s22 =	simm.s32 $0x18C00  }
0xa3d: {  	[tilespmem:s22], [sflag:$0x1] =	stream.linear.gather [spmem:s20], $0x80, $0x38;
	[tilespmem:$0x1FB00] =	vst v63  }
0xa3e: {  	s20 =	sadd.s32 $0x3300, s17;
	s22 =	simm.s32 $0x18D00  }
0xa3f: {  	[tilespmem:s22], [sflag:$0x1] =	stream.linear.gather [spmem:s20], $0x80, $0x38;
	[tilespmem:$0x1FB00] =	vst v63  }
0xa40: {  	s20 =	sadd.s32 $0x3380, s17;
	s22 =	simm.s32 $0x18E00  }
0xa41: {  	[tilespmem:s22], [sflag:$0x1] =	stream.linear.gather [spmem:s20], $0x80, $0x38;
	[tilespmem:$0x1FB00] =	vst v63  }
0xa42: {  	s22 =	sadd.s32 $0x3400, s17  }
0xa43: {  	[tilespmem:s23], [sflag:$0x1] =	stream.linear.gather [spmem:s22], $0x80, $0x38;
	[tilespmem:$0x1FB00] =	vst v63  }
0xa44: {  	s20 =	sadd.s32 $0x3480, s17  }
0xa45: {  	[tilespmem:s24], [sflag:$0x1] =	stream.linear.gather [spmem:s20], $0x80, $0x38;
	[tilespmem:$0x1FB00] =	vst v63  }
0xa46: {  	s22 =	sadd.s32 $0x3500, s17  }
0xa47: {  	[tilespmem:s25], [sflag:$0x1] =	stream.linear.gather [spmem:s22], $0x80, $0x38;
	[tilespmem:$0x1FB00] =	vst v63  }
0xa48: {  	s20 =	sadd.s32 $0x3580, s17  }
0xa49: {  	[tilespmem:s26], [sflag:$0x1] =	stream.linear.gather [spmem:s20], $0x80, $0x38;
	[tilespmem:$0x1FB00] =	vst v63  }
0xa4a: {  	s22 =	sadd.s32 $0x3600, s17  }
0xa4b: {  	[tilespmem:s28], [sflag:$0x1] =	stream.linear.gather [spmem:s22], $0x80, $0x38;
	[tilespmem:$0x1FB00] =	vst v63  }
0xa4c: {  	s20 =	sadd.s32 $0x3680, s17  }
0xa4d: {  	[tilespmem:s8], [sflag:$0x1] =	stream.linear.gather [spmem:s20], $0x80, $0x38;
	[tilespmem:$0x1FB00] =	vst v63  }
0xa4e: {  	s22 =	sadd.s32 $0x3700, s17  }
0xa4f: {  	[tilespmem:s29], [sflag:$0x1] =	stream.linear.gather [spmem:s22], $0x80, $0x38;
	[tilespmem:$0x1FB00] =	vst v63  }
0xa50: {  	s20 =	sadd.s32 $0x3780, s17  }
0xa51: {  	[tilespmem:s30], [sflag:$0x1] =	stream.linear.gather [spmem:s20], $0x80, $0x38;
	[tilespmem:$0x1FB00] =	vst v63  }
0xa52: {  	_ =	swait.ge [sflag:s15], $0x800  }
0xa53: {  	[sflag:s15] =	ssyncset.done $0x0  }
0xa54: {  	s22 =	simm.s32 $0x187F0;
	[sflag:s15] =	ssyncadd.s32 $0xFFFFF800  }
0xa55: {  	v0 =	vld [tilespmem:s22+$0x0]  }
0xa56: {  	v1 =	vld [tilespmem:s22+$0xFFFFFFA0]  }
0xa57: {  	v2 =	vld [tilespmem:s22+$0xFFFFFFB0]  }
0xa58: {  	v3 =	vld [tilespmem:s22+$0xFFFFFFC0]  }
0xa59: {  	v4 =	vld [tilespmem:s22+$0xFFFFFFD0]  }
0xa5a: {  	v5 =	vld [tilespmem:s22+$0xFFFFFFE0]  }
0xa5b: {  	v7 =	vld [tilespmem:s22+$0xFFFFFF90]  }
0xa5c: {  	v6 =	vld [tilespmem:s22+$0xFFFFFFF0]  }
0xa5d: {  	v0 =	vld.idx.msk [tilespmem:v0+s4+$0x0], $0xffff  }
0xa5e: {  	v1 =	vld.idx.msk [tilespmem:v1+s4+$0x0], $0xffff  }
0xa5f: {  	v2 =	vld.idx.msk [tilespmem:v2+s4+$0x0], $0xffff  }
0xa60: {  	v3 =	vld.idx.msk [tilespmem:v3+s4+$0x0], $0xffff  }
0xa61: {  	v4 =	vld.idx.msk [tilespmem:v4+s4+$0x0], $0xffff  }
0xa62: {  	v5 =	vld.idx.msk [tilespmem:v5+s4+$0x0], $0xffff  }
0xa63: {  	v63 =	vld.idx.msk [tilespmem:v7+s4+$0x0], $0xffff  }
0xa64: {  	s18 =	simm.s32 $0x1BF70;
	v6 =	vld.idx.msk [tilespmem:v6+s4+$0x0], $0xffff  }
0xa65: {  	[tilespmem:s18+$0x0] =	vst.add.f32.msk $0xffff, v0  }
0xa66: {  	[tilespmem:s18+$0xFFFFFFA0] =	vst.add.f32.msk $0xffff, v1  }
0xa67: {  	[tilespmem:s18+$0xFFFFFFB0] =	vst.add.f32.msk $0xffff, v2  }
0xa68: {  	[tilespmem:s18+$0xFFFFFFC0] =	vst.add.f32.msk $0xffff, v3  }
0xa69: {  	[tilespmem:s18+$0xFFFFFFD0] =	vst.add.f32.msk $0xffff, v4  }
0xa6a: {  	[tilespmem:s18+$0xFFFFFF90] =	vst.add.f32.msk $0xffff, v63  }
0xa6b: {  	[tilespmem:s18+$0xFFFFFFE0] =	vst.add.f32.msk $0xffff, v5  }
0xa6c: {  	s20 =	simm.s32 $0x0;
	s22 =	simm.s32 $0x188F0;
	[tilespmem:s18+$0xFFFFFFF0] =	vst.add.f32.msk $0xffff, v6  }
.LBB2_65:
0xa6d: {  	v0 =	vld [tilespmem:s22+$0x0];
	s20 =	sadd.s32 $0x8, s20  }
0xa6e: {  	v1 =	vld [tilespmem:s22+$0xFFFFFFA0];
	p0 =	slt.u32 s20, $0x78  }
0xa6f: {  	v2 =	vld [tilespmem:s22+$0xFFFFFFB0]  }
0xa70: {  	v3 =	vld [tilespmem:s22+$0xFFFFFFC0]  }
0xa71: {  	v4 =	vld [tilespmem:s22+$0xFFFFFFD0]  }
0xa72: {  	v5 =	vld [tilespmem:s22+$0xFFFFFFE0]  }
0xa73: {  	v6 =	vld [tilespmem:s22+$0xFFFFFFF0]  }
0xa74: {  	v7 =	vld [tilespmem:s22+$0xFFFFFF90]  }
0xa75: {  	v0 =	vld.idx.msk [tilespmem:v0+s4+$0x0], $0xffff  }
0xa76: {  	v1 =	vld.idx.msk [tilespmem:v1+s4+$0x0], $0xffff  }
0xa77: {  	v2 =	vld.idx.msk [tilespmem:v2+s4+$0x0], $0xffff  }
0xa78: {  	v3 =	vld.idx.msk [tilespmem:v3+s4+$0x0], $0xffff  }
0xa79: {  	v4 =	vld.idx.msk [tilespmem:v4+s4+$0x0], $0xffff  }
0xa7a: {  	s18 =	sadd.s32 $0x80, s18;
	v5 =	vld.idx.msk [tilespmem:v5+s4+$0x0], $0xffff  }
0xa7b: {  	[tilespmem:s18+$0x0] =	vst.add.f32.msk $0xffff, v0  }
0xa7c: {  	v0 =	vld.idx.msk [tilespmem:v7+s4+$0x0], $0xffff  }
0xa7d: {  	v6 =	vld.idx.msk [tilespmem:v6+s4+$0x0], $0xffff  }
0xa7e: {  	[tilespmem:s18+$0xFFFFFFA0] =	vst.add.f32.msk $0xffff, v1  }
0xa7f: {  	[tilespmem:s18+$0xFFFFFFB0] =	vst.add.f32.msk $0xffff, v2  }
.Ltmp31:
0xa80: {  	[tilespmem:s18+$0xFFFFFFC0] =	vst.add.f32.msk $0xffff, v3;
	(pc) =	sbr.rel @p0 .LBB2_65-.Ltmp31, $4  }
0xa81: {  	[tilespmem:s18+$0xFFFFFFD0] =	vst.add.f32.msk $0xffff, v4  }
0xa82: {  	[tilespmem:s18+$0xFFFFFF90] =	vst.add.f32.msk $0xffff, v0  }
0xa83: {  	[tilespmem:s18+$0xFFFFFFE0] =	vst.add.f32.msk $0xffff, v5  }
0xa84: {  	s22 =	sadd.s32 $0x100, s22;
	[tilespmem:s18+$0xFFFFFFF0] =	vst.add.f32.msk $0xffff, v6  }
0xa85: {  	s18 =	sadd.s32 $0x3800, s17  }
0xa86: {  	[tilespmem:s31], [sflag:$0x1] =	stream.linear.gather [spmem:s18], $0x80, $0x38;
	[tilespmem:$0x1FB00] =	vst v63  }
0xa87: {  	s20 =	sadd.s32 $0x3880, s17  }
0xa88: {  	[tilespmem:s0], [sflag:$0x1] =	stream.linear.gather [spmem:s20], $0x80, $0x38;
	[tilespmem:$0x1FB00] =	vst v63  }
0xa89: {  	s22 =	sadd.s32 $0x3900, s17  }
0xa8a: {  	[tilespmem:s3], [sflag:$0x1] =	stream.linear.gather [spmem:s22], $0x80, $0x38;
	[tilespmem:$0x1FB00] =	vst v63  }
0xa8b: {  	s20 =	sadd.s32 $0x3980, s17  }
0xa8c: {  	[tilespmem:s6], [sflag:$0x1] =	stream.linear.gather [spmem:s20], $0x80, $0x38;
	[tilespmem:$0x1FB00] =	vst v63  }
0xa8d: {  	s22 =	sadd.s32 $0x3A00, s17  }
0xa8e: {  	[tilespmem:s9], [sflag:$0x1] =	stream.linear.gather [spmem:s22], $0x80, $0x38;
	[tilespmem:$0x1FB00] =	vst v63  }
0xa8f: {  	s20 =	sadd.s32 $0x3A80, s17  }
0xa90: {  	[tilespmem:s5], [sflag:$0x1] =	stream.linear.gather [spmem:s20], $0x80, $0x38;
	[tilespmem:$0x1FB00] =	vst v63  }
0xa91: {  	s22 =	sadd.s32 $0x3B00, s17  }
0xa92: {  	[tilespmem:s19], [sflag:$0x1] =	stream.linear.gather [spmem:s22], $0x80, $0x38;
	[tilespmem:$0x1FB00] =	vst v63  }
0xa93: {  	s20 =	sadd.s32 $0x3B80, s17  }
0xa94: {  	[tilespmem:s21], [sflag:$0x1] =	stream.linear.gather [spmem:s20], $0x80, $0x38;
	[tilespmem:$0x1FB00] =	vst v63  }
0xa95: {  	s22 =	sadd.s32 $0x3C00, s17  }
0xa96: {  	[tilespmem:s1], [sflag:$0x1] =	stream.linear.gather [spmem:s22], $0x80, $0x38;
	[tilespmem:$0x1FB00] =	vst v63  }
0xa97: {  	s20 =	sadd.s32 $0x3C80, s17  }
0xa98: {  	[tilespmem:s2], [sflag:$0x1] =	stream.linear.gather [spmem:s20], $0x80, $0x38;
	[tilespmem:$0x1FB00] =	vst v63  }
0xa99: {  	s22 =	sadd.s32 $0x3D00, s17  }
0xa9a: {  	[tilespmem:s11], [sflag:$0x1] =	stream.linear.gather [spmem:s22], $0x80, $0x38;
	[tilespmem:$0x1FB00] =	vst v63  }
0xa9b: {  	s20 =	sadd.s32 $0x3D80, s17  }
0xa9c: {  	[tilespmem:s12], [sflag:$0x1] =	stream.linear.gather [spmem:s20], $0x80, $0x38;
	[tilespmem:$0x1FB00] =	vst v63  }
0xa9d: {  	s22 =	sadd.s32 $0x3E00, s17  }
0xa9e: {  	[tilespmem:s7], [sflag:$0x1] =	stream.linear.gather [spmem:s22], $0x80, $0x38;
	[tilespmem:$0x1FB00] =	vst v63  }
0xa9f: {  	s20 =	sadd.s32 $0x3E80, s17  }
0xaa0: {  	[tilespmem:s10], [sflag:$0x1] =	stream.linear.gather [spmem:s20], $0x80, $0x38;
	[tilespmem:$0x1FB00] =	vst v63  }
0xaa1: {  	s22 =	sadd.s32 $0x3F00, s17  }
0xaa2: {  	[tilespmem:s13], [sflag:$0x1] =	stream.linear.gather [spmem:s22], $0x80, $0x38;
	[tilespmem:$0x1FB00] =	vst v63  }
0xaa3: {  	s20 =	sadd.s32 $0x3F80, s17  }
0xaa4: {  	[tilespmem:s14], [sflag:$0x1] =	stream.linear.gather [spmem:s20], $0x80, $0x38;
	[tilespmem:$0x1FB00] =	vst v63  }
0xaa5: {  	_ =	swait.ge [sflag:s15], $0x800  }
0xaa6: {  	[sflag:s15] =	ssyncset.done $0x0  }
0xaa7: {  	s22 =	simm.s32 $0x18740;
	[sflag:s15] =	ssyncadd.s32 $0xFFFFF800  }
0xaa8: {  	v0 =	vld [tilespmem:s22+$0x30]  }
0xaa9: {  	v1 =	vld [tilespmem:s22+$0xFFFFFFD0]  }
0xaaa: {  	v2 =	vld [tilespmem:s22+$0xFFFFFFE0]  }
0xaab: {  	v3 =	vld [tilespmem:s22+$0xFFFFFFF0]  }
0xaac: {  	v4 =	vld [tilespmem:s22+$0x0]  }
0xaad: {  	v5 =	vld [tilespmem:s22+$0x10]  }
0xaae: {  	v7 =	vld [tilespmem:s22+$0xFFFFFFC0]  }
0xaaf: {  	v6 =	vld [tilespmem:s22+$0x20]  }
0xab0: {  	v0 =	vld.idx.msk [tilespmem:v0+s4+$0x0], $0xffff  }
0xab1: {  	v1 =	vld.idx.msk [tilespmem:v1+s4+$0x0], $0xffff  }
0xab2: {  	v2 =	vld.idx.msk [tilespmem:v2+s4+$0x0], $0xffff  }
0xab3: {  	v3 =	vld.idx.msk [tilespmem:v3+s4+$0x0], $0xffff  }
0xab4: {  	v4 =	vld.idx.msk [tilespmem:v4+s4+$0x0], $0xffff  }
0xab5: {  	v5 =	vld.idx.msk [tilespmem:v5+s4+$0x0], $0xffff  }
0xab6: {  	v63 =	vld.idx.msk [tilespmem:v7+s4+$0x0], $0xffff  }
0xab7: {  	s17 =	simm.s32 $0x1C770;
	v6 =	vld.idx.msk [tilespmem:v6+s4+$0x0], $0xffff  }
0xab8: {  	[tilespmem:s17+$0x0] =	vst.add.f32.msk $0xffff, v0  }
0xab9: {  	[tilespmem:s17+$0xFFFFFFA0] =	vst.add.f32.msk $0xffff, v1  }
0xaba: {  	[tilespmem:s17+$0xFFFFFFB0] =	vst.add.f32.msk $0xffff, v2  }
0xabb: {  	[tilespmem:s17+$0xFFFFFFC0] =	vst.add.f32.msk $0xffff, v3  }
0xabc: {  	[tilespmem:s17+$0xFFFFFFD0] =	vst.add.f32.msk $0xffff, v4  }
0xabd: {  	[tilespmem:s17+$0xFFFFFF90] =	vst.add.f32.msk $0xffff, v63  }
0xabe: {  	[tilespmem:s17+$0xFFFFFFE0] =	vst.add.f32.msk $0xffff, v5  }
0xabf: {  	s18 =	simm.s32 $0x0;
	s20 =	simm.s32 $0x18840;
	[tilespmem:s17+$0xFFFFFFF0] =	vst.add.f32.msk $0xffff, v6  }
.LBB2_67:
0xac0: {  	v0 =	vld [tilespmem:s20+$0x30];
	s18 =	sadd.s32 $0x8, s18  }
0xac1: {  	v1 =	vld [tilespmem:s20+$0xFFFFFFD0];
	p0 =	slt.u32 s18, $0x78  }
0xac2: {  	v2 =	vld [tilespmem:s20+$0xFFFFFFE0]  }
0xac3: {  	v3 =	vld [tilespmem:s20+$0xFFFFFFF0]  }
0xac4: {  	v4 =	vld [tilespmem:s20+$0x0]  }
0xac5: {  	v5 =	vld [tilespmem:s20+$0x10]  }
0xac6: {  	v6 =	vld [tilespmem:s20+$0x20]  }
0xac7: {  	v7 =	vld [tilespmem:s20+$0xFFFFFFC0]  }
0xac8: {  	v0 =	vld.idx.msk [tilespmem:v0+s4+$0x0], $0xffff  }
0xac9: {  	v1 =	vld.idx.msk [tilespmem:v1+s4+$0x0], $0xffff  }
0xaca: {  	v2 =	vld.idx.msk [tilespmem:v2+s4+$0x0], $0xffff  }
0xacb: {  	v3 =	vld.idx.msk [tilespmem:v3+s4+$0x0], $0xffff  }
0xacc: {  	v4 =	vld.idx.msk [tilespmem:v4+s4+$0x0], $0xffff  }
0xacd: {  	s17 =	sadd.s32 $0x80, s17;
	v5 =	vld.idx.msk [tilespmem:v5+s4+$0x0], $0xffff  }
0xace: {  	[tilespmem:s17+$0x0] =	vst.add.f32.msk $0xffff, v0  }
0xacf: {  	v0 =	vld.idx.msk [tilespmem:v7+s4+$0x0], $0xffff  }
0xad0: {  	v6 =	vld.idx.msk [tilespmem:v6+s4+$0x0], $0xffff  }
0xad1: {  	[tilespmem:s17+$0xFFFFFFA0] =	vst.add.f32.msk $0xffff, v1  }
0xad2: {  	[tilespmem:s17+$0xFFFFFFB0] =	vst.add.f32.msk $0xffff, v2  }
.Ltmp32:
0xad3: {  	[tilespmem:s17+$0xFFFFFFC0] =	vst.add.f32.msk $0xffff, v3;
	(pc) =	sbr.rel @p0 .LBB2_67-.Ltmp32, $4  }
0xad4: {  	[tilespmem:s17+$0xFFFFFFD0] =	vst.add.f32.msk $0xffff, v4  }
0xad5: {  	[tilespmem:s17+$0xFFFFFF90] =	vst.add.f32.msk $0xffff, v0  }
0xad6: {  	[tilespmem:s17+$0xFFFFFFE0] =	vst.add.f32.msk $0xffff, v5  }
0xad7: {  	s20 =	sadd.s32 $0x100, s20;
	[tilespmem:s17+$0xFFFFFFF0] =	vst.add.f32.msk $0xffff, v6  }
0xad8: {  	_ =	swait.ge [sflag:s15], $0x800  }
0xad9: {  	[sflag:s15] =	ssyncset.done $0x0  }
0xada: {  	s17 =	simm.s32 $0x187F0;
	[sflag:s15] =	ssyncadd.s32 $0xFFFFF800  }
0xadb: {  	v0 =	vld [tilespmem:s17+$0x0]  }
0xadc: {  	v1 =	vld [tilespmem:s17+$0xFFFFFFA0]  }
0xadd: {  	v2 =	vld [tilespmem:s17+$0xFFFFFFB0]  }
0xade: {  	v3 =	vld [tilespmem:s17+$0xFFFFFFC0]  }
0xadf: {  	v4 =	vld [tilespmem:s17+$0xFFFFFFD0]  }
0xae0: {  	v5 =	vld [tilespmem:s17+$0xFFFFFFE0]  }
0xae1: {  	v7 =	vld [tilespmem:s17+$0xFFFFFF90]  }
0xae2: {  	v6 =	vld [tilespmem:s17+$0xFFFFFFF0]  }
0xae3: {  	v0 =	vld.idx.msk [tilespmem:v0+s4+$0x0], $0xffff  }
0xae4: {  	v1 =	vld.idx.msk [tilespmem:v1+s4+$0x0], $0xffff  }
0xae5: {  	v2 =	vld.idx.msk [tilespmem:v2+s4+$0x0], $0xffff  }
0xae6: {  	v3 =	vld.idx.msk [tilespmem:v3+s4+$0x0], $0xffff  }
0xae7: {  	v4 =	vld.idx.msk [tilespmem:v4+s4+$0x0], $0xffff  }
0xae8: {  	v5 =	vld.idx.msk [tilespmem:v5+s4+$0x0], $0xffff  }
0xae9: {  	v63 =	vld.idx.msk [tilespmem:v7+s4+$0x0], $0xffff  }
0xaea: {  	s17 =	simm.s32 $0x1CF70;
	v6 =	vld.idx.msk [tilespmem:v6+s4+$0x0], $0xffff  }
0xaeb: {  	[tilespmem:s17+$0x0] =	vst.add.f32.msk $0xffff, v0  }
0xaec: {  	[tilespmem:s17+$0xFFFFFFA0] =	vst.add.f32.msk $0xffff, v1  }
0xaed: {  	[tilespmem:s17+$0xFFFFFFB0] =	vst.add.f32.msk $0xffff, v2  }
0xaee: {  	[tilespmem:s17+$0xFFFFFFC0] =	vst.add.f32.msk $0xffff, v3  }
0xaef: {  	[tilespmem:s17+$0xFFFFFFD0] =	vst.add.f32.msk $0xffff, v4  }
0xaf0: {  	[tilespmem:s17+$0xFFFFFF90] =	vst.add.f32.msk $0xffff, v63  }
0xaf1: {  	[tilespmem:s17+$0xFFFFFFE0] =	vst.add.f32.msk $0xffff, v5  }
0xaf2: {  	s18 =	simm.s32 $0x0;
	s20 =	simm.s32 $0x188F0;
	s22 =	simm.s32 $0x2;
	[tilespmem:s17+$0xFFFFFFF0] =	vst.add.f32.msk $0xffff, v6  }
.LBB2_69:
0xaf3: {  	v0 =	vld [tilespmem:s20+$0x0];
	s18 =	sadd.s32 $0x8, s18  }
0xaf4: {  	v1 =	vld [tilespmem:s20+$0xFFFFFFA0];
	p0 =	slt.u32 s18, $0x78  }
0xaf5: {  	v2 =	vld [tilespmem:s20+$0xFFFFFFB0]  }
0xaf6: {  	v3 =	vld [tilespmem:s20+$0xFFFFFFC0]  }
0xaf7: {  	v4 =	vld [tilespmem:s20+$0xFFFFFFD0]  }
0xaf8: {  	v5 =	vld [tilespmem:s20+$0xFFFFFFE0]  }
0xaf9: {  	v6 =	vld [tilespmem:s20+$0xFFFFFFF0]  }
0xafa: {  	v7 =	vld [tilespmem:s20+$0xFFFFFF90]  }
0xafb: {  	v0 =	vld.idx.msk [tilespmem:v0+s4+$0x0], $0xffff  }
0xafc: {  	v1 =	vld.idx.msk [tilespmem:v1+s4+$0x0], $0xffff  }
0xafd: {  	v2 =	vld.idx.msk [tilespmem:v2+s4+$0x0], $0xffff  }
0xafe: {  	v3 =	vld.idx.msk [tilespmem:v3+s4+$0x0], $0xffff  }
0xaff: {  	v4 =	vld.idx.msk [tilespmem:v4+s4+$0x0], $0xffff  }
0xb00: {  	s17 =	sadd.s32 $0x80, s17;
	v5 =	vld.idx.msk [tilespmem:v5+s4+$0x0], $0xffff  }
0xb01: {  	[tilespmem:s17+$0x0] =	vst.add.f32.msk $0xffff, v0  }
0xb02: {  	v0 =	vld.idx.msk [tilespmem:v7+s4+$0x0], $0xffff  }
0xb03: {  	v6 =	vld.idx.msk [tilespmem:v6+s4+$0x0], $0xffff  }
0xb04: {  	[tilespmem:s17+$0xFFFFFFA0] =	vst.add.f32.msk $0xffff, v1  }
0xb05: {  	[tilespmem:s17+$0xFFFFFFB0] =	vst.add.f32.msk $0xffff, v2  }
.Ltmp33:
0xb06: {  	[tilespmem:s17+$0xFFFFFFC0] =	vst.add.f32.msk $0xffff, v3;
	(pc) =	sbr.rel @p0 .LBB2_69-.Ltmp33, $4  }
0xb07: {  	[tilespmem:s17+$0xFFFFFFD0] =	vst.add.f32.msk $0xffff, v4  }
0xb08: {  	[tilespmem:s17+$0xFFFFFF90] =	vst.add.f32.msk $0xffff, v0  }
0xb09: {  	[tilespmem:s17+$0xFFFFFFE0] =	vst.add.f32.msk $0xffff, v5  }
0xb0a: {  	s20 =	sadd.s32 $0x100, s20;
	[tilespmem:s17+$0xFFFFFFF0] =	vst.add.f32.msk $0xffff, v6  }
0xb0b: {  	s16 =	sadd.s32 $0x1, s16  }
0xb0c: {  	p0 =	sne.s32 s16, $0x8  }
.Ltmp34:
0xb0d: {  	_ = 	snop;
	(pc) =	sbr.rel @p0 .LBB2_54-.Ltmp34, $2  }
0xb0e: {  	_ =	sdelay $0x2  }
0xb0f: {  	s20 =	simm.s32 $0x400  }
0xb10: {  	s16 =	rddreg [dreg:$0x16];
	s18 =	simm.s32 $0x80;
	s17 =	simm.s32 $0x19700  }
0xb11: {  	[hbm4b:s16+s18] =	stream.strided.scatter [tilespmem:s17], [sflag:$0x2], $0x4000, s20, s18, $0x38;
	[tilespmem:$0x1FB00] =	vst v63  }
0xb12: {  	_ =	swait.ge [sflag:s22], $0x4000  }
0xb13: {  	s16 =	sld [smem:$0x78B];
	_ =	sdelay $0x2  }
0xb14: {  	s23 =	rddreg [dreg:$0x17];
	s17 =	sadd.s32 $0x1, s16  }
0xb15: {  	p0 =	sne.s32 s17, s23  }
.Ltmp35:
0xb16: {  	_ = 	snop;
	(pc) =	sbr.rel @p0 .LBB2_1-.Ltmp35, $3  }
0xb17: {  	_ =	sdelay $0x1  }
0xb18: {  	[sflag:s22] =	ssyncset.done $0x0  }
0xb19: {  	[sflag:s22] =	ssyncadd.s32 $0xFFFFC000  }
0xb1a: {  	_ =	sfence.sel $0x180000  }
0xb1b: {  	[bflag:$0x0] =	sbarrier.arrive $0xFFFF  }
0xb1c: {  	_ =	strace $0x90000047  }
0xb1d: {  	s0 =	stileid.u32;
	[bflag:$0x2] =	sbarrier.arrive $0xFFFF  }
0xb1e: {  	p0 =	sne.s32 s0, $0x0;
	s0 =	rddreg [dreg:$0x4]  }
0xb1f: {  	s0 =	sadd.s32 @!p0 $0x100000, s0  }
0xb20: {  	[sflag:s0] =	ssyncadd.tile.s32 @!p0 $0x1;
	_ =	shalt  }
.Lfunc_end2:
_tile_overlayer_lowered:
.L_overlay_start_2:
0xb21: {  	(tag) =	ssettag $0x2  }
0xb22: {  	s0 =	rddreg [dreg:$0x0];
	s2 =	stileid.u32  }
0xb23: {  	s1 =	rddreg [dreg:$0x1];
	p0 =	sne.s32 s2, $0x0  }
0xb24: {  	s3 =	rddreg [dreg:$0x2];
	[bflag:$0x3] =	sbarrier.arrive $0xFFFF;
	s2 =	simm.s32 @!p0 $0x1C02  }
0xb25: {  	[timem:s3], [sflag:s2] =	dma.local @!p0 [hbm:s0], s1  }
0xb26: {  	s0 =	simm.s32 @!p0 $0x2  }
0xb27: {  	_ =	swait.ge @!p0 [sflag:s0], s1  }
0xb28: {  	s1 =	ssub.s32 @!p0 $0x0, s1;
	[sflag:s0] =	ssyncset.done @!p0 $0x0  }
0xb29: {  	[sflag:s0] =	ssyncadd.s32 @!p0 s1  }
0xb2a: {  	[bflag:$0x3] =	sbarrier.arrive $0xFFFF  }
0xb2b: {  	_ =	shalt  }

</sc_bundles>
